<compile_context>
chip_gen: v7x
topology: tpu7x:2x2x1
jax: 0.10.2.dev20260603
libtpu: 0.0.44.dev20260713+nightly
codegen_flags: <defaults>
</compile_context>

<pallas_src>
import functools

import jax
import jax.numpy as jnp
from jax import lax
from jax.experimental import pallas as pl
from jax.experimental.pallas import tpu as pltpu
from jax.experimental.pallas import tpu_sc as plsc

N_NODES = 10000
D = 128
HIDDEN = 128
N_CLASSES = 40

NC = 2
NS = 16
NW = NC * NS
CHUNK = 128
NP = 10240
RPT = NP // NS

_mesh = plsc.VectorSubcoreMesh(core_axis_name="c", subcore_axis_name="s")


def _deg_body(dst_hbm, ew_hbm, out_hbm, dst_v, ew_v, zero_v, deg_s):
    c = lax.axis_index("c")
    s = lax.axis_index("s")
    w = s * NC + c
    cpw = dst_hbm.shape[1]

    pltpu.sync_copy(dst_hbm.at[w], dst_v)
    pltpu.sync_copy(ew_hbm.at[w], ew_v)

    def zb(i, carry):
        zero_v[pl.ds(i * 16, 16)] = jnp.zeros((16,), jnp.float32)
        return carry
    lax.fori_loop(0, RPT // 16, zb, 0)
    pltpu.sync_copy(zero_v, deg_s.at[pl.ds(s * RPT, RPT)])
    plsc.subcore_barrier()

    def body(ci, carry):
        pltpu.sync_copy(ew_v.at[ci], deg_s.at[dst_v.at[ci]], add=True)
        return carry
    lax.fori_loop(0, cpw, body, 0)

    plsc.subcore_barrier()
    pltpu.sync_copy(deg_s.at[pl.ds(s * RPT, RPT)],
                    out_hbm.at[c, pl.ds(s * RPT, RPT)])


def _deg_call(dst_r, ew_r):
    cpw = dst_r.shape[1]
    f = pl.kernel(
        _deg_body,
        out_type=jax.ShapeDtypeStruct((NC, NP), jnp.float32),
        mesh=_mesh,
        scratch_types=[
            pltpu.VMEM((cpw, CHUNK), jnp.int32),
            pltpu.VMEM((cpw, CHUNK), jnp.float32),
            pltpu.VMEM((RPT,), jnp.float32),
            pltpu.VMEM_SHARED((NP,), jnp.float32),
        ],
    )
    return f(dst_r, ew_r)


NBUF = 2
RING = 2 * NBUF


def _spmm_body(gs_hbm, src_hbm, dst_hbm, ew_hbm, out_hbm,
               src_v, dst_v, ew_v, rows_v, t_s, gsems, ssems, isems):
    c = lax.axis_index("c")
    s = lax.axis_index("s")
    w = s * NC + c
    cpw = src_hbm.shape[1]

    pltpu.sync_copy(gs_hbm.at[pl.ds(s * RPT, RPT)],
                    t_s.at[pl.ds(s * RPT, RPT)])
    plsc.subcore_barrier()

    def fetch_idx(ci, r):
        pltpu.async_copy(src_hbm.at[w, ci], src_v.at[r], isems[r])
        pltpu.async_copy(dst_hbm.at[w, ci], dst_v.at[r], isems[r])
        pltpu.async_copy(ew_hbm.at[w, ci], ew_v.at[r], isems[r])

    def wait_idx(ci, r):
        pltpu.make_async_copy(src_hbm.at[w, ci], src_v.at[r],
                              isems[r]).wait()
        pltpu.make_async_copy(dst_hbm.at[w, ci], dst_v.at[r],
                              isems[r]).wait()
        pltpu.make_async_copy(ew_hbm.at[w, ci], ew_v.at[r],
                              isems[r]).wait()

    def scale(b, r):
        def row16(g, rcarry):
            wv = ew_v[r, pl.ds(g * 16, 16)]
            for k in range(16):
                ws = wv[k]
                i = g * 16 + k
                for j in range(D // 16):
                    sl = pl.ds(j * 16, 16)
                    rows_v[b, i, sl] = rows_v[b, i, sl] * ws
            return rcarry
        lax.fori_loop(0, CHUNK // 16, row16, 0)

    for r in range(RING):
        fetch_idx(r, r)
    for b in range(NBUF):
        wait_idx(b, b)
        pltpu.async_copy(t_s.at[src_v.at[b]], rows_v.at[b], gsems[b])

    def body(t2, carry):
        for tt in range(2):
            for b in range(NBUF):
                r = tt * NBUF + b
                ci = (t2 * 2 + tt) * NBUF + b
                pltpu.make_async_copy(t_s.at[src_v.at[r]],
                                      rows_v.at[b], gsems[b]).wait()

                nr = (r + NBUF) % RING

                @pl.when(ci + NBUF < cpw)
                def _():
                    wait_idx(ci + NBUF, nr)
                    pltpu.async_copy(t_s.at[src_v.at[nr]],
                                     rows_v.at[b], gsems[b])

                @pl.when(ci + RING < cpw)
                def _():
                    fetch_idx(ci + RING, r)
        return carry
    lax.fori_loop(0, cpw // RING, body, 0)

    plsc.subcore_barrier()
    pltpu.sync_copy(t_s.at[pl.ds(s * RPT, RPT)],
                    out_hbm.at[c, pl.ds(s * RPT, RPT)])


def _spmm_call(gs, src_r, dst_r, ew_r):
    cpw = src_r.shape[1]
    assert cpw % RING == 0
    f = pl.kernel(
        _spmm_body,
        out_type=jax.ShapeDtypeStruct((NC, NP, D), jnp.float32),
        mesh=_mesh,
        scratch_types=[
            pltpu.VMEM((RING, CHUNK), jnp.int32),
            pltpu.VMEM((RING, CHUNK), jnp.int32),
            pltpu.VMEM((RING, CHUNK), jnp.float32),
            pltpu.VMEM((NBUF, CHUNK, D), jnp.float32),
            pltpu.VMEM_SHARED((NP, D), jnp.float32),
            [pltpu.SemaphoreType.DMA] * NBUF,
            [pltpu.SemaphoreType.DMA] * NBUF,
            [pltpu.SemaphoreType.DMA] * RING,
        ],
    )
    return f(gs, src_r, dst_r, ew_r)


BR = 1280


def _prep_body(degp_ref, x_ref, w_ref, dinv_ref, gs_ref):
    deg = degp_ref[0] + degp_ref[1] + 1.0
    dinv = lax.rsqrt(jnp.maximum(deg, 1e-12))
    dinv_ref[...] = dinv
    g = jnp.dot(x_ref[...], w_ref[...], preferred_element_type=jnp.float32)
    gs_ref[...] = g * dinv


def _prep_call(degp, x, w0):
    grid = (NP // BR,)
    return pl.pallas_call(
        _prep_body,
        grid=grid,
        in_specs=[
            pl.BlockSpec((NC, BR, 1), lambda i: (0, i, 0)),
            pl.BlockSpec((BR, D), lambda i: (i, 0)),
            pl.BlockSpec((D, D), lambda i: (0, 0)),
        ],
        out_specs=[
            pl.BlockSpec((BR, 1), lambda i: (i, 0)),
            pl.BlockSpec((BR, D), lambda i: (i, 0)),
        ],
        out_shape=[
            jax.ShapeDtypeStruct((NP, 1), jnp.float32),
            jax.ShapeDtypeStruct((NP, D), jnp.float32),
        ],
    )(degp, x, w0)


def _fuse_body(tp_ref, dinv_ref, gs_ref, h_ref, b_ref, w_ref, h1_ref, gs1_ref):
    dinv = dinv_ref[...]
    t = tp_ref[0] + tp_ref[1] - gs_ref[...]
    h1 = jnp.maximum(t * dinv + b_ref[...], 0.0) + h_ref[...]
    h1_ref[...] = h1
    g = jnp.dot(h1, w_ref[...], preferred_element_type=jnp.float32)
    gs1_ref[...] = g * dinv


def _fuse_call(tp, dinv, gs, h, b, w):
    grid = (NP // BR,)
    return pl.pallas_call(
        _fuse_body,
        grid=grid,
        in_specs=[
            pl.BlockSpec((NC, BR, D), lambda i: (0, i, 0)),
            pl.BlockSpec((BR, 1), lambda i: (i, 0)),
            pl.BlockSpec((BR, D), lambda i: (i, 0)),
            pl.BlockSpec((BR, D), lambda i: (i, 0)),
            pl.BlockSpec((1, D), lambda i: (0, 0)),
            pl.BlockSpec((D, D), lambda i: (0, 0)),
        ],
        out_specs=[
            pl.BlockSpec((BR, D), lambda i: (i, 0)),
            pl.BlockSpec((BR, D), lambda i: (i, 0)),
        ],
        out_shape=[
            jax.ShapeDtypeStruct((NP, D), jnp.float32),
            jax.ShapeDtypeStruct((NP, D), jnp.float32),
        ],
    )(tp, dinv, gs, h, b, w)


def _final_body(tp_ref, dinv_ref, gs_ref, h_ref, b_ref, wm_ref, bm_ref, y_ref):
    dinv = dinv_ref[...]
    t = tp_ref[0] + tp_ref[1] - gs_ref[...]
    h3 = jnp.maximum(t * dinv + b_ref[...], 0.0) + h_ref[...]
    y = jnp.dot(h3, wm_ref[...], preferred_element_type=jnp.float32)
    y_ref[...] = y + bm_ref[...]


def _final_call(tp, dinv, gs, h, b, wm, bm):
    grid = (NP // BR,)
    return pl.pallas_call(
        _final_body,
        grid=grid,
        in_specs=[
            pl.BlockSpec((NC, BR, D), lambda i: (0, i, 0)),
            pl.BlockSpec((BR, 1), lambda i: (i, 0)),
            pl.BlockSpec((BR, D), lambda i: (i, 0)),
            pl.BlockSpec((BR, D), lambda i: (i, 0)),
            pl.BlockSpec((1, D), lambda i: (0, 0)),
            pl.BlockSpec((D, N_CLASSES), lambda i: (0, 0)),
            pl.BlockSpec((1, N_CLASSES), lambda i: (0, 0)),
        ],
        out_specs=pl.BlockSpec((BR, N_CLASSES), lambda i: (i, 0)),
        out_shape=jax.ShapeDtypeStruct((NP, N_CLASSES), jnp.float32),
    )(tp, dinv, gs, h, b, wm, bm)


def kernel(x, edge_index, edge_weight, W0, b0, W1, b1, W2, b2, Wm, bm):
    n, d = x.shape
    e = edge_weight.shape[0]
    grain = CHUNK * RING
    epw = -(-e // (NW * grain)) * grain
    ep = epw * NW
    pad = ep - e

    src = edge_index[0].astype(jnp.int32)
    dst = edge_index[1].astype(jnp.int32)
    ew = edge_weight.astype(jnp.float32)
    src_r = jnp.concatenate([src, jnp.zeros((pad,), jnp.int32)]
                            ).reshape(NW, epw // CHUNK, CHUNK)
    dst_r = jnp.concatenate([dst, jnp.zeros((pad,), jnp.int32)]
                            ).reshape(NW, epw // CHUNK, CHUNK)
    ew_r = jnp.concatenate([ew, jnp.zeros((pad,), jnp.float32)]
                           ).reshape(NW, epw // CHUNK, CHUNK)

    xp = jnp.pad(x, ((0, NP - n), (0, 0)))

    degp = _deg_call(dst_r, ew_r)
    dinv, gs = _prep_call(degp.reshape(NC, NP, 1), xp, W0)

    h = xp
    bs = [b0.reshape(1, D), b1.reshape(1, D), b2.reshape(1, D)]
    ws = [W1, W2]
    for layer in range(3):
        tp = _spmm_call(gs, src_r, dst_r, ew_r)
        if layer < 2:
            h, gs = _fuse_call(tp, dinv, gs, h, bs[layer], ws[layer])
        else:
            y = _final_call(tp, dinv, gs, h, bs[layer],
                            Wm, bm.reshape(1, N_CLASSES))
    return y[:n]

# --- scband reference (transcript-rebuilt; emitter-appended) ---
"""Pipeline reference for scband-gnn-normal-38328288149690 (READ-ONLY COPY).

The authoritative reference and input builder live on the scoring server;
editing this copy changes nothing except your own understanding.
"""

import jax, jax.numpy as jnp
import numpy as np

N_NODES = 10000
N_EDGES = 320000
D_IN = 128
HIDDEN = 128
N_CLASSES = 40
NUM_LAYERS = 3


def setup_inputs(seed: int = 0) -> dict:
    key = jax.random.key(seed)
    ks = jax.random.split(key, 12)
    inp = {}
    inp['x'] = jax.random.normal(ks[0], (N_NODES, D_IN), dtype=jnp.float32)
    inp['edge_index'] = jax.random.randint(ks[1], (2, N_EDGES), 0, N_NODES, dtype=jnp.int64)
    inp['edge_weight'] = jax.random.uniform(ks[2], (N_EDGES,), dtype=jnp.float32)
    # GCN layer weights: layer0 in->hidden, layers 1..L-1 hidden->hidden
    dims = [D_IN] + [HIDDEN] * NUM_LAYERS
    for i in range(NUM_LAYERS):
        inp[f'W{i}'] = jax.random.normal(ks[3 + i], (dims[i], dims[i + 1]), dtype=jnp.float32) * 0.05
        inp[f'b{i}'] = jnp.zeros((dims[i + 1],), dtype=jnp.float32)
    # intra-graph MLP: [hidden, num_classes] == single linear layer
    inp['Wm'] = jax.random.normal(ks[10], (HIDDEN, N_CLASSES), dtype=jnp.float32) * 0.05
    inp['bm'] = jnp.zeros((N_CLASSES,), dtype=jnp.float32)
    return inp


def _gcn_conv(x, src, dst, ew, W, b, n):
    # x' = x @ W, then symmetric-normalized propagation, then bias
    h = x @ W
    deg = jax.ops.segment_sum(ew, dst, num_segments=n)
    dinv = jax.lax.rsqrt(jnp.maximum(deg, 1e-12))
    norm = dinv[src] * ew * dinv[dst]
    msgs = h[src] * norm[:, None]
    out = jax.ops.segment_sum(msgs, dst, num_segments=n)
    return out + b


def reference(x, edge_index, edge_weight, W0, b0, W1, b1, W2, b2, Wm, bm):
    n = x.shape[0]
    # add self loops (GCNConv default) with weight 1
    loop = jnp.arange(n, dtype=edge_index.dtype)
    src = jnp.concatenate([edge_index[0], loop])
    dst = jnp.concatenate([edge_index[1], loop])
    ew = jnp.concatenate([edge_weight, jnp.ones((n,), dtype=edge_weight.dtype)])
    Ws = [W0, W1, W2]
    bs = [b0, b1, b2]
    h = x
    for i in range(NUM_LAYERS):
        out = _gcn_conv(h, src, dst, ew, Ws[i], bs[i], n)
        out = jax.nn.relu(out)
        # residual connection (dims match: in_features == hidden)
        h = out + h
    # intra-graph MLP head
    h_node = h @ Wm + bm
    return h_node

if __name__ == "__main__":
    import jax
    _d = setup_inputs()
    print(jax.jit(kernel)(*tuple(_d.values())))

</pallas_src>

<mosaic_0001>
#map = affine_map<(d0, d1) -> (0, 0)>
#map1 = affine_map<(d0, d1) -> (0, 0, 0)>
module attributes {stable_mosaic.version = 14 : i64} {
  func.func @_spmm_body(%arg0: i32, %arg1: i32, %arg2: memref<10240x128xf32, #tpu.memory_space<hbm>>, %arg3: memref<32x80x128xi32, #tpu.memory_space<hbm>>, %arg4: memref<32x80x128xi32, #tpu.memory_space<hbm>>, %arg5: memref<32x80x128xf32, #tpu.memory_space<hbm>>, %arg6: memref<2x10240x128xf32, #tpu.memory_space<hbm>>, %arg7: memref<4x128xi32, #tpu.memory_space<vmem>>, %arg8: memref<4x128xi32, #tpu.memory_space<vmem>>, %arg9: memref<4x128xf32, #tpu.memory_space<vmem>>, %arg10: memref<2x128x128xf32, #tpu.memory_space<vmem>>, %arg11: memref<10240x128xf32, #tpu.memory_space<vmem_shared>>, %arg12: memref<!tpu.dma_semaphore, #tpu.memory_space<semaphore_mem>>, %arg13: memref<!tpu.dma_semaphore, #tpu.memory_space<semaphore_mem>>, %arg14: memref<!tpu.dma_semaphore, #tpu.memory_space<semaphore_mem>>, %arg15: memref<!tpu.dma_semaphore, #tpu.memory_space<semaphore_mem>>, %arg16: memref<!tpu.dma_semaphore, #tpu.memory_space<semaphore_mem>>, %arg17: memref<!tpu.dma_semaphore, #tpu.memory_space<semaphore_mem>>, %arg18: memref<!tpu.dma_semaphore, #tpu.memory_space<semaphore_mem>>, %arg19: memref<!tpu.dma_semaphore, #tpu.memory_space<semaphore_mem>>) attributes {dimension_semantics = [#tpu.dimension_semantics<core_parallel>, #tpu.dimension_semantics<subcore_parallel>], iteration_bounds = array<i64: 2, 16>, scalar_prefetch = 0 : i64, scratch_operands = 13 : i64, tpu.core_type = #tpu.core_type<sc_vector_subcore>, window_params = [{transform_indices = #map}, {transform_indices = #map1}, {transform_indices = #map1}, {transform_indices = #map1}, {transform_indices = #map1}]} {
    %mul3A = arith.constant 2 : i32
    %mul3A_0 = arith.muli %arg1, %mul3A : i32
    %add3A = arith.addi %mul3A_0, %arg0 : i32
    %mul3A_1 = arith.constant 640 : i32
    %mul3A_2 = arith.muli %arg1, %mul3A_1 : i32
    %mul3A_3 = arith.constant 640 : i32
    %mul3A_4 = arith.muli %arg1, %mul3A_3 : i32
    "tpu.region"() ({
      %run_scoped3A = tpu.sem_alloc : memref<!tpu.dma_semaphore, #tpu.memory_space<semaphore_mem>>
      %dma_start3A_289 = arith.constant 0 : i32
      %dma_start3A_290 = tpu.memref_slice %arg11[%mul3A_4, %dma_start3A_289] : memref<10240x128xf32, #tpu.memory_space<vmem_shared>> -> memref<640x128xf32, #tpu.memory_space<vmem_shared>>
      %dma_start3A_291 = arith.constant 0 : i32
      %dma_start3A_292 = tpu.memref_slice %arg2[%mul3A_2, %dma_start3A_291] : memref<10240x128xf32, #tpu.memory_space<hbm>> -> memref<640x128xf32, #tpu.memory_space<hbm>>
      tpu.enqueue_dma source(%dma_start3A_292 : memref<640x128xf32, #tpu.memory_space<hbm>>) target(%dma_start3A_290 : memref<640x128xf32, #tpu.memory_space<vmem_shared>>) target_semaphore(%run_scoped3A : memref<!tpu.dma_semaphore, #tpu.memory_space<semaphore_mem>>)
      %dma_wait3A_293 = arith.constant 0 : i32
      %dma_wait3A_294 = tpu.memref_slice %arg11[%mul3A_4, %dma_wait3A_293] : memref<10240x128xf32, #tpu.memory_space<vmem_shared>> -> memref<640x128xf32, #tpu.memory_space<vmem_shared>>
      %dma_wait3A_295 = arith.constant 0 : i32
      %dma_wait3A_296 = tpu.memref_slice %arg2[%mul3A_2, %dma_wait3A_295] : memref<10240x128xf32, #tpu.memory_space<hbm>> -> memref<640x128xf32, #tpu.memory_space<hbm>>
      tpu.wait_dma2 semaphore(%run_scoped3A : memref<!tpu.dma_semaphore, #tpu.memory_space<semaphore_mem>>) src(%dma_wait3A_296 : memref<640x128xf32, #tpu.memory_space<hbm>>) dst(%dma_wait3A_294 : memref<640x128xf32, #tpu.memory_space<vmem_shared>>)
      tpu.yield
    }) : () -> ()
    %barrier3A = arith.constant 0 : index
    tpu.barrier barrier_id(%barrier3A)
    %dma_start3A = arith.constant 0 : i32
    %dma_start3A_5 = arith.constant 0 : i32
    %dma_start3A_6 = arith.constant 0 : i32
    %dma_start3A_7 = tpu.memref_slice %arg7[%dma_start3A_5, %dma_start3A_6] : memref<4x128xi32, #tpu.memory_space<vmem>> -> memref<1x128xi32, #tpu.memory_space<vmem>>
    %dma_start3A_8 = tpu.memref_squeeze %dma_start3A_7 : memref<1x128xi32, #tpu.memory_space<vmem>> -> memref<128xi32, #tpu.memory_space<vmem>>
    %dma_start3A_9 = arith.constant 0 : i32
    %dma_start3A_10 = tpu.memref_slice %arg3[%add3A, %dma_start3A, %dma_start3A_9] : memref<32x80x128xi32, #tpu.memory_space<hbm>> -> memref<1x1x128xi32, #tpu.memory_space<hbm>>
    %dma_start3A_11 = tpu.memref_squeeze %dma_start3A_10 : memref<1x1x128xi32, #tpu.memory_space<hbm>> -> memref<128xi32, #tpu.memory_space<hbm>>
    %dma_start3A_12 = arith.constant 0 : i32
    %dma_start3A_13 = tpu.memref_slice %arg7[%dma_start3A_5, %dma_start3A_12] : memref<4x128xi32, #tpu.memory_space<vmem>> -> memref<1x128xi32, #tpu.memory_space<vmem>>
    %dma_start3A_14 = tpu.memref_squeeze %dma_start3A_13 : memref<1x128xi32, #tpu.memory_space<vmem>> -> memref<128xi32, #tpu.memory_space<vmem>>
    %dma_start3A_15 = arith.constant 0 : i32
    %dma_start3A_16 = tpu.memref_slice %arg3[%add3A, %dma_start3A, %dma_start3A_15] : memref<32x80x128xi32, #tpu.memory_space<hbm>> -> memref<1x1x128xi32, #tpu.memory_space<hbm>>
    %dma_start3A_17 = tpu.memref_squeeze %dma_start3A_16 : memref<1x1x128xi32, #tpu.memory_space<hbm>> -> memref<128xi32, #tpu.memory_space<hbm>>
    tpu.enqueue_dma source(%dma_start3A_17 : memref<128xi32, #tpu.memory_space<hbm>>) target(%dma_start3A_14 : memref<128xi32, #tpu.memory_space<vmem>>) target_semaphore(%arg16 : memref<!tpu.dma_semaphore, #tpu.memory_space<semaphore_mem>>)
    %dma_start3A_18 = arith.constant 0 : i32
    %dma_start3A_19 = arith.constant 0 : i32
    %dma_start3A_20 = arith.constant 0 : i32
    %dma_start3A_21 = tpu.memref_slice %arg8[%dma_start3A_19, %dma_start3A_20] : memref<4x128xi32, #tpu.memory_space<vmem>> -> memref<1x128xi32, #tpu.memory_space<vmem>>
    %dma_start3A_22 = tpu.memref_squeeze %dma_start3A_21 : memref<1x128xi32, #tpu.memory_space<vmem>> -> memref<128xi32, #tpu.memory_space<vmem>>
    %dma_start3A_23 = arith.constant 0 : i32
    %dma_start3A_24 = tpu.memref_slice %arg4[%add3A, %dma_start3A_18, %dma_start3A_23] : memref<32x80x128xi32, #tpu.memory_space<hbm>> -> memref<1x1x128xi32, #tpu.memory_space<hbm>>
    %dma_start3A_25 = tpu.memref_squeeze %dma_start3A_24 : memref<1x1x128xi32, #tpu.memory_space<hbm>> -> memref<128xi32, #tpu.memory_space<hbm>>
    %dma_start3A_26 = arith.constant 0 : i32
    %dma_start3A_27 = tpu.memref_slice %arg8[%dma_start3A_19, %dma_start3A_26] : memref<4x128xi32, #tpu.memory_space<vmem>> -> memref<1x128xi32, #tpu.memory_space<vmem>>
    %dma_start3A_28 = tpu.memref_squeeze %dma_start3A_27 : memref<1x128xi32, #tpu.memory_space<vmem>> -> memref<128xi32, #tpu.memory_space<vmem>>
    %dma_start3A_29 = arith.constant 0 : i32
    %dma_start3A_30 = tpu.memref_slice %arg4[%add3A, %dma_start3A_18, %dma_start3A_29] : memref<32x80x128xi32, #tpu.memory_space<hbm>> -> memref<1x1x128xi32, #tpu.memory_space<hbm>>
    %dma_start3A_31 = tpu.memref_squeeze %dma_start3A_30 : memref<1x1x128xi32, #tpu.memory_space<hbm>> -> memref<128xi32, #tpu.memory_space<hbm>>
    tpu.enqueue_dma source(%dma_start3A_31 : memref<128xi32, #tpu.memory_space<hbm>>) target(%dma_start3A_28 : memref<128xi32, #tpu.memory_space<vmem>>) target_semaphore(%arg16 : memref<!tpu.dma_semaphore, #tpu.memory_space<semaphore_mem>>)
    %dma_start3A_32 = arith.constant 0 : i32
    %dma_start3A_33 = arith.constant 0 : i32
    %dma_start3A_34 = arith.constant 0 : i32
    %dma_start3A_35 = tpu.memref_slice %arg9[%dma_start3A_33, %dma_start3A_34] : memref<4x128xf32, #tpu.memory_space<vmem>> -> memref<1x128xf32, #tpu.memory_space<vmem>>
    %dma_start3A_36 = tpu.memref_squeeze %dma_start3A_35 : memref<1x128xf32, #tpu.memory_space<vmem>> -> memref<128xf32, #tpu.memory_space<vmem>>
    %dma_start3A_37 = arith.constant 0 : i32
    %dma_start3A_38 = tpu.memref_slice %arg5[%add3A, %dma_start3A_32, %dma_start3A_37] : memref<32x80x128xf32, #tpu.memory_space<hbm>> -> memref<1x1x128xf32, #tpu.memory_space<hbm>>
    %dma_start3A_39 = tpu.memref_squeeze %dma_start3A_38 : memref<1x1x128xf32, #tpu.memory_space<hbm>> -> memref<128xf32, #tpu.memory_space<hbm>>
    %dma_start3A_40 = arith.constant 0 : i32
    %dma_start3A_41 = tpu.memref_slice %arg9[%dma_start3A_33, %dma_start3A_40] : memref<4x128xf32, #tpu.memory_space<vmem>> -> memref<1x128xf32, #tpu.memory_space<vmem>>
    %dma_start3A_42 = tpu.memref_squeeze %dma_start3A_41 : memref<1x128xf32, #tpu.memory_space<vmem>> -> memref<128xf32, #tpu.memory_space<vmem>>
    %dma_start3A_43 = arith.constant 0 : i32
    %dma_start3A_44 = tpu.memref_slice %arg5[%add3A, %dma_start3A_32, %dma_start3A_43] : memref<32x80x128xf32, #tpu.memory_space<hbm>> -> memref<1x1x128xf32, #tpu.memory_space<hbm>>
    %dma_start3A_45 = tpu.memref_squeeze %dma_start3A_44 : memref<1x1x128xf32, #tpu.memory_space<hbm>> -> memref<128xf32, #tpu.memory_space<hbm>>
    tpu.enqueue_dma source(%dma_start3A_45 : memref<128xf32, #tpu.memory_space<hbm>>) target(%dma_start3A_42 : memref<128xf32, #tpu.memory_space<vmem>>) target_semaphore(%arg16 : memref<!tpu.dma_semaphore, #tpu.memory_space<semaphore_mem>>)
    %dma_start3A_46 = arith.constant 1 : i32
    %dma_start3A_47 = arith.constant 1 : i32
    %dma_start3A_48 = arith.constant 0 : i32
    %dma_start3A_49 = tpu.memref_slice %arg7[%dma_start3A_47, %dma_start3A_48] : memref<4x128xi32, #tpu.memory_space<vmem>> -> memref<1x128xi32, #tpu.memory_space<vmem>>
    %dma_start3A_50 = tpu.memref_squeeze %dma_start3A_49 : memref<1x128xi32, #tpu.memory_space<vmem>> -> memref<128xi32, #tpu.memory_space<vmem>>
    %dma_start3A_51 = arith.constant 0 : i32
    %dma_start3A_52 = tpu.memref_slice %arg3[%add3A, %dma_start3A_46, %dma_start3A_51] : memref<32x80x128xi32, #tpu.memory_space<hbm>> -> memref<1x1x128xi32, #tpu.memory_space<hbm>>
    %dma_start3A_53 = tpu.memref_squeeze %dma_start3A_52 : memref<1x1x128xi32, #tpu.memory_space<hbm>> -> memref<128xi32, #tpu.memory_space<hbm>>
    %dma_start3A_54 = arith.constant 0 : i32
    %dma_start3A_55 = tpu.memref_slice %arg7[%dma_start3A_47, %dma_start3A_54] : memref<4x128xi32, #tpu.memory_space<vmem>> -> memref<1x128xi32, #tpu.memory_space<vmem>>
    %dma_start3A_56 = tpu.memref_squeeze %dma_start3A_55 : memref<1x128xi32, #tpu.memory_space<vmem>> -> memref<128xi32, #tpu.memory_space<vmem>>
    %dma_start3A_57 = arith.constant 0 : i32
    %dma_start3A_58 = tpu.memref_slice %arg3[%add3A, %dma_start3A_46, %dma_start3A_57] : memref<32x80x128xi32, #tpu.memory_space<hbm>> -> memref<1x1x128xi32, #tpu.memory_space<hbm>>
    %dma_start3A_59 = tpu.memref_squeeze %dma_start3A_58 : memref<1x1x128xi32, #tpu.memory_space<hbm>> -> memref<128xi32, #tpu.memory_space<hbm>>
    tpu.enqueue_dma source(%dma_start3A_59 : memref<128xi32, #tpu.memory_space<hbm>>) target(%dma_start3A_56 : memref<128xi32, #tpu.memory_space<vmem>>) target_semaphore(%arg17 : memref<!tpu.dma_semaphore, #tpu.memory_space<semaphore_mem>>)
    %dma_start3A_60 = arith.constant 1 : i32
    %dma_start3A_61 = arith.constant 1 : i32
    %dma_start3A_62 = arith.constant 0 : i32
    %dma_start3A_63 = tpu.memref_slice %arg8[%dma_start3A_61, %dma_start3A_62] : memref<4x128xi32, #tpu.memory_space<vmem>> -> memref<1x128xi32, #tpu.memory_space<vmem>>
    %dma_start3A_64 = tpu.memref_squeeze %dma_start3A_63 : memref<1x128xi32, #tpu.memory_space<vmem>> -> memref<128xi32, #tpu.memory_space<vmem>>
    %dma_start3A_65 = arith.constant 0 : i32
    %dma_start3A_66 = tpu.memref_slice %arg4[%add3A, %dma_start3A_60, %dma_start3A_65] : memref<32x80x128xi32, #tpu.memory_space<hbm>> -> memref<1x1x128xi32, #tpu.memory_space<hbm>>
    %dma_start3A_67 = tpu.memref_squeeze %dma_start3A_66 : memref<1x1x128xi32, #tpu.memory_space<hbm>> -> memref<128xi32, #tpu.memory_space<hbm>>
    %dma_start3A_68 = arith.constant 0 : i32
    %dma_start3A_69 = tpu.memref_slice %arg8[%dma_start3A_61, %dma_start3A_68] : memref<4x128xi32, #tpu.memory_space<vmem>> -> memref<1x128xi32, #tpu.memory_space<vmem>>
    %dma_start3A_70 = tpu.memref_squeeze %dma_start3A_69 : memref<1x128xi32, #tpu.memory_space<vmem>> -> memref<128xi32, #tpu.memory_space<vmem>>
    %dma_start3A_71 = arith.constant 0 : i32
    %dma_start3A_72 = tpu.memref_slice %arg4[%add3A, %dma_start3A_60, %dma_start3A_71] : memref<32x80x128xi32, #tpu.memory_space<hbm>> -> memref<1x1x128xi32, #tpu.memory_space<hbm>>
    %dma_start3A_73 = tpu.memref_squeeze %dma_start3A_72 : memref<1x1x128xi32, #tpu.memory_space<hbm>> -> memref<128xi32, #tpu.memory_space<hbm>>
    tpu.enqueue_dma source(%dma_start3A_73 : memref<128xi32, #tpu.memory_space<hbm>>) target(%dma_start3A_70 : memref<128xi32, #tpu.memory_space<vmem>>) target_semaphore(%arg17 : memref<!tpu.dma_semaphore, #tpu.memory_space<semaphore_mem>>)
    %dma_start3A_74 = arith.constant 1 : i32
    %dma_start3A_75 = arith.constant 1 : i32
    %dma_start3A_76 = arith.constant 0 : i32
    %dma_start3A_77 = tpu.memref_slice %arg9[%dma_start3A_75, %dma_start3A_76] : memref<4x128xf32, #tpu.memory_space<vmem>> -> memref<1x128xf32, #tpu.memory_space<vmem>>
    %dma_start3A_78 = tpu.memref_squeeze %dma_start3A_77 : memref<1x128xf32, #tpu.memory_space<vmem>> -> memref<128xf32, #tpu.memory_space<vmem>>
    %dma_start3A_79 = arith.constant 0 : i32
    %dma_start3A_80 = tpu.memref_slice %arg5[%add3A, %dma_start3A_74, %dma_start3A_79] : memref<32x80x128xf32, #tpu.memory_space<hbm>> -> memref<1x1x128xf32, #tpu.memory_space<hbm>>
    %dma_start3A_81 = tpu.memref_squeeze %dma_start3A_80 : memref<1x1x128xf32, #tpu.memory_space<hbm>> -> memref<128xf32, #tpu.memory_space<hbm>>
    %dma_start3A_82 = arith.constant 0 : i32
    %dma_start3A_83 = tpu.memref_slice %arg9[%dma_start3A_75, %dma_start3A_82] : memref<4x128xf32, #tpu.memory_space<vmem>> -> memref<1x128xf32, #tpu.memory_space<vmem>>
    %dma_start3A_84 = tpu.memref_squeeze %dma_start3A_83 : memref<1x128xf32, #tpu.memory_space<vmem>> -> memref<128xf32, #tpu.memory_space<vmem>>
    %dma_start3A_85 = arith.constant 0 : i32
    %dma_start3A_86 = tpu.memref_slice %arg5[%add3A, %dma_start3A_74, %dma_start3A_85] : memref<32x80x128xf32, #tpu.memory_space<hbm>> -> memref<1x1x128xf32, #tpu.memory_space<hbm>>
    %dma_start3A_87 = tpu.memref_squeeze %dma_start3A_86 : memref<1x1x128xf32, #tpu.memory_space<hbm>> -> memref<128xf32, #tpu.memory_space<hbm>>
    tpu.enqueue_dma source(%dma_start3A_87 : memref<128xf32, #tpu.memory_space<hbm>>) target(%dma_start3A_84 : memref<128xf32, #tpu.memory_space<vmem>>) target_semaphore(%arg17 : memref<!tpu.dma_semaphore, #tpu.memory_space<semaphore_mem>>)
    %dma_start3A_88 = arith.constant 2 : i32
    %dma_start3A_89 = arith.constant 2 : i32
    %dma_start3A_90 = arith.constant 0 : i32
    %dma_start3A_91 = tpu.memref_slice %arg7[%dma_start3A_89, %dma_start3A_90] : memref<4x128xi32, #tpu.memory_space<vmem>> -> memref<1x128xi32, #tpu.memory_space<vmem>>
    %dma_start3A_92 = tpu.memref_squeeze %dma_start3A_91 : memref<1x128xi32, #tpu.memory_space<vmem>> -> memref<128xi32, #tpu.memory_space<vmem>>
    %dma_start3A_93 = arith.constant 0 : i32
    %dma_start3A_94 = tpu.memref_slice %arg3[%add3A, %dma_start3A_88, %dma_start3A_93] : memref<32x80x128xi32, #tpu.memory_space<hbm>> -> memref<1x1x128xi32, #tpu.memory_space<hbm>>
    %dma_start3A_95 = tpu.memref_squeeze %dma_start3A_94 : memref<1x1x128xi32, #tpu.memory_space<hbm>> -> memref<128xi32, #tpu.memory_space<hbm>>
    %dma_start3A_96 = arith.constant 0 : i32
    %dma_start3A_97 = tpu.memref_slice %arg7[%dma_start3A_89, %dma_start3A_96] : memref<4x128xi32, #tpu.memory_space<vmem>> -> memref<1x128xi32, #tpu.memory_space<vmem>>
    %dma_start3A_98 = tpu.memref_squeeze %dma_start3A_97 : memref<1x128xi32, #tpu.memory_space<vmem>> -> memref<128xi32, #tpu.memory_space<vmem>>
    %dma_start3A_99 = arith.constant 0 : i32
    %dma_start3A_100 = tpu.memref_slice %arg3[%add3A, %dma_start3A_88, %dma_start3A_99] : memref<32x80x128xi32, #tpu.memory_space<hbm>> -> memref<1x1x128xi32, #tpu.memory_space<hbm>>
    %dma_start3A_101 = tpu.memref_squeeze %dma_start3A_100 : memref<1x1x128xi32, #tpu.memory_space<hbm>> -> memref<128xi32, #tpu.memory_space<hbm>>
    tpu.enqueue_dma source(%dma_start3A_101 : memref<128xi32, #tpu.memory_space<hbm>>) target(%dma_start3A_98 : memref<128xi32, #tpu.memory_space<vmem>>) target_semaphore(%arg18 : memref<!tpu.dma_semaphore, #tpu.memory_space<semaphore_mem>>)
    %dma_start3A_102 = arith.constant 2 : i32
    %dma_start3A_103 = arith.constant 2 : i32
    %dma_start3A_104 = arith.constant 0 : i32
    %dma_start3A_105 = tpu.memref_slice %arg8[%dma_start3A_103, %dma_start3A_104] : memref<4x128xi32, #tpu.memory_space<vmem>> -> memref<1x128xi32, #tpu.memory_space<vmem>>
    %dma_start3A_106 = tpu.memref_squeeze %dma_start3A_105 : memref<1x128xi32, #tpu.memory_space<vmem>> -> memref<128xi32, #tpu.memory_space<vmem>>
    %dma_start3A_107 = arith.constant 0 : i32
    %dma_start3A_108 = tpu.memref_slice %arg4[%add3A, %dma_start3A_102, %dma_start3A_107] : memref<32x80x128xi32, #tpu.memory_space<hbm>> -> memref<1x1x128xi32, #tpu.memory_space<hbm>>
    %dma_start3A_109 = tpu.memref_squeeze %dma_start3A_108 : memref<1x1x128xi32, #tpu.memory_space<hbm>> -> memref<128xi32, #tpu.memory_space<hbm>>
    %dma_start3A_110 = arith.constant 0 : i32
    %dma_start3A_111 = tpu.memref_slice %arg8[%dma_start3A_103, %dma_start3A_110] : memref<4x128xi32, #tpu.memory_space<vmem>> -> memref<1x128xi32, #tpu.memory_space<vmem>>
    %dma_start3A_112 = tpu.memref_squeeze %dma_start3A_111 : memref<1x128xi32, #tpu.memory_space<vmem>> -> memref<128xi32, #tpu.memory_space<vmem>>
    %dma_start3A_113 = arith.constant 0 : i32
    %dma_start3A_114 = tpu.memref_slice %arg4[%add3A, %dma_start3A_102, %dma_start3A_113] : memref<32x80x128xi32, #tpu.memory_space<hbm>> -> memref<1x1x128xi32, #tpu.memory_space<hbm>>
    %dma_start3A_115 = tpu.memref_squeeze %dma_start3A_114 : memref<1x1x128xi32, #tpu.memory_space<hbm>> -> memref<128xi32, #tpu.memory_space<hbm>>
    tpu.enqueue_dma source(%dma_start3A_115 : memref<128xi32, #tpu.memory_space<hbm>>) target(%dma_start3A_112 : memref<128xi32, #tpu.memory_space<vmem>>) target_semaphore(%arg18 : memref<!tpu.dma_semaphore, #tpu.memory_space<semaphore_mem>>)
    %dma_start3A_116 = arith.constant 2 : i32
    %dma_start3A_117 = arith.constant 2 : i32
    %dma_start3A_118 = arith.constant 0 : i32
    %dma_start3A_119 = tpu.memref_slice %arg9[%dma_start3A_117, %dma_start3A_118] : memref<4x128xf32, #tpu.memory_space<vmem>> -> memref<1x128xf32, #tpu.memory_space<vmem>>
    %dma_start3A_120 = tpu.memref_squeeze %dma_start3A_119 : memref<1x128xf32, #tpu.memory_space<vmem>> -> memref<128xf32, #tpu.memory_space<vmem>>
    %dma_start3A_121 = arith.constant 0 : i32
    %dma_start3A_122 = tpu.memref_slice %arg5[%add3A, %dma_start3A_116, %dma_start3A_121] : memref<32x80x128xf32, #tpu.memory_space<hbm>> -> memref<1x1x128xf32, #tpu.memory_space<hbm>>
    %dma_start3A_123 = tpu.memref_squeeze %dma_start3A_122 : memref<1x1x128xf32, #tpu.memory_space<hbm>> -> memref<128xf32, #tpu.memory_space<hbm>>
    %dma_start3A_124 = arith.constant 0 : i32
    %dma_start3A_125 = tpu.memref_slice %arg9[%dma_start3A_117, %dma_start3A_124] : memref<4x128xf32, #tpu.memory_space<vmem>> -> memref<1x128xf32, #tpu.memory_space<vmem>>
    %dma_start3A_126 = tpu.memref_squeeze %dma_start3A_125 : memref<1x128xf32, #tpu.memory_space<vmem>> -> memref<128xf32, #tpu.memory_space<vmem>>
    %dma_start3A_127 = arith.constant 0 : i32
    %dma_start3A_128 = tpu.memref_slice %arg5[%add3A, %dma_start3A_116, %dma_start3A_127] : memref<32x80x128xf32, #tpu.memory_space<hbm>> -> memref<1x1x128xf32, #tpu.memory_space<hbm>>
    %dma_start3A_129 = tpu.memref_squeeze %dma_start3A_128 : memref<1x1x128xf32, #tpu.memory_space<hbm>> -> memref<128xf32, #tpu.memory_space<hbm>>
    tpu.enqueue_dma source(%dma_start3A_129 : memref<128xf32, #tpu.memory_space<hbm>>) target(%dma_start3A_126 : memref<128xf32, #tpu.memory_space<vmem>>) target_semaphore(%arg18 : memref<!tpu.dma_semaphore, #tpu.memory_space<semaphore_mem>>)
    %dma_start3A_130 = arith.constant 3 : i32
    %dma_start3A_131 = arith.constant 3 : i32
    %dma_start3A_132 = arith.constant 0 : i32
    %dma_start3A_133 = tpu.memref_slice %arg7[%dma_start3A_131, %dma_start3A_132] : memref<4x128xi32, #tpu.memory_space<vmem>> -> memref<1x128xi32, #tpu.memory_space<vmem>>
    %dma_start3A_134 = tpu.memref_squeeze %dma_start3A_133 : memref<1x128xi32, #tpu.memory_space<vmem>> -> memref<128xi32, #tpu.memory_space<vmem>>
    %dma_start3A_135 = arith.constant 0 : i32
    %dma_start3A_136 = tpu.memref_slice %arg3[%add3A, %dma_start3A_130, %dma_start3A_135] : memref<32x80x128xi32, #tpu.memory_space<hbm>> -> memref<1x1x128xi32, #tpu.memory_space<hbm>>
    %dma_start3A_137 = tpu.memref_squeeze %dma_start3A_136 : memref<1x1x128xi32, #tpu.memory_space<hbm>> -> memref<128xi32, #tpu.memory_space<hbm>>
    %dma_start3A_138 = arith.constant 0 : i32
    %dma_start3A_139 = tpu.memref_slice %arg7[%dma_start3A_131, %dma_start3A_138] : memref<4x128xi32, #tpu.memory_space<vmem>> -> memref<1x128xi32, #tpu.memory_space<vmem>>
    %dma_start3A_140 = tpu.memref_squeeze %dma_start3A_139 : memref<1x128xi32, #tpu.memory_space<vmem>> -> memref<128xi32, #tpu.memory_space<vmem>>
    %dma_start3A_141 = arith.constant 0 : i32
    %dma_start3A_142 = tpu.memref_slice %arg3[%add3A, %dma_start3A_130, %dma_start3A_141] : memref<32x80x128xi32, #tpu.memory_space<hbm>> -> memref<1x1x128xi32, #tpu.memory_space<hbm>>
    %dma_start3A_143 = tpu.memref_squeeze %dma_start3A_142 : memref<1x1x128xi32, #tpu.memory_space<hbm>> -> memref<128xi32, #tpu.memory_space<hbm>>
    tpu.enqueue_dma source(%dma_start3A_143 : memref<128xi32, #tpu.memory_space<hbm>>) target(%dma_start3A_140 : memref<128xi32, #tpu.memory_space<vmem>>) target_semaphore(%arg19 : memref<!tpu.dma_semaphore, #tpu.memory_space<semaphore_mem>>)
    %dma_start3A_144 = arith.constant 3 : i32
    %dma_start3A_145 = arith.constant 3 : i32
    %dma_start3A_146 = arith.constant 0 : i32
    %dma_start3A_147 = tpu.memref_slice %arg8[%dma_start3A_145, %dma_start3A_146] : memref<4x128xi32, #tpu.memory_space<vmem>> -> memref<1x128xi32, #tpu.memory_space<vmem>>
    %dma_start3A_148 = tpu.memref_squeeze %dma_start3A_147 : memref<1x128xi32, #tpu.memory_space<vmem>> -> memref<128xi32, #tpu.memory_space<vmem>>
    %dma_start3A_149 = arith.constant 0 : i32
    %dma_start3A_150 = tpu.memref_slice %arg4[%add3A, %dma_start3A_144, %dma_start3A_149] : memref<32x80x128xi32, #tpu.memory_space<hbm>> -> memref<1x1x128xi32, #tpu.memory_space<hbm>>
    %dma_start3A_151 = tpu.memref_squeeze %dma_start3A_150 : memref<1x1x128xi32, #tpu.memory_space<hbm>> -> memref<128xi32, #tpu.memory_space<hbm>>
    %dma_start3A_152 = arith.constant 0 : i32
    %dma_start3A_153 = tpu.memref_slice %arg8[%dma_start3A_145, %dma_start3A_152] : memref<4x128xi32, #tpu.memory_space<vmem>> -> memref<1x128xi32, #tpu.memory_space<vmem>>
    %dma_start3A_154 = tpu.memref_squeeze %dma_start3A_153 : memref<1x128xi32, #tpu.memory_space<vmem>> -> memref<128xi32, #tpu.memory_space<vmem>>
    %dma_start3A_155 = arith.constant 0 : i32
    %dma_start3A_156 = tpu.memref_slice %arg4[%add3A, %dma_start3A_144, %dma_start3A_155] : memref<32x80x128xi32, #tpu.memory_space<hbm>> -> memref<1x1x128xi32, #tpu.memory_space<hbm>>
    %dma_start3A_157 = tpu.memref_squeeze %dma_start3A_156 : memref<1x1x128xi32, #tpu.memory_space<hbm>> -> memref<128xi32, #tpu.memory_space<hbm>>
    tpu.enqueue_dma source(%dma_start3A_157 : memref<128xi32, #tpu.memory_space<hbm>>) target(%dma_start3A_154 : memref<128xi32, #tpu.memory_space<vmem>>) target_semaphore(%arg19 : memref<!tpu.dma_semaphore, #tpu.memory_space<semaphore_mem>>)
    %dma_start3A_158 = arith.constant 3 : i32
    %dma_start3A_159 = arith.constant 3 : i32
    %dma_start3A_160 = arith.constant 0 : i32
    %dma_start3A_161 = tpu.memref_slice %arg9[%dma_start3A_159, %dma_start3A_160] : memref<4x128xf32, #tpu.memory_space<vmem>> -> memref<1x128xf32, #tpu.memory_space<vmem>>
    %dma_start3A_162 = tpu.memref_squeeze %dma_start3A_161 : memref<1x128xf32, #tpu.memory_space<vmem>> -> memref<128xf32, #tpu.memory_space<vmem>>
    %dma_start3A_163 = arith.constant 0 : i32
    %dma_start3A_164 = tpu.memref_slice %arg5[%add3A, %dma_start3A_158, %dma_start3A_163] : memref<32x80x128xf32, #tpu.memory_space<hbm>> -> memref<1x1x128xf32, #tpu.memory_space<hbm>>
    %dma_start3A_165 = tpu.memref_squeeze %dma_start3A_164 : memref<1x1x128xf32, #tpu.memory_space<hbm>> -> memref<128xf32, #tpu.memory_space<hbm>>
    %dma_start3A_166 = arith.constant 0 : i32
    %dma_start3A_167 = tpu.memref_slice %arg9[%dma_start3A_159, %dma_start3A_166] : memref<4x128xf32, #tpu.memory_space<vmem>> -> memref<1x128xf32, #tpu.memory_space<vmem>>
    %dma_start3A_168 = tpu.memref_squeeze %dma_start3A_167 : memref<1x128xf32, #tpu.memory_space<vmem>> -> memref<128xf32, #tpu.memory_space<vmem>>
    %dma_start3A_169 = arith.constant 0 : i32
    %dma_start3A_170 = tpu.memref_slice %arg5[%add3A, %dma_start3A_158, %dma_start3A_169] : memref<32x80x128xf32, #tpu.memory_space<hbm>> -> memref<1x1x128xf32, #tpu.memory_space<hbm>>
    %dma_start3A_171 = tpu.memref_squeeze %dma_start3A_170 : memref<1x1x128xf32, #tpu.memory_space<hbm>> -> memref<128xf32, #tpu.memory_space<hbm>>
    tpu.enqueue_dma source(%dma_start3A_171 : memref<128xf32, #tpu.memory_space<hbm>>) target(%dma_start3A_168 : memref<128xf32, #tpu.memory_space<vmem>>) target_semaphore(%arg19 : memref<!tpu.dma_semaphore, #tpu.memory_space<semaphore_mem>>)
    %dma_wait3A = arith.constant 0 : i32
    %dma_wait3A_172 = arith.constant 0 : i32
    %dma_wait3A_173 = arith.constant 0 : i32
    %dma_wait3A_174 = tpu.memref_slice %arg7[%dma_wait3A_172, %dma_wait3A_173] : memref<4x128xi32, #tpu.memory_space<vmem>> -> memref<1x128xi32, #tpu.memory_space<vmem>>
    %dma_wait3A_175 = tpu.memref_squeeze %dma_wait3A_174 : memref<1x128xi32, #tpu.memory_space<vmem>> -> memref<128xi32, #tpu.memory_space<vmem>>
    %dma_wait3A_176 = arith.constant 0 : i32
    %dma_wait3A_177 = tpu.memref_slice %arg3[%add3A, %dma_wait3A, %dma_wait3A_176] : memref<32x80x128xi32, #tpu.memory_space<hbm>> -> memref<1x1x128xi32, #tpu.memory_space<hbm>>
    %dma_wait3A_178 = tpu.memref_squeeze %dma_wait3A_177 : memref<1x1x128xi32, #tpu.memory_space<hbm>> -> memref<128xi32, #tpu.memory_space<hbm>>
    %dma_wait3A_179 = arith.constant 0 : i32
    %dma_wait3A_180 = tpu.memref_slice %arg7[%dma_wait3A_172, %dma_wait3A_179] : memref<4x128xi32, #tpu.memory_space<vmem>> -> memref<1x128xi32, #tpu.memory_space<vmem>>
    %dma_wait3A_181 = tpu.memref_squeeze %dma_wait3A_180 : memref<1x128xi32, #tpu.memory_space<vmem>> -> memref<128xi32, #tpu.memory_space<vmem>>
    %dma_wait3A_182 = arith.constant 0 : i32
    %dma_wait3A_183 = tpu.memref_slice %arg3[%add3A, %dma_wait3A, %dma_wait3A_182] : memref<32x80x128xi32, #tpu.memory_space<hbm>> -> memref<1x1x128xi32, #tpu.memory_space<hbm>>
    %dma_wait3A_184 = tpu.memref_squeeze %dma_wait3A_183 : memref<1x1x128xi32, #tpu.memory_space<hbm>> -> memref<128xi32, #tpu.memory_space<hbm>>
    tpu.wait_dma2 semaphore(%arg16 : memref<!tpu.dma_semaphore, #tpu.memory_space<semaphore_mem>>) src(%dma_wait3A_184 : memref<128xi32, #tpu.memory_space<hbm>>) dst(%dma_wait3A_181 : memref<128xi32, #tpu.memory_space<vmem>>)
    %dma_wait3A_185 = arith.constant 0 : i32
    %dma_wait3A_186 = arith.constant 0 : i32
    %dma_wait3A_187 = arith.constant 0 : i32
    %dma_wait3A_188 = tpu.memref_slice %arg8[%dma_wait3A_186, %dma_wait3A_187] : memref<4x128xi32, #tpu.memory_space<vmem>> -> memref<1x128xi32, #tpu.memory_space<vmem>>
    %dma_wait3A_189 = tpu.memref_squeeze %dma_wait3A_188 : memref<1x128xi32, #tpu.memory_space<vmem>> -> memref<128xi32, #tpu.memory_space<vmem>>
    %dma_wait3A_190 = arith.constant 0 : i32
    %dma_wait3A_191 = tpu.memref_slice %arg4[%add3A, %dma_wait3A_185, %dma_wait3A_190] : memref<32x80x128xi32, #tpu.memory_space<hbm>> -> memref<1x1x128xi32, #tpu.memory_space<hbm>>
    %dma_wait3A_192 = tpu.memref_squeeze %dma_wait3A_191 : memref<1x1x128xi32, #tpu.memory_space<hbm>> -> memref<128xi32, #tpu.memory_space<hbm>>
    %dma_wait3A_193 = arith.constant 0 : i32
    %dma_wait3A_194 = tpu.memref_slice %arg8[%dma_wait3A_186, %dma_wait3A_193] : memref<4x128xi32, #tpu.memory_space<vmem>> -> memref<1x128xi32, #tpu.memory_space<vmem>>
    %dma_wait3A_195 = tpu.memref_squeeze %dma_wait3A_194 : memref<1x128xi32, #tpu.memory_space<vmem>> -> memref<128xi32, #tpu.memory_space<vmem>>
    %dma_wait3A_196 = arith.constant 0 : i32
    %dma_wait3A_197 = tpu.memref_slice %arg4[%add3A, %dma_wait3A_185, %dma_wait3A_196] : memref<32x80x128xi32, #tpu.memory_space<hbm>> -> memref<1x1x128xi32, #tpu.memory_space<hbm>>
    %dma_wait3A_198 = tpu.memref_squeeze %dma_wait3A_197 : memref<1x1x128xi32, #tpu.memory_space<hbm>> -> memref<128xi32, #tpu.memory_space<hbm>>
    tpu.wait_dma2 semaphore(%arg16 : memref<!tpu.dma_semaphore, #tpu.memory_space<semaphore_mem>>) src(%dma_wait3A_198 : memref<128xi32, #tpu.memory_space<hbm>>) dst(%dma_wait3A_195 : memref<128xi32, #tpu.memory_space<vmem>>)
    %dma_wait3A_199 = arith.constant 0 : i32
    %dma_wait3A_200 = arith.constant 0 : i32
    %dma_wait3A_201 = arith.constant 0 : i32
    %dma_wait3A_202 = tpu.memref_slice %arg9[%dma_wait3A_200, %dma_wait3A_201] : memref<4x128xf32, #tpu.memory_space<vmem>> -> memref<1x128xf32, #tpu.memory_space<vmem>>
    %dma_wait3A_203 = tpu.memref_squeeze %dma_wait3A_202 : memref<1x128xf32, #tpu.memory_space<vmem>> -> memref<128xf32, #tpu.memory_space<vmem>>
    %dma_wait3A_204 = arith.constant 0 : i32
    %dma_wait3A_205 = tpu.memref_slice %arg5[%add3A, %dma_wait3A_199, %dma_wait3A_204] : memref<32x80x128xf32, #tpu.memory_space<hbm>> -> memref<1x1x128xf32, #tpu.memory_space<hbm>>
    %dma_wait3A_206 = tpu.memref_squeeze %dma_wait3A_205 : memref<1x1x128xf32, #tpu.memory_space<hbm>> -> memref<128xf32, #tpu.memory_space<hbm>>
    %dma_wait3A_207 = arith.constant 0 : i32
    %dma_wait3A_208 = tpu.memref_slice %arg9[%dma_wait3A_200, %dma_wait3A_207] : memref<4x128xf32, #tpu.memory_space<vmem>> -> memref<1x128xf32, #tpu.memory_space<vmem>>
    %dma_wait3A_209 = tpu.memref_squeeze %dma_wait3A_208 : memref<1x128xf32, #tpu.memory_space<vmem>> -> memref<128xf32, #tpu.memory_space<vmem>>
    %dma_wait3A_210 = arith.constant 0 : i32
    %dma_wait3A_211 = tpu.memref_slice %arg5[%add3A, %dma_wait3A_199, %dma_wait3A_210] : memref<32x80x128xf32, #tpu.memory_space<hbm>> -> memref<1x1x128xf32, #tpu.memory_space<hbm>>
    %dma_wait3A_212 = tpu.memref_squeeze %dma_wait3A_211 : memref<1x1x128xf32, #tpu.memory_space<hbm>> -> memref<128xf32, #tpu.memory_space<hbm>>
    tpu.wait_dma2 semaphore(%arg16 : memref<!tpu.dma_semaphore, #tpu.memory_space<semaphore_mem>>) src(%dma_wait3A_212 : memref<128xf32, #tpu.memory_space<hbm>>) dst(%dma_wait3A_209 : memref<128xf32, #tpu.memory_space<vmem>>)
    %dma_start3A_213 = arith.constant 0 : i32
    %dma_start3A_214 = arith.constant 0 : i32
    %dma_start3A_215 = arith.constant 0 : i32
    %dma_start3A_216 = arith.constant 0 : i32
    %dma_start3A_217 = tpu.memref_slice %arg10[%dma_start3A_214, %dma_start3A_215, %dma_start3A_216] : memref<2x128x128xf32, #tpu.memory_space<vmem>> -> memref<1x128x128xf32, #tpu.memory_space<vmem>>
    %dma_start3A_218 = tpu.memref_squeeze %dma_start3A_217 : memref<1x128x128xf32, #tpu.memory_space<vmem>> -> memref<128x128xf32, #tpu.memory_space<vmem>>
    %dma_start3A_219 = arith.constant 0 : i32
    %dma_start3A_220 = tpu.memref_slice %arg7[%dma_start3A_213, %dma_start3A_219] : memref<4x128xi32, #tpu.memory_space<vmem>> -> memref<1x128xi32, #tpu.memory_space<vmem>>
    %dma_start3A_221 = tpu.memref_squeeze %dma_start3A_220 : memref<1x128xi32, #tpu.memory_space<vmem>> -> memref<128xi32, #tpu.memory_space<vmem>>
    %dma_start3A_222 = arith.constant 0 : i32
    %dma_start3A_223 = arith.constant 0 : i32
    %dma_start3A_224 = tpu.memref_slice %arg11[%dma_start3A_222, %dma_start3A_223] : memref<10240x128xf32, #tpu.memory_space<vmem_shared>> -> memref<10240x128xf32, #tpu.memory_space<vmem_shared>>
    tpu.enqueue_indirect_dma source(%dma_start3A_224 : memref<10240x128xf32, #tpu.memory_space<vmem_shared>>) target(%dma_start3A_218 : memref<128x128xf32, #tpu.memory_space<vmem>>) offsets(%dma_start3A_221 : memref<128xi32, #tpu.memory_space<vmem>>) semaphore(%arg12 : memref<!tpu.dma_semaphore, #tpu.memory_space<semaphore_mem>>)
    %dma_wait3A_225 = arith.constant 1 : i32
    %dma_wait3A_226 = arith.constant 1 : i32
    %dma_wait3A_227 = arith.constant 0 : i32
    %dma_wait3A_228 = tpu.memref_slice %arg7[%dma_wait3A_226, %dma_wait3A_227] : memref<4x128xi32, #tpu.memory_space<vmem>> -> memref<1x128xi32, #tpu.memory_space<vmem>>
    %dma_wait3A_229 = tpu.memref_squeeze %dma_wait3A_228 : memref<1x128xi32, #tpu.memory_space<vmem>> -> memref<128xi32, #tpu.memory_space<vmem>>
    %dma_wait3A_230 = arith.constant 0 : i32
    %dma_wait3A_231 = tpu.memref_slice %arg3[%add3A, %dma_wait3A_225, %dma_wait3A_230] : memref<32x80x128xi32, #tpu.memory_space<hbm>> -> memref<1x1x128xi32, #tpu.memory_space<hbm>>
    %dma_wait3A_232 = tpu.memref_squeeze %dma_wait3A_231 : memref<1x1x128xi32, #tpu.memory_space<hbm>> -> memref<128xi32, #tpu.memory_space<hbm>>
    %dma_wait3A_233 = arith.constant 0 : i32
    %dma_wait3A_234 = tpu.memref_slice %arg7[%dma_wait3A_226, %dma_wait3A_233] : memref<4x128xi32, #tpu.memory_space<vmem>> -> memref<1x128xi32, #tpu.memory_space<vmem>>
    %dma_wait3A_235 = tpu.memref_squeeze %dma_wait3A_234 : memref<1x128xi32, #tpu.memory_space<vmem>> -> memref<128xi32, #tpu.memory_space<vmem>>
    %dma_wait3A_236 = arith.constant 0 : i32
    %dma_wait3A_237 = tpu.memref_slice %arg3[%add3A, %dma_wait3A_225, %dma_wait3A_236] : memref<32x80x128xi32, #tpu.memory_space<hbm>> -> memref<1x1x128xi32, #tpu.memory_space<hbm>>
    %dma_wait3A_238 = tpu.memref_squeeze %dma_wait3A_237 : memref<1x1x128xi32, #tpu.memory_space<hbm>> -> memref<128xi32, #tpu.memory_space<hbm>>
    tpu.wait_dma2 semaphore(%arg17 : memref<!tpu.dma_semaphore, #tpu.memory_space<semaphore_mem>>) src(%dma_wait3A_238 : memref<128xi32, #tpu.memory_space<hbm>>) dst(%dma_wait3A_235 : memref<128xi32, #tpu.memory_space<vmem>>)
    %dma_wait3A_239 = arith.constant 1 : i32
    %dma_wait3A_240 = arith.constant 1 : i32
    %dma_wait3A_241 = arith.constant 0 : i32
    %dma_wait3A_242 = tpu.memref_slice %arg8[%dma_wait3A_240, %dma_wait3A_241] : memref<4x128xi32, #tpu.memory_space<vmem>> -> memref<1x128xi32, #tpu.memory_space<vmem>>
    %dma_wait3A_243 = tpu.memref_squeeze %dma_wait3A_242 : memref<1x128xi32, #tpu.memory_space<vmem>> -> memref<128xi32, #tpu.memory_space<vmem>>
    %dma_wait3A_244 = arith.constant 0 : i32
    %dma_wait3A_245 = tpu.memref_slice %arg4[%add3A, %dma_wait3A_239, %dma_wait3A_244] : memref<32x80x128xi32, #tpu.memory_space<hbm>> -> memref<1x1x128xi32, #tpu.memory_space<hbm>>
    %dma_wait3A_246 = tpu.memref_squeeze %dma_wait3A_245 : memref<1x1x128xi32, #tpu.memory_space<hbm>> -> memref<128xi32, #tpu.memory_space<hbm>>
    %dma_wait3A_247 = arith.constant 0 : i32
    %dma_wait3A_248 = tpu.memref_slice %arg8[%dma_wait3A_240, %dma_wait3A_247] : memref<4x128xi32, #tpu.memory_space<vmem>> -> memref<1x128xi32, #tpu.memory_space<vmem>>
    %dma_wait3A_249 = tpu.memref_squeeze %dma_wait3A_248 : memref<1x128xi32, #tpu.memory_space<vmem>> -> memref<128xi32, #tpu.memory_space<vmem>>
    %dma_wait3A_250 = arith.constant 0 : i32
    %dma_wait3A_251 = tpu.memref_slice %arg4[%add3A, %dma_wait3A_239, %dma_wait3A_250] : memref<32x80x128xi32, #tpu.memory_space<hbm>> -> memref<1x1x128xi32, #tpu.memory_space<hbm>>
    %dma_wait3A_252 = tpu.memref_squeeze %dma_wait3A_251 : memref<1x1x128xi32, #tpu.memory_space<hbm>> -> memref<128xi32, #tpu.memory_space<hbm>>
    tpu.wait_dma2 semaphore(%arg17 : memref<!tpu.dma_semaphore, #tpu.memory_space<semaphore_mem>>) src(%dma_wait3A_252 : memref<128xi32, #tpu.memory_space<hbm>>) dst(%dma_wait3A_249 : memref<128xi32, #tpu.memory_space<vmem>>)
    %dma_wait3A_253 = arith.constant 1 : i32
    %dma_wait3A_254 = arith.constant 1 : i32
    %dma_wait3A_255 = arith.constant 0 : i32
    %dma_wait3A_256 = tpu.memref_slice %arg9[%dma_wait3A_254, %dma_wait3A_255] : memref<4x128xf32, #tpu.memory_space<vmem>> -> memref<1x128xf32, #tpu.memory_space<vmem>>
    %dma_wait3A_257 = tpu.memref_squeeze %dma_wait3A_256 : memref<1x128xf32, #tpu.memory_space<vmem>> -> memref<128xf32, #tpu.memory_space<vmem>>
    %dma_wait3A_258 = arith.constant 0 : i32
    %dma_wait3A_259 = tpu.memref_slice %arg5[%add3A, %dma_wait3A_253, %dma_wait3A_258] : memref<32x80x128xf32, #tpu.memory_space<hbm>> -> memref<1x1x128xf32, #tpu.memory_space<hbm>>
    %dma_wait3A_260 = tpu.memref_squeeze %dma_wait3A_259 : memref<1x1x128xf32, #tpu.memory_space<hbm>> -> memref<128xf32, #tpu.memory_space<hbm>>
    %dma_wait3A_261 = arith.constant 0 : i32
    %dma_wait3A_262 = tpu.memref_slice %arg9[%dma_wait3A_254, %dma_wait3A_261] : memref<4x128xf32, #tpu.memory_space<vmem>> -> memref<1x128xf32, #tpu.memory_space<vmem>>
    %dma_wait3A_263 = tpu.memref_squeeze %dma_wait3A_262 : memref<1x128xf32, #tpu.memory_space<vmem>> -> memref<128xf32, #tpu.memory_space<vmem>>
    %dma_wait3A_264 = arith.constant 0 : i32
    %dma_wait3A_265 = tpu.memref_slice %arg5[%add3A, %dma_wait3A_253, %dma_wait3A_264] : memref<32x80x128xf32, #tpu.memory_space<hbm>> -> memref<1x1x128xf32, #tpu.memory_space<hbm>>
    %dma_wait3A_266 = tpu.memref_squeeze %dma_wait3A_265 : memref<1x1x128xf32, #tpu.memory_space<hbm>> -> memref<128xf32, #tpu.memory_space<hbm>>
    tpu.wait_dma2 semaphore(%arg17 : memref<!tpu.dma_semaphore, #tpu.memory_space<semaphore_mem>>) src(%dma_wait3A_266 : memref<128xf32, #tpu.memory_space<hbm>>) dst(%dma_wait3A_263 : memref<128xf32, #tpu.memory_space<vmem>>)
    %dma_start3A_267 = arith.constant 1 : i32
    %dma_start3A_268 = arith.constant 1 : i32
    %dma_start3A_269 = arith.constant 0 : i32
    %dma_start3A_270 = arith.constant 0 : i32
    %dma_start3A_271 = tpu.memref_slice %arg10[%dma_start3A_268, %dma_start3A_269, %dma_start3A_270] : memref<2x128x128xf32, #tpu.memory_space<vmem>> -> memref<1x128x128xf32, #tpu.memory_space<vmem>>
    %dma_start3A_272 = tpu.memref_squeeze %dma_start3A_271 : memref<1x128x128xf32, #tpu.memory_space<vmem>> -> memref<128x128xf32, #tpu.memory_space<vmem>>
    %dma_start3A_273 = arith.constant 0 : i32
    %dma_start3A_274 = tpu.memref_slice %arg7[%dma_start3A_267, %dma_start3A_273] : memref<4x128xi32, #tpu.memory_space<vmem>> -> memref<1x128xi32, #tpu.memory_space<vmem>>
    %dma_start3A_275 = tpu.memref_squeeze %dma_start3A_274 : memref<1x128xi32, #tpu.memory_space<vmem>> -> memref<128xi32, #tpu.memory_space<vmem>>
    %dma_start3A_276 = arith.constant 0 : i32
    %dma_start3A_277 = arith.constant 0 : i32
    %dma_start3A_278 = tpu.memref_slice %arg11[%dma_start3A_276, %dma_start3A_277] : memref<10240x128xf32, #tpu.memory_space<vmem_shared>> -> memref<10240x128xf32, #tpu.memory_space<vmem_shared>>
    tpu.enqueue_indirect_dma source(%dma_start3A_278 : memref<10240x128xf32, #tpu.memory_space<vmem_shared>>) target(%dma_start3A_272 : memref<128x128xf32, #tpu.memory_space<vmem>>) offsets(%dma_start3A_275 : memref<128xi32, #tpu.memory_space<vmem>>) semaphore(%arg13 : memref<!tpu.dma_semaphore, #tpu.memory_space<semaphore_mem>>)
    %scan3A = arith.constant 0 : i32
    %scan3A_279 = arith.constant 0 : i32
    %scan3A_280 = arith.constant 20 : i32
    %scan3A_281 = arith.addi %scan3A_279, %scan3A_280 : i32
    %scan3A_282 = arith.constant 1 : i32
    scf.for %scan3A_289 = %scan3A_279 to %scan3A_281 step %scan3A_282  : i32 {
      %mul3A_290 = arith.constant 2 : i32
      %mul3A_291 = arith.muli %scan3A_289, %mul3A_290 : i32
      %add3A_292 = arith.constant 0 : i32
      %add3A_293 = arith.addi %mul3A_291, %add3A_292 : i32
      %mul3A_294 = arith.constant 2 : i32
      %mul3A_295 = arith.muli %add3A_293, %mul3A_294 : i32
      %add3A_296 = arith.constant 0 : i32
      %add3A_297 = arith.addi %mul3A_295, %add3A_296 : i32
      %dma_wait3A_298 = arith.constant 0 : i32
      %dma_wait3A_299 = arith.constant 0 : i32
      %dma_wait3A_300 = arith.constant 0 : i32
      %dma_wait3A_301 = arith.constant 0 : i32
      %dma_wait3A_302 = tpu.memref_slice %arg10[%dma_wait3A_299, %dma_wait3A_300, %dma_wait3A_301] : memref<2x128x128xf32, #tpu.memory_space<vmem>> -> memref<1x128x128xf32, #tpu.memory_space<vmem>>
      %dma_wait3A_303 = tpu.memref_squeeze %dma_wait3A_302 : memref<1x128x128xf32, #tpu.memory_space<vmem>> -> memref<128x128xf32, #tpu.memory_space<vmem>>
      %dma_wait3A_304 = arith.constant 0 : i32
      %dma_wait3A_305 = tpu.memref_slice %arg7[%dma_wait3A_298, %dma_wait3A_304] : memref<4x128xi32, #tpu.memory_space<vmem>> -> memref<1x128xi32, #tpu.memory_space<vmem>>
      %dma_wait3A_306 = tpu.memref_squeeze %dma_wait3A_305 : memref<1x128xi32, #tpu.memory_space<vmem>> -> memref<128xi32, #tpu.memory_space<vmem>>
      %dma_wait3A_307 = arith.constant 0 : i32
      %dma_wait3A_308 = arith.constant 0 : i32
      %dma_wait3A_309 = tpu.memref_slice %arg11[%dma_wait3A_307, %dma_wait3A_308] : memref<10240x128xf32, #tpu.memory_space<vmem_shared>> -> memref<10240x128xf32, #tpu.memory_space<vmem_shared>>
      tpu.wait_indirect_dma semaphore(%arg12 : memref<!tpu.dma_semaphore, #tpu.memory_space<semaphore_mem>>) src(%dma_wait3A_309 : memref<10240x128xf32, #tpu.memory_space<vmem_shared>>) dst(%dma_wait3A_303 : memref<128x128xf32, #tpu.memory_space<vmem>>)
      %add3A_310 = arith.constant 2 : i32
      %add3A_311 = arith.addi %add3A_297, %add3A_310 : i32
      %lt3A = arith.constant 80 : i32
      %lt3A_312 = arith.cmpi slt, %add3A_311, %lt3A : i32
      %convert_element_type3A = arith.extui %lt3A_312 : i1 to i32
      %cond3A = arith.constant 0 : i32
      %cond3A_313 = arith.cmpi ne, %convert_element_type3A, %cond3A : i32
      scf.if %cond3A_313 {
        %add3A_423 = arith.constant 2 : i32
        %add3A_424 = arith.addi %add3A_297, %add3A_423 : i32
        %dma_wait3A_425 = arith.constant 2 : i32
        %dma_wait3A_426 = arith.constant 0 : i32
        %dma_wait3A_427 = tpu.memref_slice %arg7[%dma_wait3A_425, %dma_wait3A_426] : memref<4x128xi32, #tpu.memory_space<vmem>> -> memref<1x128xi32, #tpu.memory_space<vmem>>
        %dma_wait3A_428 = tpu.memref_squeeze %dma_wait3A_427 : memref<1x128xi32, #tpu.memory_space<vmem>> -> memref<128xi32, #tpu.memory_space<vmem>>
        %dma_wait3A_429 = arith.constant 0 : i32
        %dma_wait3A_430 = tpu.memref_slice %arg3[%add3A, %add3A_424, %dma_wait3A_429] : memref<32x80x128xi32, #tpu.memory_space<hbm>> -> memref<1x1x128xi32, #tpu.memory_space<hbm>>
        %dma_wait3A_431 = tpu.memref_squeeze %dma_wait3A_430 : memref<1x1x128xi32, #tpu.memory_space<hbm>> -> memref<128xi32, #tpu.memory_space<hbm>>
        %dma_wait3A_432 = arith.constant 0 : i32
        %dma_wait3A_433 = tpu.memref_slice %arg7[%dma_wait3A_425, %dma_wait3A_432] : memref<4x128xi32, #tpu.memory_space<vmem>> -> memref<1x128xi32, #tpu.memory_space<vmem>>
        %dma_wait3A_434 = tpu.memref_squeeze %dma_wait3A_433 : memref<1x128xi32, #tpu.memory_space<vmem>> -> memref<128xi32, #tpu.memory_space<vmem>>
        %dma_wait3A_435 = arith.constant 0 : i32
        %dma_wait3A_436 = tpu.memref_slice %arg3[%add3A, %add3A_424, %dma_wait3A_435] : memref<32x80x128xi32, #tpu.memory_space<hbm>> -> memref<1x1x128xi32, #tpu.memory_space<hbm>>
        %dma_wait3A_437 = tpu.memref_squeeze %dma_wait3A_436 : memref<1x1x128xi32, #tpu.memory_space<hbm>> -> memref<128xi32, #tpu.memory_space<hbm>>
        tpu.wait_dma2 semaphore(%arg18 : memref<!tpu.dma_semaphore, #tpu.memory_space<semaphore_mem>>) src(%dma_wait3A_437 : memref<128xi32, #tpu.memory_space<hbm>>) dst(%dma_wait3A_434 : memref<128xi32, #tpu.memory_space<vmem>>)
        %dma_wait3A_438 = arith.constant 2 : i32
        %dma_wait3A_439 = arith.constant 0 : i32
        %dma_wait3A_440 = tpu.memref_slice %arg8[%dma_wait3A_438, %dma_wait3A_439] : memref<4x128xi32, #tpu.memory_space<vmem>> -> memref<1x128xi32, #tpu.memory_space<vmem>>
        %dma_wait3A_441 = tpu.memref_squeeze %dma_wait3A_440 : memref<1x128xi32, #tpu.memory_space<vmem>> -> memref<128xi32, #tpu.memory_space<vmem>>
        %dma_wait3A_442 = arith.constant 0 : i32
        %dma_wait3A_443 = tpu.memref_slice %arg4[%add3A, %add3A_424, %dma_wait3A_442] : memref<32x80x128xi32, #tpu.memory_space<hbm>> -> memref<1x1x128xi32, #tpu.memory_space<hbm>>
        %dma_wait3A_444 = tpu.memref_squeeze %dma_wait3A_443 : memref<1x1x128xi32, #tpu.memory_space<hbm>> -> memref<128xi32, #tpu.memory_space<hbm>>
        %dma_wait3A_445 = arith.constant 0 : i32
        %dma_wait3A_446 = tpu.memref_slice %arg8[%dma_wait3A_438, %dma_wait3A_445] : memref<4x128xi32, #tpu.memory_space<vmem>> -> memref<1x128xi32, #tpu.memory_space<vmem>>
        %dma_wait3A_447 = tpu.memref_squeeze %dma_wait3A_446 : memref<1x128xi32, #tpu.memory_space<vmem>> -> memref<128xi32, #tpu.memory_space<vmem>>
        %dma_wait3A_448 = arith.constant 0 : i32
        %dma_wait3A_449 = tpu.memref_slice %arg4[%add3A, %add3A_424, %dma_wait3A_448] : memref<32x80x128xi32, #tpu.memory_space<hbm>> -> memref<1x1x128xi32, #tpu.memory_space<hbm>>
        %dma_wait3A_450 = tpu.memref_squeeze %dma_wait3A_449 : memref<1x1x128xi32, #tpu.memory_space<hbm>> -> memref<128xi32, #tpu.memory_space<hbm>>
        tpu.wait_dma2 semaphore(%arg18 : memref<!tpu.dma_semaphore, #tpu.memory_space<semaphore_mem>>) src(%dma_wait3A_450 : memref<128xi32, #tpu.memory_space<hbm>>) dst(%dma_wait3A_447 : memref<128xi32, #tpu.memory_space<vmem>>)
        %dma_wait3A_451 = arith.constant 2 : i32
        %dma_wait3A_452 = arith.constant 0 : i32
        %dma_wait3A_453 = tpu.memref_slice %arg9[%dma_wait3A_451, %dma_wait3A_452] : memref<4x128xf32, #tpu.memory_space<vmem>> -> memref<1x128xf32, #tpu.memory_space<vmem>>
        %dma_wait3A_454 = tpu.memref_squeeze %dma_wait3A_453 : memref<1x128xf32, #tpu.memory_space<vmem>> -> memref<128xf32, #tpu.memory_space<vmem>>
        %dma_wait3A_455 = arith.constant 0 : i32
        %dma_wait3A_456 = tpu.memref_slice %arg5[%add3A, %add3A_424, %dma_wait3A_455] : memref<32x80x128xf32, #tpu.memory_space<hbm>> -> memref<1x1x128xf32, #tpu.memory_space<hbm>>
        %dma_wait3A_457 = tpu.memref_squeeze %dma_wait3A_456 : memref<1x1x128xf32, #tpu.memory_space<hbm>> -> memref<128xf32, #tpu.memory_space<hbm>>
        %dma_wait3A_458 = arith.constant 0 : i32
        %dma_wait3A_459 = tpu.memref_slice %arg9[%dma_wait3A_451, %dma_wait3A_458] : memref<4x128xf32, #tpu.memory_space<vmem>> -> memref<1x128xf32, #tpu.memory_space<vmem>>
        %dma_wait3A_460 = tpu.memref_squeeze %dma_wait3A_459 : memref<1x128xf32, #tpu.memory_space<vmem>> -> memref<128xf32, #tpu.memory_space<vmem>>
        %dma_wait3A_461 = arith.constant 0 : i32
        %dma_wait3A_462 = tpu.memref_slice %arg5[%add3A, %add3A_424, %dma_wait3A_461] : memref<32x80x128xf32, #tpu.memory_space<hbm>> -> memref<1x1x128xf32, #tpu.memory_space<hbm>>
        %dma_wait3A_463 = tpu.memref_squeeze %dma_wait3A_462 : memref<1x1x128xf32, #tpu.memory_space<hbm>> -> memref<128xf32, #tpu.memory_space<hbm>>
        tpu.wait_dma2 semaphore(%arg18 : memref<!tpu.dma_semaphore, #tpu.memory_space<semaphore_mem>>) src(%dma_wait3A_463 : memref<128xf32, #tpu.memory_space<hbm>>) dst(%dma_wait3A_460 : memref<128xf32, #tpu.memory_space<vmem>>)
        %dma_start3A_464 = arith.constant 2 : i32
        %dma_start3A_465 = arith.constant 0 : i32
        %dma_start3A_466 = arith.constant 0 : i32
        %dma_start3A_467 = arith.constant 0 : i32
        %dma_start3A_468 = tpu.memref_slice %arg10[%dma_start3A_465, %dma_start3A_466, %dma_start3A_467] : memref<2x128x128xf32, #tpu.memory_space<vmem>> -> memref<1x128x128xf32, #tpu.memory_space<vmem>>
        %dma_start3A_469 = tpu.memref_squeeze %dma_start3A_468 : memref<1x128x128xf32, #tpu.memory_space<vmem>> -> memref<128x128xf32, #tpu.memory_space<vmem>>
        %dma_start3A_470 = arith.constant 0 : i32
        %dma_start3A_471 = tpu.memref_slice %arg7[%dma_start3A_464, %dma_start3A_470] : memref<4x128xi32, #tpu.memory_space<vmem>> -> memref<1x128xi32, #tpu.memory_space<vmem>>
        %dma_start3A_472 = tpu.memref_squeeze %dma_start3A_471 : memref<1x128xi32, #tpu.memory_space<vmem>> -> memref<128xi32, #tpu.memory_space<vmem>>
        %dma_start3A_473 = arith.constant 0 : i32
        %dma_start3A_474 = arith.constant 0 : i32
        %dma_start3A_475 = tpu.memref_slice %arg11[%dma_start3A_473, %dma_start3A_474] : memref<10240x128xf32, #tpu.memory_space<vmem_shared>> -> memref<10240x128xf32, #tpu.memory_space<vmem_shared>>
        tpu.enqueue_indirect_dma source(%dma_start3A_475 : memref<10240x128xf32, #tpu.memory_space<vmem_shared>>) target(%dma_start3A_469 : memref<128x128xf32, #tpu.memory_space<vmem>>) offsets(%dma_start3A_472 : memref<128xi32, #tpu.memory_space<vmem>>) semaphore(%arg12 : memref<!tpu.dma_semaphore, #tpu.memory_space<semaphore_mem>>)
      } else {
      }
      %add3A_314 = arith.constant 4 : i32
      %add3A_315 = arith.addi %add3A_297, %add3A_314 : i32
      %lt3A_316 = arith.constant 80 : i32
      %lt3A_317 = arith.cmpi slt, %add3A_315, %lt3A_316 : i32
      %convert_element_type3A_318 = arith.extui %lt3A_317 : i1 to i32
      %cond3A_319 = arith.constant 0 : i32
      %cond3A_320 = arith.cmpi ne, %convert_element_type3A_318, %cond3A_319 : i32
      scf.if %cond3A_320 {
        %add3A_423 = arith.constant 4 : i32
        %add3A_424 = arith.addi %add3A_297, %add3A_423 : i32
        %dma_start3A_425 = arith.constant 0 : i32
        %dma_start3A_426 = arith.constant 0 : i32
        %dma_start3A_427 = tpu.memref_slice %arg7[%dma_start3A_425, %dma_start3A_426] : memref<4x128xi32, #tpu.memory_space<vmem>> -> memref<1x128xi32, #tpu.memory_space<vmem>>
        %dma_start3A_428 = tpu.memref_squeeze %dma_start3A_427 : memref<1x128xi32, #tpu.memory_space<vmem>> -> memref<128xi32, #tpu.memory_space<vmem>>
        %dma_start3A_429 = arith.constant 0 : i32
        %dma_start3A_430 = tpu.memref_slice %arg3[%add3A, %add3A_424, %dma_start3A_429] : memref<32x80x128xi32, #tpu.memory_space<hbm>> -> memref<1x1x128xi32, #tpu.memory_space<hbm>>
        %dma_start3A_431 = tpu.memref_squeeze %dma_start3A_430 : memref<1x1x128xi32, #tpu.memory_space<hbm>> -> memref<128xi32, #tpu.memory_space<hbm>>
        %dma_start3A_432 = arith.constant 0 : i32
        %dma_start3A_433 = tpu.memref_slice %arg7[%dma_start3A_425, %dma_start3A_432] : memref<4x128xi32, #tpu.memory_space<vmem>> -> memref<1x128xi32, #tpu.memory_space<vmem>>
        %dma_start3A_434 = tpu.memref_squeeze %dma_start3A_433 : memref<1x128xi32, #tpu.memory_space<vmem>> -> memref<128xi32, #tpu.memory_space<vmem>>
        %dma_start3A_435 = arith.constant 0 : i32
        %dma_start3A_436 = tpu.memref_slice %arg3[%add3A, %add3A_424, %dma_start3A_435] : memref<32x80x128xi32, #tpu.memory_space<hbm>> -> memref<1x1x128xi32, #tpu.memory_space<hbm>>
        %dma_start3A_437 = tpu.memref_squeeze %dma_start3A_436 : memref<1x1x128xi32, #tpu.memory_space<hbm>> -> memref<128xi32, #tpu.memory_space<hbm>>
        tpu.enqueue_dma source(%dma_start3A_437 : memref<128xi32, #tpu.memory_space<hbm>>) target(%dma_start3A_434 : memref<128xi32, #tpu.memory_space<vmem>>) target_semaphore(%arg16 : memref<!tpu.dma_semaphore, #tpu.memory_space<semaphore_mem>>)
        %dma_start3A_438 = arith.constant 0 : i32
        %dma_start3A_439 = arith.constant 0 : i32
        %dma_start3A_440 = tpu.memref_slice %arg8[%dma_start3A_438, %dma_start3A_439] : memref<4x128xi32, #tpu.memory_space<vmem>> -> memref<1x128xi32, #tpu.memory_space<vmem>>
        %dma_start3A_441 = tpu.memref_squeeze %dma_start3A_440 : memref<1x128xi32, #tpu.memory_space<vmem>> -> memref<128xi32, #tpu.memory_space<vmem>>
        %dma_start3A_442 = arith.constant 0 : i32
        %dma_start3A_443 = tpu.memref_slice %arg4[%add3A, %add3A_424, %dma_start3A_442] : memref<32x80x128xi32, #tpu.memory_space<hbm>> -> memref<1x1x128xi32, #tpu.memory_space<hbm>>
        %dma_start3A_444 = tpu.memref_squeeze %dma_start3A_443 : memref<1x1x128xi32, #tpu.memory_space<hbm>> -> memref<128xi32, #tpu.memory_space<hbm>>
        %dma_start3A_445 = arith.constant 0 : i32
        %dma_start3A_446 = tpu.memref_slice %arg8[%dma_start3A_438, %dma_start3A_445] : memref<4x128xi32, #tpu.memory_space<vmem>> -> memref<1x128xi32, #tpu.memory_space<vmem>>
        %dma_start3A_447 = tpu.memref_squeeze %dma_start3A_446 : memref<1x128xi32, #tpu.memory_space<vmem>> -> memref<128xi32, #tpu.memory_space<vmem>>
        %dma_start3A_448 = arith.constant 0 : i32
        %dma_start3A_449 = tpu.memref_slice %arg4[%add3A, %add3A_424, %dma_start3A_448] : memref<32x80x128xi32, #tpu.memory_space<hbm>> -> memref<1x1x128xi32, #tpu.memory_space<hbm>>
        %dma_start3A_450 = tpu.memref_squeeze %dma_start3A_449 : memref<1x1x128xi32, #tpu.memory_space<hbm>> -> memref<128xi32, #tpu.memory_space<hbm>>
        tpu.enqueue_dma source(%dma_start3A_450 : memref<128xi32, #tpu.memory_space<hbm>>) target(%dma_start3A_447 : memref<128xi32, #tpu.memory_space<vmem>>) target_semaphore(%arg16 : memref<!tpu.dma_semaphore, #tpu.memory_space<semaphore_mem>>)
        %dma_start3A_451 = arith.constant 0 : i32
        %dma_start3A_452 = arith.constant 0 : i32
        %dma_start3A_453 = tpu.memref_slice %arg9[%dma_start3A_451, %dma_start3A_452] : memref<4x128xf32, #tpu.memory_space<vmem>> -> memref<1x128xf32, #tpu.memory_space<vmem>>
        %dma_start3A_454 = tpu.memref_squeeze %dma_start3A_453 : memref<1x128xf32, #tpu.memory_space<vmem>> -> memref<128xf32, #tpu.memory_space<vmem>>
        %dma_start3A_455 = arith.constant 0 : i32
        %dma_start3A_456 = tpu.memref_slice %arg5[%add3A, %add3A_424, %dma_start3A_455] : memref<32x80x128xf32, #tpu.memory_space<hbm>> -> memref<1x1x128xf32, #tpu.memory_space<hbm>>
        %dma_start3A_457 = tpu.memref_squeeze %dma_start3A_456 : memref<1x1x128xf32, #tpu.memory_space<hbm>> -> memref<128xf32, #tpu.memory_space<hbm>>
        %dma_start3A_458 = arith.constant 0 : i32
        %dma_start3A_459 = tpu.memref_slice %arg9[%dma_start3A_451, %dma_start3A_458] : memref<4x128xf32, #tpu.memory_space<vmem>> -> memref<1x128xf32, #tpu.memory_space<vmem>>
        %dma_start3A_460 = tpu.memref_squeeze %dma_start3A_459 : memref<1x128xf32, #tpu.memory_space<vmem>> -> memref<128xf32, #tpu.memory_space<vmem>>
        %dma_start3A_461 = arith.constant 0 : i32
        %dma_start3A_462 = tpu.memref_slice %arg5[%add3A, %add3A_424, %dma_start3A_461] : memref<32x80x128xf32, #tpu.memory_space<hbm>> -> memref<1x1x128xf32, #tpu.memory_space<hbm>>
        %dma_start3A_463 = tpu.memref_squeeze %dma_start3A_462 : memref<1x1x128xf32, #tpu.memory_space<hbm>> -> memref<128xf32, #tpu.memory_space<hbm>>
        tpu.enqueue_dma source(%dma_start3A_463 : memref<128xf32, #tpu.memory_space<hbm>>) target(%dma_start3A_460 : memref<128xf32, #tpu.memory_space<vmem>>) target_semaphore(%arg16 : memref<!tpu.dma_semaphore, #tpu.memory_space<semaphore_mem>>)
      } else {
      }
      %mul3A_321 = arith.constant 2 : i32
      %mul3A_322 = arith.muli %scan3A_289, %mul3A_321 : i32
      %add3A_323 = arith.constant 0 : i32
      %add3A_324 = arith.addi %mul3A_322, %add3A_323 : i32
      %mul3A_325 = arith.constant 2 : i32
      %mul3A_326 = arith.muli %add3A_324, %mul3A_325 : i32
      %add3A_327 = arith.constant 1 : i32
      %add3A_328 = arith.addi %mul3A_326, %add3A_327 : i32
      %dma_wait3A_329 = arith.constant 1 : i32
      %dma_wait3A_330 = arith.constant 1 : i32
      %dma_wait3A_331 = arith.constant 0 : i32
      %dma_wait3A_332 = arith.constant 0 : i32
      %dma_wait3A_333 = tpu.memref_slice %arg10[%dma_wait3A_330, %dma_wait3A_331, %dma_wait3A_332] : memref<2x128x128xf32, #tpu.memory_space<vmem>> -> memref<1x128x128xf32, #tpu.memory_space<vmem>>
      %dma_wait3A_334 = tpu.memref_squeeze %dma_wait3A_333 : memref<1x128x128xf32, #tpu.memory_space<vmem>> -> memref<128x128xf32, #tpu.memory_space<vmem>>
      %dma_wait3A_335 = arith.constant 0 : i32
      %dma_wait3A_336 = tpu.memref_slice %arg7[%dma_wait3A_329, %dma_wait3A_335] : memref<4x128xi32, #tpu.memory_space<vmem>> -> memref<1x128xi32, #tpu.memory_space<vmem>>
      %dma_wait3A_337 = tpu.memref_squeeze %dma_wait3A_336 : memref<1x128xi32, #tpu.memory_space<vmem>> -> memref<128xi32, #tpu.memory_space<vmem>>
      %dma_wait3A_338 = arith.constant 0 : i32
      %dma_wait3A_339 = arith.constant 0 : i32
      %dma_wait3A_340 = tpu.memref_slice %arg11[%dma_wait3A_338, %dma_wait3A_339] : memref<10240x128xf32, #tpu.memory_space<vmem_shared>> -> memref<10240x128xf32, #tpu.memory_space<vmem_shared>>
      tpu.wait_indirect_dma semaphore(%arg13 : memref<!tpu.dma_semaphore, #tpu.memory_space<semaphore_mem>>) src(%dma_wait3A_340 : memref<10240x128xf32, #tpu.memory_space<vmem_shared>>) dst(%dma_wait3A_334 : memref<128x128xf32, #tpu.memory_space<vmem>>)
      %add3A_341 = arith.constant 2 : i32
      %add3A_342 = arith.addi %add3A_328, %add3A_341 : i32
      %lt3A_343 = arith.constant 80 : i32
      %lt3A_344 = arith.cmpi slt, %add3A_342, %lt3A_343 : i32
      %convert_element_type3A_345 = arith.extui %lt3A_344 : i1 to i32
      %cond3A_346 = arith.constant 0 : i32
      %cond3A_347 = arith.cmpi ne, %convert_element_type3A_345, %cond3A_346 : i32
      scf.if %cond3A_347 {
        %add3A_423 = arith.constant 2 : i32
        %add3A_424 = arith.addi %add3A_328, %add3A_423 : i32
        %dma_wait3A_425 = arith.constant 3 : i32
        %dma_wait3A_426 = arith.constant 0 : i32
        %dma_wait3A_427 = tpu.memref_slice %arg7[%dma_wait3A_425, %dma_wait3A_426] : memref<4x128xi32, #tpu.memory_space<vmem>> -> memref<1x128xi32, #tpu.memory_space<vmem>>
        %dma_wait3A_428 = tpu.memref_squeeze %dma_wait3A_427 : memref<1x128xi32, #tpu.memory_space<vmem>> -> memref<128xi32, #tpu.memory_space<vmem>>
        %dma_wait3A_429 = arith.constant 0 : i32
        %dma_wait3A_430 = tpu.memref_slice %arg3[%add3A, %add3A_424, %dma_wait3A_429] : memref<32x80x128xi32, #tpu.memory_space<hbm>> -> memref<1x1x128xi32, #tpu.memory_space<hbm>>
        %dma_wait3A_431 = tpu.memref_squeeze %dma_wait3A_430 : memref<1x1x128xi32, #tpu.memory_space<hbm>> -> memref<128xi32, #tpu.memory_space<hbm>>
        %dma_wait3A_432 = arith.constant 0 : i32
        %dma_wait3A_433 = tpu.memref_slice %arg7[%dma_wait3A_425, %dma_wait3A_432] : memref<4x128xi32, #tpu.memory_space<vmem>> -> memref<1x128xi32, #tpu.memory_space<vmem>>
        %dma_wait3A_434 = tpu.memref_squeeze %dma_wait3A_433 : memref<1x128xi32, #tpu.memory_space<vmem>> -> memref<128xi32, #tpu.memory_space<vmem>>
        %dma_wait3A_435 = arith.constant 0 : i32
        %dma_wait3A_436 = tpu.memref_slice %arg3[%add3A, %add3A_424, %dma_wait3A_435] : memref<32x80x128xi32, #tpu.memory_space<hbm>> -> memref<1x1x128xi32, #tpu.memory_space<hbm>>
        %dma_wait3A_437 = tpu.memref_squeeze %dma_wait3A_436 : memref<1x1x128xi32, #tpu.memory_space<hbm>> -> memref<128xi32, #tpu.memory_space<hbm>>
        tpu.wait_dma2 semaphore(%arg19 : memref<!tpu.dma_semaphore, #tpu.memory_space<semaphore_mem>>) src(%dma_wait3A_437 : memref<128xi32, #tpu.memory_space<hbm>>) dst(%dma_wait3A_434 : memref<128xi32, #tpu.memory_space<vmem>>)
        %dma_wait3A_438 = arith.constant 3 : i32
        %dma_wait3A_439 = arith.constant 0 : i32
        %dma_wait3A_440 = tpu.memref_slice %arg8[%dma_wait3A_438, %dma_wait3A_439] : memref<4x128xi32, #tpu.memory_space<vmem>> -> memref<1x128xi32, #tpu.memory_space<vmem>>
        %dma_wait3A_441 = tpu.memref_squeeze %dma_wait3A_440 : memref<1x128xi32, #tpu.memory_space<vmem>> -> memref<128xi32, #tpu.memory_space<vmem>>
        %dma_wait3A_442 = arith.constant 0 : i32
        %dma_wait3A_443 = tpu.memref_slice %arg4[%add3A, %add3A_424, %dma_wait3A_442] : memref<32x80x128xi32, #tpu.memory_space<hbm>> -> memref<1x1x128xi32, #tpu.memory_space<hbm>>
        %dma_wait3A_444 = tpu.memref_squeeze %dma_wait3A_443 : memref<1x1x128xi32, #tpu.memory_space<hbm>> -> memref<128xi32, #tpu.memory_space<hbm>>
        %dma_wait3A_445 = arith.constant 0 : i32
        %dma_wait3A_446 = tpu.memref_slice %arg8[%dma_wait3A_438, %dma_wait3A_445] : memref<4x128xi32, #tpu.memory_space<vmem>> -> memref<1x128xi32, #tpu.memory_space<vmem>>
        %dma_wait3A_447 = tpu.memref_squeeze %dma_wait3A_446 : memref<1x128xi32, #tpu.memory_space<vmem>> -> memref<128xi32, #tpu.memory_space<vmem>>
        %dma_wait3A_448 = arith.constant 0 : i32
        %dma_wait3A_449 = tpu.memref_slice %arg4[%add3A, %add3A_424, %dma_wait3A_448] : memref<32x80x128xi32, #tpu.memory_space<hbm>> -> memref<1x1x128xi32, #tpu.memory_space<hbm>>
        %dma_wait3A_450 = tpu.memref_squeeze %dma_wait3A_449 : memref<1x1x128xi32, #tpu.memory_space<hbm>> -> memref<128xi32, #tpu.memory_space<hbm>>
        tpu.wait_dma2 semaphore(%arg19 : memref<!tpu.dma_semaphore, #tpu.memory_space<semaphore_mem>>) src(%dma_wait3A_450 : memref<128xi32, #tpu.memory_space<hbm>>) dst(%dma_wait3A_447 : memref<128xi32, #tpu.memory_space<vmem>>)
        %dma_wait3A_451 = arith.constant 3 : i32
        %dma_wait3A_452 = arith.constant 0 : i32
        %dma_wait3A_453 = tpu.memref_slice %arg9[%dma_wait3A_451, %dma_wait3A_452] : memref<4x128xf32, #tpu.memory_space<vmem>> -> memref<1x128xf32, #tpu.memory_space<vmem>>
        %dma_wait3A_454 = tpu.memref_squeeze %dma_wait3A_453 : memref<1x128xf32, #tpu.memory_space<vmem>> -> memref<128xf32, #tpu.memory_space<vmem>>
        %dma_wait3A_455 = arith.constant 0 : i32
        %dma_wait3A_456 = tpu.memref_slice %arg5[%add3A, %add3A_424, %dma_wait3A_455] : memref<32x80x128xf32, #tpu.memory_space<hbm>> -> memref<1x1x128xf32, #tpu.memory_space<hbm>>
        %dma_wait3A_457 = tpu.memref_squeeze %dma_wait3A_456 : memref<1x1x128xf32, #tpu.memory_space<hbm>> -> memref<128xf32, #tpu.memory_space<hbm>>
        %dma_wait3A_458 = arith.constant 0 : i32
        %dma_wait3A_459 = tpu.memref_slice %arg9[%dma_wait3A_451, %dma_wait3A_458] : memref<4x128xf32, #tpu.memory_space<vmem>> -> memref<1x128xf32, #tpu.memory_space<vmem>>
        %dma_wait3A_460 = tpu.memref_squeeze %dma_wait3A_459 : memref<1x128xf32, #tpu.memory_space<vmem>> -> memref<128xf32, #tpu.memory_space<vmem>>
        %dma_wait3A_461 = arith.constant 0 : i32
        %dma_wait3A_462 = tpu.memref_slice %arg5[%add3A, %add3A_424, %dma_wait3A_461] : memref<32x80x128xf32, #tpu.memory_space<hbm>> -> memref<1x1x128xf32, #tpu.memory_space<hbm>>
        %dma_wait3A_463 = tpu.memref_squeeze %dma_wait3A_462 : memref<1x1x128xf32, #tpu.memory_space<hbm>> -> memref<128xf32, #tpu.memory_space<hbm>>
        tpu.wait_dma2 semaphore(%arg19 : memref<!tpu.dma_semaphore, #tpu.memory_space<semaphore_mem>>) src(%dma_wait3A_463 : memref<128xf32, #tpu.memory_space<hbm>>) dst(%dma_wait3A_460 : memref<128xf32, #tpu.memory_space<vmem>>)
        %dma_start3A_464 = arith.constant 3 : i32
        %dma_start3A_465 = arith.constant 1 : i32
        %dma_start3A_466 = arith.constant 0 : i32
        %dma_start3A_467 = arith.constant 0 : i32
        %dma_start3A_468 = tpu.memref_slice %arg10[%dma_start3A_465, %dma_start3A_466, %dma_start3A_467] : memref<2x128x128xf32, #tpu.memory_space<vmem>> -> memref<1x128x128xf32, #tpu.memory_space<vmem>>
        %dma_start3A_469 = tpu.memref_squeeze %dma_start3A_468 : memref<1x128x128xf32, #tpu.memory_space<vmem>> -> memref<128x128xf32, #tpu.memory_space<vmem>>
        %dma_start3A_470 = arith.constant 0 : i32
        %dma_start3A_471 = tpu.memref_slice %arg7[%dma_start3A_464, %dma_start3A_470] : memref<4x128xi32, #tpu.memory_space<vmem>> -> memref<1x128xi32, #tpu.memory_space<vmem>>
        %dma_start3A_472 = tpu.memref_squeeze %dma_start3A_471 : memref<1x128xi32, #tpu.memory_space<vmem>> -> memref<128xi32, #tpu.memory_space<vmem>>
        %dma_start3A_473 = arith.constant 0 : i32
        %dma_start3A_474 = arith.constant 0 : i32
        %dma_start3A_475 = tpu.memref_slice %arg11[%dma_start3A_473, %dma_start3A_474] : memref<10240x128xf32, #tpu.memory_space<vmem_shared>> -> memref<10240x128xf32, #tpu.memory_space<vmem_shared>>
        tpu.enqueue_indirect_dma source(%dma_start3A_475 : memref<10240x128xf32, #tpu.memory_space<vmem_shared>>) target(%dma_start3A_469 : memref<128x128xf32, #tpu.memory_space<vmem>>) offsets(%dma_start3A_472 : memref<128xi32, #tpu.memory_space<vmem>>) semaphore(%arg13 : memref<!tpu.dma_semaphore, #tpu.memory_space<semaphore_mem>>)
      } else {
      }
      %add3A_348 = arith.constant 4 : i32
      %add3A_349 = arith.addi %add3A_328, %add3A_348 : i32
      %lt3A_350 = arith.constant 80 : i32
      %lt3A_351 = arith.cmpi slt, %add3A_349, %lt3A_350 : i32
      %convert_element_type3A_352 = arith.extui %lt3A_351 : i1 to i32
      %cond3A_353 = arith.constant 0 : i32
      %cond3A_354 = arith.cmpi ne, %convert_element_type3A_352, %cond3A_353 : i32
      scf.if %cond3A_354 {
        %add3A_423 = arith.constant 4 : i32
        %add3A_424 = arith.addi %add3A_328, %add3A_423 : i32
        %dma_start3A_425 = arith.constant 1 : i32
        %dma_start3A_426 = arith.constant 0 : i32
        %dma_start3A_427 = tpu.memref_slice %arg7[%dma_start3A_425, %dma_start3A_426] : memref<4x128xi32, #tpu.memory_space<vmem>> -> memref<1x128xi32, #tpu.memory_space<vmem>>
        %dma_start3A_428 = tpu.memref_squeeze %dma_start3A_427 : memref<1x128xi32, #tpu.memory_space<vmem>> -> memref<128xi32, #tpu.memory_space<vmem>>
        %dma_start3A_429 = arith.constant 0 : i32
        %dma_start3A_430 = tpu.memref_slice %arg3[%add3A, %add3A_424, %dma_start3A_429] : memref<32x80x128xi32, #tpu.memory_space<hbm>> -> memref<1x1x128xi32, #tpu.memory_space<hbm>>
        %dma_start3A_431 = tpu.memref_squeeze %dma_start3A_430 : memref<1x1x128xi32, #tpu.memory_space<hbm>> -> memref<128xi32, #tpu.memory_space<hbm>>
        %dma_start3A_432 = arith.constant 0 : i32
        %dma_start3A_433 = tpu.memref_slice %arg7[%dma_start3A_425, %dma_start3A_432] : memref<4x128xi32, #tpu.memory_space<vmem>> -> memref<1x128xi32, #tpu.memory_space<vmem>>
        %dma_start3A_434 = tpu.memref_squeeze %dma_start3A_433 : memref<1x128xi32, #tpu.memory_space<vmem>> -> memref<128xi32, #tpu.memory_space<vmem>>
        %dma_start3A_435 = arith.constant 0 : i32
        %dma_start3A_436 = tpu.memref_slice %arg3[%add3A, %add3A_424, %dma_start3A_435] : memref<32x80x128xi32, #tpu.memory_space<hbm>> -> memref<1x1x128xi32, #tpu.memory_space<hbm>>
        %dma_start3A_437 = tpu.memref_squeeze %dma_start3A_436 : memref<1x1x128xi32, #tpu.memory_space<hbm>> -> memref<128xi32, #tpu.memory_space<hbm>>
        tpu.enqueue_dma source(%dma_start3A_437 : memref<128xi32, #tpu.memory_space<hbm>>) target(%dma_start3A_434 : memref<128xi32, #tpu.memory_space<vmem>>) target_semaphore(%arg17 : memref<!tpu.dma_semaphore, #tpu.memory_space<semaphore_mem>>)
        %dma_start3A_438 = arith.constant 1 : i32
        %dma_start3A_439 = arith.constant 0 : i32
        %dma_start3A_440 = tpu.memref_slice %arg8[%dma_start3A_438, %dma_start3A_439] : memref<4x128xi32, #tpu.memory_space<vmem>> -> memref<1x128xi32, #tpu.memory_space<vmem>>
        %dma_start3A_441 = tpu.memref_squeeze %dma_start3A_440 : memref<1x128xi32, #tpu.memory_space<vmem>> -> memref<128xi32, #tpu.memory_space<vmem>>
        %dma_start3A_442 = arith.constant 0 : i32
        %dma_start3A_443 = tpu.memref_slice %arg4[%add3A, %add3A_424, %dma_start3A_442] : memref<32x80x128xi32, #tpu.memory_space<hbm>> -> memref<1x1x128xi32, #tpu.memory_space<hbm>>
        %dma_start3A_444 = tpu.memref_squeeze %dma_start3A_443 : memref<1x1x128xi32, #tpu.memory_space<hbm>> -> memref<128xi32, #tpu.memory_space<hbm>>
        %dma_start3A_445 = arith.constant 0 : i32
        %dma_start3A_446 = tpu.memref_slice %arg8[%dma_start3A_438, %dma_start3A_445] : memref<4x128xi32, #tpu.memory_space<vmem>> -> memref<1x128xi32, #tpu.memory_space<vmem>>
        %dma_start3A_447 = tpu.memref_squeeze %dma_start3A_446 : memref<1x128xi32, #tpu.memory_space<vmem>> -> memref<128xi32, #tpu.memory_space<vmem>>
        %dma_start3A_448 = arith.constant 0 : i32
        %dma_start3A_449 = tpu.memref_slice %arg4[%add3A, %add3A_424, %dma_start3A_448] : memref<32x80x128xi32, #tpu.memory_space<hbm>> -> memref<1x1x128xi32, #tpu.memory_space<hbm>>
        %dma_start3A_450 = tpu.memref_squeeze %dma_start3A_449 : memref<1x1x128xi32, #tpu.memory_space<hbm>> -> memref<128xi32, #tpu.memory_space<hbm>>
        tpu.enqueue_dma source(%dma_start3A_450 : memref<128xi32, #tpu.memory_space<hbm>>) target(%dma_start3A_447 : memref<128xi32, #tpu.memory_space<vmem>>) target_semaphore(%arg17 : memref<!tpu.dma_semaphore, #tpu.memory_space<semaphore_mem>>)
        %dma_start3A_451 = arith.constant 1 : i32
        %dma_start3A_452 = arith.constant 0 : i32
        %dma_start3A_453 = tpu.memref_slice %arg9[%dma_start3A_451, %dma_start3A_452] : memref<4x128xf32, #tpu.memory_space<vmem>> -> memref<1x128xf32, #tpu.memory_space<vmem>>
        %dma_start3A_454 = tpu.memref_squeeze %dma_start3A_453 : memref<1x128xf32, #tpu.memory_space<vmem>> -> memref<128xf32, #tpu.memory_space<vmem>>
        %dma_start3A_455 = arith.constant 0 : i32
        %dma_start3A_456 = tpu.memref_slice %arg5[%add3A, %add3A_424, %dma_start3A_455] : memref<32x80x128xf32, #tpu.memory_space<hbm>> -> memref<1x1x128xf32, #tpu.memory_space<hbm>>
        %dma_start3A_457 = tpu.memref_squeeze %dma_start3A_456 : memref<1x1x128xf32, #tpu.memory_space<hbm>> -> memref<128xf32, #tpu.memory_space<hbm>>
        %dma_start3A_458 = arith.constant 0 : i32
        %dma_start3A_459 = tpu.memref_slice %arg9[%dma_start3A_451, %dma_start3A_458] : memref<4x128xf32, #tpu.memory_space<vmem>> -> memref<1x128xf32, #tpu.memory_space<vmem>>
        %dma_start3A_460 = tpu.memref_squeeze %dma_start3A_459 : memref<1x128xf32, #tpu.memory_space<vmem>> -> memref<128xf32, #tpu.memory_space<vmem>>
        %dma_start3A_461 = arith.constant 0 : i32
        %dma_start3A_462 = tpu.memref_slice %arg5[%add3A, %add3A_424, %dma_start3A_461] : memref<32x80x128xf32, #tpu.memory_space<hbm>> -> memref<1x1x128xf32, #tpu.memory_space<hbm>>
        %dma_start3A_463 = tpu.memref_squeeze %dma_start3A_462 : memref<1x1x128xf32, #tpu.memory_space<hbm>> -> memref<128xf32, #tpu.memory_space<hbm>>
        tpu.enqueue_dma source(%dma_start3A_463 : memref<128xf32, #tpu.memory_space<hbm>>) target(%dma_start3A_460 : memref<128xf32, #tpu.memory_space<vmem>>) target_semaphore(%arg17 : memref<!tpu.dma_semaphore, #tpu.memory_space<semaphore_mem>>)
      } else {
      }
      %mul3A_355 = arith.constant 2 : i32
      %mul3A_356 = arith.muli %scan3A_289, %mul3A_355 : i32
      %add3A_357 = arith.constant 1 : i32
      %add3A_358 = arith.addi %mul3A_356, %add3A_357 : i32
      %mul3A_359 = arith.constant 2 : i32
      %mul3A_360 = arith.muli %add3A_358, %mul3A_359 : i32
      %add3A_361 = arith.constant 0 : i32
      %add3A_362 = arith.addi %mul3A_360, %add3A_361 : i32
      %dma_wait3A_363 = arith.constant 2 : i32
      %dma_wait3A_364 = arith.constant 0 : i32
      %dma_wait3A_365 = arith.constant 0 : i32
      %dma_wait3A_366 = arith.constant 0 : i32
      %dma_wait3A_367 = tpu.memref_slice %arg10[%dma_wait3A_364, %dma_wait3A_365, %dma_wait3A_366] : memref<2x128x128xf32, #tpu.memory_space<vmem>> -> memref<1x128x128xf32, #tpu.memory_space<vmem>>
      %dma_wait3A_368 = tpu.memref_squeeze %dma_wait3A_367 : memref<1x128x128xf32, #tpu.memory_space<vmem>> -> memref<128x128xf32, #tpu.memory_space<vmem>>
      %dma_wait3A_369 = arith.constant 0 : i32
      %dma_wait3A_370 = tpu.memref_slice %arg7[%dma_wait3A_363, %dma_wait3A_369] : memref<4x128xi32, #tpu.memory_space<vmem>> -> memref<1x128xi32, #tpu.memory_space<vmem>>
      %dma_wait3A_371 = tpu.memref_squeeze %dma_wait3A_370 : memref<1x128xi32, #tpu.memory_space<vmem>> -> memref<128xi32, #tpu.memory_space<vmem>>
      %dma_wait3A_372 = arith.constant 0 : i32
      %dma_wait3A_373 = arith.constant 0 : i32
      %dma_wait3A_374 = tpu.memref_slice %arg11[%dma_wait3A_372, %dma_wait3A_373] : memref<10240x128xf32, #tpu.memory_space<vmem_shared>> -> memref<10240x128xf32, #tpu.memory_space<vmem_shared>>
      tpu.wait_indirect_dma semaphore(%arg12 : memref<!tpu.dma_semaphore, #tpu.memory_space<semaphore_mem>>) src(%dma_wait3A_374 : memref<10240x128xf32, #tpu.memory_space<vmem_shared>>) dst(%dma_wait3A_368 : memref<128x128xf32, #tpu.memory_space<vmem>>)
      %add3A_375 = arith.constant 2 : i32
      %add3A_376 = arith.addi %add3A_362, %add3A_375 : i32
      %lt3A_377 = arith.constant 80 : i32
      %lt3A_378 = arith.cmpi slt, %add3A_376, %lt3A_377 : i32
      %convert_element_type3A_379 = arith.extui %lt3A_378 : i1 to i32
      %cond3A_380 = arith.constant 0 : i32
      %cond3A_381 = arith.cmpi ne, %convert_element_type3A_379, %cond3A_380 : i32
      scf.if %cond3A_381 {
        %add3A_423 = arith.constant 2 : i32
        %add3A_424 = arith.addi %add3A_362, %add3A_423 : i32
        %dma_wait3A_425 = arith.constant 0 : i32
        %dma_wait3A_426 = arith.constant 0 : i32
        %dma_wait3A_427 = tpu.memref_slice %arg7[%dma_wait3A_425, %dma_wait3A_426] : memref<4x128xi32, #tpu.memory_space<vmem>> -> memref<1x128xi32, #tpu.memory_space<vmem>>
        %dma_wait3A_428 = tpu.memref_squeeze %dma_wait3A_427 : memref<1x128xi32, #tpu.memory_space<vmem>> -> memref<128xi32, #tpu.memory_space<vmem>>
        %dma_wait3A_429 = arith.constant 0 : i32
        %dma_wait3A_430 = tpu.memref_slice %arg3[%add3A, %add3A_424, %dma_wait3A_429] : memref<32x80x128xi32, #tpu.memory_space<hbm>> -> memref<1x1x128xi32, #tpu.memory_space<hbm>>
        %dma_wait3A_431 = tpu.memref_squeeze %dma_wait3A_430 : memref<1x1x128xi32, #tpu.memory_space<hbm>> -> memref<128xi32, #tpu.memory_space<hbm>>
        %dma_wait3A_432 = arith.constant 0 : i32
        %dma_wait3A_433 = tpu.memref_slice %arg7[%dma_wait3A_425, %dma_wait3A_432] : memref<4x128xi32, #tpu.memory_space<vmem>> -> memref<1x128xi32, #tpu.memory_space<vmem>>
        %dma_wait3A_434 = tpu.memref_squeeze %dma_wait3A_433 : memref<1x128xi32, #tpu.memory_space<vmem>> -> memref<128xi32, #tpu.memory_space<vmem>>
        %dma_wait3A_435 = arith.constant 0 : i32
        %dma_wait3A_436 = tpu.memref_slice %arg3[%add3A, %add3A_424, %dma_wait3A_435] : memref<32x80x128xi32, #tpu.memory_space<hbm>> -> memref<1x1x128xi32, #tpu.memory_space<hbm>>
        %dma_wait3A_437 = tpu.memref_squeeze %dma_wait3A_436 : memref<1x1x128xi32, #tpu.memory_space<hbm>> -> memref<128xi32, #tpu.memory_space<hbm>>
        tpu.wait_dma2 semaphore(%arg16 : memref<!tpu.dma_semaphore, #tpu.memory_space<semaphore_mem>>) src(%dma_wait3A_437 : memref<128xi32, #tpu.memory_space<hbm>>) dst(%dma_wait3A_434 : memref<128xi32, #tpu.memory_space<vmem>>)
        %dma_wait3A_438 = arith.constant 0 : i32
        %dma_wait3A_439 = arith.constant 0 : i32
        %dma_wait3A_440 = tpu.memref_slice %arg8[%dma_wait3A_438, %dma_wait3A_439] : memref<4x128xi32, #tpu.memory_space<vmem>> -> memref<1x128xi32, #tpu.memory_space<vmem>>
        %dma_wait3A_441 = tpu.memref_squeeze %dma_wait3A_440 : memref<1x128xi32, #tpu.memory_space<vmem>> -> memref<128xi32, #tpu.memory_space<vmem>>
        %dma_wait3A_442 = arith.constant 0 : i32
        %dma_wait3A_443 = tpu.memref_slice %arg4[%add3A, %add3A_424, %dma_wait3A_442] : memref<32x80x128xi32, #tpu.memory_space<hbm>> -> memref<1x1x128xi32, #tpu.memory_space<hbm>>
        %dma_wait3A_444 = tpu.memref_squeeze %dma_wait3A_443 : memref<1x1x128xi32, #tpu.memory_space<hbm>> -> memref<128xi32, #tpu.memory_space<hbm>>
        %dma_wait3A_445 = arith.constant 0 : i32
        %dma_wait3A_446 = tpu.memref_slice %arg8[%dma_wait3A_438, %dma_wait3A_445] : memref<4x128xi32, #tpu.memory_space<vmem>> -> memref<1x128xi32, #tpu.memory_space<vmem>>
        %dma_wait3A_447 = tpu.memref_squeeze %dma_wait3A_446 : memref<1x128xi32, #tpu.memory_space<vmem>> -> memref<128xi32, #tpu.memory_space<vmem>>
        %dma_wait3A_448 = arith.constant 0 : i32
        %dma_wait3A_449 = tpu.memref_slice %arg4[%add3A, %add3A_424, %dma_wait3A_448] : memref<32x80x128xi32, #tpu.memory_space<hbm>> -> memref<1x1x128xi32, #tpu.memory_space<hbm>>
        %dma_wait3A_450 = tpu.memref_squeeze %dma_wait3A_449 : memref<1x1x128xi32, #tpu.memory_space<hbm>> -> memref<128xi32, #tpu.memory_space<hbm>>
        tpu.wait_dma2 semaphore(%arg16 : memref<!tpu.dma_semaphore, #tpu.memory_space<semaphore_mem>>) src(%dma_wait3A_450 : memref<128xi32, #tpu.memory_space<hbm>>) dst(%dma_wait3A_447 : memref<128xi32, #tpu.memory_space<vmem>>)
        %dma_wait3A_451 = arith.constant 0 : i32
        %dma_wait3A_452 = arith.constant 0 : i32
        %dma_wait3A_453 = tpu.memref_slice %arg9[%dma_wait3A_451, %dma_wait3A_452] : memref<4x128xf32, #tpu.memory_space<vmem>> -> memref<1x128xf32, #tpu.memory_space<vmem>>
        %dma_wait3A_454 = tpu.memref_squeeze %dma_wait3A_453 : memref<1x128xf32, #tpu.memory_space<vmem>> -> memref<128xf32, #tpu.memory_space<vmem>>
        %dma_wait3A_455 = arith.constant 0 : i32
        %dma_wait3A_456 = tpu.memref_slice %arg5[%add3A, %add3A_424, %dma_wait3A_455] : memref<32x80x128xf32, #tpu.memory_space<hbm>> -> memref<1x1x128xf32, #tpu.memory_space<hbm>>
        %dma_wait3A_457 = tpu.memref_squeeze %dma_wait3A_456 : memref<1x1x128xf32, #tpu.memory_space<hbm>> -> memref<128xf32, #tpu.memory_space<hbm>>
        %dma_wait3A_458 = arith.constant 0 : i32
        %dma_wait3A_459 = tpu.memref_slice %arg9[%dma_wait3A_451, %dma_wait3A_458] : memref<4x128xf32, #tpu.memory_space<vmem>> -> memref<1x128xf32, #tpu.memory_space<vmem>>
        %dma_wait3A_460 = tpu.memref_squeeze %dma_wait3A_459 : memref<1x128xf32, #tpu.memory_space<vmem>> -> memref<128xf32, #tpu.memory_space<vmem>>
        %dma_wait3A_461 = arith.constant 0 : i32
        %dma_wait3A_462 = tpu.memref_slice %arg5[%add3A, %add3A_424, %dma_wait3A_461] : memref<32x80x128xf32, #tpu.memory_space<hbm>> -> memref<1x1x128xf32, #tpu.memory_space<hbm>>
        %dma_wait3A_463 = tpu.memref_squeeze %dma_wait3A_462 : memref<1x1x128xf32, #tpu.memory_space<hbm>> -> memref<128xf32, #tpu.memory_space<hbm>>
        tpu.wait_dma2 semaphore(%arg16 : memref<!tpu.dma_semaphore, #tpu.memory_space<semaphore_mem>>) src(%dma_wait3A_463 : memref<128xf32, #tpu.memory_space<hbm>>) dst(%dma_wait3A_460 : memref<128xf32, #tpu.memory_space<vmem>>)
        %dma_start3A_464 = arith.constant 0 : i32
        %dma_start3A_465 = arith.constant 0 : i32
        %dma_start3A_466 = arith.constant 0 : i32
        %dma_start3A_467 = arith.constant 0 : i32
        %dma_start3A_468 = tpu.memref_slice %arg10[%dma_start3A_465, %dma_start3A_466, %dma_start3A_467] : memref<2x128x128xf32, #tpu.memory_space<vmem>> -> memref<1x128x128xf32, #tpu.memory_space<vmem>>
        %dma_start3A_469 = tpu.memref_squeeze %dma_start3A_468 : memref<1x128x128xf32, #tpu.memory_space<vmem>> -> memref<128x128xf32, #tpu.memory_space<vmem>>
        %dma_start3A_470 = arith.constant 0 : i32
        %dma_start3A_471 = tpu.memref_slice %arg7[%dma_start3A_464, %dma_start3A_470] : memref<4x128xi32, #tpu.memory_space<vmem>> -> memref<1x128xi32, #tpu.memory_space<vmem>>
        %dma_start3A_472 = tpu.memref_squeeze %dma_start3A_471 : memref<1x128xi32, #tpu.memory_space<vmem>> -> memref<128xi32, #tpu.memory_space<vmem>>
        %dma_start3A_473 = arith.constant 0 : i32
        %dma_start3A_474 = arith.constant 0 : i32
        %dma_start3A_475 = tpu.memref_slice %arg11[%dma_start3A_473, %dma_start3A_474] : memref<10240x128xf32, #tpu.memory_space<vmem_shared>> -> memref<10240x128xf32, #tpu.memory_space<vmem_shared>>
        tpu.enqueue_indirect_dma source(%dma_start3A_475 : memref<10240x128xf32, #tpu.memory_space<vmem_shared>>) target(%dma_start3A_469 : memref<128x128xf32, #tpu.memory_space<vmem>>) offsets(%dma_start3A_472 : memref<128xi32, #tpu.memory_space<vmem>>) semaphore(%arg12 : memref<!tpu.dma_semaphore, #tpu.memory_space<semaphore_mem>>)
      } else {
      }
      %add3A_382 = arith.constant 4 : i32
      %add3A_383 = arith.addi %add3A_362, %add3A_382 : i32
      %lt3A_384 = arith.constant 80 : i32
      %lt3A_385 = arith.cmpi slt, %add3A_383, %lt3A_384 : i32
      %convert_element_type3A_386 = arith.extui %lt3A_385 : i1 to i32
      %cond3A_387 = arith.constant 0 : i32
      %cond3A_388 = arith.cmpi ne, %convert_element_type3A_386, %cond3A_387 : i32
      scf.if %cond3A_388 {
        %add3A_423 = arith.constant 4 : i32
        %add3A_424 = arith.addi %add3A_362, %add3A_423 : i32
        %dma_start3A_425 = arith.constant 2 : i32
        %dma_start3A_426 = arith.constant 0 : i32
        %dma_start3A_427 = tpu.memref_slice %arg7[%dma_start3A_425, %dma_start3A_426] : memref<4x128xi32, #tpu.memory_space<vmem>> -> memref<1x128xi32, #tpu.memory_space<vmem>>
        %dma_start3A_428 = tpu.memref_squeeze %dma_start3A_427 : memref<1x128xi32, #tpu.memory_space<vmem>> -> memref<128xi32, #tpu.memory_space<vmem>>
        %dma_start3A_429 = arith.constant 0 : i32
        %dma_start3A_430 = tpu.memref_slice %arg3[%add3A, %add3A_424, %dma_start3A_429] : memref<32x80x128xi32, #tpu.memory_space<hbm>> -> memref<1x1x128xi32, #tpu.memory_space<hbm>>
        %dma_start3A_431 = tpu.memref_squeeze %dma_start3A_430 : memref<1x1x128xi32, #tpu.memory_space<hbm>> -> memref<128xi32, #tpu.memory_space<hbm>>
        %dma_start3A_432 = arith.constant 0 : i32
        %dma_start3A_433 = tpu.memref_slice %arg7[%dma_start3A_425, %dma_start3A_432] : memref<4x128xi32, #tpu.memory_space<vmem>> -> memref<1x128xi32, #tpu.memory_space<vmem>>
        %dma_start3A_434 = tpu.memref_squeeze %dma_start3A_433 : memref<1x128xi32, #tpu.memory_space<vmem>> -> memref<128xi32, #tpu.memory_space<vmem>>
        %dma_start3A_435 = arith.constant 0 : i32
        %dma_start3A_436 = tpu.memref_slice %arg3[%add3A, %add3A_424, %dma_start3A_435] : memref<32x80x128xi32, #tpu.memory_space<hbm>> -> memref<1x1x128xi32, #tpu.memory_space<hbm>>
        %dma_start3A_437 = tpu.memref_squeeze %dma_start3A_436 : memref<1x1x128xi32, #tpu.memory_space<hbm>> -> memref<128xi32, #tpu.memory_space<hbm>>
        tpu.enqueue_dma source(%dma_start3A_437 : memref<128xi32, #tpu.memory_space<hbm>>) target(%dma_start3A_434 : memref<128xi32, #tpu.memory_space<vmem>>) target_semaphore(%arg18 : memref<!tpu.dma_semaphore, #tpu.memory_space<semaphore_mem>>)
        %dma_start3A_438 = arith.constant 2 : i32
        %dma_start3A_439 = arith.constant 0 : i32
        %dma_start3A_440 = tpu.memref_slice %arg8[%dma_start3A_438, %dma_start3A_439] : memref<4x128xi32, #tpu.memory_space<vmem>> -> memref<1x128xi32, #tpu.memory_space<vmem>>
        %dma_start3A_441 = tpu.memref_squeeze %dma_start3A_440 : memref<1x128xi32, #tpu.memory_space<vmem>> -> memref<128xi32, #tpu.memory_space<vmem>>
        %dma_start3A_442 = arith.constant 0 : i32
        %dma_start3A_443 = tpu.memref_slice %arg4[%add3A, %add3A_424, %dma_start3A_442] : memref<32x80x128xi32, #tpu.memory_space<hbm>> -> memref<1x1x128xi32, #tpu.memory_space<hbm>>
        %dma_start3A_444 = tpu.memref_squeeze %dma_start3A_443 : memref<1x1x128xi32, #tpu.memory_space<hbm>> -> memref<128xi32, #tpu.memory_space<hbm>>
        %dma_start3A_445 = arith.constant 0 : i32
        %dma_start3A_446 = tpu.memref_slice %arg8[%dma_start3A_438, %dma_start3A_445] : memref<4x128xi32, #tpu.memory_space<vmem>> -> memref<1x128xi32, #tpu.memory_space<vmem>>
        %dma_start3A_447 = tpu.memref_squeeze %dma_start3A_446 : memref<1x128xi32, #tpu.memory_space<vmem>> -> memref<128xi32, #tpu.memory_space<vmem>>
        %dma_start3A_448 = arith.constant 0 : i32
        %dma_start3A_449 = tpu.memref_slice %arg4[%add3A, %add3A_424, %dma_start3A_448] : memref<32x80x128xi32, #tpu.memory_space<hbm>> -> memref<1x1x128xi32, #tpu.memory_space<hbm>>
        %dma_start3A_450 = tpu.memref_squeeze %dma_start3A_449 : memref<1x1x128xi32, #tpu.memory_space<hbm>> -> memref<128xi32, #tpu.memory_space<hbm>>
        tpu.enqueue_dma source(%dma_start3A_450 : memref<128xi32, #tpu.memory_space<hbm>>) target(%dma_start3A_447 : memref<128xi32, #tpu.memory_space<vmem>>) target_semaphore(%arg18 : memref<!tpu.dma_semaphore, #tpu.memory_space<semaphore_mem>>)
        %dma_start3A_451 = arith.constant 2 : i32
        %dma_start3A_452 = arith.constant 0 : i32
        %dma_start3A_453 = tpu.memref_slice %arg9[%dma_start3A_451, %dma_start3A_452] : memref<4x128xf32, #tpu.memory_space<vmem>> -> memref<1x128xf32, #tpu.memory_space<vmem>>
        %dma_start3A_454 = tpu.memref_squeeze %dma_start3A_453 : memref<1x128xf32, #tpu.memory_space<vmem>> -> memref<128xf32, #tpu.memory_space<vmem>>
        %dma_start3A_455 = arith.constant 0 : i32
        %dma_start3A_456 = tpu.memref_slice %arg5[%add3A, %add3A_424, %dma_start3A_455] : memref<32x80x128xf32, #tpu.memory_space<hbm>> -> memref<1x1x128xf32, #tpu.memory_space<hbm>>
        %dma_start3A_457 = tpu.memref_squeeze %dma_start3A_456 : memref<1x1x128xf32, #tpu.memory_space<hbm>> -> memref<128xf32, #tpu.memory_space<hbm>>
        %dma_start3A_458 = arith.constant 0 : i32
        %dma_start3A_459 = tpu.memref_slice %arg9[%dma_start3A_451, %dma_start3A_458] : memref<4x128xf32, #tpu.memory_space<vmem>> -> memref<1x128xf32, #tpu.memory_space<vmem>>
        %dma_start3A_460 = tpu.memref_squeeze %dma_start3A_459 : memref<1x128xf32, #tpu.memory_space<vmem>> -> memref<128xf32, #tpu.memory_space<vmem>>
        %dma_start3A_461 = arith.constant 0 : i32
        %dma_start3A_462 = tpu.memref_slice %arg5[%add3A, %add3A_424, %dma_start3A_461] : memref<32x80x128xf32, #tpu.memory_space<hbm>> -> memref<1x1x128xf32, #tpu.memory_space<hbm>>
        %dma_start3A_463 = tpu.memref_squeeze %dma_start3A_462 : memref<1x1x128xf32, #tpu.memory_space<hbm>> -> memref<128xf32, #tpu.memory_space<hbm>>
        tpu.enqueue_dma source(%dma_start3A_463 : memref<128xf32, #tpu.memory_space<hbm>>) target(%dma_start3A_460 : memref<128xf32, #tpu.memory_space<vmem>>) target_semaphore(%arg18 : memref<!tpu.dma_semaphore, #tpu.memory_space<semaphore_mem>>)
      } else {
      }
      %mul3A_389 = arith.constant 2 : i32
      %mul3A_390 = arith.muli %scan3A_289, %mul3A_389 : i32
      %add3A_391 = arith.constant 1 : i32
      %add3A_392 = arith.addi %mul3A_390, %add3A_391 : i32
      %mul3A_393 = arith.constant 2 : i32
      %mul3A_394 = arith.muli %add3A_392, %mul3A_393 : i32
      %add3A_395 = arith.constant 1 : i32
      %add3A_396 = arith.addi %mul3A_394, %add3A_395 : i32
      %dma_wait3A_397 = arith.constant 3 : i32
      %dma_wait3A_398 = arith.constant 1 : i32
      %dma_wait3A_399 = arith.constant 0 : i32
      %dma_wait3A_400 = arith.constant 0 : i32
      %dma_wait3A_401 = tpu.memref_slice %arg10[%dma_wait3A_398, %dma_wait3A_399, %dma_wait3A_400] : memref<2x128x128xf32, #tpu.memory_space<vmem>> -> memref<1x128x128xf32, #tpu.memory_space<vmem>>
      %dma_wait3A_402 = tpu.memref_squeeze %dma_wait3A_401 : memref<1x128x128xf32, #tpu.memory_space<vmem>> -> memref<128x128xf32, #tpu.memory_space<vmem>>
      %dma_wait3A_403 = arith.constant 0 : i32
      %dma_wait3A_404 = tpu.memref_slice %arg7[%dma_wait3A_397, %dma_wait3A_403] : memref<4x128xi32, #tpu.memory_space<vmem>> -> memref<1x128xi32, #tpu.memory_space<vmem>>
      %dma_wait3A_405 = tpu.memref_squeeze %dma_wait3A_404 : memref<1x128xi32, #tpu.memory_space<vmem>> -> memref<128xi32, #tpu.memory_space<vmem>>
      %dma_wait3A_406 = arith.constant 0 : i32
      %dma_wait3A_407 = arith.constant 0 : i32
      %dma_wait3A_408 = tpu.memref_slice %arg11[%dma_wait3A_406, %dma_wait3A_407] : memref<10240x128xf32, #tpu.memory_space<vmem_shared>> -> memref<10240x128xf32, #tpu.memory_space<vmem_shared>>
      tpu.wait_indirect_dma semaphore(%arg13 : memref<!tpu.dma_semaphore, #tpu.memory_space<semaphore_mem>>) src(%dma_wait3A_408 : memref<10240x128xf32, #tpu.memory_space<vmem_shared>>) dst(%dma_wait3A_402 : memref<128x128xf32, #tpu.memory_space<vmem>>)
      %add3A_409 = arith.constant 2 : i32
      %add3A_410 = arith.addi %add3A_396, %add3A_409 : i32
      %lt3A_411 = arith.constant 80 : i32
      %lt3A_412 = arith.cmpi slt, %add3A_410, %lt3A_411 : i32
      %convert_element_type3A_413 = arith.extui %lt3A_412 : i1 to i32
      %cond3A_414 = arith.constant 0 : i32
      %cond3A_415 = arith.cmpi ne, %convert_element_type3A_413, %cond3A_414 : i32
      scf.if %cond3A_415 {
        %add3A_423 = arith.constant 2 : i32
        %add3A_424 = arith.addi %add3A_396, %add3A_423 : i32
        %dma_wait3A_425 = arith.constant 1 : i32
        %dma_wait3A_426 = arith.constant 0 : i32
        %dma_wait3A_427 = tpu.memref_slice %arg7[%dma_wait3A_425, %dma_wait3A_426] : memref<4x128xi32, #tpu.memory_space<vmem>> -> memref<1x128xi32, #tpu.memory_space<vmem>>
        %dma_wait3A_428 = tpu.memref_squeeze %dma_wait3A_427 : memref<1x128xi32, #tpu.memory_space<vmem>> -> memref<128xi32, #tpu.memory_space<vmem>>
        %dma_wait3A_429 = arith.constant 0 : i32
        %dma_wait3A_430 = tpu.memref_slice %arg3[%add3A, %add3A_424, %dma_wait3A_429] : memref<32x80x128xi32, #tpu.memory_space<hbm>> -> memref<1x1x128xi32, #tpu.memory_space<hbm>>
        %dma_wait3A_431 = tpu.memref_squeeze %dma_wait3A_430 : memref<1x1x128xi32, #tpu.memory_space<hbm>> -> memref<128xi32, #tpu.memory_space<hbm>>
        %dma_wait3A_432 = arith.constant 0 : i32
        %dma_wait3A_433 = tpu.memref_slice %arg7[%dma_wait3A_425, %dma_wait3A_432] : memref<4x128xi32, #tpu.memory_space<vmem>> -> memref<1x128xi32, #tpu.memory_space<vmem>>
        %dma_wait3A_434 = tpu.memref_squeeze %dma_wait3A_433 : memref<1x128xi32, #tpu.memory_space<vmem>> -> memref<128xi32, #tpu.memory_space<vmem>>
        %dma_wait3A_435 = arith.constant 0 : i32
        %dma_wait3A_436 = tpu.memref_slice %arg3[%add3A, %add3A_424, %dma_wait3A_435] : memref<32x80x128xi32, #tpu.memory_space<hbm>> -> memref<1x1x128xi32, #tpu.memory_space<hbm>>
        %dma_wait3A_437 = tpu.memref_squeeze %dma_wait3A_436 : memref<1x1x128xi32, #tpu.memory_space<hbm>> -> memref<128xi32, #tpu.memory_space<hbm>>
        tpu.wait_dma2 semaphore(%arg17 : memref<!tpu.dma_semaphore, #tpu.memory_space<semaphore_mem>>) src(%dma_wait3A_437 : memref<128xi32, #tpu.memory_space<hbm>>) dst(%dma_wait3A_434 : memref<128xi32, #tpu.memory_space<vmem>>)
        %dma_wait3A_438 = arith.constant 1 : i32
        %dma_wait3A_439 = arith.constant 0 : i32
        %dma_wait3A_440 = tpu.memref_slice %arg8[%dma_wait3A_438, %dma_wait3A_439] : memref<4x128xi32, #tpu.memory_space<vmem>> -> memref<1x128xi32, #tpu.memory_space<vmem>>
        %dma_wait3A_441 = tpu.memref_squeeze %dma_wait3A_440 : memref<1x128xi32, #tpu.memory_space<vmem>> -> memref<128xi32, #tpu.memory_space<vmem>>
        %dma_wait3A_442 = arith.constant 0 : i32
        %dma_wait3A_443 = tpu.memref_slice %arg4[%add3A, %add3A_424, %dma_wait3A_442] : memref<32x80x128xi32, #tpu.memory_space<hbm>> -> memref<1x1x128xi32, #tpu.memory_space<hbm>>
        %dma_wait3A_444 = tpu.memref_squeeze %dma_wait3A_443 : memref<1x1x128xi32, #tpu.memory_space<hbm>> -> memref<128xi32, #tpu.memory_space<hbm>>
        %dma_wait3A_445 = arith.constant 0 : i32
        %dma_wait3A_446 = tpu.memref_slice %arg8[%dma_wait3A_438, %dma_wait3A_445] : memref<4x128xi32, #tpu.memory_space<vmem>> -> memref<1x128xi32, #tpu.memory_space<vmem>>
        %dma_wait3A_447 = tpu.memref_squeeze %dma_wait3A_446 : memref<1x128xi32, #tpu.memory_space<vmem>> -> memref<128xi32, #tpu.memory_space<vmem>>
        %dma_wait3A_448 = arith.constant 0 : i32
        %dma_wait3A_449 = tpu.memref_slice %arg4[%add3A, %add3A_424, %dma_wait3A_448] : memref<32x80x128xi32, #tpu.memory_space<hbm>> -> memref<1x1x128xi32, #tpu.memory_space<hbm>>
        %dma_wait3A_450 = tpu.memref_squeeze %dma_wait3A_449 : memref<1x1x128xi32, #tpu.memory_space<hbm>> -> memref<128xi32, #tpu.memory_space<hbm>>
        tpu.wait_dma2 semaphore(%arg17 : memref<!tpu.dma_semaphore, #tpu.memory_space<semaphore_mem>>) src(%dma_wait3A_450 : memref<128xi32, #tpu.memory_space<hbm>>) dst(%dma_wait3A_447 : memref<128xi32, #tpu.memory_space<vmem>>)
        %dma_wait3A_451 = arith.constant 1 : i32
        %dma_wait3A_452 = arith.constant 0 : i32
        %dma_wait3A_453 = tpu.memref_slice %arg9[%dma_wait3A_451, %dma_wait3A_452] : memref<4x128xf32, #tpu.memory_space<vmem>> -> memref<1x128xf32, #tpu.memory_space<vmem>>
        %dma_wait3A_454 = tpu.memref_squeeze %dma_wait3A_453 : memref<1x128xf32, #tpu.memory_space<vmem>> -> memref<128xf32, #tpu.memory_space<vmem>>
        %dma_wait3A_455 = arith.constant 0 : i32
        %dma_wait3A_456 = tpu.memref_slice %arg5[%add3A, %add3A_424, %dma_wait3A_455] : memref<32x80x128xf32, #tpu.memory_space<hbm>> -> memref<1x1x128xf32, #tpu.memory_space<hbm>>
        %dma_wait3A_457 = tpu.memref_squeeze %dma_wait3A_456 : memref<1x1x128xf32, #tpu.memory_space<hbm>> -> memref<128xf32, #tpu.memory_space<hbm>>
        %dma_wait3A_458 = arith.constant 0 : i32
        %dma_wait3A_459 = tpu.memref_slice %arg9[%dma_wait3A_451, %dma_wait3A_458] : memref<4x128xf32, #tpu.memory_space<vmem>> -> memref<1x128xf32, #tpu.memory_space<vmem>>
        %dma_wait3A_460 = tpu.memref_squeeze %dma_wait3A_459 : memref<1x128xf32, #tpu.memory_space<vmem>> -> memref<128xf32, #tpu.memory_space<vmem>>
        %dma_wait3A_461 = arith.constant 0 : i32
        %dma_wait3A_462 = tpu.memref_slice %arg5[%add3A, %add3A_424, %dma_wait3A_461] : memref<32x80x128xf32, #tpu.memory_space<hbm>> -> memref<1x1x128xf32, #tpu.memory_space<hbm>>
        %dma_wait3A_463 = tpu.memref_squeeze %dma_wait3A_462 : memref<1x1x128xf32, #tpu.memory_space<hbm>> -> memref<128xf32, #tpu.memory_space<hbm>>
        tpu.wait_dma2 semaphore(%arg17 : memref<!tpu.dma_semaphore, #tpu.memory_space<semaphore_mem>>) src(%dma_wait3A_463 : memref<128xf32, #tpu.memory_space<hbm>>) dst(%dma_wait3A_460 : memref<128xf32, #tpu.memory_space<vmem>>)
        %dma_start3A_464 = arith.constant 1 : i32
        %dma_start3A_465 = arith.constant 1 : i32
        %dma_start3A_466 = arith.constant 0 : i32
        %dma_start3A_467 = arith.constant 0 : i32
        %dma_start3A_468 = tpu.memref_slice %arg10[%dma_start3A_465, %dma_start3A_466, %dma_start3A_467] : memref<2x128x128xf32, #tpu.memory_space<vmem>> -> memref<1x128x128xf32, #tpu.memory_space<vmem>>
        %dma_start3A_469 = tpu.memref_squeeze %dma_start3A_468 : memref<1x128x128xf32, #tpu.memory_space<vmem>> -> memref<128x128xf32, #tpu.memory_space<vmem>>
        %dma_start3A_470 = arith.constant 0 : i32
        %dma_start3A_471 = tpu.memref_slice %arg7[%dma_start3A_464, %dma_start3A_470] : memref<4x128xi32, #tpu.memory_space<vmem>> -> memref<1x128xi32, #tpu.memory_space<vmem>>
        %dma_start3A_472 = tpu.memref_squeeze %dma_start3A_471 : memref<1x128xi32, #tpu.memory_space<vmem>> -> memref<128xi32, #tpu.memory_space<vmem>>
        %dma_start3A_473 = arith.constant 0 : i32
        %dma_start3A_474 = arith.constant 0 : i32
        %dma_start3A_475 = tpu.memref_slice %arg11[%dma_start3A_473, %dma_start3A_474] : memref<10240x128xf32, #tpu.memory_space<vmem_shared>> -> memref<10240x128xf32, #tpu.memory_space<vmem_shared>>
        tpu.enqueue_indirect_dma source(%dma_start3A_475 : memref<10240x128xf32, #tpu.memory_space<vmem_shared>>) target(%dma_start3A_469 : memref<128x128xf32, #tpu.memory_space<vmem>>) offsets(%dma_start3A_472 : memref<128xi32, #tpu.memory_space<vmem>>) semaphore(%arg13 : memref<!tpu.dma_semaphore, #tpu.memory_space<semaphore_mem>>)
      } else {
      }
      %add3A_416 = arith.constant 4 : i32
      %add3A_417 = arith.addi %add3A_396, %add3A_416 : i32
      %lt3A_418 = arith.constant 80 : i32
      %lt3A_419 = arith.cmpi slt, %add3A_417, %lt3A_418 : i32
      %convert_element_type3A_420 = arith.extui %lt3A_419 : i1 to i32
      %cond3A_421 = arith.constant 0 : i32
      %cond3A_422 = arith.cmpi ne, %convert_element_type3A_420, %cond3A_421 : i32
      scf.if %cond3A_422 {
        %add3A_423 = arith.constant 4 : i32
        %add3A_424 = arith.addi %add3A_396, %add3A_423 : i32
        %dma_start3A_425 = arith.constant 3 : i32
        %dma_start3A_426 = arith.constant 0 : i32
        %dma_start3A_427 = tpu.memref_slice %arg7[%dma_start3A_425, %dma_start3A_426] : memref<4x128xi32, #tpu.memory_space<vmem>> -> memref<1x128xi32, #tpu.memory_space<vmem>>
        %dma_start3A_428 = tpu.memref_squeeze %dma_start3A_427 : memref<1x128xi32, #tpu.memory_space<vmem>> -> memref<128xi32, #tpu.memory_space<vmem>>
        %dma_start3A_429 = arith.constant 0 : i32
        %dma_start3A_430 = tpu.memref_slice %arg3[%add3A, %add3A_424, %dma_start3A_429] : memref<32x80x128xi32, #tpu.memory_space<hbm>> -> memref<1x1x128xi32, #tpu.memory_space<hbm>>
        %dma_start3A_431 = tpu.memref_squeeze %dma_start3A_430 : memref<1x1x128xi32, #tpu.memory_space<hbm>> -> memref<128xi32, #tpu.memory_space<hbm>>
        %dma_start3A_432 = arith.constant 0 : i32
        %dma_start3A_433 = tpu.memref_slice %arg7[%dma_start3A_425, %dma_start3A_432] : memref<4x128xi32, #tpu.memory_space<vmem>> -> memref<1x128xi32, #tpu.memory_space<vmem>>
        %dma_start3A_434 = tpu.memref_squeeze %dma_start3A_433 : memref<1x128xi32, #tpu.memory_space<vmem>> -> memref<128xi32, #tpu.memory_space<vmem>>
        %dma_start3A_435 = arith.constant 0 : i32
        %dma_start3A_436 = tpu.memref_slice %arg3[%add3A, %add3A_424, %dma_start3A_435] : memref<32x80x128xi32, #tpu.memory_space<hbm>> -> memref<1x1x128xi32, #tpu.memory_space<hbm>>
        %dma_start3A_437 = tpu.memref_squeeze %dma_start3A_436 : memref<1x1x128xi32, #tpu.memory_space<hbm>> -> memref<128xi32, #tpu.memory_space<hbm>>
        tpu.enqueue_dma source(%dma_start3A_437 : memref<128xi32, #tpu.memory_space<hbm>>) target(%dma_start3A_434 : memref<128xi32, #tpu.memory_space<vmem>>) target_semaphore(%arg19 : memref<!tpu.dma_semaphore, #tpu.memory_space<semaphore_mem>>)
        %dma_start3A_438 = arith.constant 3 : i32
        %dma_start3A_439 = arith.constant 0 : i32
        %dma_start3A_440 = tpu.memref_slice %arg8[%dma_start3A_438, %dma_start3A_439] : memref<4x128xi32, #tpu.memory_space<vmem>> -> memref<1x128xi32, #tpu.memory_space<vmem>>
        %dma_start3A_441 = tpu.memref_squeeze %dma_start3A_440 : memref<1x128xi32, #tpu.memory_space<vmem>> -> memref<128xi32, #tpu.memory_space<vmem>>
        %dma_start3A_442 = arith.constant 0 : i32
        %dma_start3A_443 = tpu.memref_slice %arg4[%add3A, %add3A_424, %dma_start3A_442] : memref<32x80x128xi32, #tpu.memory_space<hbm>> -> memref<1x1x128xi32, #tpu.memory_space<hbm>>
        %dma_start3A_444 = tpu.memref_squeeze %dma_start3A_443 : memref<1x1x128xi32, #tpu.memory_space<hbm>> -> memref<128xi32, #tpu.memory_space<hbm>>
        %dma_start3A_445 = arith.constant 0 : i32
        %dma_start3A_446 = tpu.memref_slice %arg8[%dma_start3A_438, %dma_start3A_445] : memref<4x128xi32, #tpu.memory_space<vmem>> -> memref<1x128xi32, #tpu.memory_space<vmem>>
        %dma_start3A_447 = tpu.memref_squeeze %dma_start3A_446 : memref<1x128xi32, #tpu.memory_space<vmem>> -> memref<128xi32, #tpu.memory_space<vmem>>
        %dma_start3A_448 = arith.constant 0 : i32
        %dma_start3A_449 = tpu.memref_slice %arg4[%add3A, %add3A_424, %dma_start3A_448] : memref<32x80x128xi32, #tpu.memory_space<hbm>> -> memref<1x1x128xi32, #tpu.memory_space<hbm>>
        %dma_start3A_450 = tpu.memref_squeeze %dma_start3A_449 : memref<1x1x128xi32, #tpu.memory_space<hbm>> -> memref<128xi32, #tpu.memory_space<hbm>>
        tpu.enqueue_dma source(%dma_start3A_450 : memref<128xi32, #tpu.memory_space<hbm>>) target(%dma_start3A_447 : memref<128xi32, #tpu.memory_space<vmem>>) target_semaphore(%arg19 : memref<!tpu.dma_semaphore, #tpu.memory_space<semaphore_mem>>)
        %dma_start3A_451 = arith.constant 3 : i32
        %dma_start3A_452 = arith.constant 0 : i32
        %dma_start3A_453 = tpu.memref_slice %arg9[%dma_start3A_451, %dma_start3A_452] : memref<4x128xf32, #tpu.memory_space<vmem>> -> memref<1x128xf32, #tpu.memory_space<vmem>>
        %dma_start3A_454 = tpu.memref_squeeze %dma_start3A_453 : memref<1x128xf32, #tpu.memory_space<vmem>> -> memref<128xf32, #tpu.memory_space<vmem>>
        %dma_start3A_455 = arith.constant 0 : i32
        %dma_start3A_456 = tpu.memref_slice %arg5[%add3A, %add3A_424, %dma_start3A_455] : memref<32x80x128xf32, #tpu.memory_space<hbm>> -> memref<1x1x128xf32, #tpu.memory_space<hbm>>
        %dma_start3A_457 = tpu.memref_squeeze %dma_start3A_456 : memref<1x1x128xf32, #tpu.memory_space<hbm>> -> memref<128xf32, #tpu.memory_space<hbm>>
        %dma_start3A_458 = arith.constant 0 : i32
        %dma_start3A_459 = tpu.memref_slice %arg9[%dma_start3A_451, %dma_start3A_458] : memref<4x128xf32, #tpu.memory_space<vmem>> -> memref<1x128xf32, #tpu.memory_space<vmem>>
        %dma_start3A_460 = tpu.memref_squeeze %dma_start3A_459 : memref<1x128xf32, #tpu.memory_space<vmem>> -> memref<128xf32, #tpu.memory_space<vmem>>
        %dma_start3A_461 = arith.constant 0 : i32
        %dma_start3A_462 = tpu.memref_slice %arg5[%add3A, %add3A_424, %dma_start3A_461] : memref<32x80x128xf32, #tpu.memory_space<hbm>> -> memref<1x1x128xf32, #tpu.memory_space<hbm>>
        %dma_start3A_463 = tpu.memref_squeeze %dma_start3A_462 : memref<1x1x128xf32, #tpu.memory_space<hbm>> -> memref<128xf32, #tpu.memory_space<hbm>>
        tpu.enqueue_dma source(%dma_start3A_463 : memref<128xf32, #tpu.memory_space<hbm>>) target(%dma_start3A_460 : memref<128xf32, #tpu.memory_space<vmem>>) target_semaphore(%arg19 : memref<!tpu.dma_semaphore, #tpu.memory_space<semaphore_mem>>)
      } else {
      }
    }
    %scan3A_283 = arith.constant 20 : i32
    %barrier3A_284 = arith.constant 0 : index
    tpu.barrier barrier_id(%barrier3A_284)
    %mul3A_285 = arith.constant 640 : i32
    %mul3A_286 = arith.muli %arg1, %mul3A_285 : i32
    %mul3A_287 = arith.constant 640 : i32
    %mul3A_288 = arith.muli %arg1, %mul3A_287 : i32
    "tpu.region"() ({
      %run_scoped3A = tpu.sem_alloc : memref<!tpu.dma_semaphore, #tpu.memory_space<semaphore_mem>>
      %dma_start3A_289 = arith.constant 0 : i32
      %dma_start3A_290 = tpu.memref_slice %arg6[%arg0, %mul3A_288, %dma_start3A_289] : memref<2x10240x128xf32, #tpu.memory_space<hbm>> -> memref<1x640x128xf32, #tpu.memory_space<hbm>>
      %dma_start3A_291 = tpu.memref_squeeze %dma_start3A_290 : memref<1x640x128xf32, #tpu.memory_space<hbm>> -> memref<640x128xf32, #tpu.memory_space<hbm>>
      %dma_start3A_292 = arith.constant 0 : i32
      %dma_start3A_293 = tpu.memref_slice %arg11[%mul3A_286, %dma_start3A_292] : memref<10240x128xf32, #tpu.memory_space<vmem_shared>> -> memref<640x128xf32, #tpu.memory_space<vmem_shared>>
      tpu.enqueue_dma source(%dma_start3A_293 : memref<640x128xf32, #tpu.memory_space<vmem_shared>>) target(%dma_start3A_291 : memref<640x128xf32, #tpu.memory_space<hbm>>) target_semaphore(%run_scoped3A : memref<!tpu.dma_semaphore, #tpu.memory_space<semaphore_mem>>)
      %dma_wait3A_294 = arith.constant 0 : i32
      %dma_wait3A_295 = tpu.memref_slice %arg6[%arg0, %mul3A_288, %dma_wait3A_294] : memref<2x10240x128xf32, #tpu.memory_space<hbm>> -> memref<1x640x128xf32, #tpu.memory_space<hbm>>
      %dma_wait3A_296 = tpu.memref_squeeze %dma_wait3A_295 : memref<1x640x128xf32, #tpu.memory_space<hbm>> -> memref<640x128xf32, #tpu.memory_space<hbm>>
      %dma_wait3A_297 = arith.constant 0 : i32
      %dma_wait3A_298 = tpu.memref_slice %arg11[%mul3A_286, %dma_wait3A_297] : memref<10240x128xf32, #tpu.memory_space<vmem_shared>> -> memref<640x128xf32, #tpu.memory_space<vmem_shared>>
      tpu.wait_dma2 semaphore(%run_scoped3A : memref<!tpu.dma_semaphore, #tpu.memory_space<semaphore_mem>>) src(%dma_wait3A_298 : memref<640x128xf32, #tpu.memory_space<vmem_shared>>) dst(%dma_wait3A_296 : memref<640x128xf32, #tpu.memory_space<hbm>>)
      tpu.yield
    }) : () -> ()
    return
  }
}

#map = affine_map<(d0, d1) -> (0, 0, 0)>
#map1 = affine_map<(d0, d1) -> (0, 0)>
module attributes {stable_mosaic.version = 14 : i64} {
  func.func @_deg_body(%arg0: i32, %arg1: i32, %arg2: memref<32x80x128xi32, #tpu.memory_space<hbm>>, %arg3: memref<32x80x128xf32, #tpu.memory_space<hbm>>, %arg4: memref<2x10240xf32, #tpu.memory_space<hbm>>, %arg5: memref<80x128xi32, #tpu.memory_space<vmem>>, %arg6: memref<80x128xf32, #tpu.memory_space<vmem>>, %arg7: memref<640xf32, #tpu.memory_space<vmem>>, %arg8: memref<10240xf32, #tpu.memory_space<vmem_shared>>) attributes {dimension_semantics = [#tpu.dimension_semantics<core_parallel>, #tpu.dimension_semantics<subcore_parallel>], iteration_bounds = array<i64: 2, 16>, scalar_prefetch = 0 : i64, scratch_operands = 4 : i64, tpu.core_type = #tpu.core_type<sc_vector_subcore>, window_params = [{transform_indices = #map}, {transform_indices = #map}, {transform_indices = #map1}]} {
    %mul3A = arith.constant 2 : i32
    %mul3A_0 = arith.muli %arg1, %mul3A : i32
    %add3A = arith.addi %mul3A_0, %arg0 : i32
    "tpu.region"() ({
      %run_scoped3A = tpu.sem_alloc : memref<!tpu.dma_semaphore, #tpu.memory_space<semaphore_mem>>
      %dma_start3A = arith.constant 0 : i32
      %dma_start3A_19 = arith.constant 0 : i32
      %dma_start3A_20 = tpu.memref_slice %arg2[%add3A, %dma_start3A, %dma_start3A_19] : memref<32x80x128xi32, #tpu.memory_space<hbm>> -> memref<1x80x128xi32, #tpu.memory_space<hbm>>
      %dma_start3A_21 = tpu.memref_squeeze %dma_start3A_20 : memref<1x80x128xi32, #tpu.memory_space<hbm>> -> memref<80x128xi32, #tpu.memory_space<hbm>>
      %dma_start3A_22 = arith.constant 0 : i32
      %dma_start3A_23 = arith.constant 0 : i32
      %dma_start3A_24 = tpu.memref_slice %arg2[%add3A, %dma_start3A_22, %dma_start3A_23] : memref<32x80x128xi32, #tpu.memory_space<hbm>> -> memref<1x80x128xi32, #tpu.memory_space<hbm>>
      %dma_start3A_25 = tpu.memref_squeeze %dma_start3A_24 : memref<1x80x128xi32, #tpu.memory_space<hbm>> -> memref<80x128xi32, #tpu.memory_space<hbm>>
      tpu.enqueue_dma source(%dma_start3A_25 : memref<80x128xi32, #tpu.memory_space<hbm>>) target(%arg5 : memref<80x128xi32, #tpu.memory_space<vmem>>) target_semaphore(%run_scoped3A : memref<!tpu.dma_semaphore, #tpu.memory_space<semaphore_mem>>)
      %dma_wait3A = arith.constant 0 : i32
      %dma_wait3A_26 = arith.constant 0 : i32
      %dma_wait3A_27 = tpu.memref_slice %arg2[%add3A, %dma_wait3A, %dma_wait3A_26] : memref<32x80x128xi32, #tpu.memory_space<hbm>> -> memref<1x80x128xi32, #tpu.memory_space<hbm>>
      %dma_wait3A_28 = tpu.memref_squeeze %dma_wait3A_27 : memref<1x80x128xi32, #tpu.memory_space<hbm>> -> memref<80x128xi32, #tpu.memory_space<hbm>>
      %dma_wait3A_29 = arith.constant 0 : i32
      %dma_wait3A_30 = arith.constant 0 : i32
      %dma_wait3A_31 = tpu.memref_slice %arg2[%add3A, %dma_wait3A_29, %dma_wait3A_30] : memref<32x80x128xi32, #tpu.memory_space<hbm>> -> memref<1x80x128xi32, #tpu.memory_space<hbm>>
      %dma_wait3A_32 = tpu.memref_squeeze %dma_wait3A_31 : memref<1x80x128xi32, #tpu.memory_space<hbm>> -> memref<80x128xi32, #tpu.memory_space<hbm>>
      tpu.wait_dma2 semaphore(%run_scoped3A : memref<!tpu.dma_semaphore, #tpu.memory_space<semaphore_mem>>) src(%dma_wait3A_32 : memref<80x128xi32, #tpu.memory_space<hbm>>) dst(%arg5 : memref<80x128xi32, #tpu.memory_space<vmem>>)
      tpu.yield
    }) : () -> ()
    "tpu.region"() ({
      %run_scoped3A = tpu.sem_alloc : memref<!tpu.dma_semaphore, #tpu.memory_space<semaphore_mem>>
      %dma_start3A = arith.constant 0 : i32
      %dma_start3A_19 = arith.constant 0 : i32
      %dma_start3A_20 = tpu.memref_slice %arg3[%add3A, %dma_start3A, %dma_start3A_19] : memref<32x80x128xf32, #tpu.memory_space<hbm>> -> memref<1x80x128xf32, #tpu.memory_space<hbm>>
      %dma_start3A_21 = tpu.memref_squeeze %dma_start3A_20 : memref<1x80x128xf32, #tpu.memory_space<hbm>> -> memref<80x128xf32, #tpu.memory_space<hbm>>
      %dma_start3A_22 = arith.constant 0 : i32
      %dma_start3A_23 = arith.constant 0 : i32
      %dma_start3A_24 = tpu.memref_slice %arg3[%add3A, %dma_start3A_22, %dma_start3A_23] : memref<32x80x128xf32, #tpu.memory_space<hbm>> -> memref<1x80x128xf32, #tpu.memory_space<hbm>>
      %dma_start3A_25 = tpu.memref_squeeze %dma_start3A_24 : memref<1x80x128xf32, #tpu.memory_space<hbm>> -> memref<80x128xf32, #tpu.memory_space<hbm>>
      tpu.enqueue_dma source(%dma_start3A_25 : memref<80x128xf32, #tpu.memory_space<hbm>>) target(%arg6 : memref<80x128xf32, #tpu.memory_space<vmem>>) target_semaphore(%run_scoped3A : memref<!tpu.dma_semaphore, #tpu.memory_space<semaphore_mem>>)
      %dma_wait3A = arith.constant 0 : i32
      %dma_wait3A_26 = arith.constant 0 : i32
      %dma_wait3A_27 = tpu.memref_slice %arg3[%add3A, %dma_wait3A, %dma_wait3A_26] : memref<32x80x128xf32, #tpu.memory_space<hbm>> -> memref<1x80x128xf32, #tpu.memory_space<hbm>>
      %dma_wait3A_28 = tpu.memref_squeeze %dma_wait3A_27 : memref<1x80x128xf32, #tpu.memory_space<hbm>> -> memref<80x128xf32, #tpu.memory_space<hbm>>
      %dma_wait3A_29 = arith.constant 0 : i32
      %dma_wait3A_30 = arith.constant 0 : i32
      %dma_wait3A_31 = tpu.memref_slice %arg3[%add3A, %dma_wait3A_29, %dma_wait3A_30] : memref<32x80x128xf32, #tpu.memory_space<hbm>> -> memref<1x80x128xf32, #tpu.memory_space<hbm>>
      %dma_wait3A_32 = tpu.memref_squeeze %dma_wait3A_31 : memref<1x80x128xf32, #tpu.memory_space<hbm>> -> memref<80x128xf32, #tpu.memory_space<hbm>>
      tpu.wait_dma2 semaphore(%run_scoped3A : memref<!tpu.dma_semaphore, #tpu.memory_space<semaphore_mem>>) src(%dma_wait3A_32 : memref<80x128xf32, #tpu.memory_space<hbm>>) dst(%arg6 : memref<80x128xf32, #tpu.memory_space<vmem>>)
      tpu.yield
    }) : () -> ()
    %scan3A = arith.constant 0 : i32
    %scan3A_1 = arith.constant 0 : i32
    %scan3A_2 = arith.constant 40 : i32
    %scan3A_3 = arith.addi %scan3A_1, %scan3A_2 : i32
    %scan3A_4 = arith.constant 1 : i32
    scf.for %scan3A_19 = %scan3A_1 to %scan3A_3 step %scan3A_4  : i32 {
      %broadcast_in_dim3A = arith.constant 0.000000e+00 : f32
      %broadcast_in_dim3A_20 = vector.broadcast %broadcast_in_dim3A : f32 to vector<16xf32>
      %mul3A_21 = arith.constant 16 : i32
      %mul3A_22 = arith.muli %scan3A_19, %mul3A_21 : i32
      %swap3A = arith.index_cast %mul3A_22 : i32 to index
      %swap3A_23 = tpu.vector_load %arg7[%swap3A] {strides = array<i32>} : memref<640xf32, #tpu.memory_space<vmem>>, vector<16xf32>,
      %swap3A_24 = vector.shape_cast %swap3A_23 : vector<16xf32> to vector<16xf32>
      %swap3A_25 = vector.shape_cast %broadcast_in_dim3A_20 : vector<16xf32> to vector<16xf32>
      tpu.vector_store %arg7[%swap3A], %swap3A_25 {strides = array<i32>} : memref<640xf32, #tpu.memory_space<vmem>>, vector<16xf32>,
    }
    %scan3A_5 = arith.constant 40 : i32
    %mul3A_6 = arith.constant 640 : i32
    %mul3A_7 = arith.muli %arg1, %mul3A_6 : i32
    "tpu.region"() ({
      %run_scoped3A = tpu.sem_alloc : memref<!tpu.dma_semaphore, #tpu.memory_space<semaphore_mem>>
      %dma_start3A = tpu.memref_slice %arg8[%mul3A_7] : memref<10240xf32, #tpu.memory_space<vmem_shared>> -> memref<640xf32, #tpu.memory_space<vmem_shared>>
      %dma_start3A_19 = tpu.memref_slice %arg8[%mul3A_7] : memref<10240xf32, #tpu.memory_space<vmem_shared>> -> memref<640xf32, #tpu.memory_space<vmem_shared>>
      tpu.enqueue_dma source(%arg7 : memref<640xf32, #tpu.memory_space<vmem>>) target(%dma_start3A_19 : memref<640xf32, #tpu.memory_space<vmem_shared>>) target_semaphore(%run_scoped3A : memref<!tpu.dma_semaphore, #tpu.memory_space<semaphore_mem>>)
      %dma_wait3A = tpu.memref_slice %arg8[%mul3A_7] : memref<10240xf32, #tpu.memory_space<vmem_shared>> -> memref<640xf32, #tpu.memory_space<vmem_shared>>
      %dma_wait3A_20 = tpu.memref_slice %arg8[%mul3A_7] : memref<10240xf32, #tpu.memory_space<vmem_shared>> -> memref<640xf32, #tpu.memory_space<vmem_shared>>
      tpu.wait_dma2 semaphore(%run_scoped3A : memref<!tpu.dma_semaphore, #tpu.memory_space<semaphore_mem>>) src(%arg7 : memref<640xf32, #tpu.memory_space<vmem>>) dst(%dma_wait3A_20 : memref<640xf32, #tpu.memory_space<vmem_shared>>)
      tpu.yield
    }) : () -> ()
    %barrier3A = arith.constant 0 : index
    tpu.barrier barrier_id(%barrier3A)
    %scan3A_8 = arith.constant 0 : i32
    %scan3A_9 = arith.constant 0 : i32
    %scan3A_10 = arith.constant 80 : i32
    %scan3A_11 = arith.addi %scan3A_9, %scan3A_10 : i32
    %scan3A_12 = arith.constant 1 : i32
    scf.for %scan3A_19 = %scan3A_9 to %scan3A_11 step %scan3A_12  : i32 {
      "tpu.region"() ({
        %run_scoped3A = tpu.sem_alloc : memref<!tpu.dma_semaphore, #tpu.memory_space<semaphore_mem>>
        %dma_start3A = arith.constant 0 : i32
        %dma_start3A_20 = tpu.memref_slice %arg6[%scan3A_19, %dma_start3A] : memref<80x128xf32, #tpu.memory_space<vmem>> -> memref<1x128xf32, #tpu.memory_space<vmem>>
        %dma_start3A_21 = tpu.memref_squeeze %dma_start3A_20 : memref<1x128xf32, #tpu.memory_space<vmem>> -> memref<128xf32, #tpu.memory_space<vmem>>
        %dma_start3A_22 = arith.constant 0 : i32
        %dma_start3A_23 = tpu.memref_slice %arg5[%scan3A_19, %dma_start3A_22] : memref<80x128xi32, #tpu.memory_space<vmem>> -> memref<1x128xi32, #tpu.memory_space<vmem>>
        %dma_start3A_24 = tpu.memref_squeeze %dma_start3A_23 : memref<1x128xi32, #tpu.memory_space<vmem>> -> memref<128xi32, #tpu.memory_space<vmem>>
        %dma_start3A_25 = arith.constant 0 : i32
        %dma_start3A_26 = tpu.memref_slice %arg8[%dma_start3A_25] : memref<10240xf32, #tpu.memory_space<vmem_shared>> -> memref<10240xf32, #tpu.memory_space<vmem_shared>>
        tpu.enqueue_indirect_dma source(%dma_start3A_21 : memref<128xf32, #tpu.memory_space<vmem>>) target(%dma_start3A_26 : memref<10240xf32, #tpu.memory_space<vmem_shared>>) offsets(%dma_start3A_24 : memref<128xi32, #tpu.memory_space<vmem>>) semaphore(%run_scoped3A : memref<!tpu.dma_semaphore, #tpu.memory_space<semaphore_mem>>) {add = true}
        %dma_wait3A = arith.constant 0 : i32
        %dma_wait3A_27 = tpu.memref_slice %arg6[%scan3A_19, %dma_wait3A] : memref<80x128xf32, #tpu.memory_space<vmem>> -> memref<1x128xf32, #tpu.memory_space<vmem>>
        %dma_wait3A_28 = tpu.memref_squeeze %dma_wait3A_27 : memref<1x128xf32, #tpu.memory_space<vmem>> -> memref<128xf32, #tpu.memory_space<vmem>>
        %dma_wait3A_29 = arith.constant 0 : i32
        %dma_wait3A_30 = tpu.memref_slice %arg5[%scan3A_19, %dma_wait3A_29] : memref<80x128xi32, #tpu.memory_space<vmem>> -> memref<1x128xi32, #tpu.memory_space<vmem>>
        %dma_wait3A_31 = tpu.memref_squeeze %dma_wait3A_30 : memref<1x128xi32, #tpu.memory_space<vmem>> -> memref<128xi32, #tpu.memory_space<vmem>>
        %dma_wait3A_32 = arith.constant 0 : i32
        %dma_wait3A_33 = tpu.memref_slice %arg8[%dma_wait3A_32] : memref<10240xf32, #tpu.memory_space<vmem_shared>> -> memref<10240xf32, #tpu.memory_space<vmem_shared>>
        tpu.wait_indirect_dma semaphore(%run_scoped3A : memref<!tpu.dma_semaphore, #tpu.memory_space<semaphore_mem>>) src(%dma_wait3A_28 : memref<128xf32, #tpu.memory_space<vmem>>) dst(%dma_wait3A_33 : memref<10240xf32, #tpu.memory_space<vmem_shared>>)
        tpu.yield
      }) : () -> ()
    }
    %scan3A_13 = arith.constant 80 : i32
    %barrier3A_14 = arith.constant 0 : index
    tpu.barrier barrier_id(%barrier3A_14)
    %mul3A_15 = arith.constant 640 : i32
    %mul3A_16 = arith.muli %arg1, %mul3A_15 : i32
    %mul3A_17 = arith.constant 640 : i32
    %mul3A_18 = arith.muli %arg1, %mul3A_17 : i32
    "tpu.region"() ({
      %run_scoped3A = tpu.sem_alloc : memref<!tpu.dma_semaphore, #tpu.memory_space<semaphore_mem>>
      %dma_start3A = tpu.memref_slice %arg4[%arg0, %mul3A_18] : memref<2x10240xf32, #tpu.memory_space<hbm>> -> memref<1x640xf32, #tpu.memory_space<hbm>>
      %dma_start3A_19 = tpu.memref_squeeze %dma_start3A : memref<1x640xf32, #tpu.memory_space<hbm>> -> memref<640xf32, #tpu.memory_space<hbm>>
      %dma_start3A_20 = tpu.memref_slice %arg8[%mul3A_16] : memref<10240xf32, #tpu.memory_space<vmem_shared>> -> memref<640xf32, #tpu.memory_space<vmem_shared>>
      tpu.enqueue_dma source(%dma_start3A_20 : memref<640xf32, #tpu.memory_space<vmem_shared>>) target(%dma_start3A_19 : memref<640xf32, #tpu.memory_space<hbm>>) target_semaphore(%run_scoped3A : memref<!tpu.dma_semaphore, #tpu.memory_space<semaphore_mem>>)
      %dma_wait3A = tpu.memref_slice %arg4[%arg0, %mul3A_18] : memref<2x10240xf32, #tpu.memory_space<hbm>> -> memref<1x640xf32, #tpu.memory_space<hbm>>
      %dma_wait3A_21 = tpu.memref_squeeze %dma_wait3A : memref<1x640xf32, #tpu.memory_space<hbm>> -> memref<640xf32, #tpu.memory_space<hbm>>
      %dma_wait3A_22 = tpu.memref_slice %arg8[%mul3A_16] : memref<10240xf32, #tpu.memory_space<vmem_shared>> -> memref<640xf32, #tpu.memory_space<vmem_shared>>
      tpu.wait_dma2 semaphore(%run_scoped3A : memref<!tpu.dma_semaphore, #tpu.memory_space<semaphore_mem>>) src(%dma_wait3A_22 : memref<640xf32, #tpu.memory_space<vmem_shared>>) dst(%dma_wait3A_21 : memref<640xf32, #tpu.memory_space<hbm>>)
      tpu.yield
    }) : () -> ()
    return
  }
}

#map = affine_map<(d0, d1) -> (0, 0)>
#map1 = affine_map<(d0, d1) -> (0, 0, 0)>
module attributes {stable_mosaic.version = 14 : i64} {
  func.func @_spmm_body(%arg0: i32, %arg1: i32, %arg2: memref<10240x128xf32, #tpu.memory_space<hbm>>, %arg3: memref<32x80x128xi32, #tpu.memory_space<hbm>>, %arg4: memref<32x80x128xi32, #tpu.memory_space<hbm>>, %arg5: memref<32x80x128xf32, #tpu.memory_space<hbm>>, %arg6: memref<2x10240x128xf32, #tpu.memory_space<hbm>>, %arg7: memref<4x128xi32, #tpu.memory_space<vmem>>, %arg8: memref<4x128xi32, #tpu.memory_space<vmem>>, %arg9: memref<4x128xf32, #tpu.memory_space<vmem>>, %arg10: memref<2x128x128xf32, #tpu.memory_space<vmem>>, %arg11: memref<10240x128xf32, #tpu.memory_space<vmem_shared>>, %arg12: memref<!tpu.dma_semaphore, #tpu.memory_space<semaphore_mem>>, %arg13: memref<!tpu.dma_semaphore, #tpu.memory_space<semaphore_mem>>, %arg14: memref<!tpu.dma_semaphore, #tpu.memory_space<semaphore_mem>>, %arg15: memref<!tpu.dma_semaphore, #tpu.memory_space<semaphore_mem>>, %arg16: memref<!tpu.dma_semaphore, #tpu.memory_space<semaphore_mem>>, %arg17: memref<!tpu.dma_semaphore, #tpu.memory_space<semaphore_mem>>, %arg18: memref<!tpu.dma_semaphore, #tpu.memory_space<semaphore_mem>>, %arg19: memref<!tpu.dma_semaphore, #tpu.memory_space<semaphore_mem>>) attributes {dimension_semantics = [#tpu.dimension_semantics<core_parallel>, #tpu.dimension_semantics<subcore_parallel>], iteration_bounds = array<i64: 2, 16>, scalar_prefetch = 0 : i64, scratch_operands = 13 : i64, tpu.core_type = #tpu.core_type<sc_vector_subcore>, window_params = [{transform_indices = #map}, {transform_indices = #map1}, {transform_indices = #map1}, {transform_indices = #map1}, {transform_indices = #map1}]} {
    %mul3A = arith.constant 2 : i32
    %mul3A_0 = arith.muli %arg1, %mul3A : i32
    %add3A = arith.addi %mul3A_0, %arg0 : i32
    %mul3A_1 = arith.constant 640 : i32
    %mul3A_2 = arith.muli %arg1, %mul3A_1 : i32
    %mul3A_3 = arith.constant 640 : i32
    %mul3A_4 = arith.muli %arg1, %mul3A_3 : i32
    "tpu.region"() ({
      %run_scoped3A = tpu.sem_alloc : memref<!tpu.dma_semaphore, #tpu.memory_space<semaphore_mem>>
      %dma_start3A_289 = arith.constant 0 : i32
      %dma_start3A_290 = tpu.memref_slice %arg11[%mul3A_4, %dma_start3A_289] : memref<10240x128xf32, #tpu.memory_space<vmem_shared>> -> memref<640x128xf32, #tpu.memory_space<vmem_shared>>
      %dma_start3A_291 = arith.constant 0 : i32
      %dma_start3A_292 = tpu.memref_slice %arg2[%mul3A_2, %dma_start3A_291] : memref<10240x128xf32, #tpu.memory_space<hbm>> -> memref<640x128xf32, #tpu.memory_space<hbm>>
      tpu.enqueue_dma source(%dma_start3A_292 : memref<640x128xf32, #tpu.memory_space<hbm>>) target(%dma_start3A_290 : memref<640x128xf32, #tpu.memory_space<vmem_shared>>) target_semaphore(%run_scoped3A : memref<!tpu.dma_semaphore, #tpu.memory_space<semaphore_mem>>)
      %dma_wait3A_293 = arith.constant 0 : i32
      %dma_wait3A_294 = tpu.memref_slice %arg11[%mul3A_4, %dma_wait3A_293] : memref<10240x128xf32, #tpu.memory_space<vmem_shared>> -> memref<640x128xf32, #tpu.memory_space<vmem_shared>>
      %dma_wait3A_295 = arith.constant 0 : i32
      %dma_wait3A_296 = tpu.memref_slice %arg2[%mul3A_2, %dma_wait3A_295] : memref<10240x128xf32, #tpu.memory_space<hbm>> -> memref<640x128xf32, #tpu.memory_space<hbm>>
      tpu.wait_dma2 semaphore(%run_scoped3A : memref<!tpu.dma_semaphore, #tpu.memory_space<semaphore_mem>>) src(%dma_wait3A_296 : memref<640x128xf32, #tpu.memory_space<hbm>>) dst(%dma_wait3A_294 : memref<640x128xf32, #tpu.memory_space<vmem_shared>>)
      tpu.yield
    }) : () -> ()
    %barrier3A = arith.constant 0 : index
    tpu.barrier barrier_id(%barrier3A)
    %dma_start3A = arith.constant 0 : i32
    %dma_start3A_5 = arith.constant 0 : i32
    %dma_start3A_6 = arith.constant 0 : i32
    %dma_start3A_7 = tpu.memref_slice %arg7[%dma_start3A_5, %dma_start3A_6] : memref<4x128xi32, #tpu.memory_space<vmem>> -> memref<1x128xi32, #tpu.memory_space<vmem>>
    %dma_start3A_8 = tpu.memref_squeeze %dma_start3A_7 : memref<1x128xi32, #tpu.memory_space<vmem>> -> memref<128xi32, #tpu.memory_space<vmem>>
    %dma_start3A_9 = arith.constant 0 : i32
    %dma_start3A_10 = tpu.memref_slice %arg3[%add3A, %dma_start3A, %dma_start3A_9] : memref<32x80x128xi32, #tpu.memory_space<hbm>> -> memref<1x1x128xi32, #tpu.memory_space<hbm>>
    %dma_start3A_11 = tpu.memref_squeeze %dma_start3A_10 : memref<1x1x128xi32, #tpu.memory_space<hbm>> -> memref<128xi32, #tpu.memory_space<hbm>>
    %dma_start3A_12 = arith.constant 0 : i32
    %dma_start3A_13 = tpu.memref_slice %arg7[%dma_start3A_5, %dma_start3A_12] : memref<4x128xi32, #tpu.memory_space<vmem>> -> memref<1x128xi32, #tpu.memory_space<vmem>>
    %dma_start3A_14 = tpu.memref_squeeze %dma_start3A_13 : memref<1x128xi32, #tpu.memory_space<vmem>> -> memref<128xi32, #tpu.memory_space<vmem>>
    %dma_start3A_15 = arith.constant 0 : i32
    %dma_start3A_16 = tpu.memref_slice %arg3[%add3A, %dma_start3A, %dma_start3A_15] : memref<32x80x128xi32, #tpu.memory_space<hbm>> -> memref<1x1x128xi32, #tpu.memory_space<hbm>>
    %dma_start3A_17 = tpu.memref_squeeze %dma_start3A_16 : memref<1x1x128xi32, #tpu.memory_space<hbm>> -> memref<128xi32, #tpu.memory_space<hbm>>
    tpu.enqueue_dma source(%dma_start3A_17 : memref<128xi32, #tpu.memory_space<hbm>>) target(%dma_start3A_14 : memref<128xi32, #tpu.memory_space<vmem>>) target_semaphore(%arg16 : memref<!tpu.dma_semaphore, #tpu.memory_space<semaphore_mem>>)
    %dma_start3A_18 = arith.constant 0 : i32
    %dma_start3A_19 = arith.constant 0 : i32
    %dma_start3A_20 = arith.constant 0 : i32
    %dma_start3A_21 = tpu.memref_slice %arg8[%dma_start3A_19, %dma_start3A_20] : memref<4x128xi32, #tpu.memory_space<vmem>> -> memref<1x128xi32, #tpu.memory_space<vmem>>
    %dma_start3A_22 = tpu.memref_squeeze %dma_start3A_21 : memref<1x128xi32, #tpu.memory_space<vmem>> -> memref<128xi32, #tpu.memory_space<vmem>>
    %dma_start3A_23 = arith.constant 0 : i32
    %dma_start3A_24 = tpu.memref_slice %arg4[%add3A, %dma_start3A_18, %dma_start3A_23] : memref<32x80x128xi32, #tpu.memory_space<hbm>> -> memref<1x1x128xi32, #tpu.memory_space<hbm>>
    %dma_start3A_25 = tpu.memref_squeeze %dma_start3A_24 : memref<1x1x128xi32, #tpu.memory_space<hbm>> -> memref<128xi32, #tpu.memory_space<hbm>>
    %dma_start3A_26 = arith.constant 0 : i32
    %dma_start3A_27 = tpu.memref_slice %arg8[%dma_start3A_19, %dma_start3A_26] : memref<4x128xi32, #tpu.memory_space<vmem>> -> memref<1x128xi32, #tpu.memory_space<vmem>>
    %dma_start3A_28 = tpu.memref_squeeze %dma_start3A_27 : memref<1x128xi32, #tpu.memory_space<vmem>> -> memref<128xi32, #tpu.memory_space<vmem>>
    %dma_start3A_29 = arith.constant 0 : i32
    %dma_start3A_30 = tpu.memref_slice %arg4[%add3A, %dma_start3A_18, %dma_start3A_29] : memref<32x80x128xi32, #tpu.memory_space<hbm>> -> memref<1x1x128xi32, #tpu.memory_space<hbm>>
    %dma_start3A_31 = tpu.memref_squeeze %dma_start3A_30 : memref<1x1x128xi32, #tpu.memory_space<hbm>> -> memref<128xi32, #tpu.memory_space<hbm>>
    tpu.enqueue_dma source(%dma_start3A_31 : memref<128xi32, #tpu.memory_space<hbm>>) target(%dma_start3A_28 : memref<128xi32, #tpu.memory_space<vmem>>) target_semaphore(%arg16 : memref<!tpu.dma_semaphore, #tpu.memory_space<semaphore_mem>>)
    %dma_start3A_32 = arith.constant 0 : i32
    %dma_start3A_33 = arith.constant 0 : i32
    %dma_start3A_34 = arith.constant 0 : i32
    %dma_start3A_35 = tpu.memref_slice %arg9[%dma_start3A_33, %dma_start3A_34] : memref<4x128xf32, #tpu.memory_space<vmem>> -> memref<1x128xf32, #tpu.memory_space<vmem>>
    %dma_start3A_36 = tpu.memref_squeeze %dma_start3A_35 : memref<1x128xf32, #tpu.memory_space<vmem>> -> memref<128xf32, #tpu.memory_space<vmem>>
    %dma_start3A_37 = arith.constant 0 : i32
    %dma_start3A_38 = tpu.memref_slice %arg5[%add3A, %dma_start3A_32, %dma_start3A_37] : memref<32x80x128xf32, #tpu.memory_space<hbm>> -> memref<1x1x128xf32, #tpu.memory_space<hbm>>
    %dma_start3A_39 = tpu.memref_squeeze %dma_start3A_38 : memref<1x1x128xf32, #tpu.memory_space<hbm>> -> memref<128xf32, #tpu.memory_space<hbm>>
    %dma_start3A_40 = arith.constant 0 : i32
    %dma_start3A_41 = tpu.memref_slice %arg9[%dma_start3A_33, %dma_start3A_40] : memref<4x128xf32, #tpu.memory_space<vmem>> -> memref<1x128xf32, #tpu.memory_space<vmem>>
    %dma_start3A_42 = tpu.memref_squeeze %dma_start3A_41 : memref<1x128xf32, #tpu.memory_space<vmem>> -> memref<128xf32, #tpu.memory_space<vmem>>
    %dma_start3A_43 = arith.constant 0 : i32
    %dma_start3A_44 = tpu.memref_slice %arg5[%add3A, %dma_start3A_32, %dma_start3A_43] : memref<32x80x128xf32, #tpu.memory_space<hbm>> -> memref<1x1x128xf32, #tpu.memory_space<hbm>>
    %dma_start3A_45 = tpu.memref_squeeze %dma_start3A_44 : memref<1x1x128xf32, #tpu.memory_space<hbm>> -> memref<128xf32, #tpu.memory_space<hbm>>
    tpu.enqueue_dma source(%dma_start3A_45 : memref<128xf32, #tpu.memory_space<hbm>>) target(%dma_start3A_42 : memref<128xf32, #tpu.memory_space<vmem>>) target_semaphore(%arg16 : memref<!tpu.dma_semaphore, #tpu.memory_space<semaphore_mem>>)
    %dma_start3A_46 = arith.constant 1 : i32
    %dma_start3A_47 = arith.constant 1 : i32
    %dma_start3A_48 = arith.constant 0 : i32
    %dma_start3A_49 = tpu.memref_slice %arg7[%dma_start3A_47, %dma_start3A_48] : memref<4x128xi32, #tpu.memory_space<vmem>> -> memref<1x128xi32, #tpu.memory_space<vmem>>
    %dma_start3A_50 = tpu.memref_squeeze %dma_start3A_49 : memref<1x128xi32, #tpu.memory_space<vmem>> -> memref<128xi32, #tpu.memory_space<vmem>>
    %dma_start3A_51 = arith.constant 0 : i32
    %dma_start3A_52 = tpu.memref_slice %arg3[%add3A, %dma_start3A_46, %dma_start3A_51] : memref<32x80x128xi32, #tpu.memory_space<hbm>> -> memref<1x1x128xi32, #tpu.memory_space<hbm>>
    %dma_start3A_53 = tpu.memref_squeeze %dma_start3A_52 : memref<1x1x128xi32, #tpu.memory_space<hbm>> -> memref<128xi32, #tpu.memory_space<hbm>>
    %dma_start3A_54 = arith.constant 0 : i32
    %dma_start3A_55 = tpu.memref_slice %arg7[%dma_start3A_47, %dma_start3A_54] : memref<4x128xi32, #tpu.memory_space<vmem>> -> memref<1x128xi32, #tpu.memory_space<vmem>>
    %dma_start3A_56 = tpu.memref_squeeze %dma_start3A_55 : memref<1x128xi32, #tpu.memory_space<vmem>> -> memref<128xi32, #tpu.memory_space<vmem>>
    %dma_start3A_57 = arith.constant 0 : i32
    %dma_start3A_58 = tpu.memref_slice %arg3[%add3A, %dma_start3A_46, %dma_start3A_57] : memref<32x80x128xi32, #tpu.memory_space<hbm>> -> memref<1x1x128xi32, #tpu.memory_space<hbm>>
    %dma_start3A_59 = tpu.memref_squeeze %dma_start3A_58 : memref<1x1x128xi32, #tpu.memory_space<hbm>> -> memref<128xi32, #tpu.memory_space<hbm>>
    tpu.enqueue_dma source(%dma_start3A_59 : memref<128xi32, #tpu.memory_space<hbm>>) target(%dma_start3A_56 : memref<128xi32, #tpu.memory_space<vmem>>) target_semaphore(%arg17 : memref<!tpu.dma_semaphore, #tpu.memory_space<semaphore_mem>>)
    %dma_start3A_60 = arith.constant 1 : i32
    %dma_start3A_61 = arith.constant 1 : i32
    %dma_start3A_62 = arith.constant 0 : i32
    %dma_start3A_63 = tpu.memref_slice %arg8[%dma_start3A_61, %dma_start3A_62] : memref<4x128xi32, #tpu.memory_space<vmem>> -> memref<1x128xi32, #tpu.memory_space<vmem>>
    %dma_start3A_64 = tpu.memref_squeeze %dma_start3A_63 : memref<1x128xi32, #tpu.memory_space<vmem>> -> memref<128xi32, #tpu.memory_space<vmem>>
    %dma_start3A_65 = arith.constant 0 : i32
    %dma_start3A_66 = tpu.memref_slice %arg4[%add3A, %dma_start3A_60, %dma_start3A_65] : memref<32x80x128xi32, #tpu.memory_space<hbm>> -> memref<1x1x128xi32, #tpu.memory_space<hbm>>
    %dma_start3A_67 = tpu.memref_squeeze %dma_start3A_66 : memref<1x1x128xi32, #tpu.memory_space<hbm>> -> memref<128xi32, #tpu.memory_space<hbm>>
    %dma_start3A_68 = arith.constant 0 : i32
    %dma_start3A_69 = tpu.memref_slice %arg8[%dma_start3A_61, %dma_start3A_68] : memref<4x128xi32, #tpu.memory_space<vmem>> -> memref<1x128xi32, #tpu.memory_space<vmem>>
    %dma_start3A_70 = tpu.memref_squeeze %dma_start3A_69 : memref<1x128xi32, #tpu.memory_space<vmem>> -> memref<128xi32, #tpu.memory_space<vmem>>
    %dma_start3A_71 = arith.constant 0 : i32
    %dma_start3A_72 = tpu.memref_slice %arg4[%add3A, %dma_start3A_60, %dma_start3A_71] : memref<32x80x128xi32, #tpu.memory_space<hbm>> -> memref<1x1x128xi32, #tpu.memory_space<hbm>>
    %dma_start3A_73 = tpu.memref_squeeze %dma_start3A_72 : memref<1x1x128xi32, #tpu.memory_space<hbm>> -> memref<128xi32, #tpu.memory_space<hbm>>
    tpu.enqueue_dma source(%dma_start3A_73 : memref<128xi32, #tpu.memory_space<hbm>>) target(%dma_start3A_70 : memref<128xi32, #tpu.memory_space<vmem>>) target_semaphore(%arg17 : memref<!tpu.dma_semaphore, #tpu.memory_space<semaphore_mem>>)
    %dma_start3A_74 = arith.constant 1 : i32
    %dma_start3A_75 = arith.constant 1 : i32
    %dma_start3A_76 = arith.constant 0 : i32
    %dma_start3A_77 = tpu.memref_slice %arg9[%dma_start3A_75, %dma_start3A_76] : memref<4x128xf32, #tpu.memory_space<vmem>> -> memref<1x128xf32, #tpu.memory_space<vmem>>
    %dma_start3A_78 = tpu.memref_squeeze %dma_start3A_77 : memref<1x128xf32, #tpu.memory_space<vmem>> -> memref<128xf32, #tpu.memory_space<vmem>>
    %dma_start3A_79 = arith.constant 0 : i32
    %dma_start3A_80 = tpu.memref_slice %arg5[%add3A, %dma_start3A_74, %dma_start3A_79] : memref<32x80x128xf32, #tpu.memory_space<hbm>> -> memref<1x1x128xf32, #tpu.memory_space<hbm>>
    %dma_start3A_81 = tpu.memref_squeeze %dma_start3A_80 : memref<1x1x128xf32, #tpu.memory_space<hbm>> -> memref<128xf32, #tpu.memory_space<hbm>>
    %dma_start3A_82 = arith.constant 0 : i32
    %dma_start3A_83 = tpu.memref_slice %arg9[%dma_start3A_75, %dma_start3A_82] : memref<4x128xf32, #tpu.memory_space<vmem>> -> memref<1x128xf32, #tpu.memory_space<vmem>>
    %dma_start3A_84 = tpu.memref_squeeze %dma_start3A_83 : memref<1x128xf32, #tpu.memory_space<vmem>> -> memref<128xf32, #tpu.memory_space<vmem>>
    %dma_start3A_85 = arith.constant 0 : i32
    %dma_start3A_86 = tpu.memref_slice %arg5[%add3A, %dma_start3A_74, %dma_start3A_85] : memref<32x80x128xf32, #tpu.memory_space<hbm>> -> memref<1x1x128xf32, #tpu.memory_space<hbm>>
    %dma_start3A_87 = tpu.memref_squeeze %dma_start3A_86 : memref<1x1x128xf32, #tpu.memory_space<hbm>> -> memref<128xf32, #tpu.memory_space<hbm>>
    tpu.enqueue_dma source(%dma_start3A_87 : memref<128xf32, #tpu.memory_space<hbm>>) target(%dma_start3A_84 : memref<128xf32, #tpu.memory_space<vmem>>) target_semaphore(%arg17 : memref<!tpu.dma_semaphore, #tpu.memory_space<semaphore_mem>>)
    %dma_start3A_88 = arith.constant 2 : i32
    %dma_start3A_89 = arith.constant 2 : i32
    %dma_start3A_90 = arith.constant 0 : i32
    %dma_start3A_91 = tpu.memref_slice %arg7[%dma_start3A_89, %dma_start3A_90] : memref<4x128xi32, #tpu.memory_space<vmem>> -> memref<1x128xi32, #tpu.memory_space<vmem>>
    %dma_start3A_92 = tpu.memref_squeeze %dma_start3A_91 : memref<1x128xi32, #tpu.memory_space<vmem>> -> memref<128xi32, #tpu.memory_space<vmem>>
    %dma_start3A_93 = arith.constant 0 : i32
    %dma_start3A_94 = tpu.memref_slice %arg3[%add3A, %dma_start3A_88, %dma_start3A_93] : memref<32x80x128xi32, #tpu.memory_space<hbm>> -> memref<1x1x128xi32, #tpu.memory_space<hbm>>
    %dma_start3A_95 = tpu.memref_squeeze %dma_start3A_94 : memref<1x1x128xi32, #tpu.memory_space<hbm>> -> memref<128xi32, #tpu.memory_space<hbm>>
    %dma_start3A_96 = arith.constant 0 : i32
    %dma_start3A_97 = tpu.memref_slice %arg7[%dma_start3A_89, %dma_start3A_96] : memref<4x128xi32, #tpu.memory_space<vmem>> -> memref<1x128xi32, #tpu.memory_space<vmem>>
    %dma_start3A_98 = tpu.memref_squeeze %dma_start3A_97 : memref<1x128xi32, #tpu.memory_space<vmem>> -> memref<128xi32, #tpu.memory_space<vmem>>
    %dma_start3A_99 = arith.constant 0 : i32
    %dma_start3A_100 = tpu.memref_slice %arg3[%add3A, %dma_start3A_88, %dma_start3A_99] : memref<32x80x128xi32, #tpu.memory_space<hbm>> -> memref<1x1x128xi32, #tpu.memory_space<hbm>>
    %dma_start3A_101 = tpu.memref_squeeze %dma_start3A_100 : memref<1x1x128xi32, #tpu.memory_space<hbm>> -> memref<128xi32, #tpu.memory_space<hbm>>
    tpu.enqueue_dma source(%dma_start3A_101 : memref<128xi32, #tpu.memory_space<hbm>>) target(%dma_start3A_98 : memref<128xi32, #tpu.memory_space<vmem>>) target_semaphore(%arg18 : memref<!tpu.dma_semaphore, #tpu.memory_space<semaphore_mem>>)
    %dma_start3A_102 = arith.constant 2 : i32
    %dma_start3A_103 = arith.constant 2 : i32
    %dma_start3A_104 = arith.constant 0 : i32
    %dma_start3A_105 = tpu.memref_slice %arg8[%dma_start3A_103, %dma_start3A_104] : memref<4x128xi32, #tpu.memory_space<vmem>> -> memref<1x128xi32, #tpu.memory_space<vmem>>
    %dma_start3A_106 = tpu.memref_squeeze %dma_start3A_105 : memref<1x128xi32, #tpu.memory_space<vmem>> -> memref<128xi32, #tpu.memory_space<vmem>>
    %dma_start3A_107 = arith.constant 0 : i32
    %dma_start3A_108 = tpu.memref_slice %arg4[%add3A, %dma_start3A_102, %dma_start3A_107] : memref<32x80x128xi32, #tpu.memory_space<hbm>> -> memref<1x1x128xi32, #tpu.memory_space<hbm>>
    %dma_start3A_109 = tpu.memref_squeeze %dma_start3A_108 : memref<1x1x128xi32, #tpu.memory_space<hbm>> -> memref<128xi32, #tpu.memory_space<hbm>>
    %dma_start3A_110 = arith.constant 0 : i32
    %dma_start3A_111 = tpu.memref_slice %arg8[%dma_start3A_103, %dma_start3A_110] : memref<4x128xi32, #tpu.memory_space<vmem>> -> memref<1x128xi32, #tpu.memory_space<vmem>>
    %dma_start3A_112 = tpu.memref_squeeze %dma_start3A_111 : memref<1x128xi32, #tpu.memory_space<vmem>> -> memref<128xi32, #tpu.memory_space<vmem>>
    %dma_start3A_113 = arith.constant 0 : i32
    %dma_start3A_114 = tpu.memref_slice %arg4[%add3A, %dma_start3A_102, %dma_start3A_113] : memref<32x80x128xi32, #tpu.memory_space<hbm>> -> memref<1x1x128xi32, #tpu.memory_space<hbm>>
    %dma_start3A_115 = tpu.memref_squeeze %dma_start3A_114 : memref<1x1x128xi32, #tpu.memory_space<hbm>> -> memref<128xi32, #tpu.memory_space<hbm>>
    tpu.enqueue_dma source(%dma_start3A_115 : memref<128xi32, #tpu.memory_space<hbm>>) target(%dma_start3A_112 : memref<128xi32, #tpu.memory_space<vmem>>) target_semaphore(%arg18 : memref<!tpu.dma_semaphore, #tpu.memory_space<semaphore_mem>>)
    %dma_start3A_116 = arith.constant 2 : i32
    %dma_start3A_117 = arith.constant 2 : i32
    %dma_start3A_118 = arith.constant 0 : i32
    %dma_start3A_119 = tpu.memref_slice %arg9[%dma_start3A_117, %dma_start3A_118] : memref<4x128xf32, #tpu.memory_space<vmem>> -> memref<1x128xf32, #tpu.memory_space<vmem>>
    %dma_start3A_120 = tpu.memref_squeeze %dma_start3A_119 : memref<1x128xf32, #tpu.memory_space<vmem>> -> memref<128xf32, #tpu.memory_space<vmem>>
    %dma_start3A_121 = arith.constant 0 : i32
    %dma_start3A_122 = tpu.memref_slice %arg5[%add3A, %dma_start3A_116, %dma_start3A_121] : memref<32x80x128xf32, #tpu.memory_space<hbm>> -> memref<1x1x128xf32, #tpu.memory_space<hbm>>
    %dma_start3A_123 = tpu.memref_squeeze %dma_start3A_122 : memref<1x1x128xf32, #tpu.memory_space<hbm>> -> memref<128xf32, #tpu.memory_space<hbm>>
    %dma_start3A_124 = arith.constant 0 : i32
    %dma_start3A_125 = tpu.memref_slice %arg9[%dma_start3A_117, %dma_start3A_124] : memref<4x128xf32, #tpu.memory_space<vmem>> -> memref<1x128xf32, #tpu.memory_space<vmem>>
    %dma_start3A_126 = tpu.memref_squeeze %dma_start3A_125 : memref<1x128xf32, #tpu.memory_space<vmem>> -> memref<128xf32, #tpu.memory_space<vmem>>
    %dma_start3A_127 = arith.constant 0 : i32
    %dma_start3A_128 = tpu.memref_slice %arg5[%add3A, %dma_start3A_116, %dma_start3A_127] : memref<32x80x128xf32, #tpu.memory_space<hbm>> -> memref<1x1x128xf32, #tpu.memory_space<hbm>>
    %dma_start3A_129 = tpu.memref_squeeze %dma_start3A_128 : memref<1x1x128xf32, #tpu.memory_space<hbm>> -> memref<128xf32, #tpu.memory_space<hbm>>
    tpu.enqueue_dma source(%dma_start3A_129 : memref<128xf32, #tpu.memory_space<hbm>>) target(%dma_start3A_126 : memref<128xf32, #tpu.memory_space<vmem>>) target_semaphore(%arg18 : memref<!tpu.dma_semaphore, #tpu.memory_space<semaphore_mem>>)
    %dma_start3A_130 = arith.constant 3 : i32
    %dma_start3A_131 = arith.constant 3 : i32
    %dma_start3A_132 = arith.constant 0 : i32
    %dma_start3A_133 = tpu.memref_slice %arg7[%dma_start3A_131, %dma_start3A_132] : memref<4x128xi32, #tpu.memory_space<vmem>> -> memref<1x128xi32, #tpu.memory_space<vmem>>
    %dma_start3A_134 = tpu.memref_squeeze %dma_start3A_133 : memref<1x128xi32, #tpu.memory_space<vmem>> -> memref<128xi32, #tpu.memory_space<vmem>>
    %dma_start3A_135 = arith.constant 0 : i32
    %dma_start3A_136 = tpu.memref_slice %arg3[%add3A, %dma_start3A_130, %dma_start3A_135] : memref<32x80x128xi32, #tpu.memory_space<hbm>> -> memref<1x1x128xi32, #tpu.memory_space<hbm>>
    %dma_start3A_137 = tpu.memref_squeeze %dma_start3A_136 : memref<1x1x128xi32, #tpu.memory_space<hbm>> -> memref<128xi32, #tpu.memory_space<hbm>>
    %dma_start3A_138 = arith.constant 0 : i32
    %dma_start3A_139 = tpu.memref_slice %arg7[%dma_start3A_131, %dma_start3A_138] : memref<4x128xi32, #tpu.memory_space<vmem>> -> memref<1x128xi32, #tpu.memory_space<vmem>>
    %dma_start3A_140 = tpu.memref_squeeze %dma_start3A_139 : memref<1x128xi32, #tpu.memory_space<vmem>> -> memref<128xi32, #tpu.memory_space<vmem>>
    %dma_start3A_141 = arith.constant 0 : i32
    %dma_start3A_142 = tpu.memref_slice %arg3[%add3A, %dma_start3A_130, %dma_start3A_141] : memref<32x80x128xi32, #tpu.memory_space<hbm>> -> memref<1x1x128xi32, #tpu.memory_space<hbm>>
    %dma_start3A_143 = tpu.memref_squeeze %dma_start3A_142 : memref<1x1x128xi32, #tpu.memory_space<hbm>> -> memref<128xi32, #tpu.memory_space<hbm>>
    tpu.enqueue_dma source(%dma_start3A_143 : memref<128xi32, #tpu.memory_space<hbm>>) target(%dma_start3A_140 : memref<128xi32, #tpu.memory_space<vmem>>) target_semaphore(%arg19 : memref<!tpu.dma_semaphore, #tpu.memory_space<semaphore_mem>>)
    %dma_start3A_144 = arith.constant 3 : i32
    %dma_start3A_145 = arith.constant 3 : i32
    %dma_start3A_146 = arith.constant 0 : i32
    %dma_start3A_147 = tpu.memref_slice %arg8[%dma_start3A_145, %dma_start3A_146] : memref<4x128xi32, #tpu.memory_space<vmem>> -> memref<1x128xi32, #tpu.memory_space<vmem>>
    %dma_start3A_148 = tpu.memref_squeeze %dma_start3A_147 : memref<1x128xi32, #tpu.memory_space<vmem>> -> memref<128xi32, #tpu.memory_space<vmem>>
    %dma_start3A_149 = arith.constant 0 : i32
    %dma_start3A_150 = tpu.memref_slice %arg4[%add3A, %dma_start3A_144, %dma_start3A_149] : memref<32x80x128xi32, #tpu.memory_space<hbm>> -> memref<1x1x128xi32, #tpu.memory_space<hbm>>
    %dma_start3A_151 = tpu.memref_squeeze %dma_start3A_150 : memref<1x1x128xi32, #tpu.memory_space<hbm>> -> memref<128xi32, #tpu.memory_space<hbm>>
    %dma_start3A_152 = arith.constant 0 : i32
    %dma_start3A_153 = tpu.memref_slice %arg8[%dma_start3A_145, %dma_start3A_152] : memref<4x128xi32, #tpu.memory_space<vmem>> -> memref<1x128xi32, #tpu.memory_space<vmem>>
    %dma_start3A_154 = tpu.memref_squeeze %dma_start3A_153 : memref<1x128xi32, #tpu.memory_space<vmem>> -> memref<128xi32, #tpu.memory_space<vmem>>
    %dma_start3A_155 = arith.constant 0 : i32
    %dma_start3A_156 = tpu.memref_slice %arg4[%add3A, %dma_start3A_144, %dma_start3A_155] : memref<32x80x128xi32, #tpu.memory_space<hbm>> -> memref<1x1x128xi32, #tpu.memory_space<hbm>>
    %dma_start3A_157 = tpu.memref_squeeze %dma_start3A_156 : memref<1x1x128xi32, #tpu.memory_space<hbm>> -> memref<128xi32, #tpu.memory_space<hbm>>
    tpu.enqueue_dma source(%dma_start3A_157 : memref<128xi32, #tpu.memory_space<hbm>>) target(%dma_start3A_154 : memref<128xi32, #tpu.memory_space<vmem>>) target_semaphore(%arg19 : memref<!tpu.dma_semaphore, #tpu.memory_space<semaphore_mem>>)
    %dma_start3A_158 = arith.constant 3 : i32
    %dma_start3A_159 = arith.constant 3 : i32
    %dma_start3A_160 = arith.constant 0 : i32
    %dma_start3A_161 = tpu.memref_slice %arg9[%dma_start3A_159, %dma_start3A_160] : memref<4x128xf32, #tpu.memory_space<vmem>> -> memref<1x128xf32, #tpu.memory_space<vmem>>
    %dma_start3A_162 = tpu.memref_squeeze %dma_start3A_161 : memref<1x128xf32, #tpu.memory_space<vmem>> -> memref<128xf32, #tpu.memory_space<vmem>>
    %dma_start3A_163 = arith.constant 0 : i32
    %dma_start3A_164 = tpu.memref_slice %arg5[%add3A, %dma_start3A_158, %dma_start3A_163] : memref<32x80x128xf32, #tpu.memory_space<hbm>> -> memref<1x1x128xf32, #tpu.memory_space<hbm>>
    %dma_start3A_165 = tpu.memref_squeeze %dma_start3A_164 : memref<1x1x128xf32, #tpu.memory_space<hbm>> -> memref<128xf32, #tpu.memory_space<hbm>>
    %dma_start3A_166 = arith.constant 0 : i32
    %dma_start3A_167 = tpu.memref_slice %arg9[%dma_start3A_159, %dma_start3A_166] : memref<4x128xf32, #tpu.memory_space<vmem>> -> memref<1x128xf32, #tpu.memory_space<vmem>>
    %dma_start3A_168 = tpu.memref_squeeze %dma_start3A_167 : memref<1x128xf32, #tpu.memory_space<vmem>> -> memref<128xf32, #tpu.memory_space<vmem>>
    %dma_start3A_169 = arith.constant 0 : i32
    %dma_start3A_170 = tpu.memref_slice %arg5[%add3A, %dma_start3A_158, %dma_start3A_169] : memref<32x80x128xf32, #tpu.memory_space<hbm>> -> memref<1x1x128xf32, #tpu.memory_space<hbm>>
    %dma_start3A_171 = tpu.memref_squeeze %dma_start3A_170 : memref<1x1x128xf32, #tpu.memory_space<hbm>> -> memref<128xf32, #tpu.memory_space<hbm>>
    tpu.enqueue_dma source(%dma_start3A_171 : memref<128xf32, #tpu.memory_space<hbm>>) target(%dma_start3A_168 : memref<128xf32, #tpu.memory_space<vmem>>) target_semaphore(%arg19 : memref<!tpu.dma_semaphore, #tpu.memory_space<semaphore_mem>>)
    %dma_wait3A = arith.constant 0 : i32
    %dma_wait3A_172 = arith.constant 0 : i32
    %dma_wait3A_173 = arith.constant 0 : i32
    %dma_wait3A_174 = tpu.memref_slice %arg7[%dma_wait3A_172, %dma_wait3A_173] : memref<4x128xi32, #tpu.memory_space<vmem>> -> memref<1x128xi32, #tpu.memory_space<vmem>>
    %dma_wait3A_175 = tpu.memref_squeeze %dma_wait3A_174 : memref<1x128xi32, #tpu.memory_space<vmem>> -> memref<128xi32, #tpu.memory_space<vmem>>
    %dma_wait3A_176 = arith.constant 0 : i32
    %dma_wait3A_177 = tpu.memref_slice %arg3[%add3A, %dma_wait3A, %dma_wait3A_176] : memref<32x80x128xi32, #tpu.memory_space<hbm>> -> memref<1x1x128xi32, #tpu.memory_space<hbm>>
    %dma_wait3A_178 = tpu.memref_squeeze %dma_wait3A_177 : memref<1x1x128xi32, #tpu.memory_space<hbm>> -> memref<128xi32, #tpu.memory_space<hbm>>
    %dma_wait3A_179 = arith.constant 0 : i32
    %dma_wait3A_180 = tpu.memref_slice %arg7[%dma_wait3A_172, %dma_wait3A_179] : memref<4x128xi32, #tpu.memory_space<vmem>> -> memref<1x128xi32, #tpu.memory_space<vmem>>
    %dma_wait3A_181 = tpu.memref_squeeze %dma_wait3A_180 : memref<1x128xi32, #tpu.memory_space<vmem>> -> memref<128xi32, #tpu.memory_space<vmem>>
    %dma_wait3A_182 = arith.constant 0 : i32
    %dma_wait3A_183 = tpu.memref_slice %arg3[%add3A, %dma_wait3A, %dma_wait3A_182] : memref<32x80x128xi32, #tpu.memory_space<hbm>> -> memref<1x1x128xi32, #tpu.memory_space<hbm>>
    %dma_wait3A_184 = tpu.memref_squeeze %dma_wait3A_183 : memref<1x1x128xi32, #tpu.memory_space<hbm>> -> memref<128xi32, #tpu.memory_space<hbm>>
    tpu.wait_dma2 semaphore(%arg16 : memref<!tpu.dma_semaphore, #tpu.memory_space<semaphore_mem>>) src(%dma_wait3A_184 : memref<128xi32, #tpu.memory_space<hbm>>) dst(%dma_wait3A_181 : memref<128xi32, #tpu.memory_space<vmem>>)
    %dma_wait3A_185 = arith.constant 0 : i32
    %dma_wait3A_186 = arith.constant 0 : i32
    %dma_wait3A_187 = arith.constant 0 : i32
    %dma_wait3A_188 = tpu.memref_slice %arg8[%dma_wait3A_186, %dma_wait3A_187] : memref<4x128xi32, #tpu.memory_space<vmem>> -> memref<1x128xi32, #tpu.memory_space<vmem>>
    %dma_wait3A_189 = tpu.memref_squeeze %dma_wait3A_188 : memref<1x128xi32, #tpu.memory_space<vmem>> -> memref<128xi32, #tpu.memory_space<vmem>>
    %dma_wait3A_190 = arith.constant 0 : i32
    %dma_wait3A_191 = tpu.memref_slice %arg4[%add3A, %dma_wait3A_185, %dma_wait3A_190] : memref<32x80x128xi32, #tpu.memory_space<hbm>> -> memref<1x1x128xi32, #tpu.memory_space<hbm>>
    %dma_wait3A_192 = tpu.memref_squeeze %dma_wait3A_191 : memref<1x1x128xi32, #tpu.memory_space<hbm>> -> memref<128xi32, #tpu.memory_space<hbm>>
    %dma_wait3A_193 = arith.constant 0 : i32
    %dma_wait3A_194 = tpu.memref_slice %arg8[%dma_wait3A_186, %dma_wait3A_193] : memref<4x128xi32, #tpu.memory_space<vmem>> -> memref<1x128xi32, #tpu.memory_space<vmem>>
    %dma_wait3A_195 = tpu.memref_squeeze %dma_wait3A_194 : memref<1x128xi32, #tpu.memory_space<vmem>> -> memref<128xi32, #tpu.memory_space<vmem>>
    %dma_wait3A_196 = arith.constant 0 : i32
    %dma_wait3A_197 = tpu.memref_slice %arg4[%add3A, %dma_wait3A_185, %dma_wait3A_196] : memref<32x80x128xi32, #tpu.memory_space<hbm>> -> memref<1x1x128xi32, #tpu.memory_space<hbm>>
    %dma_wait3A_198 = tpu.memref_squeeze %dma_wait3A_197 : memref<1x1x128xi32, #tpu.memory_space<hbm>> -> memref<128xi32, #tpu.memory_space<hbm>>
    tpu.wait_dma2 semaphore(%arg16 : memref<!tpu.dma_semaphore, #tpu.memory_space<semaphore_mem>>) src(%dma_wait3A_198 : memref<128xi32, #tpu.memory_space<hbm>>) dst(%dma_wait3A_195 : memref<128xi32, #tpu.memory_space<vmem>>)
    %dma_wait3A_199 = arith.constant 0 : i32
    %dma_wait3A_200 = arith.constant 0 : i32
    %dma_wait3A_201 = arith.constant 0 : i32
    %dma_wait3A_202 = tpu.memref_slice %arg9[%dma_wait3A_200, %dma_wait3A_201] : memref<4x128xf32, #tpu.memory_space<vmem>> -> memref<1x128xf32, #tpu.memory_space<vmem>>
    %dma_wait3A_203 = tpu.memref_squeeze %dma_wait3A_202 : memref<1x128xf32, #tpu.memory_space<vmem>> -> memref<128xf32, #tpu.memory_space<vmem>>
    %dma_wait3A_204 = arith.constant 0 : i32
    %dma_wait3A_205 = tpu.memref_slice %arg5[%add3A, %dma_wait3A_199, %dma_wait3A_204] : memref<32x80x128xf32, #tpu.memory_space<hbm>> -> memref<1x1x128xf32, #tpu.memory_space<hbm>>
    %dma_wait3A_206 = tpu.memref_squeeze %dma_wait3A_205 : memref<1x1x128xf32, #tpu.memory_space<hbm>> -> memref<128xf32, #tpu.memory_space<hbm>>
    %dma_wait3A_207 = arith.constant 0 : i32
    %dma_wait3A_208 = tpu.memref_slice %arg9[%dma_wait3A_200, %dma_wait3A_207] : memref<4x128xf32, #tpu.memory_space<vmem>> -> memref<1x128xf32, #tpu.memory_space<vmem>>
    %dma_wait3A_209 = tpu.memref_squeeze %dma_wait3A_208 : memref<1x128xf32, #tpu.memory_space<vmem>> -> memref<128xf32, #tpu.memory_space<vmem>>
    %dma_wait3A_210 = arith.constant 0 : i32
    %dma_wait3A_211 = tpu.memref_slice %arg5[%add3A, %dma_wait3A_199, %dma_wait3A_210] : memref<32x80x128xf32, #tpu.memory_space<hbm>> -> memref<1x1x128xf32, #tpu.memory_space<hbm>>
    %dma_wait3A_212 = tpu.memref_squeeze %dma_wait3A_211 : memref<1x1x128xf32, #tpu.memory_space<hbm>> -> memref<128xf32, #tpu.memory_space<hbm>>
    tpu.wait_dma2 semaphore(%arg16 : memref<!tpu.dma_semaphore, #tpu.memory_space<semaphore_mem>>) src(%dma_wait3A_212 : memref<128xf32, #tpu.memory_space<hbm>>) dst(%dma_wait3A_209 : memref<128xf32, #tpu.memory_space<vmem>>)
    %dma_start3A_213 = arith.constant 0 : i32
    %dma_start3A_214 = arith.constant 0 : i32
    %dma_start3A_215 = arith.constant 0 : i32
    %dma_start3A_216 = arith.constant 0 : i32
    %dma_start3A_217 = tpu.memref_slice %arg10[%dma_start3A_214, %dma_start3A_215, %dma_start3A_216] : memref<2x128x128xf32, #tpu.memory_space<vmem>> -> memref<1x128x128xf32, #tpu.memory_space<vmem>>
    %dma_start3A_218 = tpu.memref_squeeze %dma_start3A_217 : memref<1x128x128xf32, #tpu.memory_space<vmem>> -> memref<128x128xf32, #tpu.memory_space<vmem>>
    %dma_start3A_219 = arith.constant 0 : i32
    %dma_start3A_220 = tpu.memref_slice %arg7[%dma_start3A_213, %dma_start3A_219] : memref<4x128xi32, #tpu.memory_space<vmem>> -> memref<1x128xi32, #tpu.memory_space<vmem>>
    %dma_start3A_221 = tpu.memref_squeeze %dma_start3A_220 : memref<1x128xi32, #tpu.memory_space<vmem>> -> memref<128xi32, #tpu.memory_space<vmem>>
    %dma_start3A_222 = arith.constant 0 : i32
    %dma_start3A_223 = arith.constant 0 : i32
    %dma_start3A_224 = tpu.memref_slice %arg11[%dma_start3A_222, %dma_start3A_223] : memref<10240x128xf32, #tpu.memory_space<vmem_shared>> -> memref<10240x128xf32, #tpu.memory_space<vmem_shared>>
    tpu.enqueue_indirect_dma source(%dma_start3A_224 : memref<10240x128xf32, #tpu.memory_space<vmem_shared>>) target(%dma_start3A_218 : memref<128x128xf32, #tpu.memory_space<vmem>>) offsets(%dma_start3A_221 : memref<128xi32, #tpu.memory_space<vmem>>) semaphore(%arg12 : memref<!tpu.dma_semaphore, #tpu.memory_space<semaphore_mem>>)
    %dma_wait3A_225 = arith.constant 1 : i32
    %dma_wait3A_226 = arith.constant 1 : i32
    %dma_wait3A_227 = arith.constant 0 : i32
    %dma_wait3A_228 = tpu.memref_slice %arg7[%dma_wait3A_226, %dma_wait3A_227] : memref<4x128xi32, #tpu.memory_space<vmem>> -> memref<1x128xi32, #tpu.memory_space<vmem>>
    %dma_wait3A_229 = tpu.memref_squeeze %dma_wait3A_228 : memref<1x128xi32, #tpu.memory_space<vmem>> -> memref<128xi32, #tpu.memory_space<vmem>>
    %dma_wait3A_230 = arith.constant 0 : i32
    %dma_wait3A_231 = tpu.memref_slice %arg3[%add3A, %dma_wait3A_225, %dma_wait3A_230] : memref<32x80x128xi32, #tpu.memory_space<hbm>> -> memref<1x1x128xi32, #tpu.memory_space<hbm>>
    %dma_wait3A_232 = tpu.memref_squeeze %dma_wait3A_231 : memref<1x1x128xi32, #tpu.memory_space<hbm>> -> memref<128xi32, #tpu.memory_space<hbm>>
    %dma_wait3A_233 = arith.constant 0 : i32
    %dma_wait3A_234 = tpu.memref_slice %arg7[%dma_wait3A_226, %dma_wait3A_233] : memref<4x128xi32, #tpu.memory_space<vmem>> -> memref<1x128xi32, #tpu.memory_space<vmem>>
    %dma_wait3A_235 = tpu.memref_squeeze %dma_wait3A_234 : memref<1x128xi32, #tpu.memory_space<vmem>> -> memref<128xi32, #tpu.memory_space<vmem>>
    %dma_wait3A_236 = arith.constant 0 : i32
    %dma_wait3A_237 = tpu.memref_slice %arg3[%add3A, %dma_wait3A_225, %dma_wait3A_236] : memref<32x80x128xi32, #tpu.memory_space<hbm>> -> memref<1x1x128xi32, #tpu.memory_space<hbm>>
    %dma_wait3A_238 = tpu.memref_squeeze %dma_wait3A_237 : memref<1x1x128xi32, #tpu.memory_space<hbm>> -> memref<128xi32, #tpu.memory_space<hbm>>
    tpu.wait_dma2 semaphore(%arg17 : memref<!tpu.dma_semaphore, #tpu.memory_space<semaphore_mem>>) src(%dma_wait3A_238 : memref<128xi32, #tpu.memory_space<hbm>>) dst(%dma_wait3A_235 : memref<128xi32, #tpu.memory_space<vmem>>)
    %dma_wait3A_239 = arith.constant 1 : i32
    %dma_wait3A_240 = arith.constant 1 : i32
    %dma_wait3A_241 = arith.constant 0 : i32
    %dma_wait3A_242 = tpu.memref_slice %arg8[%dma_wait3A_240, %dma_wait3A_241] : memref<4x128xi32, #tpu.memory_space<vmem>> -> memref<1x128xi32, #tpu.memory_space<vmem>>
    %dma_wait3A_243 = tpu.memref_squeeze %dma_wait3A_242 : memref<1x128xi32, #tpu.memory_space<vmem>> -> memref<128xi32, #tpu.memory_space<vmem>>
    %dma_wait3A_244 = arith.constant 0 : i32
    %dma_wait3A_245 = tpu.memref_slice %arg4[%add3A, %dma_wait3A_239, %dma_wait3A_244] : memref<32x80x128xi32, #tpu.memory_space<hbm>> -> memref<1x1x128xi32, #tpu.memory_space<hbm>>
    %dma_wait3A_246 = tpu.memref_squeeze %dma_wait3A_245 : memref<1x1x128xi32, #tpu.memory_space<hbm>> -> memref<128xi32, #tpu.memory_space<hbm>>
    %dma_wait3A_247 = arith.constant 0 : i32
    %dma_wait3A_248 = tpu.memref_slice %arg8[%dma_wait3A_240, %dma_wait3A_247] : memref<4x128xi32, #tpu.memory_space<vmem>> -> memref<1x128xi32, #tpu.memory_space<vmem>>
    %dma_wait3A_249 = tpu.memref_squeeze %dma_wait3A_248 : memref<1x128xi32, #tpu.memory_space<vmem>> -> memref<128xi32, #tpu.memory_space<vmem>>
    %dma_wait3A_250 = arith.constant 0 : i32
    %dma_wait3A_251 = tpu.memref_slice %arg4[%add3A, %dma_wait3A_239, %dma_wait3A_250] : memref<32x80x128xi32, #tpu.memory_space<hbm>> -> memref<1x1x128xi32, #tpu.memory_space<hbm>>
    %dma_wait3A_252 = tpu.memref_squeeze %dma_wait3A_251 : memref<1x1x128xi32, #tpu.memory_space<hbm>> -> memref<128xi32, #tpu.memory_space<hbm>>
    tpu.wait_dma2 semaphore(%arg17 : memref<!tpu.dma_semaphore, #tpu.memory_space<semaphore_mem>>) src(%dma_wait3A_252 : memref<128xi32, #tpu.memory_space<hbm>>) dst(%dma_wait3A_249 : memref<128xi32, #tpu.memory_space<vmem>>)
    %dma_wait3A_253 = arith.constant 1 : i32
    %dma_wait3A_254 = arith.constant 1 : i32
    %dma_wait3A_255 = arith.constant 0 : i32
    %dma_wait3A_256 = tpu.memref_slice %arg9[%dma_wait3A_254, %dma_wait3A_255] : memref<4x128xf32, #tpu.memory_space<vmem>> -> memref<1x128xf32, #tpu.memory_space<vmem>>
    %dma_wait3A_257 = tpu.memref_squeeze %dma_wait3A_256 : memref<1x128xf32, #tpu.memory_space<vmem>> -> memref<128xf32, #tpu.memory_space<vmem>>
    %dma_wait3A_258 = arith.constant 0 : i32
    %dma_wait3A_259 = tpu.memref_slice %arg5[%add3A, %dma_wait3A_253, %dma_wait3A_258] : memref<32x80x128xf32, #tpu.memory_space<hbm>> -> memref<1x1x128xf32, #tpu.memory_space<hbm>>
    %dma_wait3A_260 = tpu.memref_squeeze %dma_wait3A_259 : memref<1x1x128xf32, #tpu.memory_space<hbm>> -> memref<128xf32, #tpu.memory_space<hbm>>
    %dma_wait3A_261 = arith.constant 0 : i32
    %dma_wait3A_262 = tpu.memref_slice %arg9[%dma_wait3A_254, %dma_wait3A_261] : memref<4x128xf32, #tpu.memory_space<vmem>> -> memref<1x128xf32, #tpu.memory_space<vmem>>
    %dma_wait3A_263 = tpu.memref_squeeze %dma_wait3A_262 : memref<1x128xf32, #tpu.memory_space<vmem>> -> memref<128xf32, #tpu.memory_space<vmem>>
    %dma_wait3A_264 = arith.constant 0 : i32
    %dma_wait3A_265 = tpu.memref_slice %arg5[%add3A, %dma_wait3A_253, %dma_wait3A_264] : memref<32x80x128xf32, #tpu.memory_space<hbm>> -> memref<1x1x128xf32, #tpu.memory_space<hbm>>
    %dma_wait3A_266 = tpu.memref_squeeze %dma_wait3A_265 : memref<1x1x128xf32, #tpu.memory_space<hbm>> -> memref<128xf32, #tpu.memory_space<hbm>>
    tpu.wait_dma2 semaphore(%arg17 : memref<!tpu.dma_semaphore, #tpu.memory_space<semaphore_mem>>) src(%dma_wait3A_266 : memref<128xf32, #tpu.memory_space<hbm>>) dst(%dma_wait3A_263 : memref<128xf32, #tpu.memory_space<vmem>>)
    %dma_start3A_267 = arith.constant 1 : i32
    %dma_start3A_268 = arith.constant 1 : i32
    %dma_start3A_269 = arith.constant 0 : i32
    %dma_start3A_270 = arith.constant 0 : i32
    %dma_start3A_271 = tpu.memref_slice %arg10[%dma_start3A_268, %dma_start3A_269, %dma_start3A_270] : memref<2x128x128xf32, #tpu.memory_space<vmem>> -> memref<1x128x128xf32, #tpu.memory_space<vmem>>
    %dma_start3A_272 = tpu.memref_squeeze %dma_start3A_271 : memref<1x128x128xf32, #tpu.memory_space<vmem>> -> memref<128x128xf32, #tpu.memory_space<vmem>>
    %dma_start3A_273 = arith.constant 0 : i32
    %dma_start3A_274 = tpu.memref_slice %arg7[%dma_start3A_267, %dma_start3A_273] : memref<4x128xi32, #tpu.memory_space<vmem>> -> memref<1x128xi32, #tpu.memory_space<vmem>>
    %dma_start3A_275 = tpu.memref_squeeze %dma_start3A_274 : memref<1x128xi32, #tpu.memory_space<vmem>> -> memref<128xi32, #tpu.memory_space<vmem>>
    %dma_start3A_276 = arith.constant 0 : i32
    %dma_start3A_277 = arith.constant 0 : i32
    %dma_start3A_278 = tpu.memref_slice %arg11[%dma_start3A_276, %dma_start3A_277] : memref<10240x128xf32, #tpu.memory_space<vmem_shared>> -> memref<10240x128xf32, #tpu.memory_space<vmem_shared>>
    tpu.enqueue_indirect_dma source(%dma_start3A_278 : memref<10240x128xf32, #tpu.memory_space<vmem_shared>>) target(%dma_start3A_272 : memref<128x128xf32, #tpu.memory_space<vmem>>) offsets(%dma_start3A_275 : memref<128xi32, #tpu.memory_space<vmem>>) semaphore(%arg13 : memref<!tpu.dma_semaphore, #tpu.memory_space<semaphore_mem>>)
    %scan3A = arith.constant 0 : i32
    %scan3A_279 = arith.constant 0 : i32
    %scan3A_280 = arith.constant 20 : i32
    %scan3A_281 = arith.addi %scan3A_279, %scan3A_280 : i32
    %scan3A_282 = arith.constant 1 : i32
    scf.for %scan3A_289 = %scan3A_279 to %scan3A_281 step %scan3A_282  : i32 {
      %mul3A_290 = arith.constant 2 : i32
      %mul3A_291 = arith.muli %scan3A_289, %mul3A_290 : i32
      %add3A_292 = arith.constant 0 : i32
      %add3A_293 = arith.addi %mul3A_291, %add3A_292 : i32
      %mul3A_294 = arith.constant 2 : i32
      %mul3A_295 = arith.muli %add3A_293, %mul3A_294 : i32
      %add3A_296 = arith.constant 0 : i32
      %add3A_297 = arith.addi %mul3A_295, %add3A_296 : i32
      %dma_wait3A_298 = arith.constant 0 : i32
      %dma_wait3A_299 = arith.constant 0 : i32
      %dma_wait3A_300 = arith.constant 0 : i32
      %dma_wait3A_301 = arith.constant 0 : i32
      %dma_wait3A_302 = tpu.memref_slice %arg10[%dma_wait3A_299, %dma_wait3A_300, %dma_wait3A_301] : memref<2x128x128xf32, #tpu.memory_space<vmem>> -> memref<1x128x128xf32, #tpu.memory_space<vmem>>
      %dma_wait3A_303 = tpu.memref_squeeze %dma_wait3A_302 : memref<1x128x128xf32, #tpu.memory_space<vmem>> -> memref<128x128xf32, #tpu.memory_space<vmem>>
      %dma_wait3A_304 = arith.constant 0 : i32
      %dma_wait3A_305 = tpu.memref_slice %arg7[%dma_wait3A_298, %dma_wait3A_304] : memref<4x128xi32, #tpu.memory_space<vmem>> -> memref<1x128xi32, #tpu.memory_space<vmem>>
      %dma_wait3A_306 = tpu.memref_squeeze %dma_wait3A_305 : memref<1x128xi32, #tpu.memory_space<vmem>> -> memref<128xi32, #tpu.memory_space<vmem>>
      %dma_wait3A_307 = arith.constant 0 : i32
      %dma_wait3A_308 = arith.constant 0 : i32
      %dma_wait3A_309 = tpu.memref_slice %arg11[%dma_wait3A_307, %dma_wait3A_308] : memref<10240x128xf32, #tpu.memory_space<vmem_shared>> -> memref<10240x128xf32, #tpu.memory_space<vmem_shared>>
      tpu.wait_indirect_dma semaphore(%arg12 : memref<!tpu.dma_semaphore, #tpu.memory_space<semaphore_mem>>) src(%dma_wait3A_309 : memref<10240x128xf32, #tpu.memory_space<vmem_shared>>) dst(%dma_wait3A_303 : memref<128x128xf32, #tpu.memory_space<vmem>>)
      %add3A_310 = arith.constant 2 : i32
      %add3A_311 = arith.addi %add3A_297, %add3A_310 : i32
      %lt3A = arith.constant 80 : i32
      %lt3A_312 = arith.cmpi slt, %add3A_311, %lt3A : i32
      %convert_element_type3A = arith.extui %lt3A_312 : i1 to i32
      %cond3A = arith.constant 0 : i32
      %cond3A_313 = arith.cmpi ne, %convert_element_type3A, %cond3A : i32
      scf.if %cond3A_313 {
        %add3A_423 = arith.constant 2 : i32
        %add3A_424 = arith.addi %add3A_297, %add3A_423 : i32
        %dma_wait3A_425 = arith.constant 2 : i32
        %dma_wait3A_426 = arith.constant 0 : i32
        %dma_wait3A_427 = tpu.memref_slice %arg7[%dma_wait3A_425, %dma_wait3A_426] : memref<4x128xi32, #tpu.memory_space<vmem>> -> memref<1x128xi32, #tpu.memory_space<vmem>>
        %dma_wait3A_428 = tpu.memref_squeeze %dma_wait3A_427 : memref<1x128xi32, #tpu.memory_space<vmem>> -> memref<128xi32, #tpu.memory_space<vmem>>
        %dma_wait3A_429 = arith.constant 0 : i32
        %dma_wait3A_430 = tpu.memref_slice %arg3[%add3A, %add3A_424, %dma_wait3A_429] : memref<32x80x128xi32, #tpu.memory_space<hbm>> -> memref<1x1x128xi32, #tpu.memory_space<hbm>>
        %dma_wait3A_431 = tpu.memref_squeeze %dma_wait3A_430 : memref<1x1x128xi32, #tpu.memory_space<hbm>> -> memref<128xi32, #tpu.memory_space<hbm>>
        %dma_wait3A_432 = arith.constant 0 : i32
        %dma_wait3A_433 = tpu.memref_slice %arg7[%dma_wait3A_425, %dma_wait3A_432] : memref<4x128xi32, #tpu.memory_space<vmem>> -> memref<1x128xi32, #tpu.memory_space<vmem>>
        %dma_wait3A_434 = tpu.memref_squeeze %dma_wait3A_433 : memref<1x128xi32, #tpu.memory_space<vmem>> -> memref<128xi32, #tpu.memory_space<vmem>>
        %dma_wait3A_435 = arith.constant 0 : i32
        %dma_wait3A_436 = tpu.memref_slice %arg3[%add3A, %add3A_424, %dma_wait3A_435] : memref<32x80x128xi32, #tpu.memory_space<hbm>> -> memref<1x1x128xi32, #tpu.memory_space<hbm>>
        %dma_wait3A_437 = tpu.memref_squeeze %dma_wait3A_436 : memref<1x1x128xi32, #tpu.memory_space<hbm>> -> memref<128xi32, #tpu.memory_space<hbm>>
        tpu.wait_dma2 semaphore(%arg18 : memref<!tpu.dma_semaphore, #tpu.memory_space<semaphore_mem>>) src(%dma_wait3A_437 : memref<128xi32, #tpu.memory_space<hbm>>) dst(%dma_wait3A_434 : memref<128xi32, #tpu.memory_space<vmem>>)
        %dma_wait3A_438 = arith.constant 2 : i32
        %dma_wait3A_439 = arith.constant 0 : i32
        %dma_wait3A_440 = tpu.memref_slice %arg8[%dma_wait3A_438, %dma_wait3A_439] : memref<4x128xi32, #tpu.memory_space<vmem>> -> memref<1x128xi32, #tpu.memory_space<vmem>>
        %dma_wait3A_441 = tpu.memref_squeeze %dma_wait3A_440 : memref<1x128xi32, #tpu.memory_space<vmem>> -> memref<128xi32, #tpu.memory_space<vmem>>
        %dma_wait3A_442 = arith.constant 0 : i32
        %dma_wait3A_443 = tpu.memref_slice %arg4[%add3A, %add3A_424, %dma_wait3A_442] : memref<32x80x128xi32, #tpu.memory_space<hbm>> -> memref<1x1x128xi32, #tpu.memory_space<hbm>>
        %dma_wait3A_444 = tpu.memref_squeeze %dma_wait3A_443 : memref<1x1x128xi32, #tpu.memory_space<hbm>> -> memref<128xi32, #tpu.memory_space<hbm>>
        %dma_wait3A_445 = arith.constant 0 : i32
        %dma_wait3A_446 = tpu.memref_slice %arg8[%dma_wait3A_438, %dma_wait3A_445] : memref<4x128xi32, #tpu.memory_space<vmem>> -> memref<1x128xi32, #tpu.memory_space<vmem>>
        %dma_wait3A_447 = tpu.memref_squeeze %dma_wait3A_446 : memref<1x128xi32, #tpu.memory_space<vmem>> -> memref<128xi32, #tpu.memory_space<vmem>>
        %dma_wait3A_448 = arith.constant 0 : i32
        %dma_wait3A_449 = tpu.memref_slice %arg4[%add3A, %add3A_424, %dma_wait3A_448] : memref<32x80x128xi32, #tpu.memory_space<hbm>> -> memref<1x1x128xi32, #tpu.memory_space<hbm>>
        %dma_wait3A_450 = tpu.memref_squeeze %dma_wait3A_449 : memref<1x1x128xi32, #tpu.memory_space<hbm>> -> memref<128xi32, #tpu.memory_space<hbm>>
        tpu.wait_dma2 semaphore(%arg18 : memref<!tpu.dma_semaphore, #tpu.memory_space<semaphore_mem>>) src(%dma_wait3A_450 : memref<128xi32, #tpu.memory_space<hbm>>) dst(%dma_wait3A_447 : memref<128xi32, #tpu.memory_space<vmem>>)
        %dma_wait3A_451 = arith.constant 2 : i32
        %dma_wait3A_452 = arith.constant 0 : i32
        %dma_wait3A_453 = tpu.memref_slice %arg9[%dma_wait3A_451, %dma_wait3A_452] : memref<4x128xf32, #tpu.memory_space<vmem>> -> memref<1x128xf32, #tpu.memory_space<vmem>>
        %dma_wait3A_454 = tpu.memref_squeeze %dma_wait3A_453 : memref<1x128xf32, #tpu.memory_space<vmem>> -> memref<128xf32, #tpu.memory_space<vmem>>
        %dma_wait3A_455 = arith.constant 0 : i32
        %dma_wait3A_456 = tpu.memref_slice %arg5[%add3A, %add3A_424, %dma_wait3A_455] : memref<32x80x128xf32, #tpu.memory_space<hbm>> -> memref<1x1x128xf32, #tpu.memory_space<hbm>>
        %dma_wait3A_457 = tpu.memref_squeeze %dma_wait3A_456 : memref<1x1x128xf32, #tpu.memory_space<hbm>> -> memref<128xf32, #tpu.memory_space<hbm>>
        %dma_wait3A_458 = arith.constant 0 : i32
        %dma_wait3A_459 = tpu.memref_slice %arg9[%dma_wait3A_451, %dma_wait3A_458] : memref<4x128xf32, #tpu.memory_space<vmem>> -> memref<1x128xf32, #tpu.memory_space<vmem>>
        %dma_wait3A_460 = tpu.memref_squeeze %dma_wait3A_459 : memref<1x128xf32, #tpu.memory_space<vmem>> -> memref<128xf32, #tpu.memory_space<vmem>>
        %dma_wait3A_461 = arith.constant 0 : i32
        %dma_wait3A_462 = tpu.memref_slice %arg5[%add3A, %add3A_424, %dma_wait3A_461] : memref<32x80x128xf32, #tpu.memory_space<hbm>> -> memref<1x1x128xf32, #tpu.memory_space<hbm>>
        %dma_wait3A_463 = tpu.memref_squeeze %dma_wait3A_462 : memref<1x1x128xf32, #tpu.memory_space<hbm>> -> memref<128xf32, #tpu.memory_space<hbm>>
        tpu.wait_dma2 semaphore(%arg18 : memref<!tpu.dma_semaphore, #tpu.memory_space<semaphore_mem>>) src(%dma_wait3A_463 : memref<128xf32, #tpu.memory_space<hbm>>) dst(%dma_wait3A_460 : memref<128xf32, #tpu.memory_space<vmem>>)
        %dma_start3A_464 = arith.constant 2 : i32
        %dma_start3A_465 = arith.constant 0 : i32
        %dma_start3A_466 = arith.constant 0 : i32
        %dma_start3A_467 = arith.constant 0 : i32
        %dma_start3A_468 = tpu.memref_slice %arg10[%dma_start3A_465, %dma_start3A_466, %dma_start3A_467] : memref<2x128x128xf32, #tpu.memory_space<vmem>> -> memref<1x128x128xf32, #tpu.memory_space<vmem>>
        %dma_start3A_469 = tpu.memref_squeeze %dma_start3A_468 : memref<1x128x128xf32, #tpu.memory_space<vmem>> -> memref<128x128xf32, #tpu.memory_space<vmem>>
        %dma_start3A_470 = arith.constant 0 : i32
        %dma_start3A_471 = tpu.memref_slice %arg7[%dma_start3A_464, %dma_start3A_470] : memref<4x128xi32, #tpu.memory_space<vmem>> -> memref<1x128xi32, #tpu.memory_space<vmem>>
        %dma_start3A_472 = tpu.memref_squeeze %dma_start3A_471 : memref<1x128xi32, #tpu.memory_space<vmem>> -> memref<128xi32, #tpu.memory_space<vmem>>
        %dma_start3A_473 = arith.constant 0 : i32
        %dma_start3A_474 = arith.constant 0 : i32
        %dma_start3A_475 = tpu.memref_slice %arg11[%dma_start3A_473, %dma_start3A_474] : memref<10240x128xf32, #tpu.memory_space<vmem_shared>> -> memref<10240x128xf32, #tpu.memory_space<vmem_shared>>
        tpu.enqueue_indirect_dma source(%dma_start3A_475 : memref<10240x128xf32, #tpu.memory_space<vmem_shared>>) target(%dma_start3A_469 : memref<128x128xf32, #tpu.memory_space<vmem>>) offsets(%dma_start3A_472 : memref<128xi32, #tpu.memory_space<vmem>>) semaphore(%arg12 : memref<!tpu.dma_semaphore, #tpu.memory_space<semaphore_mem>>)
      } else {
      }
      %add3A_314 = arith.constant 4 : i32
      %add3A_315 = arith.addi %add3A_297, %add3A_314 : i32
      %lt3A_316 = arith.constant 80 : i32
      %lt3A_317 = arith.cmpi slt, %add3A_315, %lt3A_316 : i32
      %convert_element_type3A_318 = arith.extui %lt3A_317 : i1 to i32
      %cond3A_319 = arith.constant 0 : i32
      %cond3A_320 = arith.cmpi ne, %convert_element_type3A_318, %cond3A_319 : i32
      scf.if %cond3A_320 {
        %add3A_423 = arith.constant 4 : i32
        %add3A_424 = arith.addi %add3A_297, %add3A_423 : i32
        %dma_start3A_425 = arith.constant 0 : i32
        %dma_start3A_426 = arith.constant 0 : i32
        %dma_start3A_427 = tpu.memref_slice %arg7[%dma_start3A_425, %dma_start3A_426] : memref<4x128xi32, #tpu.memory_space<vmem>> -> memref<1x128xi32, #tpu.memory_space<vmem>>
        %dma_start3A_428 = tpu.memref_squeeze %dma_start3A_427 : memref<1x128xi32, #tpu.memory_space<vmem>> -> memref<128xi32, #tpu.memory_space<vmem>>
        %dma_start3A_429 = arith.constant 0 : i32
        %dma_start3A_430 = tpu.memref_slice %arg3[%add3A, %add3A_424, %dma_start3A_429] : memref<32x80x128xi32, #tpu.memory_space<hbm>> -> memref<1x1x128xi32, #tpu.memory_space<hbm>>
        %dma_start3A_431 = tpu.memref_squeeze %dma_start3A_430 : memref<1x1x128xi32, #tpu.memory_space<hbm>> -> memref<128xi32, #tpu.memory_space<hbm>>
        %dma_start3A_432 = arith.constant 0 : i32
        %dma_start3A_433 = tpu.memref_slice %arg7[%dma_start3A_425, %dma_start3A_432] : memref<4x128xi32, #tpu.memory_space<vmem>> -> memref<1x128xi32, #tpu.memory_space<vmem>>
        %dma_start3A_434 = tpu.memref_squeeze %dma_start3A_433 : memref<1x128xi32, #tpu.memory_space<vmem>> -> memref<128xi32, #tpu.memory_space<vmem>>
        %dma_start3A_435 = arith.constant 0 : i32
        %dma_start3A_436 = tpu.memref_slice %arg3[%add3A, %add3A_424, %dma_start3A_435] : memref<32x80x128xi32, #tpu.memory_space<hbm>> -> memref<1x1x128xi32, #tpu.memory_space<hbm>>
        %dma_start3A_437 = tpu.memref_squeeze %dma_start3A_436 : memref<1x1x128xi32, #tpu.memory_space<hbm>> -> memref<128xi32, #tpu.memory_space<hbm>>
        tpu.enqueue_dma source(%dma_start3A_437 : memref<128xi32, #tpu.memory_space<hbm>>) target(%dma_start3A_434 : memref<128xi32, #tpu.memory_space<vmem>>) target_semaphore(%arg16 : memref<!tpu.dma_semaphore, #tpu.memory_space<semaphore_mem>>)
        %dma_start3A_438 = arith.constant 0 : i32
        %dma_start3A_439 = arith.constant 0 : i32
        %dma_start3A_440 = tpu.memref_slice %arg8[%dma_start3A_438, %dma_start3A_439] : memref<4x128xi32, #tpu.memory_space<vmem>> -> memref<1x128xi32, #tpu.memory_space<vmem>>
        %dma_start3A_441 = tpu.memref_squeeze %dma_start3A_440 : memref<1x128xi32, #tpu.memory_space<vmem>> -> memref<128xi32, #tpu.memory_space<vmem>>
        %dma_start3A_442 = arith.constant 0 : i32
        %dma_start3A_443 = tpu.memref_slice %arg4[%add3A, %add3A_424, %dma_start3A_442] : memref<32x80x128xi32, #tpu.memory_space<hbm>> -> memref<1x1x128xi32, #tpu.memory_space<hbm>>
        %dma_start3A_444 = tpu.memref_squeeze %dma_start3A_443 : memref<1x1x128xi32, #tpu.memory_space<hbm>> -> memref<128xi32, #tpu.memory_space<hbm>>
        %dma_start3A_445 = arith.constant 0 : i32
        %dma_start3A_446 = tpu.memref_slice %arg8[%dma_start3A_438, %dma_start3A_445] : memref<4x128xi32, #tpu.memory_space<vmem>> -> memref<1x128xi32, #tpu.memory_space<vmem>>
        %dma_start3A_447 = tpu.memref_squeeze %dma_start3A_446 : memref<1x128xi32, #tpu.memory_space<vmem>> -> memref<128xi32, #tpu.memory_space<vmem>>
        %dma_start3A_448 = arith.constant 0 : i32
        %dma_start3A_449 = tpu.memref_slice %arg4[%add3A, %add3A_424, %dma_start3A_448] : memref<32x80x128xi32, #tpu.memory_space<hbm>> -> memref<1x1x128xi32, #tpu.memory_space<hbm>>
        %dma_start3A_450 = tpu.memref_squeeze %dma_start3A_449 : memref<1x1x128xi32, #tpu.memory_space<hbm>> -> memref<128xi32, #tpu.memory_space<hbm>>
        tpu.enqueue_dma source(%dma_start3A_450 : memref<128xi32, #tpu.memory_space<hbm>>) target(%dma_start3A_447 : memref<128xi32, #tpu.memory_space<vmem>>) target_semaphore(%arg16 : memref<!tpu.dma_semaphore, #tpu.memory_space<semaphore_mem>>)
        %dma_start3A_451 = arith.constant 0 : i32
        %dma_start3A_452 = arith.constant 0 : i32
        %dma_start3A_453 = tpu.memref_slice %arg9[%dma_start3A_451, %dma_start3A_452] : memref<4x128xf32, #tpu.memory_space<vmem>> -> memref<1x128xf32, #tpu.memory_space<vmem>>
        %dma_start3A_454 = tpu.memref_squeeze %dma_start3A_453 : memref<1x128xf32, #tpu.memory_space<vmem>> -> memref<128xf32, #tpu.memory_space<vmem>>
        %dma_start3A_455 = arith.constant 0 : i32
        %dma_start3A_456 = tpu.memref_slice %arg5[%add3A, %add3A_424, %dma_start3A_455] : memref<32x80x128xf32, #tpu.memory_space<hbm>> -> memref<1x1x128xf32, #tpu.memory_space<hbm>>
        %dma_start3A_457 = tpu.memref_squeeze %dma_start3A_456 : memref<1x1x128xf32, #tpu.memory_space<hbm>> -> memref<128xf32, #tpu.memory_space<hbm>>
        %dma_start3A_458 = arith.constant 0 : i32
        %dma_start3A_459 = tpu.memref_slice %arg9[%dma_start3A_451, %dma_start3A_458] : memref<4x128xf32, #tpu.memory_space<vmem>> -> memref<1x128xf32, #tpu.memory_space<vmem>>
        %dma_start3A_460 = tpu.memref_squeeze %dma_start3A_459 : memref<1x128xf32, #tpu.memory_space<vmem>> -> memref<128xf32, #tpu.memory_space<vmem>>
        %dma_start3A_461 = arith.constant 0 : i32
        %dma_start3A_462 = tpu.memref_slice %arg5[%add3A, %add3A_424, %dma_start3A_461] : memref<32x80x128xf32, #tpu.memory_space<hbm>> -> memref<1x1x128xf32, #tpu.memory_space<hbm>>
        %dma_start3A_463 = tpu.memref_squeeze %dma_start3A_462 : memref<1x1x128xf32, #tpu.memory_space<hbm>> -> memref<128xf32, #tpu.memory_space<hbm>>
        tpu.enqueue_dma source(%dma_start3A_463 : memref<128xf32, #tpu.memory_space<hbm>>) target(%dma_start3A_460 : memref<128xf32, #tpu.memory_space<vmem>>) target_semaphore(%arg16 : memref<!tpu.dma_semaphore, #tpu.memory_space<semaphore_mem>>)
      } else {
      }
      %mul3A_321 = arith.constant 2 : i32
      %mul3A_322 = arith.muli %scan3A_289, %mul3A_321 : i32
      %add3A_323 = arith.constant 0 : i32
      %add3A_324 = arith.addi %mul3A_322, %add3A_323 : i32
      %mul3A_325 = arith.constant 2 : i32
      %mul3A_326 = arith.muli %add3A_324, %mul3A_325 : i32
      %add3A_327 = arith.constant 1 : i32
      %add3A_328 = arith.addi %mul3A_326, %add3A_327 : i32
      %dma_wait3A_329 = arith.constant 1 : i32
      %dma_wait3A_330 = arith.constant 1 : i32
      %dma_wait3A_331 = arith.constant 0 : i32
      %dma_wait3A_332 = arith.constant 0 : i32
      %dma_wait3A_333 = tpu.memref_slice %arg10[%dma_wait3A_330, %dma_wait3A_331, %dma_wait3A_332] : memref<2x128x128xf32, #tpu.memory_space<vmem>> -> memref<1x128x128xf32, #tpu.memory_space<vmem>>
      %dma_wait3A_334 = tpu.memref_squeeze %dma_wait3A_333 : memref<1x128x128xf32, #tpu.memory_space<vmem>> -> memref<128x128xf32, #tpu.memory_space<vmem>>
      %dma_wait3A_335 = arith.constant 0 : i32
      %dma_wait3A_336 = tpu.memref_slice %arg7[%dma_wait3A_329, %dma_wait3A_335] : memref<4x128xi32, #tpu.memory_space<vmem>> -> memref<1x128xi32, #tpu.memory_space<vmem>>
      %dma_wait3A_337 = tpu.memref_squeeze %dma_wait3A_336 : memref<1x128xi32, #tpu.memory_space<vmem>> -> memref<128xi32, #tpu.memory_space<vmem>>
      %dma_wait3A_338 = arith.constant 0 : i32
      %dma_wait3A_339 = arith.constant 0 : i32
      %dma_wait3A_340 = tpu.memref_slice %arg11[%dma_wait3A_338, %dma_wait3A_339] : memref<10240x128xf32, #tpu.memory_space<vmem_shared>> -> memref<10240x128xf32, #tpu.memory_space<vmem_shared>>
      tpu.wait_indirect_dma semaphore(%arg13 : memref<!tpu.dma_semaphore, #tpu.memory_space<semaphore_mem>>) src(%dma_wait3A_340 : memref<10240x128xf32, #tpu.memory_space<vmem_shared>>) dst(%dma_wait3A_334 : memref<128x128xf32, #tpu.memory_space<vmem>>)
      %add3A_341 = arith.constant 2 : i32
      %add3A_342 = arith.addi %add3A_328, %add3A_341 : i32
      %lt3A_343 = arith.constant 80 : i32
      %lt3A_344 = arith.cmpi slt, %add3A_342, %lt3A_343 : i32
      %convert_element_type3A_345 = arith.extui %lt3A_344 : i1 to i32
      %cond3A_346 = arith.constant 0 : i32
      %cond3A_347 = arith.cmpi ne, %convert_element_type3A_345, %cond3A_346 : i32
      scf.if %cond3A_347 {
        %add3A_423 = arith.constant 2 : i32
        %add3A_424 = arith.addi %add3A_328, %add3A_423 : i32
        %dma_wait3A_425 = arith.constant 3 : i32
        %dma_wait3A_426 = arith.constant 0 : i32
        %dma_wait3A_427 = tpu.memref_slice %arg7[%dma_wait3A_425, %dma_wait3A_426] : memref<4x128xi32, #tpu.memory_space<vmem>> -> memref<1x128xi32, #tpu.memory_space<vmem>>
        %dma_wait3A_428 = tpu.memref_squeeze %dma_wait3A_427 : memref<1x128xi32, #tpu.memory_space<vmem>> -> memref<128xi32, #tpu.memory_space<vmem>>
        %dma_wait3A_429 = arith.constant 0 : i32
        %dma_wait3A_430 = tpu.memref_slice %arg3[%add3A, %add3A_424, %dma_wait3A_429] : memref<32x80x128xi32, #tpu.memory_space<hbm>> -> memref<1x1x128xi32, #tpu.memory_space<hbm>>
        %dma_wait3A_431 = tpu.memref_squeeze %dma_wait3A_430 : memref<1x1x128xi32, #tpu.memory_space<hbm>> -> memref<128xi32, #tpu.memory_space<hbm>>
        %dma_wait3A_432 = arith.constant 0 : i32
        %dma_wait3A_433 = tpu.memref_slice %arg7[%dma_wait3A_425, %dma_wait3A_432] : memref<4x128xi32, #tpu.memory_space<vmem>> -> memref<1x128xi32, #tpu.memory_space<vmem>>
        %dma_wait3A_434 = tpu.memref_squeeze %dma_wait3A_433 : memref<1x128xi32, #tpu.memory_space<vmem>> -> memref<128xi32, #tpu.memory_space<vmem>>
        %dma_wait3A_435 = arith.constant 0 : i32
        %dma_wait3A_436 = tpu.memref_slice %arg3[%add3A, %add3A_424, %dma_wait3A_435] : memref<32x80x128xi32, #tpu.memory_space<hbm>> -> memref<1x1x128xi32, #tpu.memory_space<hbm>>
        %dma_wait3A_437 = tpu.memref_squeeze %dma_wait3A_436 : memref<1x1x128xi32, #tpu.memory_space<hbm>> -> memref<128xi32, #tpu.memory_space<hbm>>
        tpu.wait_dma2 semaphore(%arg19 : memref<!tpu.dma_semaphore, #tpu.memory_space<semaphore_mem>>) src(%dma_wait3A_437 : memref<128xi32, #tpu.memory_space<hbm>>) dst(%dma_wait3A_434 : memref<128xi32, #tpu.memory_space<vmem>>)
        %dma_wait3A_438 = arith.constant 3 : i32
        %dma_wait3A_439 = arith.constant 0 : i32
        %dma_wait3A_440 = tpu.memref_slice %arg8[%dma_wait3A_438, %dma_wait3A_439] : memref<4x128xi32, #tpu.memory_space<vmem>> -> memref<1x128xi32, #tpu.memory_space<vmem>>
        %dma_wait3A_441 = tpu.memref_squeeze %dma_wait3A_440 : memref<1x128xi32, #tpu.memory_space<vmem>> -> memref<128xi32, #tpu.memory_space<vmem>>
        %dma_wait3A_442 = arith.constant 0 : i32
        %dma_wait3A_443 = tpu.memref_slice %arg4[%add3A, %add3A_424, %dma_wait3A_442] : memref<32x80x128xi32, #tpu.memory_space<hbm>> -> memref<1x1x128xi32, #tpu.memory_space<hbm>>
        %dma_wait3A_444 = tpu.memref_squeeze %dma_wait3A_443 : memref<1x1x128xi32, #tpu.memory_space<hbm>> -> memref<128xi32, #tpu.memory_space<hbm>>
        %dma_wait3A_445 = arith.constant 0 : i32
        %dma_wait3A_446 = tpu.memref_slice %arg8[%dma_wait3A_438, %dma_wait3A_445] : memref<4x128xi32, #tpu.memory_space<vmem>> -> memref<1x128xi32, #tpu.memory_space<vmem>>
        %dma_wait3A_447 = tpu.memref_squeeze %dma_wait3A_446 : memref<1x128xi32, #tpu.memory_space<vmem>> -> memref<128xi32, #tpu.memory_space<vmem>>
        %dma_wait3A_448 = arith.constant 0 : i32
        %dma_wait3A_449 = tpu.memref_slice %arg4[%add3A, %add3A_424, %dma_wait3A_448] : memref<32x80x128xi32, #tpu.memory_space<hbm>> -> memref<1x1x128xi32, #tpu.memory_space<hbm>>
        %dma_wait3A_450 = tpu.memref_squeeze %dma_wait3A_449 : memref<1x1x128xi32, #tpu.memory_space<hbm>> -> memref<128xi32, #tpu.memory_space<hbm>>
        tpu.wait_dma2 semaphore(%arg19 : memref<!tpu.dma_semaphore, #tpu.memory_space<semaphore_mem>>) src(%dma_wait3A_450 : memref<128xi32, #tpu.memory_space<hbm>>) dst(%dma_wait3A_447 : memref<128xi32, #tpu.memory_space<vmem>>)
        %dma_wait3A_451 = arith.constant 3 : i32
        %dma_wait3A_452 = arith.constant 0 : i32
        %dma_wait3A_453 = tpu.memref_slice %arg9[%dma_wait3A_451, %dma_wait3A_452] : memref<4x128xf32, #tpu.memory_space<vmem>> -> memref<1x128xf32, #tpu.memory_space<vmem>>
        %dma_wait3A_454 = tpu.memref_squeeze %dma_wait3A_453 : memref<1x128xf32, #tpu.memory_space<vmem>> -> memref<128xf32, #tpu.memory_space<vmem>>
        %dma_wait3A_455 = arith.constant 0 : i32
        %dma_wait3A_456 = tpu.memref_slice %arg5[%add3A, %add3A_424, %dma_wait3A_455] : memref<32x80x128xf32, #tpu.memory_space<hbm>> -> memref<1x1x128xf32, #tpu.memory_space<hbm>>
        %dma_wait3A_457 = tpu.memref_squeeze %dma_wait3A_456 : memref<1x1x128xf32, #tpu.memory_space<hbm>> -> memref<128xf32, #tpu.memory_space<hbm>>
        %dma_wait3A_458 = arith.constant 0 : i32
        %dma_wait3A_459 = tpu.memref_slice %arg9[%dma_wait3A_451, %dma_wait3A_458] : memref<4x128xf32, #tpu.memory_space<vmem>> -> memref<1x128xf32, #tpu.memory_space<vmem>>
        %dma_wait3A_460 = tpu.memref_squeeze %dma_wait3A_459 : memref<1x128xf32, #tpu.memory_space<vmem>> -> memref<128xf32, #tpu.memory_space<vmem>>
        %dma_wait3A_461 = arith.constant 0 : i32
        %dma_wait3A_462 = tpu.memref_slice %arg5[%add3A, %add3A_424, %dma_wait3A_461] : memref<32x80x128xf32, #tpu.memory_space<hbm>> -> memref<1x1x128xf32, #tpu.memory_space<hbm>>
        %dma_wait3A_463 = tpu.memref_squeeze %dma_wait3A_462 : memref<1x1x128xf32, #tpu.memory_space<hbm>> -> memref<128xf32, #tpu.memory_space<hbm>>
        tpu.wait_dma2 semaphore(%arg19 : memref<!tpu.dma_semaphore, #tpu.memory_space<semaphore_mem>>) src(%dma_wait3A_463 : memref<128xf32, #tpu.memory_space<hbm>>) dst(%dma_wait3A_460 : memref<128xf32, #tpu.memory_space<vmem>>)
        %dma_start3A_464 = arith.constant 3 : i32
        %dma_start3A_465 = arith.constant 1 : i32
        %dma_start3A_466 = arith.constant 0 : i32
        %dma_start3A_467 = arith.constant 0 : i32
        %dma_start3A_468 = tpu.memref_slice %arg10[%dma_start3A_465, %dma_start3A_466, %dma_start3A_467] : memref<2x128x128xf32, #tpu.memory_space<vmem>> -> memref<1x128x128xf32, #tpu.memory_space<vmem>>
        %dma_start3A_469 = tpu.memref_squeeze %dma_start3A_468 : memref<1x128x128xf32, #tpu.memory_space<vmem>> -> memref<128x128xf32, #tpu.memory_space<vmem>>
        %dma_start3A_470 = arith.constant 0 : i32
        %dma_start3A_471 = tpu.memref_slice %arg7[%dma_start3A_464, %dma_start3A_470] : memref<4x128xi32, #tpu.memory_space<vmem>> -> memref<1x128xi32, #tpu.memory_space<vmem>>
        %dma_start3A_472 = tpu.memref_squeeze %dma_start3A_471 : memref<1x128xi32, #tpu.memory_space<vmem>> -> memref<128xi32, #tpu.memory_space<vmem>>
        %dma_start3A_473 = arith.constant 0 : i32
        %dma_start3A_474 = arith.constant 0 : i32
        %dma_start3A_475 = tpu.memref_slice %arg11[%dma_start3A_473, %dma_start3A_474] : memref<10240x128xf32, #tpu.memory_space<vmem_shared>> -> memref<10240x128xf32, #tpu.memory_space<vmem_shared>>
        tpu.enqueue_indirect_dma source(%dma_start3A_475 : memref<10240x128xf32, #tpu.memory_space<vmem_shared>>) target(%dma_start3A_469 : memref<128x128xf32, #tpu.memory_space<vmem>>) offsets(%dma_start3A_472 : memref<128xi32, #tpu.memory_space<vmem>>) semaphore(%arg13 : memref<!tpu.dma_semaphore, #tpu.memory_space<semaphore_mem>>)
      } else {
      }
      %add3A_348 = arith.constant 4 : i32
      %add3A_349 = arith.addi %add3A_328, %add3A_348 : i32
      %lt3A_350 = arith.constant 80 : i32
      %lt3A_351 = arith.cmpi slt, %add3A_349, %lt3A_350 : i32
      %convert_element_type3A_352 = arith.extui %lt3A_351 : i1 to i32
      %cond3A_353 = arith.constant 0 : i32
      %cond3A_354 = arith.cmpi ne, %convert_element_type3A_352, %cond3A_353 : i32
      scf.if %cond3A_354 {
        %add3A_423 = arith.constant 4 : i32
        %add3A_424 = arith.addi %add3A_328, %add3A_423 : i32
        %dma_start3A_425 = arith.constant 1 : i32
        %dma_start3A_426 = arith.constant 0 : i32
        %dma_start3A_427 = tpu.memref_slice %arg7[%dma_start3A_425, %dma_start3A_426] : memref<4x128xi32, #tpu.memory_space<vmem>> -> memref<1x128xi32, #tpu.memory_space<vmem>>
        %dma_start3A_428 = tpu.memref_squeeze %dma_start3A_427 : memref<1x128xi32, #tpu.memory_space<vmem>> -> memref<128xi32, #tpu.memory_space<vmem>>
        %dma_start3A_429 = arith.constant 0 : i32
        %dma_start3A_430 = tpu.memref_slice %arg3[%add3A, %add3A_424, %dma_start3A_429] : memref<32x80x128xi32, #tpu.memory_space<hbm>> -> memref<1x1x128xi32, #tpu.memory_space<hbm>>
        %dma_start3A_431 = tpu.memref_squeeze %dma_start3A_430 : memref<1x1x128xi32, #tpu.memory_space<hbm>> -> memref<128xi32, #tpu.memory_space<hbm>>
        %dma_start3A_432 = arith.constant 0 : i32
        %dma_start3A_433 = tpu.memref_slice %arg7[%dma_start3A_425, %dma_start3A_432] : memref<4x128xi32, #tpu.memory_space<vmem>> -> memref<1x128xi32, #tpu.memory_space<vmem>>
        %dma_start3A_434 = tpu.memref_squeeze %dma_start3A_433 : memref<1x128xi32, #tpu.memory_space<vmem>> -> memref<128xi32, #tpu.memory_space<vmem>>
        %dma_start3A_435 = arith.constant 0 : i32
        %dma_start3A_436 = tpu.memref_slice %arg3[%add3A, %add3A_424, %dma_start3A_435] : memref<32x80x128xi32, #tpu.memory_space<hbm>> -> memref<1x1x128xi32, #tpu.memory_space<hbm>>
        %dma_start3A_437 = tpu.memref_squeeze %dma_start3A_436 : memref<1x1x128xi32, #tpu.memory_space<hbm>> -> memref<128xi32, #tpu.memory_space<hbm>>
        tpu.enqueue_dma source(%dma_start3A_437 : memref<128xi32, #tpu.memory_space<hbm>>) target(%dma_start3A_434 : memref<128xi32, #tpu.memory_space<vmem>>) target_semaphore(%arg17 : memref<!tpu.dma_semaphore, #tpu.memory_space<semaphore_mem>>)
        %dma_start3A_438 = arith.constant 1 : i32
        %dma_start3A_439 = arith.constant 0 : i32
        %dma_start3A_440 = tpu.memref_slice %arg8[%dma_start3A_438, %dma_start3A_439] : memref<4x128xi32, #tpu.memory_space<vmem>> -> memref<1x128xi32, #tpu.memory_space<vmem>>
        %dma_start3A_441 = tpu.memref_squeeze %dma_start3A_440 : memref<1x128xi32, #tpu.memory_space<vmem>> -> memref<128xi32, #tpu.memory_space<vmem>>
        %dma_start3A_442 = arith.constant 0 : i32
        %dma_start3A_443 = tpu.memref_slice %arg4[%add3A, %add3A_424, %dma_start3A_442] : memref<32x80x128xi32, #tpu.memory_space<hbm>> -> memref<1x1x128xi32, #tpu.memory_space<hbm>>
        %dma_start3A_444 = tpu.memref_squeeze %dma_start3A_443 : memref<1x1x128xi32, #tpu.memory_space<hbm>> -> memref<128xi32, #tpu.memory_space<hbm>>
        %dma_start3A_445 = arith.constant 0 : i32
        %dma_start3A_446 = tpu.memref_slice %arg8[%dma_start3A_438, %dma_start3A_445] : memref<4x128xi32, #tpu.memory_space<vmem>> -> memref<1x128xi32, #tpu.memory_space<vmem>>
        %dma_start3A_447 = tpu.memref_squeeze %dma_start3A_446 : memref<1x128xi32, #tpu.memory_space<vmem>> -> memref<128xi32, #tpu.memory_space<vmem>>
        %dma_start3A_448 = arith.constant 0 : i32
        %dma_start3A_449 = tpu.memref_slice %arg4[%add3A, %add3A_424, %dma_start3A_448] : memref<32x80x128xi32, #tpu.memory_space<hbm>> -> memref<1x1x128xi32, #tpu.memory_space<hbm>>
        %dma_start3A_450 = tpu.memref_squeeze %dma_start3A_449 : memref<1x1x128xi32, #tpu.memory_space<hbm>> -> memref<128xi32, #tpu.memory_space<hbm>>
        tpu.enqueue_dma source(%dma_start3A_450 : memref<128xi32, #tpu.memory_space<hbm>>) target(%dma_start3A_447 : memref<128xi32, #tpu.memory_space<vmem>>) target_semaphore(%arg17 : memref<!tpu.dma_semaphore, #tpu.memory_space<semaphore_mem>>)
        %dma_start3A_451 = arith.constant 1 : i32
        %dma_start3A_452 = arith.constant 0 : i32
        %dma_start3A_453 = tpu.memref_slice %arg9[%dma_start3A_451, %dma_start3A_452] : memref<4x128xf32, #tpu.memory_space<vmem>> -> memref<1x128xf32, #tpu.memory_space<vmem>>
        %dma_start3A_454 = tpu.memref_squeeze %dma_start3A_453 : memref<1x128xf32, #tpu.memory_space<vmem>> -> memref<128xf32, #tpu.memory_space<vmem>>
        %dma_start3A_455 = arith.constant 0 : i32
        %dma_start3A_456 = tpu.memref_slice %arg5[%add3A, %add3A_424, %dma_start3A_455] : memref<32x80x128xf32, #tpu.memory_space<hbm>> -> memref<1x1x128xf32, #tpu.memory_space<hbm>>
        %dma_start3A_457 = tpu.memref_squeeze %dma_start3A_456 : memref<1x1x128xf32, #tpu.memory_space<hbm>> -> memref<128xf32, #tpu.memory_space<hbm>>
        %dma_start3A_458 = arith.constant 0 : i32
        %dma_start3A_459 = tpu.memref_slice %arg9[%dma_start3A_451, %dma_start3A_458] : memref<4x128xf32, #tpu.memory_space<vmem>> -> memref<1x128xf32, #tpu.memory_space<vmem>>
        %dma_start3A_460 = tpu.memref_squeeze %dma_start3A_459 : memref<1x128xf32, #tpu.memory_space<vmem>> -> memref<128xf32, #tpu.memory_space<vmem>>
        %dma_start3A_461 = arith.constant 0 : i32
        %dma_start3A_462 = tpu.memref_slice %arg5[%add3A, %add3A_424, %dma_start3A_461] : memref<32x80x128xf32, #tpu.memory_space<hbm>> -> memref<1x1x128xf32, #tpu.memory_space<hbm>>
        %dma_start3A_463 = tpu.memref_squeeze %dma_start3A_462 : memref<1x1x128xf32, #tpu.memory_space<hbm>> -> memref<128xf32, #tpu.memory_space<hbm>>
        tpu.enqueue_dma source(%dma_start3A_463 : memref<128xf32, #tpu.memory_space<hbm>>) target(%dma_start3A_460 : memref<128xf32, #tpu.memory_space<vmem>>) target_semaphore(%arg17 : memref<!tpu.dma_semaphore, #tpu.memory_space<semaphore_mem>>)
      } else {
      }
      %mul3A_355 = arith.constant 2 : i32
      %mul3A_356 = arith.muli %scan3A_289, %mul3A_355 : i32
      %add3A_357 = arith.constant 1 : i32
      %add3A_358 = arith.addi %mul3A_356, %add3A_357 : i32
      %mul3A_359 = arith.constant 2 : i32
      %mul3A_360 = arith.muli %add3A_358, %mul3A_359 : i32
      %add3A_361 = arith.constant 0 : i32
      %add3A_362 = arith.addi %mul3A_360, %add3A_361 : i32
      %dma_wait3A_363 = arith.constant 2 : i32
      %dma_wait3A_364 = arith.constant 0 : i32
      %dma_wait3A_365 = arith.constant 0 : i32
      %dma_wait3A_366 = arith.constant 0 : i32
      %dma_wait3A_367 = tpu.memref_slice %arg10[%dma_wait3A_364, %dma_wait3A_365, %dma_wait3A_366] : memref<2x128x128xf32, #tpu.memory_space<vmem>> -> memref<1x128x128xf32, #tpu.memory_space<vmem>>
      %dma_wait3A_368 = tpu.memref_squeeze %dma_wait3A_367 : memref<1x128x128xf32, #tpu.memory_space<vmem>> -> memref<128x128xf32, #tpu.memory_space<vmem>>
      %dma_wait3A_369 = arith.constant 0 : i32
      %dma_wait3A_370 = tpu.memref_slice %arg7[%dma_wait3A_363, %dma_wait3A_369] : memref<4x128xi32, #tpu.memory_space<vmem>> -> memref<1x128xi32, #tpu.memory_space<vmem>>
      %dma_wait3A_371 = tpu.memref_squeeze %dma_wait3A_370 : memref<1x128xi32, #tpu.memory_space<vmem>> -> memref<128xi32, #tpu.memory_space<vmem>>
      %dma_wait3A_372 = arith.constant 0 : i32
      %dma_wait3A_373 = arith.constant 0 : i32
      %dma_wait3A_374 = tpu.memref_slice %arg11[%dma_wait3A_372, %dma_wait3A_373] : memref<10240x128xf32, #tpu.memory_space<vmem_shared>> -> memref<10240x128xf32, #tpu.memory_space<vmem_shared>>
      tpu.wait_indirect_dma semaphore(%arg12 : memref<!tpu.dma_semaphore, #tpu.memory_space<semaphore_mem>>) src(%dma_wait3A_374 : memref<10240x128xf32, #tpu.memory_space<vmem_shared>>) dst(%dma_wait3A_368 : memref<128x128xf32, #tpu.memory_space<vmem>>)
      %add3A_375 = arith.constant 2 : i32
      %add3A_376 = arith.addi %add3A_362, %add3A_375 : i32
      %lt3A_377 = arith.constant 80 : i32
      %lt3A_378 = arith.cmpi slt, %add3A_376, %lt3A_377 : i32
      %convert_element_type3A_379 = arith.extui %lt3A_378 : i1 to i32
      %cond3A_380 = arith.constant 0 : i32
      %cond3A_381 = arith.cmpi ne, %convert_element_type3A_379, %cond3A_380 : i32
      scf.if %cond3A_381 {
        %add3A_423 = arith.constant 2 : i32
        %add3A_424 = arith.addi %add3A_362, %add3A_423 : i32
        %dma_wait3A_425 = arith.constant 0 : i32
        %dma_wait3A_426 = arith.constant 0 : i32
        %dma_wait3A_427 = tpu.memref_slice %arg7[%dma_wait3A_425, %dma_wait3A_426] : memref<4x128xi32, #tpu.memory_space<vmem>> -> memref<1x128xi32, #tpu.memory_space<vmem>>
        %dma_wait3A_428 = tpu.memref_squeeze %dma_wait3A_427 : memref<1x128xi32, #tpu.memory_space<vmem>> -> memref<128xi32, #tpu.memory_space<vmem>>
        %dma_wait3A_429 = arith.constant 0 : i32
        %dma_wait3A_430 = tpu.memref_slice %arg3[%add3A, %add3A_424, %dma_wait3A_429] : memref<32x80x128xi32, #tpu.memory_space<hbm>> -> memref<1x1x128xi32, #tpu.memory_space<hbm>>
        %dma_wait3A_431 = tpu.memref_squeeze %dma_wait3A_430 : memref<1x1x128xi32, #tpu.memory_space<hbm>> -> memref<128xi32, #tpu.memory_space<hbm>>
        %dma_wait3A_432 = arith.constant 0 : i32
        %dma_wait3A_433 = tpu.memref_slice %arg7[%dma_wait3A_425, %dma_wait3A_432] : memref<4x128xi32, #tpu.memory_space<vmem>> -> memref<1x128xi32, #tpu.memory_space<vmem>>
        %dma_wait3A_434 = tpu.memref_squeeze %dma_wait3A_433 : memref<1x128xi32, #tpu.memory_space<vmem>> -> memref<128xi32, #tpu.memory_space<vmem>>
        %dma_wait3A_435 = arith.constant 0 : i32
        %dma_wait3A_436 = tpu.memref_slice %arg3[%add3A, %add3A_424, %dma_wait3A_435] : memref<32x80x128xi32, #tpu.memory_space<hbm>> -> memref<1x1x128xi32, #tpu.memory_space<hbm>>
        %dma_wait3A_437 = tpu.memref_squeeze %dma_wait3A_436 : memref<1x1x128xi32, #tpu.memory_space<hbm>> -> memref<128xi32, #tpu.memory_space<hbm>>
        tpu.wait_dma2 semaphore(%arg16 : memref<!tpu.dma_semaphore, #tpu.memory_space<semaphore_mem>>) src(%dma_wait3A_437 : memref<128xi32, #tpu.memory_space<hbm>>) dst(%dma_wait3A_434 : memref<128xi32, #tpu.memory_space<vmem>>)
        %dma_wait3A_438 = arith.constant 0 : i32
        %dma_wait3A_439 = arith.constant 0 : i32
        %dma_wait3A_440 = tpu.memref_slice %arg8[%dma_wait3A_438, %dma_wait3A_439] : memref<4x128xi32, #tpu.memory_space<vmem>> -> memref<1x128xi32, #tpu.memory_space<vmem>>
        %dma_wait3A_441 = tpu.memref_squeeze %dma_wait3A_440 : memref<1x128xi32, #tpu.memory_space<vmem>> -> memref<128xi32, #tpu.memory_space<vmem>>
        %dma_wait3A_442 = arith.constant 0 : i32
        %dma_wait3A_443 = tpu.memref_slice %arg4[%add3A, %add3A_424, %dma_wait3A_442] : memref<32x80x128xi32, #tpu.memory_space<hbm>> -> memref<1x1x128xi32, #tpu.memory_space<hbm>>
        %dma_wait3A_444 = tpu.memref_squeeze %dma_wait3A_443 : memref<1x1x128xi32, #tpu.memory_space<hbm>> -> memref<128xi32, #tpu.memory_space<hbm>>
        %dma_wait3A_445 = arith.constant 0 : i32
        %dma_wait3A_446 = tpu.memref_slice %arg8[%dma_wait3A_438, %dma_wait3A_445] : memref<4x128xi32, #tpu.memory_space<vmem>> -> memref<1x128xi32, #tpu.memory_space<vmem>>
        %dma_wait3A_447 = tpu.memref_squeeze %dma_wait3A_446 : memref<1x128xi32, #tpu.memory_space<vmem>> -> memref<128xi32, #tpu.memory_space<vmem>>
        %dma_wait3A_448 = arith.constant 0 : i32
        %dma_wait3A_449 = tpu.memref_slice %arg4[%add3A, %add3A_424, %dma_wait3A_448] : memref<32x80x128xi32, #tpu.memory_space<hbm>> -> memref<1x1x128xi32, #tpu.memory_space<hbm>>
        %dma_wait3A_450 = tpu.memref_squeeze %dma_wait3A_449 : memref<1x1x128xi32, #tpu.memory_space<hbm>> -> memref<128xi32, #tpu.memory_space<hbm>>
        tpu.wait_dma2 semaphore(%arg16 : memref<!tpu.dma_semaphore, #tpu.memory_space<semaphore_mem>>) src(%dma_wait3A_450 : memref<128xi32, #tpu.memory_space<hbm>>) dst(%dma_wait3A_447 : memref<128xi32, #tpu.memory_space<vmem>>)
        %dma_wait3A_451 = arith.constant 0 : i32
        %dma_wait3A_452 = arith.constant 0 : i32
        %dma_wait3A_453 = tpu.memref_slice %arg9[%dma_wait3A_451, %dma_wait3A_452] : memref<4x128xf32, #tpu.memory_space<vmem>> -> memref<1x128xf32, #tpu.memory_space<vmem>>
        %dma_wait3A_454 = tpu.memref_squeeze %dma_wait3A_453 : memref<1x128xf32, #tpu.memory_space<vmem>> -> memref<128xf32, #tpu.memory_space<vmem>>
        %dma_wait3A_455 = arith.constant 0 : i32
        %dma_wait3A_456 = tpu.memref_slice %arg5[%add3A, %add3A_424, %dma_wait3A_455] : memref<32x80x128xf32, #tpu.memory_space<hbm>> -> memref<1x1x128xf32, #tpu.memory_space<hbm>>
        %dma_wait3A_457 = tpu.memref_squeeze %dma_wait3A_456 : memref<1x1x128xf32, #tpu.memory_space<hbm>> -> memref<128xf32, #tpu.memory_space<hbm>>
        %dma_wait3A_458 = arith.constant 0 : i32
        %dma_wait3A_459 = tpu.memref_slice %arg9[%dma_wait3A_451, %dma_wait3A_458] : memref<4x128xf32, #tpu.memory_space<vmem>> -> memref<1x128xf32, #tpu.memory_space<vmem>>
        %dma_wait3A_460 = tpu.memref_squeeze %dma_wait3A_459 : memref<1x128xf32, #tpu.memory_space<vmem>> -> memref<128xf32, #tpu.memory_space<vmem>>
        %dma_wait3A_461 = arith.constant 0 : i32
        %dma_wait3A_462 = tpu.memref_slice %arg5[%add3A, %add3A_424, %dma_wait3A_461] : memref<32x80x128xf32, #tpu.memory_space<hbm>> -> memref<1x1x128xf32, #tpu.memory_space<hbm>>
        %dma_wait3A_463 = tpu.memref_squeeze %dma_wait3A_462 : memref<1x1x128xf32, #tpu.memory_space<hbm>> -> memref<128xf32, #tpu.memory_space<hbm>>
        tpu.wait_dma2 semaphore(%arg16 : memref<!tpu.dma_semaphore, #tpu.memory_space<semaphore_mem>>) src(%dma_wait3A_463 : memref<128xf32, #tpu.memory_space<hbm>>) dst(%dma_wait3A_460 : memref<128xf32, #tpu.memory_space<vmem>>)
        %dma_start3A_464 = arith.constant 0 : i32
        %dma_start3A_465 = arith.constant 0 : i32
        %dma_start3A_466 = arith.constant 0 : i32
        %dma_start3A_467 = arith.constant 0 : i32
        %dma_start3A_468 = tpu.memref_slice %arg10[%dma_start3A_465, %dma_start3A_466, %dma_start3A_467] : memref<2x128x128xf32, #tpu.memory_space<vmem>> -> memref<1x128x128xf32, #tpu.memory_space<vmem>>
        %dma_start3A_469 = tpu.memref_squeeze %dma_start3A_468 : memref<1x128x128xf32, #tpu.memory_space<vmem>> -> memref<128x128xf32, #tpu.memory_space<vmem>>
        %dma_start3A_470 = arith.constant 0 : i32
        %dma_start3A_471 = tpu.memref_slice %arg7[%dma_start3A_464, %dma_start3A_470] : memref<4x128xi32, #tpu.memory_space<vmem>> -> memref<1x128xi32, #tpu.memory_space<vmem>>
        %dma_start3A_472 = tpu.memref_squeeze %dma_start3A_471 : memref<1x128xi32, #tpu.memory_space<vmem>> -> memref<128xi32, #tpu.memory_space<vmem>>
        %dma_start3A_473 = arith.constant 0 : i32
        %dma_start3A_474 = arith.constant 0 : i32
        %dma_start3A_475 = tpu.memref_slice %arg11[%dma_start3A_473, %dma_start3A_474] : memref<10240x128xf32, #tpu.memory_space<vmem_shared>> -> memref<10240x128xf32, #tpu.memory_space<vmem_shared>>
        tpu.enqueue_indirect_dma source(%dma_start3A_475 : memref<10240x128xf32, #tpu.memory_space<vmem_shared>>) target(%dma_start3A_469 : memref<128x128xf32, #tpu.memory_space<vmem>>) offsets(%dma_start3A_472 : memref<128xi32, #tpu.memory_space<vmem>>) semaphore(%arg12 : memref<!tpu.dma_semaphore, #tpu.memory_space<semaphore_mem>>)
      } else {
      }
      %add3A_382 = arith.constant 4 : i32
      %add3A_383 = arith.addi %add3A_362, %add3A_382 : i32
      %lt3A_384 = arith.constant 80 : i32
      %lt3A_385 = arith.cmpi slt, %add3A_383, %lt3A_384 : i32
      %convert_element_type3A_386 = arith.extui %lt3A_385 : i1 to i32
      %cond3A_387 = arith.constant 0 : i32
      %cond3A_388 = arith.cmpi ne, %convert_element_type3A_386, %cond3A_387 : i32
      scf.if %cond3A_388 {
        %add3A_423 = arith.constant 4 : i32
        %add3A_424 = arith.addi %add3A_362, %add3A_423 : i32
        %dma_start3A_425 = arith.constant 2 : i32
        %dma_start3A_426 = arith.constant 0 : i32
        %dma_start3A_427 = tpu.memref_slice %arg7[%dma_start3A_425, %dma_start3A_426] : memref<4x128xi32, #tpu.memory_space<vmem>> -> memref<1x128xi32, #tpu.memory_space<vmem>>
        %dma_start3A_428 = tpu.memref_squeeze %dma_start3A_427 : memref<1x128xi32, #tpu.memory_space<vmem>> -> memref<128xi32, #tpu.memory_space<vmem>>
        %dma_start3A_429 = arith.constant 0 : i32
        %dma_start3A_430 = tpu.memref_slice %arg3[%add3A, %add3A_424, %dma_start3A_429] : memref<32x80x128xi32, #tpu.memory_space<hbm>> -> memref<1x1x128xi32, #tpu.memory_space<hbm>>
        %dma_start3A_431 = tpu.memref_squeeze %dma_start3A_430 : memref<1x1x128xi32, #tpu.memory_space<hbm>> -> memref<128xi32, #tpu.memory_space<hbm>>
        %dma_start3A_432 = arith.constant 0 : i32
        %dma_start3A_433 = tpu.memref_slice %arg7[%dma_start3A_425, %dma_start3A_432] : memref<4x128xi32, #tpu.memory_space<vmem>> -> memref<1x128xi32, #tpu.memory_space<vmem>>
        %dma_start3A_434 = tpu.memref_squeeze %dma_start3A_433 : memref<1x128xi32, #tpu.memory_space<vmem>> -> memref<128xi32, #tpu.memory_space<vmem>>
        %dma_start3A_435 = arith.constant 0 : i32
        %dma_start3A_436 = tpu.memref_slice %arg3[%add3A, %add3A_424, %dma_start3A_435] : memref<32x80x128xi32, #tpu.memory_space<hbm>> -> memref<1x1x128xi32, #tpu.memory_space<hbm>>
        %dma_start3A_437 = tpu.memref_squeeze %dma_start3A_436 : memref<1x1x128xi32, #tpu.memory_space<hbm>> -> memref<128xi32, #tpu.memory_space<hbm>>
        tpu.enqueue_dma source(%dma_start3A_437 : memref<128xi32, #tpu.memory_space<hbm>>) target(%dma_start3A_434 : memref<128xi32, #tpu.memory_space<vmem>>) target_semaphore(%arg18 : memref<!tpu.dma_semaphore, #tpu.memory_space<semaphore_mem>>)
        %dma_start3A_438 = arith.constant 2 : i32
        %dma_start3A_439 = arith.constant 0 : i32
        %dma_start3A_440 = tpu.memref_slice %arg8[%dma_start3A_438, %dma_start3A_439] : memref<4x128xi32, #tpu.memory_space<vmem>> -> memref<1x128xi32, #tpu.memory_space<vmem>>
        %dma_start3A_441 = tpu.memref_squeeze %dma_start3A_440 : memref<1x128xi32, #tpu.memory_space<vmem>> -> memref<128xi32, #tpu.memory_space<vmem>>
        %dma_start3A_442 = arith.constant 0 : i32
        %dma_start3A_443 = tpu.memref_slice %arg4[%add3A, %add3A_424, %dma_start3A_442] : memref<32x80x128xi32, #tpu.memory_space<hbm>> -> memref<1x1x128xi32, #tpu.memory_space<hbm>>
        %dma_start3A_444 = tpu.memref_squeeze %dma_start3A_443 : memref<1x1x128xi32, #tpu.memory_space<hbm>> -> memref<128xi32, #tpu.memory_space<hbm>>
        %dma_start3A_445 = arith.constant 0 : i32
        %dma_start3A_446 = tpu.memref_slice %arg8[%dma_start3A_438, %dma_start3A_445] : memref<4x128xi32, #tpu.memory_space<vmem>> -> memref<1x128xi32, #tpu.memory_space<vmem>>
        %dma_start3A_447 = tpu.memref_squeeze %dma_start3A_446 : memref<1x128xi32, #tpu.memory_space<vmem>> -> memref<128xi32, #tpu.memory_space<vmem>>
        %dma_start3A_448 = arith.constant 0 : i32
        %dma_start3A_449 = tpu.memref_slice %arg4[%add3A, %add3A_424, %dma_start3A_448] : memref<32x80x128xi32, #tpu.memory_space<hbm>> -> memref<1x1x128xi32, #tpu.memory_space<hbm>>
        %dma_start3A_450 = tpu.memref_squeeze %dma_start3A_449 : memref<1x1x128xi32, #tpu.memory_space<hbm>> -> memref<128xi32, #tpu.memory_space<hbm>>
        tpu.enqueue_dma source(%dma_start3A_450 : memref<128xi32, #tpu.memory_space<hbm>>) target(%dma_start3A_447 : memref<128xi32, #tpu.memory_space<vmem>>) target_semaphore(%arg18 : memref<!tpu.dma_semaphore, #tpu.memory_space<semaphore_mem>>)
        %dma_start3A_451 = arith.constant 2 : i32
        %dma_start3A_452 = arith.constant 0 : i32
        %dma_start3A_453 = tpu.memref_slice %arg9[%dma_start3A_451, %dma_start3A_452] : memref<4x128xf32, #tpu.memory_space<vmem>> -> memref<1x128xf32, #tpu.memory_space<vmem>>
        %dma_start3A_454 = tpu.memref_squeeze %dma_start3A_453 : memref<1x128xf32, #tpu.memory_space<vmem>> -> memref<128xf32, #tpu.memory_space<vmem>>
        %dma_start3A_455 = arith.constant 0 : i32
        %dma_start3A_456 = tpu.memref_slice %arg5[%add3A, %add3A_424, %dma_start3A_455] : memref<32x80x128xf32, #tpu.memory_space<hbm>> -> memref<1x1x128xf32, #tpu.memory_space<hbm>>
        %dma_start3A_457 = tpu.memref_squeeze %dma_start3A_456 : memref<1x1x128xf32, #tpu.memory_space<hbm>> -> memref<128xf32, #tpu.memory_space<hbm>>
        %dma_start3A_458 = arith.constant 0 : i32
        %dma_start3A_459 = tpu.memref_slice %arg9[%dma_start3A_451, %dma_start3A_458] : memref<4x128xf32, #tpu.memory_space<vmem>> -> memref<1x128xf32, #tpu.memory_space<vmem>>
        %dma_start3A_460 = tpu.memref_squeeze %dma_start3A_459 : memref<1x128xf32, #tpu.memory_space<vmem>> -> memref<128xf32, #tpu.memory_space<vmem>>
        %dma_start3A_461 = arith.constant 0 : i32
        %dma_start3A_462 = tpu.memref_slice %arg5[%add3A, %add3A_424, %dma_start3A_461] : memref<32x80x128xf32, #tpu.memory_space<hbm>> -> memref<1x1x128xf32, #tpu.memory_space<hbm>>
        %dma_start3A_463 = tpu.memref_squeeze %dma_start3A_462 : memref<1x1x128xf32, #tpu.memory_space<hbm>> -> memref<128xf32, #tpu.memory_space<hbm>>
        tpu.enqueue_dma source(%dma_start3A_463 : memref<128xf32, #tpu.memory_space<hbm>>) target(%dma_start3A_460 : memref<128xf32, #tpu.memory_space<vmem>>) target_semaphore(%arg18 : memref<!tpu.dma_semaphore, #tpu.memory_space<semaphore_mem>>)
      } else {
      }
      %mul3A_389 = arith.constant 2 : i32
      %mul3A_390 = arith.muli %scan3A_289, %mul3A_389 : i32
      %add3A_391 = arith.constant 1 : i32
      %add3A_392 = arith.addi %mul3A_390, %add3A_391 : i32
      %mul3A_393 = arith.constant 2 : i32
      %mul3A_394 = arith.muli %add3A_392, %mul3A_393 : i32
      %add3A_395 = arith.constant 1 : i32
      %add3A_396 = arith.addi %mul3A_394, %add3A_395 : i32
      %dma_wait3A_397 = arith.constant 3 : i32
      %dma_wait3A_398 = arith.constant 1 : i32
      %dma_wait3A_399 = arith.constant 0 : i32
      %dma_wait3A_400 = arith.constant 0 : i32
      %dma_wait3A_401 = tpu.memref_slice %arg10[%dma_wait3A_398, %dma_wait3A_399, %dma_wait3A_400] : memref<2x128x128xf32, #tpu.memory_space<vmem>> -> memref<1x128x128xf32, #tpu.memory_space<vmem>>
      %dma_wait3A_402 = tpu.memref_squeeze %dma_wait3A_401 : memref<1x128x128xf32, #tpu.memory_space<vmem>> -> memref<128x128xf32, #tpu.memory_space<vmem>>
      %dma_wait3A_403 = arith.constant 0 : i32
      %dma_wait3A_404 = tpu.memref_slice %arg7[%dma_wait3A_397, %dma_wait3A_403] : memref<4x128xi32, #tpu.memory_space<vmem>> -> memref<1x128xi32, #tpu.memory_space<vmem>>
      %dma_wait3A_405 = tpu.memref_squeeze %dma_wait3A_404 : memref<1x128xi32, #tpu.memory_space<vmem>> -> memref<128xi32, #tpu.memory_space<vmem>>
      %dma_wait3A_406 = arith.constant 0 : i32
      %dma_wait3A_407 = arith.constant 0 : i32
      %dma_wait3A_408 = tpu.memref_slice %arg11[%dma_wait3A_406, %dma_wait3A_407] : memref<10240x128xf32, #tpu.memory_space<vmem_shared>> -> memref<10240x128xf32, #tpu.memory_space<vmem_shared>>
      tpu.wait_indirect_dma semaphore(%arg13 : memref<!tpu.dma_semaphore, #tpu.memory_space<semaphore_mem>>) src(%dma_wait3A_408 : memref<10240x128xf32, #tpu.memory_space<vmem_shared>>) dst(%dma_wait3A_402 : memref<128x128xf32, #tpu.memory_space<vmem>>)
      %add3A_409 = arith.constant 2 : i32
      %add3A_410 = arith.addi %add3A_396, %add3A_409 : i32
      %lt3A_411 = arith.constant 80 : i32
      %lt3A_412 = arith.cmpi slt, %add3A_410, %lt3A_411 : i32
      %convert_element_type3A_413 = arith.extui %lt3A_412 : i1 to i32
      %cond3A_414 = arith.constant 0 : i32
      %cond3A_415 = arith.cmpi ne, %convert_element_type3A_413, %cond3A_414 : i32
      scf.if %cond3A_415 {
        %add3A_423 = arith.constant 2 : i32
        %add3A_424 = arith.addi %add3A_396, %add3A_423 : i32
        %dma_wait3A_425 = arith.constant 1 : i32
        %dma_wait3A_426 = arith.constant 0 : i32
        %dma_wait3A_427 = tpu.memref_slice %arg7[%dma_wait3A_425, %dma_wait3A_426] : memref<4x128xi32, #tpu.memory_space<vmem>> -> memref<1x128xi32, #tpu.memory_space<vmem>>
        %dma_wait3A_428 = tpu.memref_squeeze %dma_wait3A_427 : memref<1x128xi32, #tpu.memory_space<vmem>> -> memref<128xi32, #tpu.memory_space<vmem>>
        %dma_wait3A_429 = arith.constant 0 : i32
        %dma_wait3A_430 = tpu.memref_slice %arg3[%add3A, %add3A_424, %dma_wait3A_429] : memref<32x80x128xi32, #tpu.memory_space<hbm>> -> memref<1x1x128xi32, #tpu.memory_space<hbm>>
        %dma_wait3A_431 = tpu.memref_squeeze %dma_wait3A_430 : memref<1x1x128xi32, #tpu.memory_space<hbm>> -> memref<128xi32, #tpu.memory_space<hbm>>
        %dma_wait3A_432 = arith.constant 0 : i32
        %dma_wait3A_433 = tpu.memref_slice %arg7[%dma_wait3A_425, %dma_wait3A_432] : memref<4x128xi32, #tpu.memory_space<vmem>> -> memref<1x128xi32, #tpu.memory_space<vmem>>
        %dma_wait3A_434 = tpu.memref_squeeze %dma_wait3A_433 : memref<1x128xi32, #tpu.memory_space<vmem>> -> memref<128xi32, #tpu.memory_space<vmem>>
        %dma_wait3A_435 = arith.constant 0 : i32
        %dma_wait3A_436 = tpu.memref_slice %arg3[%add3A, %add3A_424, %dma_wait3A_435] : memref<32x80x128xi32, #tpu.memory_space<hbm>> -> memref<1x1x128xi32, #tpu.memory_space<hbm>>
        %dma_wait3A_437 = tpu.memref_squeeze %dma_wait3A_436 : memref<1x1x128xi32, #tpu.memory_space<hbm>> -> memref<128xi32, #tpu.memory_space<hbm>>
        tpu.wait_dma2 semaphore(%arg17 : memref<!tpu.dma_semaphore, #tpu.memory_space<semaphore_mem>>) src(%dma_wait3A_437 : memref<128xi32, #tpu.memory_space<hbm>>) dst(%dma_wait3A_434 : memref<128xi32, #tpu.memory_space<vmem>>)
        %dma_wait3A_438 = arith.constant 1 : i32
        %dma_wait3A_439 = arith.constant 0 : i32
        %dma_wait3A_440 = tpu.memref_slice %arg8[%dma_wait3A_438, %dma_wait3A_439] : memref<4x128xi32, #tpu.memory_space<vmem>> -> memref<1x128xi32, #tpu.memory_space<vmem>>
        %dma_wait3A_441 = tpu.memref_squeeze %dma_wait3A_440 : memref<1x128xi32, #tpu.memory_space<vmem>> -> memref<128xi32, #tpu.memory_space<vmem>>
        %dma_wait3A_442 = arith.constant 0 : i32
        %dma_wait3A_443 = tpu.memref_slice %arg4[%add3A, %add3A_424, %dma_wait3A_442] : memref<32x80x128xi32, #tpu.memory_space<hbm>> -> memref<1x1x128xi32, #tpu.memory_space<hbm>>
        %dma_wait3A_444 = tpu.memref_squeeze %dma_wait3A_443 : memref<1x1x128xi32, #tpu.memory_space<hbm>> -> memref<128xi32, #tpu.memory_space<hbm>>
        %dma_wait3A_445 = arith.constant 0 : i32
        %dma_wait3A_446 = tpu.memref_slice %arg8[%dma_wait3A_438, %dma_wait3A_445] : memref<4x128xi32, #tpu.memory_space<vmem>> -> memref<1x128xi32, #tpu.memory_space<vmem>>
        %dma_wait3A_447 = tpu.memref_squeeze %dma_wait3A_446 : memref<1x128xi32, #tpu.memory_space<vmem>> -> memref<128xi32, #tpu.memory_space<vmem>>
        %dma_wait3A_448 = arith.constant 0 : i32
        %dma_wait3A_449 = tpu.memref_slice %arg4[%add3A, %add3A_424, %dma_wait3A_448] : memref<32x80x128xi32, #tpu.memory_space<hbm>> -> memref<1x1x128xi32, #tpu.memory_space<hbm>>
        %dma_wait3A_450 = tpu.memref_squeeze %dma_wait3A_449 : memref<1x1x128xi32, #tpu.memory_space<hbm>> -> memref<128xi32, #tpu.memory_space<hbm>>
        tpu.wait_dma2 semaphore(%arg17 : memref<!tpu.dma_semaphore, #tpu.memory_space<semaphore_mem>>) src(%dma_wait3A_450 : memref<128xi32, #tpu.memory_space<hbm>>) dst(%dma_wait3A_447 : memref<128xi32, #tpu.memory_space<vmem>>)
        %dma_wait3A_451 = arith.constant 1 : i32
        %dma_wait3A_452 = arith.constant 0 : i32
        %dma_wait3A_453 = tpu.memref_slice %arg9[%dma_wait3A_451, %dma_wait3A_452] : memref<4x128xf32, #tpu.memory_space<vmem>> -> memref<1x128xf32, #tpu.memory_space<vmem>>
        %dma_wait3A_454 = tpu.memref_squeeze %dma_wait3A_453 : memref<1x128xf32, #tpu.memory_space<vmem>> -> memref<128xf32, #tpu.memory_space<vmem>>
        %dma_wait3A_455 = arith.constant 0 : i32
        %dma_wait3A_456 = tpu.memref_slice %arg5[%add3A, %add3A_424, %dma_wait3A_455] : memref<32x80x128xf32, #tpu.memory_space<hbm>> -> memref<1x1x128xf32, #tpu.memory_space<hbm>>
        %dma_wait3A_457 = tpu.memref_squeeze %dma_wait3A_456 : memref<1x1x128xf32, #tpu.memory_space<hbm>> -> memref<128xf32, #tpu.memory_space<hbm>>
        %dma_wait3A_458 = arith.constant 0 : i32
        %dma_wait3A_459 = tpu.memref_slice %arg9[%dma_wait3A_451, %dma_wait3A_458] : memref<4x128xf32, #tpu.memory_space<vmem>> -> memref<1x128xf32, #tpu.memory_space<vmem>>
        %dma_wait3A_460 = tpu.memref_squeeze %dma_wait3A_459 : memref<1x128xf32, #tpu.memory_space<vmem>> -> memref<128xf32, #tpu.memory_space<vmem>>
        %dma_wait3A_461 = arith.constant 0 : i32
        %dma_wait3A_462 = tpu.memref_slice %arg5[%add3A, %add3A_424, %dma_wait3A_461] : memref<32x80x128xf32, #tpu.memory_space<hbm>> -> memref<1x1x128xf32, #tpu.memory_space<hbm>>
        %dma_wait3A_463 = tpu.memref_squeeze %dma_wait3A_462 : memref<1x1x128xf32, #tpu.memory_space<hbm>> -> memref<128xf32, #tpu.memory_space<hbm>>
        tpu.wait_dma2 semaphore(%arg17 : memref<!tpu.dma_semaphore, #tpu.memory_space<semaphore_mem>>) src(%dma_wait3A_463 : memref<128xf32, #tpu.memory_space<hbm>>) dst(%dma_wait3A_460 : memref<128xf32, #tpu.memory_space<vmem>>)
        %dma_start3A_464 = arith.constant 1 : i32
        %dma_start3A_465 = arith.constant 1 : i32
        %dma_start3A_466 = arith.constant 0 : i32
        %dma_start3A_467 = arith.constant 0 : i32
        %dma_start3A_468 = tpu.memref_slice %arg10[%dma_start3A_465, %dma_start3A_466, %dma_start3A_467] : memref<2x128x128xf32, #tpu.memory_space<vmem>> -> memref<1x128x128xf32, #tpu.memory_space<vmem>>
        %dma_start3A_469 = tpu.memref_squeeze %dma_start3A_468 : memref<1x128x128xf32, #tpu.memory_space<vmem>> -> memref<128x128xf32, #tpu.memory_space<vmem>>
        %dma_start3A_470 = arith.constant 0 : i32
        %dma_start3A_471 = tpu.memref_slice %arg7[%dma_start3A_464, %dma_start3A_470] : memref<4x128xi32, #tpu.memory_space<vmem>> -> memref<1x128xi32, #tpu.memory_space<vmem>>
        %dma_start3A_472 = tpu.memref_squeeze %dma_start3A_471 : memref<1x128xi32, #tpu.memory_space<vmem>> -> memref<128xi32, #tpu.memory_space<vmem>>
        %dma_start3A_473 = arith.constant 0 : i32
        %dma_start3A_474 = arith.constant 0 : i32
        %dma_start3A_475 = tpu.memref_slice %arg11[%dma_start3A_473, %dma_start3A_474] : memref<10240x128xf32, #tpu.memory_space<vmem_shared>> -> memref<10240x128xf32, #tpu.memory_space<vmem_shared>>
        tpu.enqueue_indirect_dma source(%dma_start3A_475 : memref<10240x128xf32, #tpu.memory_space<vmem_shared>>) target(%dma_start3A_469 : memref<128x128xf32, #tpu.memory_space<vmem>>) offsets(%dma_start3A_472 : memref<128xi32, #tpu.memory_space<vmem>>) semaphore(%arg13 : memref<!tpu.dma_semaphore, #tpu.memory_space<semaphore_mem>>)
      } else {
      }
      %add3A_416 = arith.constant 4 : i32
      %add3A_417 = arith.addi %add3A_396, %add3A_416 : i32
      %lt3A_418 = arith.constant 80 : i32
      %lt3A_419 = arith.cmpi slt, %add3A_417, %lt3A_418 : i32
      %convert_element_type3A_420 = arith.extui %lt3A_419 : i1 to i32
      %cond3A_421 = arith.constant 0 : i32
      %cond3A_422 = arith.cmpi ne, %convert_element_type3A_420, %cond3A_421 : i32
      scf.if %cond3A_422 {
        %add3A_423 = arith.constant 4 : i32
        %add3A_424 = arith.addi %add3A_396, %add3A_423 : i32
        %dma_start3A_425 = arith.constant 3 : i32
        %dma_start3A_426 = arith.constant 0 : i32
        %dma_start3A_427 = tpu.memref_slice %arg7[%dma_start3A_425, %dma_start3A_426] : memref<4x128xi32, #tpu.memory_space<vmem>> -> memref<1x128xi32, #tpu.memory_space<vmem>>
        %dma_start3A_428 = tpu.memref_squeeze %dma_start3A_427 : memref<1x128xi32, #tpu.memory_space<vmem>> -> memref<128xi32, #tpu.memory_space<vmem>>
        %dma_start3A_429 = arith.constant 0 : i32
        %dma_start3A_430 = tpu.memref_slice %arg3[%add3A, %add3A_424, %dma_start3A_429] : memref<32x80x128xi32, #tpu.memory_space<hbm>> -> memref<1x1x128xi32, #tpu.memory_space<hbm>>
        %dma_start3A_431 = tpu.memref_squeeze %dma_start3A_430 : memref<1x1x128xi32, #tpu.memory_space<hbm>> -> memref<128xi32, #tpu.memory_space<hbm>>
        %dma_start3A_432 = arith.constant 0 : i32
        %dma_start3A_433 = tpu.memref_slice %arg7[%dma_start3A_425, %dma_start3A_432] : memref<4x128xi32, #tpu.memory_space<vmem>> -> memref<1x128xi32, #tpu.memory_space<vmem>>
        %dma_start3A_434 = tpu.memref_squeeze %dma_start3A_433 : memref<1x128xi32, #tpu.memory_space<vmem>> -> memref<128xi32, #tpu.memory_space<vmem>>
        %dma_start3A_435 = arith.constant 0 : i32
        %dma_start3A_436 = tpu.memref_slice %arg3[%add3A, %add3A_424, %dma_start3A_435] : memref<32x80x128xi32, #tpu.memory_space<hbm>> -> memref<1x1x128xi32, #tpu.memory_space<hbm>>
        %dma_start3A_437 = tpu.memref_squeeze %dma_start3A_436 : memref<1x1x128xi32, #tpu.memory_space<hbm>> -> memref<128xi32, #tpu.memory_space<hbm>>
        tpu.enqueue_dma source(%dma_start3A_437 : memref<128xi32, #tpu.memory_space<hbm>>) target(%dma_start3A_434 : memref<128xi32, #tpu.memory_space<vmem>>) target_semaphore(%arg19 : memref<!tpu.dma_semaphore, #tpu.memory_space<semaphore_mem>>)
        %dma_start3A_438 = arith.constant 3 : i32
        %dma_start3A_439 = arith.constant 0 : i32
        %dma_start3A_440 = tpu.memref_slice %arg8[%dma_start3A_438, %dma_start3A_439] : memref<4x128xi32, #tpu.memory_space<vmem>> -> memref<1x128xi32, #tpu.memory_space<vmem>>
        %dma_start3A_441 = tpu.memref_squeeze %dma_start3A_440 : memref<1x128xi32, #tpu.memory_space<vmem>> -> memref<128xi32, #tpu.memory_space<vmem>>
        %dma_start3A_442 = arith.constant 0 : i32
        %dma_start3A_443 = tpu.memref_slice %arg4[%add3A, %add3A_424, %dma_start3A_442] : memref<32x80x128xi32, #tpu.memory_space<hbm>> -> memref<1x1x128xi32, #tpu.memory_space<hbm>>
        %dma_start3A_444 = tpu.memref_squeeze %dma_start3A_443 : memref<1x1x128xi32, #tpu.memory_space<hbm>> -> memref<128xi32, #tpu.memory_space<hbm>>
        %dma_start3A_445 = arith.constant 0 : i32
        %dma_start3A_446 = tpu.memref_slice %arg8[%dma_start3A_438, %dma_start3A_445] : memref<4x128xi32, #tpu.memory_space<vmem>> -> memref<1x128xi32, #tpu.memory_space<vmem>>
        %dma_start3A_447 = tpu.memref_squeeze %dma_start3A_446 : memref<1x128xi32, #tpu.memory_space<vmem>> -> memref<128xi32, #tpu.memory_space<vmem>>
        %dma_start3A_448 = arith.constant 0 : i32
        %dma_start3A_449 = tpu.memref_slice %arg4[%add3A, %add3A_424, %dma_start3A_448] : memref<32x80x128xi32, #tpu.memory_space<hbm>> -> memref<1x1x128xi32, #tpu.memory_space<hbm>>
        %dma_start3A_450 = tpu.memref_squeeze %dma_start3A_449 : memref<1x1x128xi32, #tpu.memory_space<hbm>> -> memref<128xi32, #tpu.memory_space<hbm>>
        tpu.enqueue_dma source(%dma_start3A_450 : memref<128xi32, #tpu.memory_space<hbm>>) target(%dma_start3A_447 : memref<128xi32, #tpu.memory_space<vmem>>) target_semaphore(%arg19 : memref<!tpu.dma_semaphore, #tpu.memory_space<semaphore_mem>>)
        %dma_start3A_451 = arith.constant 3 : i32
        %dma_start3A_452 = arith.constant 0 : i32
        %dma_start3A_453 = tpu.memref_slice %arg9[%dma_start3A_451, %dma_start3A_452] : memref<4x128xf32, #tpu.memory_space<vmem>> -> memref<1x128xf32, #tpu.memory_space<vmem>>
        %dma_start3A_454 = tpu.memref_squeeze %dma_start3A_453 : memref<1x128xf32, #tpu.memory_space<vmem>> -> memref<128xf32, #tpu.memory_space<vmem>>
        %dma_start3A_455 = arith.constant 0 : i32
        %dma_start3A_456 = tpu.memref_slice %arg5[%add3A, %add3A_424, %dma_start3A_455] : memref<32x80x128xf32, #tpu.memory_space<hbm>> -> memref<1x1x128xf32, #tpu.memory_space<hbm>>
        %dma_start3A_457 = tpu.memref_squeeze %dma_start3A_456 : memref<1x1x128xf32, #tpu.memory_space<hbm>> -> memref<128xf32, #tpu.memory_space<hbm>>
        %dma_start3A_458 = arith.constant 0 : i32
        %dma_start3A_459 = tpu.memref_slice %arg9[%dma_start3A_451, %dma_start3A_458] : memref<4x128xf32, #tpu.memory_space<vmem>> -> memref<1x128xf32, #tpu.memory_space<vmem>>
        %dma_start3A_460 = tpu.memref_squeeze %dma_start3A_459 : memref<1x128xf32, #tpu.memory_space<vmem>> -> memref<128xf32, #tpu.memory_space<vmem>>
        %dma_start3A_461 = arith.constant 0 : i32
        %dma_start3A_462 = tpu.memref_slice %arg5[%add3A, %add3A_424, %dma_start3A_461] : memref<32x80x128xf32, #tpu.memory_space<hbm>> -> memref<1x1x128xf32, #tpu.memory_space<hbm>>
        %dma_start3A_463 = tpu.memref_squeeze %dma_start3A_462 : memref<1x1x128xf32, #tpu.memory_space<hbm>> -> memref<128xf32, #tpu.memory_space<hbm>>
        tpu.enqueue_dma source(%dma_start3A_463 : memref<128xf32, #tpu.memory_space<hbm>>) target(%dma_start3A_460 : memref<128xf32, #tpu.memory_space<vmem>>) target_semaphore(%arg19 : memref<!tpu.dma_semaphore, #tpu.memory_space<semaphore_mem>>)
      } else {
      }
    }
    %scan3A_283 = arith.constant 20 : i32
    %barrier3A_284 = arith.constant 0 : index
    tpu.barrier barrier_id(%barrier3A_284)
    %mul3A_285 = arith.constant 640 : i32
    %mul3A_286 = arith.muli %arg1, %mul3A_285 : i32
    %mul3A_287 = arith.constant 640 : i32
    %mul3A_288 = arith.muli %arg1, %mul3A_287 : i32
    "tpu.region"() ({
      %run_scoped3A = tpu.sem_alloc : memref<!tpu.dma_semaphore, #tpu.memory_space<semaphore_mem>>
      %dma_start3A_289 = arith.constant 0 : i32
      %dma_start3A_290 = tpu.memref_slice %arg6[%arg0, %mul3A_288, %dma_start3A_289] : memref<2x10240x128xf32, #tpu.memory_space<hbm>> -> memref<1x640x128xf32, #tpu.memory_space<hbm>>
      %dma_start3A_291 = tpu.memref_squeeze %dma_start3A_290 : memref<1x640x128xf32, #tpu.memory_space<hbm>> -> memref<640x128xf32, #tpu.memory_space<hbm>>
      %dma_start3A_292 = arith.constant 0 : i32
      %dma_start3A_293 = tpu.memref_slice %arg11[%mul3A_286, %dma_start3A_292] : memref<10240x128xf32, #tpu.memory_space<vmem_shared>> -> memref<640x128xf32, #tpu.memory_space<vmem_shared>>
      tpu.enqueue_dma source(%dma_start3A_293 : memref<640x128xf32, #tpu.memory_space<vmem_shared>>) target(%dma_start3A_291 : memref<640x128xf32, #tpu.memory_space<hbm>>) target_semaphore(%run_scoped3A : memref<!tpu.dma_semaphore, #tpu.memory_space<semaphore_mem>>)
      %dma_wait3A_294 = arith.constant 0 : i32
      %dma_wait3A_295 = tpu.memref_slice %arg6[%arg0, %mul3A_288, %dma_wait3A_294] : memref<2x10240x128xf32, #tpu.memory_space<hbm>> -> memref<1x640x128xf32, #tpu.memory_space<hbm>>
      %dma_wait3A_296 = tpu.memref_squeeze %dma_wait3A_295 : memref<1x640x128xf32, #tpu.memory_space<hbm>> -> memref<640x128xf32, #tpu.memory_space<hbm>>
      %dma_wait3A_297 = arith.constant 0 : i32
      %dma_wait3A_298 = tpu.memref_slice %arg11[%mul3A_286, %dma_wait3A_297] : memref<10240x128xf32, #tpu.memory_space<vmem_shared>> -> memref<640x128xf32, #tpu.memory_space<vmem_shared>>
      tpu.wait_dma2 semaphore(%run_scoped3A : memref<!tpu.dma_semaphore, #tpu.memory_space<semaphore_mem>>) src(%dma_wait3A_298 : memref<640x128xf32, #tpu.memory_space<vmem_shared>>) dst(%dma_wait3A_296 : memref<640x128xf32, #tpu.memory_space<hbm>>)
      tpu.yield
    }) : () -> ()
    return
  }
}

#map = affine_map<(d0, d1) -> (0, 0)>
#map1 = affine_map<(d0, d1) -> (0, 0, 0)>
module attributes {stable_mosaic.version = 14 : i64} {
  func.func @_spmm_body(%arg0: i32, %arg1: i32, %arg2: memref<10240x128xf32, #tpu.memory_space<hbm>>, %arg3: memref<32x80x128xi32, #tpu.memory_space<hbm>>, %arg4: memref<32x80x128xi32, #tpu.memory_space<hbm>>, %arg5: memref<32x80x128xf32, #tpu.memory_space<hbm>>, %arg6: memref<2x10240x128xf32, #tpu.memory_space<hbm>>, %arg7: memref<4x128xi32, #tpu.memory_space<vmem>>, %arg8: memref<4x128xi32, #tpu.memory_space<vmem>>, %arg9: memref<4x128xf32, #tpu.memory_space<vmem>>, %arg10: memref<2x128x128xf32, #tpu.memory_space<vmem>>, %arg11: memref<10240x128xf32, #tpu.memory_space<vmem_shared>>, %arg12: memref<!tpu.dma_semaphore, #tpu.memory_space<semaphore_mem>>, %arg13: memref<!tpu.dma_semaphore, #tpu.memory_space<semaphore_mem>>, %arg14: memref<!tpu.dma_semaphore, #tpu.memory_space<semaphore_mem>>, %arg15: memref<!tpu.dma_semaphore, #tpu.memory_space<semaphore_mem>>, %arg16: memref<!tpu.dma_semaphore, #tpu.memory_space<semaphore_mem>>, %arg17: memref<!tpu.dma_semaphore, #tpu.memory_space<semaphore_mem>>, %arg18: memref<!tpu.dma_semaphore, #tpu.memory_space<semaphore_mem>>, %arg19: memref<!tpu.dma_semaphore, #tpu.memory_space<semaphore_mem>>) attributes {dimension_semantics = [#tpu.dimension_semantics<core_parallel>, #tpu.dimension_semantics<subcore_parallel>], iteration_bounds = array<i64: 2, 16>, scalar_prefetch = 0 : i64, scratch_operands = 13 : i64, tpu.core_type = #tpu.core_type<sc_vector_subcore>, window_params = [{transform_indices = #map}, {transform_indices = #map1}, {transform_indices = #map1}, {transform_indices = #map1}, {transform_indices = #map1}]} {
    %mul3A = arith.constant 2 : i32
    %mul3A_0 = arith.muli %arg1, %mul3A : i32
    %add3A = arith.addi %mul3A_0, %arg0 : i32
    %mul3A_1 = arith.constant 640 : i32
    %mul3A_2 = arith.muli %arg1, %mul3A_1 : i32
    %mul3A_3 = arith.constant 640 : i32
    %mul3A_4 = arith.muli %arg1, %mul3A_3 : i32
    "tpu.region"() ({
      %run_scoped3A = tpu.sem_alloc : memref<!tpu.dma_semaphore, #tpu.memory_space<semaphore_mem>>
      %dma_start3A_289 = arith.constant 0 : i32
      %dma_start3A_290 = tpu.memref_slice %arg11[%mul3A_4, %dma_start3A_289] : memref<10240x128xf32, #tpu.memory_space<vmem_shared>> -> memref<640x128xf32, #tpu.memory_space<vmem_shared>>
      %dma_start3A_291 = arith.constant 0 : i32
      %dma_start3A_292 = tpu.memref_slice %arg2[%mul3A_2, %dma_start3A_291] : memref<10240x128xf32, #tpu.memory_space<hbm>> -> memref<640x128xf32, #tpu.memory_space<hbm>>
      tpu.enqueue_dma source(%dma_start3A_292 : memref<640x128xf32, #tpu.memory_space<hbm>>) target(%dma_start3A_290 : memref<640x128xf32, #tpu.memory_space<vmem_shared>>) target_semaphore(%run_scoped3A : memref<!tpu.dma_semaphore, #tpu.memory_space<semaphore_mem>>)
      %dma_wait3A_293 = arith.constant 0 : i32
      %dma_wait3A_294 = tpu.memref_slice %arg11[%mul3A_4, %dma_wait3A_293] : memref<10240x128xf32, #tpu.memory_space<vmem_shared>> -> memref<640x128xf32, #tpu.memory_space<vmem_shared>>
      %dma_wait3A_295 = arith.constant 0 : i32
      %dma_wait3A_296 = tpu.memref_slice %arg2[%mul3A_2, %dma_wait3A_295] : memref<10240x128xf32, #tpu.memory_space<hbm>> -> memref<640x128xf32, #tpu.memory_space<hbm>>
      tpu.wait_dma2 semaphore(%run_scoped3A : memref<!tpu.dma_semaphore, #tpu.memory_space<semaphore_mem>>) src(%dma_wait3A_296 : memref<640x128xf32, #tpu.memory_space<hbm>>) dst(%dma_wait3A_294 : memref<640x128xf32, #tpu.memory_space<vmem_shared>>)
      tpu.yield
    }) : () -> ()
    %barrier3A = arith.constant 0 : index
    tpu.barrier barrier_id(%barrier3A)
    %dma_start3A = arith.constant 0 : i32
    %dma_start3A_5 = arith.constant 0 : i32
    %dma_start3A_6 = arith.constant 0 : i32
    %dma_start3A_7 = tpu.memref_slice %arg7[%dma_start3A_5, %dma_start3A_6] : memref<4x128xi32, #tpu.memory_space<vmem>> -> memref<1x128xi32, #tpu.memory_space<vmem>>
    %dma_start3A_8 = tpu.memref_squeeze %dma_start3A_7 : memref<1x128xi32, #tpu.memory_space<vmem>> -> memref<128xi32, #tpu.memory_space<vmem>>
    %dma_start3A_9 = arith.constant 0 : i32
    %dma_start3A_10 = tpu.memref_slice %arg3[%add3A, %dma_start3A, %dma_start3A_9] : memref<32x80x128xi32, #tpu.memory_space<hbm>> -> memref<1x1x128xi32, #tpu.memory_space<hbm>>
    %dma_start3A_11 = tpu.memref_squeeze %dma_start3A_10 : memref<1x1x128xi32, #tpu.memory_space<hbm>> -> memref<128xi32, #tpu.memory_space<hbm>>
    %dma_start3A_12 = arith.constant 0 : i32
    %dma_start3A_13 = tpu.memref_slice %arg7[%dma_start3A_5, %dma_start3A_12] : memref<4x128xi32, #tpu.memory_space<vmem>> -> memref<1x128xi32, #tpu.memory_space<vmem>>
    %dma_start3A_14 = tpu.memref_squeeze %dma_start3A_13 : memref<1x128xi32, #tpu.memory_space<vmem>> -> memref<128xi32, #tpu.memory_space<vmem>>
    %dma_start3A_15 = arith.constant 0 : i32
    %dma_start3A_16 = tpu.memref_slice %arg3[%add3A, %dma_start3A, %dma_start3A_15] : memref<32x80x128xi32, #tpu.memory_space<hbm>> -> memref<1x1x128xi32, #tpu.memory_space<hbm>>
    %dma_start3A_17 = tpu.memref_squeeze %dma_start3A_16 : memref<1x1x128xi32, #tpu.memory_space<hbm>> -> memref<128xi32, #tpu.memory_space<hbm>>
    tpu.enqueue_dma source(%dma_start3A_17 : memref<128xi32, #tpu.memory_space<hbm>>) target(%dma_start3A_14 : memref<128xi32, #tpu.memory_space<vmem>>) target_semaphore(%arg16 : memref<!tpu.dma_semaphore, #tpu.memory_space<semaphore_mem>>)
    %dma_start3A_18 = arith.constant 0 : i32
    %dma_start3A_19 = arith.constant 0 : i32
    %dma_start3A_20 = arith.constant 0 : i32
    %dma_start3A_21 = tpu.memref_slice %arg8[%dma_start3A_19, %dma_start3A_20] : memref<4x128xi32, #tpu.memory_space<vmem>> -> memref<1x128xi32, #tpu.memory_space<vmem>>
    %dma_start3A_22 = tpu.memref_squeeze %dma_start3A_21 : memref<1x128xi32, #tpu.memory_space<vmem>> -> memref<128xi32, #tpu.memory_space<vmem>>
    %dma_start3A_23 = arith.constant 0 : i32
    %dma_start3A_24 = tpu.memref_slice %arg4[%add3A, %dma_start3A_18, %dma_start3A_23] : memref<32x80x128xi32, #tpu.memory_space<hbm>> -> memref<1x1x128xi32, #tpu.memory_space<hbm>>
    %dma_start3A_25 = tpu.memref_squeeze %dma_start3A_24 : memref<1x1x128xi32, #tpu.memory_space<hbm>> -> memref<128xi32, #tpu.memory_space<hbm>>
    %dma_start3A_26 = arith.constant 0 : i32
    %dma_start3A_27 = tpu.memref_slice %arg8[%dma_start3A_19, %dma_start3A_26] : memref<4x128xi32, #tpu.memory_space<vmem>> -> memref<1x128xi32, #tpu.memory_space<vmem>>
    %dma_start3A_28 = tpu.memref_squeeze %dma_start3A_27 : memref<1x128xi32, #tpu.memory_space<vmem>> -> memref<128xi32, #tpu.memory_space<vmem>>
    %dma_start3A_29 = arith.constant 0 : i32
    %dma_start3A_30 = tpu.memref_slice %arg4[%add3A, %dma_start3A_18, %dma_start3A_29] : memref<32x80x128xi32, #tpu.memory_space<hbm>> -> memref<1x1x128xi32, #tpu.memory_space<hbm>>
    %dma_start3A_31 = tpu.memref_squeeze %dma_start3A_30 : memref<1x1x128xi32, #tpu.memory_space<hbm>> -> memref<128xi32, #tpu.memory_space<hbm>>
    tpu.enqueue_dma source(%dma_start3A_31 : memref<128xi32, #tpu.memory_space<hbm>>) target(%dma_start3A_28 : memref<128xi32, #tpu.memory_space<vmem>>) target_semaphore(%arg16 : memref<!tpu.dma_semaphore, #tpu.memory_space<semaphore_mem>>)
    %dma_start3A_32 = arith.constant 0 : i32
    %dma_start3A_33 = arith.constant 0 : i32
    %dma_start3A_34 = arith.constant 0 : i32
    %dma_start3A_35 = tpu.memref_slice %arg9[%dma_start3A_33, %dma_start3A_34] : memref<4x128xf32, #tpu.memory_space<vmem>> -> memref<1x128xf32, #tpu.memory_space<vmem>>
    %dma_start3A_36 = tpu.memref_squeeze %dma_start3A_35 : memref<1x128xf32, #tpu.memory_space<vmem>> -> memref<128xf32, #tpu.memory_space<vmem>>
    %dma_start3A_37 = arith.constant 0 : i32
    %dma_start3A_38 = tpu.memref_slice %arg5[%add3A, %dma_start3A_32, %dma_start3A_37] : memref<32x80x128xf32, #tpu.memory_space<hbm>> -> memref<1x1x128xf32, #tpu.memory_space<hbm>>
    %dma_start3A_39 = tpu.memref_squeeze %dma_start3A_38 : memref<1x1x128xf32, #tpu.memory_space<hbm>> -> memref<128xf32, #tpu.memory_space<hbm>>
    %dma_start3A_40 = arith.constant 0 : i32
    %dma_start3A_41 = tpu.memref_slice %arg9[%dma_start3A_33, %dma_start3A_40] : memref<4x128xf32, #tpu.memory_space<vmem>> -> memref<1x128xf32, #tpu.memory_space<vmem>>
    %dma_start3A_42 = tpu.memref_squeeze %dma_start3A_41 : memref<1x128xf32, #tpu.memory_space<vmem>> -> memref<128xf32, #tpu.memory_space<vmem>>
    %dma_start3A_43 = arith.constant 0 : i32
    %dma_start3A_44 = tpu.memref_slice %arg5[%add3A, %dma_start3A_32, %dma_start3A_43] : memref<32x80x128xf32, #tpu.memory_space<hbm>> -> memref<1x1x128xf32, #tpu.memory_space<hbm>>
    %dma_start3A_45 = tpu.memref_squeeze %dma_start3A_44 : memref<1x1x128xf32, #tpu.memory_space<hbm>> -> memref<128xf32, #tpu.memory_space<hbm>>
    tpu.enqueue_dma source(%dma_start3A_45 : memref<128xf32, #tpu.memory_space<hbm>>) target(%dma_start3A_42 : memref<128xf32, #tpu.memory_space<vmem>>) target_semaphore(%arg16 : memref<!tpu.dma_semaphore, #tpu.memory_space<semaphore_mem>>)
    %dma_start3A_46 = arith.constant 1 : i32
    %dma_start3A_47 = arith.constant 1 : i32
    %dma_start3A_48 = arith.constant 0 : i32
    %dma_start3A_49 = tpu.memref_slice %arg7[%dma_start3A_47, %dma_start3A_48] : memref<4x128xi32, #tpu.memory_space<vmem>> -> memref<1x128xi32, #tpu.memory_space<vmem>>
    %dma_start3A_50 = tpu.memref_squeeze %dma_start3A_49 : memref<1x128xi32, #tpu.memory_space<vmem>> -> memref<128xi32, #tpu.memory_space<vmem>>
    %dma_start3A_51 = arith.constant 0 : i32
    %dma_start3A_52 = tpu.memref_slice %arg3[%add3A, %dma_start3A_46, %dma_start3A_51] : memref<32x80x128xi32, #tpu.memory_space<hbm>> -> memref<1x1x128xi32, #tpu.memory_space<hbm>>
    %dma_start3A_53 = tpu.memref_squeeze %dma_start3A_52 : memref<1x1x128xi32, #tpu.memory_space<hbm>> -> memref<128xi32, #tpu.memory_space<hbm>>
    %dma_start3A_54 = arith.constant 0 : i32
    %dma_start3A_55 = tpu.memref_slice %arg7[%dma_start3A_47, %dma_start3A_54] : memref<4x128xi32, #tpu.memory_space<vmem>> -> memref<1x128xi32, #tpu.memory_space<vmem>>
    %dma_start3A_56 = tpu.memref_squeeze %dma_start3A_55 : memref<1x128xi32, #tpu.memory_space<vmem>> -> memref<128xi32, #tpu.memory_space<vmem>>
    %dma_start3A_57 = arith.constant 0 : i32
    %dma_start3A_58 = tpu.memref_slice %arg3[%add3A, %dma_start3A_46, %dma_start3A_57] : memref<32x80x128xi32, #tpu.memory_space<hbm>> -> memref<1x1x128xi32, #tpu.memory_space<hbm>>
    %dma_start3A_59 = tpu.memref_squeeze %dma_start3A_58 : memref<1x1x128xi32, #tpu.memory_space<hbm>> -> memref<128xi32, #tpu.memory_space<hbm>>
    tpu.enqueue_dma source(%dma_start3A_59 : memref<128xi32, #tpu.memory_space<hbm>>) target(%dma_start3A_56 : memref<128xi32, #tpu.memory_space<vmem>>) target_semaphore(%arg17 : memref<!tpu.dma_semaphore, #tpu.memory_space<semaphore_mem>>)
    %dma_start3A_60 = arith.constant 1 : i32
    %dma_start3A_61 = arith.constant 1 : i32
    %dma_start3A_62 = arith.constant 0 : i32
    %dma_start3A_63 = tpu.memref_slice %arg8[%dma_start3A_61, %dma_start3A_62] : memref<4x128xi32, #tpu.memory_space<vmem>> -> memref<1x128xi32, #tpu.memory_space<vmem>>
    %dma_start3A_64 = tpu.memref_squeeze %dma_start3A_63 : memref<1x128xi32, #tpu.memory_space<vmem>> -> memref<128xi32, #tpu.memory_space<vmem>>
    %dma_start3A_65 = arith.constant 0 : i32
    %dma_start3A_66 = tpu.memref_slice %arg4[%add3A, %dma_start3A_60, %dma_start3A_65] : memref<32x80x128xi32, #tpu.memory_space<hbm>> -> memref<1x1x128xi32, #tpu.memory_space<hbm>>
    %dma_start3A_67 = tpu.memref_squeeze %dma_start3A_66 : memref<1x1x128xi32, #tpu.memory_space<hbm>> -> memref<128xi32, #tpu.memory_space<hbm>>
    %dma_start3A_68 = arith.constant 0 : i32
    %dma_start3A_69 = tpu.memref_slice %arg8[%dma_start3A_61, %dma_start3A_68] : memref<4x128xi32, #tpu.memory_space<vmem>> -> memref<1x128xi32, #tpu.memory_space<vmem>>
    %dma_start3A_70 = tpu.memref_squeeze %dma_start3A_69 : memref<1x128xi32, #tpu.memory_space<vmem>> -> memref<128xi32, #tpu.memory_space<vmem>>
    %dma_start3A_71 = arith.constant 0 : i32
    %dma_start3A_72 = tpu.memref_slice %arg4[%add3A, %dma_start3A_60, %dma_start3A_71] : memref<32x80x128xi32, #tpu.memory_space<hbm>> -> memref<1x1x128xi32, #tpu.memory_space<hbm>>
    %dma_start3A_73 = tpu.memref_squeeze %dma_start3A_72 : memref<1x1x128xi32, #tpu.memory_space<hbm>> -> memref<128xi32, #tpu.memory_space<hbm>>
    tpu.enqueue_dma source(%dma_start3A_73 : memref<128xi32, #tpu.memory_space<hbm>>) target(%dma_start3A_70 : memref<128xi32, #tpu.memory_space<vmem>>) target_semaphore(%arg17 : memref<!tpu.dma_semaphore, #tpu.memory_space<semaphore_mem>>)
    %dma_start3A_74 = arith.constant 1 : i32
    %dma_start3A_75 = arith.constant 1 : i32
    %dma_start3A_76 = arith.constant 0 : i32
    %dma_start3A_77 = tpu.memref_slice %arg9[%dma_start3A_75, %dma_start3A_76] : memref<4x128xf32, #tpu.memory_space<vmem>> -> memref<1x128xf32, #tpu.memory_space<vmem>>
    %dma_start3A_78 = tpu.memref_squeeze %dma_start3A_77 : memref<1x128xf32, #tpu.memory_space<vmem>> -> memref<128xf32, #tpu.memory_space<vmem>>
    %dma_start3A_79 = arith.constant 0 : i32
    %dma_start3A_80 = tpu.memref_slice %arg5[%add3A, %dma_start3A_74, %dma_start3A_79] : memref<32x80x128xf32, #tpu.memory_space<hbm>> -> memref<1x1x128xf32, #tpu.memory_space<hbm>>
    %dma_start3A_81 = tpu.memref_squeeze %dma_start3A_80 : memref<1x1x128xf32, #tpu.memory_space<hbm>> -> memref<128xf32, #tpu.memory_space<hbm>>
    %dma_start3A_82 = arith.constant 0 : i32
    %dma_start3A_83 = tpu.memref_slice %arg9[%dma_start3A_75, %dma_start3A_82] : memref<4x128xf32, #tpu.memory_space<vmem>> -> memref<1x128xf32, #tpu.memory_space<vmem>>
    %dma_start3A_84 = tpu.memref_squeeze %dma_start3A_83 : memref<1x128xf32, #tpu.memory_space<vmem>> -> memref<128xf32, #tpu.memory_space<vmem>>
    %dma_start3A_85 = arith.constant 0 : i32
    %dma_start3A_86 = tpu.memref_slice %arg5[%add3A, %dma_start3A_74, %dma_start3A_85] : memref<32x80x128xf32, #tpu.memory_space<hbm>> -> memref<1x1x128xf32, #tpu.memory_space<hbm>>
    %dma_start3A_87 = tpu.memref_squeeze %dma_start3A_86 : memref<1x1x128xf32, #tpu.memory_space<hbm>> -> memref<128xf32, #tpu.memory_space<hbm>>
    tpu.enqueue_dma source(%dma_start3A_87 : memref<128xf32, #tpu.memory_space<hbm>>) target(%dma_start3A_84 : memref<128xf32, #tpu.memory_space<vmem>>) target_semaphore(%arg17 : memref<!tpu.dma_semaphore, #tpu.memory_space<semaphore_mem>>)
    %dma_start3A_88 = arith.constant 2 : i32
    %dma_start3A_89 = arith.constant 2 : i32
    %dma_start3A_90 = arith.constant 0 : i32
    %dma_start3A_91 = tpu.memref_slice %arg7[%dma_start3A_89, %dma_start3A_90] : memref<4x128xi32, #tpu.memory_space<vmem>> -> memref<1x128xi32, #tpu.memory_space<vmem>>
    %dma_start3A_92 = tpu.memref_squeeze %dma_start3A_91 : memref<1x128xi32, #tpu.memory_space<vmem>> -> memref<128xi32, #tpu.memory_space<vmem>>
    %dma_start3A_93 = arith.constant 0 : i32
    %dma_start3A_94 = tpu.memref_slice %arg3[%add3A, %dma_start3A_88, %dma_start3A_93] : memref<32x80x128xi32, #tpu.memory_space<hbm>> -> memref<1x1x128xi32, #tpu.memory_space<hbm>>
    %dma_start3A_95 = tpu.memref_squeeze %dma_start3A_94 : memref<1x1x128xi32, #tpu.memory_space<hbm>> -> memref<128xi32, #tpu.memory_space<hbm>>
    %dma_start3A_96 = arith.constant 0 : i32
    %dma_start3A_97 = tpu.memref_slice %arg7[%dma_start3A_89, %dma_start3A_96] : memref<4x128xi32, #tpu.memory_space<vmem>> -> memref<1x128xi32, #tpu.memory_space<vmem>>
    %dma_start3A_98 = tpu.memref_squeeze %dma_start3A_97 : memref<1x128xi32, #tpu.memory_space<vmem>> -> memref<128xi32, #tpu.memory_space<vmem>>
    %dma_start3A_99 = arith.constant 0 : i32
    %dma_start3A_100 = tpu.memref_slice %arg3[%add3A, %dma_start3A_88, %dma_start3A_99] : memref<32x80x128xi32, #tpu.memory_space<hbm>> -> memref<1x1x128xi32, #tpu.memory_space<hbm>>
    %dma_start3A_101 = tpu.memref_squeeze %dma_start3A_100 : memref<1x1x128xi32, #tpu.memory_space<hbm>> -> memref<128xi32, #tpu.memory_space<hbm>>
    tpu.enqueue_dma source(%dma_start3A_101 : memref<128xi32, #tpu.memory_space<hbm>>) target(%dma_start3A_98 : memref<128xi32, #tpu.memory_space<vmem>>) target_semaphore(%arg18 : memref<!tpu.dma_semaphore, #tpu.memory_space<semaphore_mem>>)
    %dma_start3A_102 = arith.constant 2 : i32
    %dma_start3A_103 = arith.constant 2 : i32
    %dma_start3A_104 = arith.constant 0 : i32
    %dma_start3A_105 = tpu.memref_slice %arg8[%dma_start3A_103, %dma_start3A_104] : memref<4x128xi32, #tpu.memory_space<vmem>> -> memref<1x128xi32, #tpu.memory_space<vmem>>
    %dma_start3A_106 = tpu.memref_squeeze %dma_start3A_105 : memref<1x128xi32, #tpu.memory_space<vmem>> -> memref<128xi32, #tpu.memory_space<vmem>>
    %dma_start3A_107 = arith.constant 0 : i32
    %dma_start3A_108 = tpu.memref_slice %arg4[%add3A, %dma_start3A_102, %dma_start3A_107] : memref<32x80x128xi32, #tpu.memory_space<hbm>> -> memref<1x1x128xi32, #tpu.memory_space<hbm>>
    %dma_start3A_109 = tpu.memref_squeeze %dma_start3A_108 : memref<1x1x128xi32, #tpu.memory_space<hbm>> -> memref<128xi32, #tpu.memory_space<hbm>>
    %dma_start3A_110 = arith.constant 0 : i32
    %dma_start3A_111 = tpu.memref_slice %arg8[%dma_start3A_103, %dma_start3A_110] : memref<4x128xi32, #tpu.memory_space<vmem>> -> memref<1x128xi32, #tpu.memory_space<vmem>>
    %dma_start3A_112 = tpu.memref_squeeze %dma_start3A_111 : memref<1x128xi32, #tpu.memory_space<vmem>> -> memref<128xi32, #tpu.memory_space<vmem>>
    %dma_start3A_113 = arith.constant 0 : i32
    %dma_start3A_114 = tpu.memref_slice %arg4[%add3A, %dma_start3A_102, %dma_start3A_113] : memref<32x80x128xi32, #tpu.memory_space<hbm>> -> memref<1x1x128xi32, #tpu.memory_space<hbm>>
    %dma_start3A_115 = tpu.memref_squeeze %dma_start3A_114 : memref<1x1x128xi32, #tpu.memory_space<hbm>> -> memref<128xi32, #tpu.memory_space<hbm>>
    tpu.enqueue_dma source(%dma_start3A_115 : memref<128xi32, #tpu.memory_space<hbm>>) target(%dma_start3A_112 : memref<128xi32, #tpu.memory_space<vmem>>) target_semaphore(%arg18 : memref<!tpu.dma_semaphore, #tpu.memory_space<semaphore_mem>>)
    %dma_start3A_116 = arith.constant 2 : i32
    %dma_start3A_117 = arith.constant 2 : i32
    %dma_start3A_118 = arith.constant 0 : i32
    %dma_start3A_119 = tpu.memref_slice %arg9[%dma_start3A_117, %dma_start3A_118] : memref<4x128xf32, #tpu.memory_space<vmem>> -> memref<1x128xf32, #tpu.memory_space<vmem>>
    %dma_start3A_120 = tpu.memref_squeeze %dma_start3A_119 : memref<1x128xf32, #tpu.memory_space<vmem>> -> memref<128xf32, #tpu.memory_space<vmem>>
    %dma_start3A_121 = arith.constant 0 : i32
    %dma_start3A_122 = tpu.memref_slice %arg5[%add3A, %dma_start3A_116, %dma_start3A_121] : memref<32x80x128xf32, #tpu.memory_space<hbm>> -> memref<1x1x128xf32, #tpu.memory_space<hbm>>
    %dma_start3A_123 = tpu.memref_squeeze %dma_start3A_122 : memref<1x1x128xf32, #tpu.memory_space<hbm>> -> memref<128xf32, #tpu.memory_space<hbm>>
    %dma_start3A_124 = arith.constant 0 : i32
    %dma_start3A_125 = tpu.memref_slice %arg9[%dma_start3A_117, %dma_start3A_124] : memref<4x128xf32, #tpu.memory_space<vmem>> -> memref<1x128xf32, #tpu.memory_space<vmem>>
    %dma_start3A_126 = tpu.memref_squeeze %dma_start3A_125 : memref<1x128xf32, #tpu.memory_space<vmem>> -> memref<128xf32, #tpu.memory_space<vmem>>
    %dma_start3A_127 = arith.constant 0 : i32
    %dma_start3A_128 = tpu.memref_slice %arg5[%add3A, %dma_start3A_116, %dma_start3A_127] : memref<32x80x128xf32, #tpu.memory_space<hbm>> -> memref<1x1x128xf32, #tpu.memory_space<hbm>>
    %dma_start3A_129 = tpu.memref_squeeze %dma_start3A_128 : memref<1x1x128xf32, #tpu.memory_space<hbm>> -> memref<128xf32, #tpu.memory_space<hbm>>
    tpu.enqueue_dma source(%dma_start3A_129 : memref<128xf32, #tpu.memory_space<hbm>>) target(%dma_start3A_126 : memref<128xf32, #tpu.memory_space<vmem>>) target_semaphore(%arg18 : memref<!tpu.dma_semaphore, #tpu.memory_space<semaphore_mem>>)
    %dma_start3A_130 = arith.constant 3 : i32
    %dma_start3A_131 = arith.constant 3 : i32
    %dma_start3A_132 = arith.constant 0 : i32
    %dma_start3A_133 = tpu.memref_slice %arg7[%dma_start3A_131, %dma_start3A_132] : memref<4x128xi32, #tpu.memory_space<vmem>> -> memref<1x128xi32, #tpu.memory_space<vmem>>
    %dma_start3A_134 = tpu.memref_squeeze %dma_start3A_133 : memref<1x128xi32, #tpu.memory_space<vmem>> -> memref<128xi32, #tpu.memory_space<vmem>>
    %dma_start3A_135 = arith.constant 0 : i32
    %dma_start3A_136 = tpu.memref_slice %arg3[%add3A, %dma_start3A_130, %dma_start3A_135] : memref<32x80x128xi32, #tpu.memory_space<hbm>> -> memref<1x1x128xi32, #tpu.memory_space<hbm>>
    %dma_start3A_137 = tpu.memref_squeeze %dma_start3A_136 : memref<1x1x128xi32, #tpu.memory_space<hbm>> -> memref<128xi32, #tpu.memory_space<hbm>>
    %dma_start3A_138 = arith.constant 0 : i32
    %dma_start3A_139 = tpu.memref_slice %arg7[%dma_start3A_131, %dma_start3A_138] : memref<4x128xi32, #tpu.memory_space<vmem>> -> memref<1x128xi32, #tpu.memory_space<vmem>>
    %dma_start3A_140 = tpu.memref_squeeze %dma_start3A_139 : memref<1x128xi32, #tpu.memory_space<vmem>> -> memref<128xi32, #tpu.memory_space<vmem>>
    %dma_start3A_141 = arith.constant 0 : i32
    %dma_start3A_142 = tpu.memref_slice %arg3[%add3A, %dma_start3A_130, %dma_start3A_141] : memref<32x80x128xi32, #tpu.memory_space<hbm>> -> memref<1x1x128xi32, #tpu.memory_space<hbm>>
    %dma_start3A_143 = tpu.memref_squeeze %dma_start3A_142 : memref<1x1x128xi32, #tpu.memory_space<hbm>> -> memref<128xi32, #tpu.memory_space<hbm>>
    tpu.enqueue_dma source(%dma_start3A_143 : memref<128xi32, #tpu.memory_space<hbm>>) target(%dma_start3A_140 : memref<128xi32, #tpu.memory_space<vmem>>) target_semaphore(%arg19 : memref<!tpu.dma_semaphore, #tpu.memory_space<semaphore_mem>>)
    %dma_start3A_144 = arith.constant 3 : i32
    %dma_start3A_145 = arith.constant 3 : i32
    %dma_start3A_146 = arith.constant 0 : i32
    %dma_start3A_147 = tpu.memref_slice %arg8[%dma_start3A_145, %dma_start3A_146] : memref<4x128xi32, #tpu.memory_space<vmem>> -> memref<1x128xi32, #tpu.memory_space<vmem>>
    %dma_start3A_148 = tpu.memref_squeeze %dma_start3A_147 : memref<1x128xi32, #tpu.memory_space<vmem>> -> memref<128xi32, #tpu.memory_space<vmem>>
    %dma_start3A_149 = arith.constant 0 : i32
    %dma_start3A_150 = tpu.memref_slice %arg4[%add3A, %dma_start3A_144, %dma_start3A_149] : memref<32x80x128xi32, #tpu.memory_space<hbm>> -> memref<1x1x128xi32, #tpu.memory_space<hbm>>
    %dma_start3A_151 = tpu.memref_squeeze %dma_start3A_150 : memref<1x1x128xi32, #tpu.memory_space<hbm>> -> memref<128xi32, #tpu.memory_space<hbm>>
    %dma_start3A_152 = arith.constant 0 : i32
    %dma_start3A_153 = tpu.memref_slice %arg8[%dma_start3A_145, %dma_start3A_152] : memref<4x128xi32, #tpu.memory_space<vmem>> -> memref<1x128xi32, #tpu.memory_space<vmem>>
    %dma_start3A_154 = tpu.memref_squeeze %dma_start3A_153 : memref<1x128xi32, #tpu.memory_space<vmem>> -> memref<128xi32, #tpu.memory_space<vmem>>
    %dma_start3A_155 = arith.constant 0 : i32
    %dma_start3A_156 = tpu.memref_slice %arg4[%add3A, %dma_start3A_144, %dma_start3A_155] : memref<32x80x128xi32, #tpu.memory_space<hbm>> -> memref<1x1x128xi32, #tpu.memory_space<hbm>>
    %dma_start3A_157 = tpu.memref_squeeze %dma_start3A_156 : memref<1x1x128xi32, #tpu.memory_space<hbm>> -> memref<128xi32, #tpu.memory_space<hbm>>
    tpu.enqueue_dma source(%dma_start3A_157 : memref<128xi32, #tpu.memory_space<hbm>>) target(%dma_start3A_154 : memref<128xi32, #tpu.memory_space<vmem>>) target_semaphore(%arg19 : memref<!tpu.dma_semaphore, #tpu.memory_space<semaphore_mem>>)
    %dma_start3A_158 = arith.constant 3 : i32
    %dma_start3A_159 = arith.constant 3 : i32
    %dma_start3A_160 = arith.constant 0 : i32
    %dma_start3A_161 = tpu.memref_slice %arg9[%dma_start3A_159, %dma_start3A_160] : memref<4x128xf32, #tpu.memory_space<vmem>> -> memref<1x128xf32, #tpu.memory_space<vmem>>
    %dma_start3A_162 = tpu.memref_squeeze %dma_start3A_161 : memref<1x128xf32, #tpu.memory_space<vmem>> -> memref<128xf32, #tpu.memory_space<vmem>>
    %dma_start3A_163 = arith.constant 0 : i32
    %dma_start3A_164 = tpu.memref_slice %arg5[%add3A, %dma_start3A_158, %dma_start3A_163] : memref<32x80x128xf32, #tpu.memory_space<hbm>> -> memref<1x1x128xf32, #tpu.memory_space<hbm>>
    %dma_start3A_165 = tpu.memref_squeeze %dma_start3A_164 : memref<1x1x128xf32, #tpu.memory_space<hbm>> -> memref<128xf32, #tpu.memory_space<hbm>>
    %dma_start3A_166 = arith.constant 0 : i32
    %dma_start3A_167 = tpu.memref_slice %arg9[%dma_start3A_159, %dma_start3A_166] : memref<4x128xf32, #tpu.memory_space<vmem>> -> memref<1x128xf32, #tpu.memory_space<vmem>>
    %dma_start3A_168 = tpu.memref_squeeze %dma_start3A_167 : memref<1x128xf32, #tpu.memory_space<vmem>> -> memref<128xf32, #tpu.memory_space<vmem>>
    %dma_start3A_169 = arith.constant 0 : i32
    %dma_start3A_170 = tpu.memref_slice %arg5[%add3A, %dma_start3A_158, %dma_start3A_169] : memref<32x80x128xf32, #tpu.memory_space<hbm>> -> memref<1x1x128xf32, #tpu.memory_space<hbm>>
    %dma_start3A_171 = tpu.memref_squeeze %dma_start3A_170 : memref<1x1x128xf32, #tpu.memory_space<hbm>> -> memref<128xf32, #tpu.memory_space<hbm>>
    tpu.enqueue_dma source(%dma_start3A_171 : memref<128xf32, #tpu.memory_space<hbm>>) target(%dma_start3A_168 : memref<128xf32, #tpu.memory_space<vmem>>) target_semaphore(%arg19 : memref<!tpu.dma_semaphore, #tpu.memory_space<semaphore_mem>>)
    %dma_wait3A = arith.constant 0 : i32
    %dma_wait3A_172 = arith.constant 0 : i32
    %dma_wait3A_173 = arith.constant 0 : i32
    %dma_wait3A_174 = tpu.memref_slice %arg7[%dma_wait3A_172, %dma_wait3A_173] : memref<4x128xi32, #tpu.memory_space<vmem>> -> memref<1x128xi32, #tpu.memory_space<vmem>>
    %dma_wait3A_175 = tpu.memref_squeeze %dma_wait3A_174 : memref<1x128xi32, #tpu.memory_space<vmem>> -> memref<128xi32, #tpu.memory_space<vmem>>
    %dma_wait3A_176 = arith.constant 0 : i32
    %dma_wait3A_177 = tpu.memref_slice %arg3[%add3A, %dma_wait3A, %dma_wait3A_176] : memref<32x80x128xi32, #tpu.memory_space<hbm>> -> memref<1x1x128xi32, #tpu.memory_space<hbm>>
    %dma_wait3A_178 = tpu.memref_squeeze %dma_wait3A_177 : memref<1x1x128xi32, #tpu.memory_space<hbm>> -> memref<128xi32, #tpu.memory_space<hbm>>
    %dma_wait3A_179 = arith.constant 0 : i32
    %dma_wait3A_180 = tpu.memref_slice %arg7[%dma_wait3A_172, %dma_wait3A_179] : memref<4x128xi32, #tpu.memory_space<vmem>> -> memref<1x128xi32, #tpu.memory_space<vmem>>
    %dma_wait3A_181 = tpu.memref_squeeze %dma_wait3A_180 : memref<1x128xi32, #tpu.memory_space<vmem>> -> memref<128xi32, #tpu.memory_space<vmem>>
    %dma_wait3A_182 = arith.constant 0 : i32
    %dma_wait3A_183 = tpu.memref_slice %arg3[%add3A, %dma_wait3A, %dma_wait3A_182] : memref<32x80x128xi32, #tpu.memory_space<hbm>> -> memref<1x1x128xi32, #tpu.memory_space<hbm>>
    %dma_wait3A_184 = tpu.memref_squeeze %dma_wait3A_183 : memref<1x1x128xi32, #tpu.memory_space<hbm>> -> memref<128xi32, #tpu.memory_space<hbm>>
    tpu.wait_dma2 semaphore(%arg16 : memref<!tpu.dma_semaphore, #tpu.memory_space<semaphore_mem>>) src(%dma_wait3A_184 : memref<128xi32, #tpu.memory_space<hbm>>) dst(%dma_wait3A_181 : memref<128xi32, #tpu.memory_space<vmem>>)
    %dma_wait3A_185 = arith.constant 0 : i32
    %dma_wait3A_186 = arith.constant 0 : i32
    %dma_wait3A_187 = arith.constant 0 : i32
    %dma_wait3A_188 = tpu.memref_slice %arg8[%dma_wait3A_186, %dma_wait3A_187] : memref<4x128xi32, #tpu.memory_space<vmem>> -> memref<1x128xi32, #tpu.memory_space<vmem>>
    %dma_wait3A_189 = tpu.memref_squeeze %dma_wait3A_188 : memref<1x128xi32, #tpu.memory_space<vmem>> -> memref<128xi32, #tpu.memory_space<vmem>>
    %dma_wait3A_190 = arith.constant 0 : i32
    %dma_wait3A_191 = tpu.memref_slice %arg4[%add3A, %dma_wait3A_185, %dma_wait3A_190] : memref<32x80x128xi32, #tpu.memory_space<hbm>> -> memref<1x1x128xi32, #tpu.memory_space<hbm>>
    %dma_wait3A_192 = tpu.memref_squeeze %dma_wait3A_191 : memref<1x1x128xi32, #tpu.memory_space<hbm>> -> memref<128xi32, #tpu.memory_space<hbm>>
    %dma_wait3A_193 = arith.constant 0 : i32
    %dma_wait3A_194 = tpu.memref_slice %arg8[%dma_wait3A_186, %dma_wait3A_193] : memref<4x128xi32, #tpu.memory_space<vmem>> -> memref<1x128xi32, #tpu.memory_space<vmem>>
    %dma_wait3A_195 = tpu.memref_squeeze %dma_wait3A_194 : memref<1x128xi32, #tpu.memory_space<vmem>> -> memref<128xi32, #tpu.memory_space<vmem>>
    %dma_wait3A_196 = arith.constant 0 : i32
    %dma_wait3A_197 = tpu.memref_slice %arg4[%add3A, %dma_wait3A_185, %dma_wait3A_196] : memref<32x80x128xi32, #tpu.memory_space<hbm>> -> memref<1x1x128xi32, #tpu.memory_space<hbm>>
    %dma_wait3A_198 = tpu.memref_squeeze %dma_wait3A_197 : memref<1x1x128xi32, #tpu.memory_space<hbm>> -> memref<128xi32, #tpu.memory_space<hbm>>
    tpu.wait_dma2 semaphore(%arg16 : memref<!tpu.dma_semaphore, #tpu.memory_space<semaphore_mem>>) src(%dma_wait3A_198 : memref<128xi32, #tpu.memory_space<hbm>>) dst(%dma_wait3A_195 : memref<128xi32, #tpu.memory_space<vmem>>)
    %dma_wait3A_199 = arith.constant 0 : i32
    %dma_wait3A_200 = arith.constant 0 : i32
    %dma_wait3A_201 = arith.constant 0 : i32
    %dma_wait3A_202 = tpu.memref_slice %arg9[%dma_wait3A_200, %dma_wait3A_201] : memref<4x128xf32, #tpu.memory_space<vmem>> -> memref<1x128xf32, #tpu.memory_space<vmem>>
    %dma_wait3A_203 = tpu.memref_squeeze %dma_wait3A_202 : memref<1x128xf32, #tpu.memory_space<vmem>> -> memref<128xf32, #tpu.memory_space<vmem>>
    %dma_wait3A_204 = arith.constant 0 : i32
    %dma_wait3A_205 = tpu.memref_slice %arg5[%add3A, %dma_wait3A_199, %dma_wait3A_204] : memref<32x80x128xf32, #tpu.memory_space<hbm>> -> memref<1x1x128xf32, #tpu.memory_space<hbm>>
    %dma_wait3A_206 = tpu.memref_squeeze %dma_wait3A_205 : memref<1x1x128xf32, #tpu.memory_space<hbm>> -> memref<128xf32, #tpu.memory_space<hbm>>
    %dma_wait3A_207 = arith.constant 0 : i32
    %dma_wait3A_208 = tpu.memref_slice %arg9[%dma_wait3A_200, %dma_wait3A_207] : memref<4x128xf32, #tpu.memory_space<vmem>> -> memref<1x128xf32, #tpu.memory_space<vmem>>
    %dma_wait3A_209 = tpu.memref_squeeze %dma_wait3A_208 : memref<1x128xf32, #tpu.memory_space<vmem>> -> memref<128xf32, #tpu.memory_space<vmem>>
    %dma_wait3A_210 = arith.constant 0 : i32
    %dma_wait3A_211 = tpu.memref_slice %arg5[%add3A, %dma_wait3A_199, %dma_wait3A_210] : memref<32x80x128xf32, #tpu.memory_space<hbm>> -> memref<1x1x128xf32, #tpu.memory_space<hbm>>
    %dma_wait3A_212 = tpu.memref_squeeze %dma_wait3A_211 : memref<1x1x128xf32, #tpu.memory_space<hbm>> -> memref<128xf32, #tpu.memory_space<hbm>>
    tpu.wait_dma2 semaphore(%arg16 : memref<!tpu.dma_semaphore, #tpu.memory_space<semaphore_mem>>) src(%dma_wait3A_212 : memref<128xf32, #tpu.memory_space<hbm>>) dst(%dma_wait3A_209 : memref<128xf32, #tpu.memory_space<vmem>>)
    %dma_start3A_213 = arith.constant 0 : i32
    %dma_start3A_214 = arith.constant 0 : i32
    %dma_start3A_215 = arith.constant 0 : i32
    %dma_start3A_216 = arith.constant 0 : i32
    %dma_start3A_217 = tpu.memref_slice %arg10[%dma_start3A_214, %dma_start3A_215, %dma_start3A_216] : memref<2x128x128xf32, #tpu.memory_space<vmem>> -> memref<1x128x128xf32, #tpu.memory_space<vmem>>
    %dma_start3A_218 = tpu.memref_squeeze %dma_start3A_217 : memref<1x128x128xf32, #tpu.memory_space<vmem>> -> memref<128x128xf32, #tpu.memory_space<vmem>>
    %dma_start3A_219 = arith.constant 0 : i32
    %dma_start3A_220 = tpu.memref_slice %arg7[%dma_start3A_213, %dma_start3A_219] : memref<4x128xi32, #tpu.memory_space<vmem>> -> memref<1x128xi32, #tpu.memory_space<vmem>>
    %dma_start3A_221 = tpu.memref_squeeze %dma_start3A_220 : memref<1x128xi32, #tpu.memory_space<vmem>> -> memref<128xi32, #tpu.memory_space<vmem>>
    %dma_start3A_222 = arith.constant 0 : i32
    %dma_start3A_223 = arith.constant 0 : i32
    %dma_start3A_224 = tpu.memref_slice %arg11[%dma_start3A_222, %dma_start3A_223] : memref<10240x128xf32, #tpu.memory_space<vmem_shared>> -> memref<10240x128xf32, #tpu.memory_space<vmem_shared>>
    tpu.enqueue_indirect_dma source(%dma_start3A_224 : memref<10240x128xf32, #tpu.memory_space<vmem_shared>>) target(%dma_start3A_218 : memref<128x128xf32, #tpu.memory_space<vmem>>) offsets(%dma_start3A_221 : memref<128xi32, #tpu.memory_space<vmem>>) semaphore(%arg12 : memref<!tpu.dma_semaphore, #tpu.memory_space<semaphore_mem>>)
    %dma_wait3A_225 = arith.constant 1 : i32
    %dma_wait3A_226 = arith.constant 1 : i32
    %dma_wait3A_227 = arith.constant 0 : i32
    %dma_wait3A_228 = tpu.memref_slice %arg7[%dma_wait3A_226, %dma_wait3A_227] : memref<4x128xi32, #tpu.memory_space<vmem>> -> memref<1x128xi32, #tpu.memory_space<vmem>>
    %dma_wait3A_229 = tpu.memref_squeeze %dma_wait3A_228 : memref<1x128xi32, #tpu.memory_space<vmem>> -> memref<128xi32, #tpu.memory_space<vmem>>
    %dma_wait3A_230 = arith.constant 0 : i32
    %dma_wait3A_231 = tpu.memref_slice %arg3[%add3A, %dma_wait3A_225, %dma_wait3A_230] : memref<32x80x128xi32, #tpu.memory_space<hbm>> -> memref<1x1x128xi32, #tpu.memory_space<hbm>>
    %dma_wait3A_232 = tpu.memref_squeeze %dma_wait3A_231 : memref<1x1x128xi32, #tpu.memory_space<hbm>> -> memref<128xi32, #tpu.memory_space<hbm>>
    %dma_wait3A_233 = arith.constant 0 : i32
    %dma_wait3A_234 = tpu.memref_slice %arg7[%dma_wait3A_226, %dma_wait3A_233] : memref<4x128xi32, #tpu.memory_space<vmem>> -> memref<1x128xi32, #tpu.memory_space<vmem>>
    %dma_wait3A_235 = tpu.memref_squeeze %dma_wait3A_234 : memref<1x128xi32, #tpu.memory_space<vmem>> -> memref<128xi32, #tpu.memory_space<vmem>>
    %dma_wait3A_236 = arith.constant 0 : i32
    %dma_wait3A_237 = tpu.memref_slice %arg3[%add3A, %dma_wait3A_225, %dma_wait3A_236] : memref<32x80x128xi32, #tpu.memory_space<hbm>> -> memref<1x1x128xi32, #tpu.memory_space<hbm>>
    %dma_wait3A_238 = tpu.memref_squeeze %dma_wait3A_237 : memref<1x1x128xi32, #tpu.memory_space<hbm>> -> memref<128xi32, #tpu.memory_space<hbm>>
    tpu.wait_dma2 semaphore(%arg17 : memref<!tpu.dma_semaphore, #tpu.memory_space<semaphore_mem>>) src(%dma_wait3A_238 : memref<128xi32, #tpu.memory_space<hbm>>) dst(%dma_wait3A_235 : memref<128xi32, #tpu.memory_space<vmem>>)
    %dma_wait3A_239 = arith.constant 1 : i32
    %dma_wait3A_240 = arith.constant 1 : i32
    %dma_wait3A_241 = arith.constant 0 : i32
    %dma_wait3A_242 = tpu.memref_slice %arg8[%dma_wait3A_240, %dma_wait3A_241] : memref<4x128xi32, #tpu.memory_space<vmem>> -> memref<1x128xi32, #tpu.memory_space<vmem>>
    %dma_wait3A_243 = tpu.memref_squeeze %dma_wait3A_242 : memref<1x128xi32, #tpu.memory_space<vmem>> -> memref<128xi32, #tpu.memory_space<vmem>>
    %dma_wait3A_244 = arith.constant 0 : i32
    %dma_wait3A_245 = tpu.memref_slice %arg4[%add3A, %dma_wait3A_239, %dma_wait3A_244] : memref<32x80x128xi32, #tpu.memory_space<hbm>> -> memref<1x1x128xi32, #tpu.memory_space<hbm>>
    %dma_wait3A_246 = tpu.memref_squeeze %dma_wait3A_245 : memref<1x1x128xi32, #tpu.memory_space<hbm>> -> memref<128xi32, #tpu.memory_space<hbm>>
    %dma_wait3A_247 = arith.constant 0 : i32
    %dma_wait3A_248 = tpu.memref_slice %arg8[%dma_wait3A_240, %dma_wait3A_247] : memref<4x128xi32, #tpu.memory_space<vmem>> -> memref<1x128xi32, #tpu.memory_space<vmem>>
    %dma_wait3A_249 = tpu.memref_squeeze %dma_wait3A_248 : memref<1x128xi32, #tpu.memory_space<vmem>> -> memref<128xi32, #tpu.memory_space<vmem>>
    %dma_wait3A_250 = arith.constant 0 : i32
    %dma_wait3A_251 = tpu.memref_slice %arg4[%add3A, %dma_wait3A_239, %dma_wait3A_250] : memref<32x80x128xi32, #tpu.memory_space<hbm>> -> memref<1x1x128xi32, #tpu.memory_space<hbm>>
    %dma_wait3A_252 = tpu.memref_squeeze %dma_wait3A_251 : memref<1x1x128xi32, #tpu.memory_space<hbm>> -> memref<128xi32, #tpu.memory_space<hbm>>
    tpu.wait_dma2 semaphore(%arg17 : memref<!tpu.dma_semaphore, #tpu.memory_space<semaphore_mem>>) src(%dma_wait3A_252 : memref<128xi32, #tpu.memory_space<hbm>>) dst(%dma_wait3A_249 : memref<128xi32, #tpu.memory_space<vmem>>)
    %dma_wait3A_253 = arith.constant 1 : i32
    %dma_wait3A_254 = arith.constant 1 : i32
    %dma_wait3A_255 = arith.constant 0 : i32
    %dma_wait3A_256 = tpu.memref_slice %arg9[%dma_wait3A_254, %dma_wait3A_255] : memref<4x128xf32, #tpu.memory_space<vmem>> -> memref<1x128xf32, #tpu.memory_space<vmem>>
    %dma_wait3A_257 = tpu.memref_squeeze %dma_wait3A_256 : memref<1x128xf32, #tpu.memory_space<vmem>> -> memref<128xf32, #tpu.memory_space<vmem>>
    %dma_wait3A_258 = arith.constant 0 : i32
    %dma_wait3A_259 = tpu.memref_slice %arg5[%add3A, %dma_wait3A_253, %dma_wait3A_258] : memref<32x80x128xf32, #tpu.memory_space<hbm>> -> memref<1x1x128xf32, #tpu.memory_space<hbm>>
    %dma_wait3A_260 = tpu.memref_squeeze %dma_wait3A_259 : memref<1x1x128xf32, #tpu.memory_space<hbm>> -> memref<128xf32, #tpu.memory_space<hbm>>
    %dma_wait3A_261 = arith.constant 0 : i32
    %dma_wait3A_262 = tpu.memref_slice %arg9[%dma_wait3A_254, %dma_wait3A_261] : memref<4x128xf32, #tpu.memory_space<vmem>> -> memref<1x128xf32, #tpu.memory_space<vmem>>
    %dma_wait3A_263 = tpu.memref_squeeze %dma_wait3A_262 : memref<1x128xf32, #tpu.memory_space<vmem>> -> memref<128xf32, #tpu.memory_space<vmem>>
    %dma_wait3A_264 = arith.constant 0 : i32
    %dma_wait3A_265 = tpu.memref_slice %arg5[%add3A, %dma_wait3A_253, %dma_wait3A_264] : memref<32x80x128xf32, #tpu.memory_space<hbm>> -> memref<1x1x128xf32, #tpu.memory_space<hbm>>
    %dma_wait3A_266 = tpu.memref_squeeze %dma_wait3A_265 : memref<1x1x128xf32, #tpu.memory_space<hbm>> -> memref<128xf32, #tpu.memory_space<hbm>>
    tpu.wait_dma2 semaphore(%arg17 : memref<!tpu.dma_semaphore, #tpu.memory_space<semaphore_mem>>) src(%dma_wait3A_266 : memref<128xf32, #tpu.memory_space<hbm>>) dst(%dma_wait3A_263 : memref<128xf32, #tpu.memory_space<vmem>>)
    %dma_start3A_267 = arith.constant 1 : i32
    %dma_start3A_268 = arith.constant 1 : i32
    %dma_start3A_269 = arith.constant 0 : i32
    %dma_start3A_270 = arith.constant 0 : i32
    %dma_start3A_271 = tpu.memref_slice %arg10[%dma_start3A_268, %dma_start3A_269, %dma_start3A_270] : memref<2x128x128xf32, #tpu.memory_space<vmem>> -> memref<1x128x128xf32, #tpu.memory_space<vmem>>
    %dma_start3A_272 = tpu.memref_squeeze %dma_start3A_271 : memref<1x128x128xf32, #tpu.memory_space<vmem>> -> memref<128x128xf32, #tpu.memory_space<vmem>>
    %dma_start3A_273 = arith.constant 0 : i32
    %dma_start3A_274 = tpu.memref_slice %arg7[%dma_start3A_267, %dma_start3A_273] : memref<4x128xi32, #tpu.memory_space<vmem>> -> memref<1x128xi32, #tpu.memory_space<vmem>>
    %dma_start3A_275 = tpu.memref_squeeze %dma_start3A_274 : memref<1x128xi32, #tpu.memory_space<vmem>> -> memref<128xi32, #tpu.memory_space<vmem>>
    %dma_start3A_276 = arith.constant 0 : i32
    %dma_start3A_277 = arith.constant 0 : i32
    %dma_start3A_278 = tpu.memref_slice %arg11[%dma_start3A_276, %dma_start3A_277] : memref<10240x128xf32, #tpu.memory_space<vmem_shared>> -> memref<10240x128xf32, #tpu.memory_space<vmem_shared>>
    tpu.enqueue_indirect_dma source(%dma_start3A_278 : memref<10240x128xf32, #tpu.memory_space<vmem_shared>>) target(%dma_start3A_272 : memref<128x128xf32, #tpu.memory_space<vmem>>) offsets(%dma_start3A_275 : memref<128xi32, #tpu.memory_space<vmem>>) semaphore(%arg13 : memref<!tpu.dma_semaphore, #tpu.memory_space<semaphore_mem>>)
    %scan3A = arith.constant 0 : i32
    %scan3A_279 = arith.constant 0 : i32
    %scan3A_280 = arith.constant 20 : i32
    %scan3A_281 = arith.addi %scan3A_279, %scan3A_280 : i32
    %scan3A_282 = arith.constant 1 : i32
    scf.for %scan3A_289 = %scan3A_279 to %scan3A_281 step %scan3A_282  : i32 {
      %mul3A_290 = arith.constant 2 : i32
      %mul3A_291 = arith.muli %scan3A_289, %mul3A_290 : i32
      %add3A_292 = arith.constant 0 : i32
      %add3A_293 = arith.addi %mul3A_291, %add3A_292 : i32
      %mul3A_294 = arith.constant 2 : i32
      %mul3A_295 = arith.muli %add3A_293, %mul3A_294 : i32
      %add3A_296 = arith.constant 0 : i32
      %add3A_297 = arith.addi %mul3A_295, %add3A_296 : i32
      %dma_wait3A_298 = arith.constant 0 : i32
      %dma_wait3A_299 = arith.constant 0 : i32
      %dma_wait3A_300 = arith.constant 0 : i32
      %dma_wait3A_301 = arith.constant 0 : i32
      %dma_wait3A_302 = tpu.memref_slice %arg10[%dma_wait3A_299, %dma_wait3A_300, %dma_wait3A_301] : memref<2x128x128xf32, #tpu.memory_space<vmem>> -> memref<1x128x128xf32, #tpu.memory_space<vmem>>
      %dma_wait3A_303 = tpu.memref_squeeze %dma_wait3A_302 : memref<1x128x128xf32, #tpu.memory_space<vmem>> -> memref<128x128xf32, #tpu.memory_space<vmem>>
      %dma_wait3A_304 = arith.constant 0 : i32
      %dma_wait3A_305 = tpu.memref_slice %arg7[%dma_wait3A_298, %dma_wait3A_304] : memref<4x128xi32, #tpu.memory_space<vmem>> -> memref<1x128xi32, #tpu.memory_space<vmem>>
      %dma_wait3A_306 = tpu.memref_squeeze %dma_wait3A_305 : memref<1x128xi32, #tpu.memory_space<vmem>> -> memref<128xi32, #tpu.memory_space<vmem>>
      %dma_wait3A_307 = arith.constant 0 : i32
      %dma_wait3A_308 = arith.constant 0 : i32
      %dma_wait3A_309 = tpu.memref_slice %arg11[%dma_wait3A_307, %dma_wait3A_308] : memref<10240x128xf32, #tpu.memory_space<vmem_shared>> -> memref<10240x128xf32, #tpu.memory_space<vmem_shared>>
      tpu.wait_indirect_dma semaphore(%arg12 : memref<!tpu.dma_semaphore, #tpu.memory_space<semaphore_mem>>) src(%dma_wait3A_309 : memref<10240x128xf32, #tpu.memory_space<vmem_shared>>) dst(%dma_wait3A_303 : memref<128x128xf32, #tpu.memory_space<vmem>>)
      %add3A_310 = arith.constant 2 : i32
      %add3A_311 = arith.addi %add3A_297, %add3A_310 : i32
      %lt3A = arith.constant 80 : i32
      %lt3A_312 = arith.cmpi slt, %add3A_311, %lt3A : i32
      %convert_element_type3A = arith.extui %lt3A_312 : i1 to i32
      %cond3A = arith.constant 0 : i32
      %cond3A_313 = arith.cmpi ne, %convert_element_type3A, %cond3A : i32
      scf.if %cond3A_313 {
        %add3A_423 = arith.constant 2 : i32
        %add3A_424 = arith.addi %add3A_297, %add3A_423 : i32
        %dma_wait3A_425 = arith.constant 2 : i32
        %dma_wait3A_426 = arith.constant 0 : i32
        %dma_wait3A_427 = tpu.memref_slice %arg7[%dma_wait3A_425, %dma_wait3A_426] : memref<4x128xi32, #tpu.memory_space<vmem>> -> memref<1x128xi32, #tpu.memory_space<vmem>>
        %dma_wait3A_428 = tpu.memref_squeeze %dma_wait3A_427 : memref<1x128xi32, #tpu.memory_space<vmem>> -> memref<128xi32, #tpu.memory_space<vmem>>
        %dma_wait3A_429 = arith.constant 0 : i32
        %dma_wait3A_430 = tpu.memref_slice %arg3[%add3A, %add3A_424, %dma_wait3A_429] : memref<32x80x128xi32, #tpu.memory_space<hbm>> -> memref<1x1x128xi32, #tpu.memory_space<hbm>>
        %dma_wait3A_431 = tpu.memref_squeeze %dma_wait3A_430 : memref<1x1x128xi32, #tpu.memory_space<hbm>> -> memref<128xi32, #tpu.memory_space<hbm>>
        %dma_wait3A_432 = arith.constant 0 : i32
        %dma_wait3A_433 = tpu.memref_slice %arg7[%dma_wait3A_425, %dma_wait3A_432] : memref<4x128xi32, #tpu.memory_space<vmem>> -> memref<1x128xi32, #tpu.memory_space<vmem>>
        %dma_wait3A_434 = tpu.memref_squeeze %dma_wait3A_433 : memref<1x128xi32, #tpu.memory_space<vmem>> -> memref<128xi32, #tpu.memory_space<vmem>>
        %dma_wait3A_435 = arith.constant 0 : i32
        %dma_wait3A_436 = tpu.memref_slice %arg3[%add3A, %add3A_424, %dma_wait3A_435] : memref<32x80x128xi32, #tpu.memory_space<hbm>> -> memref<1x1x128xi32, #tpu.memory_space<hbm>>
        %dma_wait3A_437 = tpu.memref_squeeze %dma_wait3A_436 : memref<1x1x128xi32, #tpu.memory_space<hbm>> -> memref<128xi32, #tpu.memory_space<hbm>>
        tpu.wait_dma2 semaphore(%arg18 : memref<!tpu.dma_semaphore, #tpu.memory_space<semaphore_mem>>) src(%dma_wait3A_437 : memref<128xi32, #tpu.memory_space<hbm>>) dst(%dma_wait3A_434 : memref<128xi32, #tpu.memory_space<vmem>>)
        %dma_wait3A_438 = arith.constant 2 : i32
        %dma_wait3A_439 = arith.constant 0 : i32
        %dma_wait3A_440 = tpu.memref_slice %arg8[%dma_wait3A_438, %dma_wait3A_439] : memref<4x128xi32, #tpu.memory_space<vmem>> -> memref<1x128xi32, #tpu.memory_space<vmem>>
        %dma_wait3A_441 = tpu.memref_squeeze %dma_wait3A_440 : memref<1x128xi32, #tpu.memory_space<vmem>> -> memref<128xi32, #tpu.memory_space<vmem>>
        %dma_wait3A_442 = arith.constant 0 : i32
        %dma_wait3A_443 = tpu.memref_slice %arg4[%add3A, %add3A_424, %dma_wait3A_442] : memref<32x80x128xi32, #tpu.memory_space<hbm>> -> memref<1x1x128xi32, #tpu.memory_space<hbm>>
        %dma_wait3A_444 = tpu.memref_squeeze %dma_wait3A_443 : memref<1x1x128xi32, #tpu.memory_space<hbm>> -> memref<128xi32, #tpu.memory_space<hbm>>
        %dma_wait3A_445 = arith.constant 0 : i32
        %dma_wait3A_446 = tpu.memref_slice %arg8[%dma_wait3A_438, %dma_wait3A_445] : memref<4x128xi32, #tpu.memory_space<vmem>> -> memref<1x128xi32, #tpu.memory_space<vmem>>
        %dma_wait3A_447 = tpu.memref_squeeze %dma_wait3A_446 : memref<1x128xi32, #tpu.memory_space<vmem>> -> memref<128xi32, #tpu.memory_space<vmem>>
        %dma_wait3A_448 = arith.constant 0 : i32
        %dma_wait3A_449 = tpu.memref_slice %arg4[%add3A, %add3A_424, %dma_wait3A_448] : memref<32x80x128xi32, #tpu.memory_space<hbm>> -> memref<1x1x128xi32, #tpu.memory_space<hbm>>
        %dma_wait3A_450 = tpu.memref_squeeze %dma_wait3A_449 : memref<1x1x128xi32, #tpu.memory_space<hbm>> -> memref<128xi32, #tpu.memory_space<hbm>>
        tpu.wait_dma2 semaphore(%arg18 : memref<!tpu.dma_semaphore, #tpu.memory_space<semaphore_mem>>) src(%dma_wait3A_450 : memref<128xi32, #tpu.memory_space<hbm>>) dst(%dma_wait3A_447 : memref<128xi32, #tpu.memory_space<vmem>>)
        %dma_wait3A_451 = arith.constant 2 : i32
        %dma_wait3A_452 = arith.constant 0 : i32
        %dma_wait3A_453 = tpu.memref_slice %arg9[%dma_wait3A_451, %dma_wait3A_452] : memref<4x128xf32, #tpu.memory_space<vmem>> -> memref<1x128xf32, #tpu.memory_space<vmem>>
        %dma_wait3A_454 = tpu.memref_squeeze %dma_wait3A_453 : memref<1x128xf32, #tpu.memory_space<vmem>> -> memref<128xf32, #tpu.memory_space<vmem>>
        %dma_wait3A_455 = arith.constant 0 : i32
        %dma_wait3A_456 = tpu.memref_slice %arg5[%add3A, %add3A_424, %dma_wait3A_455] : memref<32x80x128xf32, #tpu.memory_space<hbm>> -> memref<1x1x128xf32, #tpu.memory_space<hbm>>
        %dma_wait3A_457 = tpu.memref_squeeze %dma_wait3A_456 : memref<1x1x128xf32, #tpu.memory_space<hbm>> -> memref<128xf32, #tpu.memory_space<hbm>>
        %dma_wait3A_458 = arith.constant 0 : i32
        %dma_wait3A_459 = tpu.memref_slice %arg9[%dma_wait3A_451, %dma_wait3A_458] : memref<4x128xf32, #tpu.memory_space<vmem>> -> memref<1x128xf32, #tpu.memory_space<vmem>>
        %dma_wait3A_460 = tpu.memref_squeeze %dma_wait3A_459 : memref<1x128xf32, #tpu.memory_space<vmem>> -> memref<128xf32, #tpu.memory_space<vmem>>
        %dma_wait3A_461 = arith.constant 0 : i32
        %dma_wait3A_462 = tpu.memref_slice %arg5[%add3A, %add3A_424, %dma_wait3A_461] : memref<32x80x128xf32, #tpu.memory_space<hbm>> -> memref<1x1x128xf32, #tpu.memory_space<hbm>>
        %dma_wait3A_463 = tpu.memref_squeeze %dma_wait3A_462 : memref<1x1x128xf32, #tpu.memory_space<hbm>> -> memref<128xf32, #tpu.memory_space<hbm>>
        tpu.wait_dma2 semaphore(%arg18 : memref<!tpu.dma_semaphore, #tpu.memory_space<semaphore_mem>>) src(%dma_wait3A_463 : memref<128xf32, #tpu.memory_space<hbm>>) dst(%dma_wait3A_460 : memref<128xf32, #tpu.memory_space<vmem>>)
        %dma_start3A_464 = arith.constant 2 : i32
        %dma_start3A_465 = arith.constant 0 : i32
        %dma_start3A_466 = arith.constant 0 : i32
        %dma_start3A_467 = arith.constant 0 : i32
        %dma_start3A_468 = tpu.memref_slice %arg10[%dma_start3A_465, %dma_start3A_466, %dma_start3A_467] : memref<2x128x128xf32, #tpu.memory_space<vmem>> -> memref<1x128x128xf32, #tpu.memory_space<vmem>>
        %dma_start3A_469 = tpu.memref_squeeze %dma_start3A_468 : memref<1x128x128xf32, #tpu.memory_space<vmem>> -> memref<128x128xf32, #tpu.memory_space<vmem>>
        %dma_start3A_470 = arith.constant 0 : i32
        %dma_start3A_471 = tpu.memref_slice %arg7[%dma_start3A_464, %dma_start3A_470] : memref<4x128xi32, #tpu.memory_space<vmem>> -> memref<1x128xi32, #tpu.memory_space<vmem>>
        %dma_start3A_472 = tpu.memref_squeeze %dma_start3A_471 : memref<1x128xi32, #tpu.memory_space<vmem>> -> memref<128xi32, #tpu.memory_space<vmem>>
        %dma_start3A_473 = arith.constant 0 : i32
        %dma_start3A_474 = arith.constant 0 : i32
        %dma_start3A_475 = tpu.memref_slice %arg11[%dma_start3A_473, %dma_start3A_474] : memref<10240x128xf32, #tpu.memory_space<vmem_shared>> -> memref<10240x128xf32, #tpu.memory_space<vmem_shared>>
        tpu.enqueue_indirect_dma source(%dma_start3A_475 : memref<10240x128xf32, #tpu.memory_space<vmem_shared>>) target(%dma_start3A_469 : memref<128x128xf32, #tpu.memory_space<vmem>>) offsets(%dma_start3A_472 : memref<128xi32, #tpu.memory_space<vmem>>) semaphore(%arg12 : memref<!tpu.dma_semaphore, #tpu.memory_space<semaphore_mem>>)
      } else {
      }
      %add3A_314 = arith.constant 4 : i32
      %add3A_315 = arith.addi %add3A_297, %add3A_314 : i32
      %lt3A_316 = arith.constant 80 : i32
      %lt3A_317 = arith.cmpi slt, %add3A_315, %lt3A_316 : i32
      %convert_element_type3A_318 = arith.extui %lt3A_317 : i1 to i32
      %cond3A_319 = arith.constant 0 : i32
      %cond3A_320 = arith.cmpi ne, %convert_element_type3A_318, %cond3A_319 : i32
      scf.if %cond3A_320 {
        %add3A_423 = arith.constant 4 : i32
        %add3A_424 = arith.addi %add3A_297, %add3A_423 : i32
        %dma_start3A_425 = arith.constant 0 : i32
        %dma_start3A_426 = arith.constant 0 : i32
        %dma_start3A_427 = tpu.memref_slice %arg7[%dma_start3A_425, %dma_start3A_426] : memref<4x128xi32, #tpu.memory_space<vmem>> -> memref<1x128xi32, #tpu.memory_space<vmem>>
        %dma_start3A_428 = tpu.memref_squeeze %dma_start3A_427 : memref<1x128xi32, #tpu.memory_space<vmem>> -> memref<128xi32, #tpu.memory_space<vmem>>
        %dma_start3A_429 = arith.constant 0 : i32
        %dma_start3A_430 = tpu.memref_slice %arg3[%add3A, %add3A_424, %dma_start3A_429] : memref<32x80x128xi32, #tpu.memory_space<hbm>> -> memref<1x1x128xi32, #tpu.memory_space<hbm>>
        %dma_start3A_431 = tpu.memref_squeeze %dma_start3A_430 : memref<1x1x128xi32, #tpu.memory_space<hbm>> -> memref<128xi32, #tpu.memory_space<hbm>>
        %dma_start3A_432 = arith.constant 0 : i32
        %dma_start3A_433 = tpu.memref_slice %arg7[%dma_start3A_425, %dma_start3A_432] : memref<4x128xi32, #tpu.memory_space<vmem>> -> memref<1x128xi32, #tpu.memory_space<vmem>>
        %dma_start3A_434 = tpu.memref_squeeze %dma_start3A_433 : memref<1x128xi32, #tpu.memory_space<vmem>> -> memref<128xi32, #tpu.memory_space<vmem>>
        %dma_start3A_435 = arith.constant 0 : i32
        %dma_start3A_436 = tpu.memref_slice %arg3[%add3A, %add3A_424, %dma_start3A_435] : memref<32x80x128xi32, #tpu.memory_space<hbm>> -> memref<1x1x128xi32, #tpu.memory_space<hbm>>
        %dma_start3A_437 = tpu.memref_squeeze %dma_start3A_436 : memref<1x1x128xi32, #tpu.memory_space<hbm>> -> memref<128xi32, #tpu.memory_space<hbm>>
        tpu.enqueue_dma source(%dma_start3A_437 : memref<128xi32, #tpu.memory_space<hbm>>) target(%dma_start3A_434 : memref<128xi32, #tpu.memory_space<vmem>>) target_semaphore(%arg16 : memref<!tpu.dma_semaphore, #tpu.memory_space<semaphore_mem>>)
        %dma_start3A_438 = arith.constant 0 : i32
        %dma_start3A_439 = arith.constant 0 : i32
        %dma_start3A_440 = tpu.memref_slice %arg8[%dma_start3A_438, %dma_start3A_439] : memref<4x128xi32, #tpu.memory_space<vmem>> -> memref<1x128xi32, #tpu.memory_space<vmem>>
        %dma_start3A_441 = tpu.memref_squeeze %dma_start3A_440 : memref<1x128xi32, #tpu.memory_space<vmem>> -> memref<128xi32, #tpu.memory_space<vmem>>
        %dma_start3A_442 = arith.constant 0 : i32
        %dma_start3A_443 = tpu.memref_slice %arg4[%add3A, %add3A_424, %dma_start3A_442] : memref<32x80x128xi32, #tpu.memory_space<hbm>> -> memref<1x1x128xi32, #tpu.memory_space<hbm>>
        %dma_start3A_444 = tpu.memref_squeeze %dma_start3A_443 : memref<1x1x128xi32, #tpu.memory_space<hbm>> -> memref<128xi32, #tpu.memory_space<hbm>>
        %dma_start3A_445 = arith.constant 0 : i32
        %dma_start3A_446 = tpu.memref_slice %arg8[%dma_start3A_438, %dma_start3A_445] : memref<4x128xi32, #tpu.memory_space<vmem>> -> memref<1x128xi32, #tpu.memory_space<vmem>>
        %dma_start3A_447 = tpu.memref_squeeze %dma_start3A_446 : memref<1x128xi32, #tpu.memory_space<vmem>> -> memref<128xi32, #tpu.memory_space<vmem>>
        %dma_start3A_448 = arith.constant 0 : i32
        %dma_start3A_449 = tpu.memref_slice %arg4[%add3A, %add3A_424, %dma_start3A_448] : memref<32x80x128xi32, #tpu.memory_space<hbm>> -> memref<1x1x128xi32, #tpu.memory_space<hbm>>
        %dma_start3A_450 = tpu.memref_squeeze %dma_start3A_449 : memref<1x1x128xi32, #tpu.memory_space<hbm>> -> memref<128xi32, #tpu.memory_space<hbm>>
        tpu.enqueue_dma source(%dma_start3A_450 : memref<128xi32, #tpu.memory_space<hbm>>) target(%dma_start3A_447 : memref<128xi32, #tpu.memory_space<vmem>>) target_semaphore(%arg16 : memref<!tpu.dma_semaphore, #tpu.memory_space<semaphore_mem>>)
        %dma_start3A_451 = arith.constant 0 : i32
        %dma_start3A_452 = arith.constant 0 : i32
        %dma_start3A_453 = tpu.memref_slice %arg9[%dma_start3A_451, %dma_start3A_452] : memref<4x128xf32, #tpu.memory_space<vmem>> -> memref<1x128xf32, #tpu.memory_space<vmem>>
        %dma_start3A_454 = tpu.memref_squeeze %dma_start3A_453 : memref<1x128xf32, #tpu.memory_space<vmem>> -> memref<128xf32, #tpu.memory_space<vmem>>
        %dma_start3A_455 = arith.constant 0 : i32
        %dma_start3A_456 = tpu.memref_slice %arg5[%add3A, %add3A_424, %dma_start3A_455] : memref<32x80x128xf32, #tpu.memory_space<hbm>> -> memref<1x1x128xf32, #tpu.memory_space<hbm>>
        %dma_start3A_457 = tpu.memref_squeeze %dma_start3A_456 : memref<1x1x128xf32, #tpu.memory_space<hbm>> -> memref<128xf32, #tpu.memory_space<hbm>>
        %dma_start3A_458 = arith.constant 0 : i32
        %dma_start3A_459 = tpu.memref_slice %arg9[%dma_start3A_451, %dma_start3A_458] : memref<4x128xf32, #tpu.memory_space<vmem>> -> memref<1x128xf32, #tpu.memory_space<vmem>>
        %dma_start3A_460 = tpu.memref_squeeze %dma_start3A_459 : memref<1x128xf32, #tpu.memory_space<vmem>> -> memref<128xf32, #tpu.memory_space<vmem>>
        %dma_start3A_461 = arith.constant 0 : i32
        %dma_start3A_462 = tpu.memref_slice %arg5[%add3A, %add3A_424, %dma_start3A_461] : memref<32x80x128xf32, #tpu.memory_space<hbm>> -> memref<1x1x128xf32, #tpu.memory_space<hbm>>
        %dma_start3A_463 = tpu.memref_squeeze %dma_start3A_462 : memref<1x1x128xf32, #tpu.memory_space<hbm>> -> memref<128xf32, #tpu.memory_space<hbm>>
        tpu.enqueue_dma source(%dma_start3A_463 : memref<128xf32, #tpu.memory_space<hbm>>) target(%dma_start3A_460 : memref<128xf32, #tpu.memory_space<vmem>>) target_semaphore(%arg16 : memref<!tpu.dma_semaphore, #tpu.memory_space<semaphore_mem>>)
      } else {
      }
      %mul3A_321 = arith.constant 2 : i32
      %mul3A_322 = arith.muli %scan3A_289, %mul3A_321 : i32
      %add3A_323 = arith.constant 0 : i32
      %add3A_324 = arith.addi %mul3A_322, %add3A_323 : i32
      %mul3A_325 = arith.constant 2 : i32
      %mul3A_326 = arith.muli %add3A_324, %mul3A_325 : i32
      %add3A_327 = arith.constant 1 : i32
      %add3A_328 = arith.addi %mul3A_326, %add3A_327 : i32
      %dma_wait3A_329 = arith.constant 1 : i32
      %dma_wait3A_330 = arith.constant 1 : i32
      %dma_wait3A_331 = arith.constant 0 : i32
      %dma_wait3A_332 = arith.constant 0 : i32
      %dma_wait3A_333 = tpu.memref_slice %arg10[%dma_wait3A_330, %dma_wait3A_331, %dma_wait3A_332] : memref<2x128x128xf32, #tpu.memory_space<vmem>> -> memref<1x128x128xf32, #tpu.memory_space<vmem>>
      %dma_wait3A_334 = tpu.memref_squeeze %dma_wait3A_333 : memref<1x128x128xf32, #tpu.memory_space<vmem>> -> memref<128x128xf32, #tpu.memory_space<vmem>>
      %dma_wait3A_335 = arith.constant 0 : i32
      %dma_wait3A_336 = tpu.memref_slice %arg7[%dma_wait3A_329, %dma_wait3A_335] : memref<4x128xi32, #tpu.memory_space<vmem>> -> memref<1x128xi32, #tpu.memory_space<vmem>>
      %dma_wait3A_337 = tpu.memref_squeeze %dma_wait3A_336 : memref<1x128xi32, #tpu.memory_space<vmem>> -> memref<128xi32, #tpu.memory_space<vmem>>
      %dma_wait3A_338 = arith.constant 0 : i32
      %dma_wait3A_339 = arith.constant 0 : i32
      %dma_wait3A_340 = tpu.memref_slice %arg11[%dma_wait3A_338, %dma_wait3A_339] : memref<10240x128xf32, #tpu.memory_space<vmem_shared>> -> memref<10240x128xf32, #tpu.memory_space<vmem_shared>>
      tpu.wait_indirect_dma semaphore(%arg13 : memref<!tpu.dma_semaphore, #tpu.memory_space<semaphore_mem>>) src(%dma_wait3A_340 : memref<10240x128xf32, #tpu.memory_space<vmem_shared>>) dst(%dma_wait3A_334 : memref<128x128xf32, #tpu.memory_space<vmem>>)
      %add3A_341 = arith.constant 2 : i32
      %add3A_342 = arith.addi %add3A_328, %add3A_341 : i32
      %lt3A_343 = arith.constant 80 : i32
      %lt3A_344 = arith.cmpi slt, %add3A_342, %lt3A_343 : i32
      %convert_element_type3A_345 = arith.extui %lt3A_344 : i1 to i32
      %cond3A_346 = arith.constant 0 : i32
      %cond3A_347 = arith.cmpi ne, %convert_element_type3A_345, %cond3A_346 : i32
      scf.if %cond3A_347 {
        %add3A_423 = arith.constant 2 : i32
        %add3A_424 = arith.addi %add3A_328, %add3A_423 : i32
        %dma_wait3A_425 = arith.constant 3 : i32
        %dma_wait3A_426 = arith.constant 0 : i32
        %dma_wait3A_427 = tpu.memref_slice %arg7[%dma_wait3A_425, %dma_wait3A_426] : memref<4x128xi32, #tpu.memory_space<vmem>> -> memref<1x128xi32, #tpu.memory_space<vmem>>
        %dma_wait3A_428 = tpu.memref_squeeze %dma_wait3A_427 : memref<1x128xi32, #tpu.memory_space<vmem>> -> memref<128xi32, #tpu.memory_space<vmem>>
        %dma_wait3A_429 = arith.constant 0 : i32
        %dma_wait3A_430 = tpu.memref_slice %arg3[%add3A, %add3A_424, %dma_wait3A_429] : memref<32x80x128xi32, #tpu.memory_space<hbm>> -> memref<1x1x128xi32, #tpu.memory_space<hbm>>
        %dma_wait3A_431 = tpu.memref_squeeze %dma_wait3A_430 : memref<1x1x128xi32, #tpu.memory_space<hbm>> -> memref<128xi32, #tpu.memory_space<hbm>>
        %dma_wait3A_432 = arith.constant 0 : i32
        %dma_wait3A_433 = tpu.memref_slice %arg7[%dma_wait3A_425, %dma_wait3A_432] : memref<4x128xi32, #tpu.memory_space<vmem>> -> memref<1x128xi32, #tpu.memory_space<vmem>>
        %dma_wait3A_434 = tpu.memref_squeeze %dma_wait3A_433 : memref<1x128xi32, #tpu.memory_space<vmem>> -> memref<128xi32, #tpu.memory_space<vmem>>
        %dma_wait3A_435 = arith.constant 0 : i32
        %dma_wait3A_436 = tpu.memref_slice %arg3[%add3A, %add3A_424, %dma_wait3A_435] : memref<32x80x128xi32, #tpu.memory_space<hbm>> -> memref<1x1x128xi32, #tpu.memory_space<hbm>>
        %dma_wait3A_437 = tpu.memref_squeeze %dma_wait3A_436 : memref<1x1x128xi32, #tpu.memory_space<hbm>> -> memref<128xi32, #tpu.memory_space<hbm>>
        tpu.wait_dma2 semaphore(%arg19 : memref<!tpu.dma_semaphore, #tpu.memory_space<semaphore_mem>>) src(%dma_wait3A_437 : memref<128xi32, #tpu.memory_space<hbm>>) dst(%dma_wait3A_434 : memref<128xi32, #tpu.memory_space<vmem>>)
        %dma_wait3A_438 = arith.constant 3 : i32
        %dma_wait3A_439 = arith.constant 0 : i32
        %dma_wait3A_440 = tpu.memref_slice %arg8[%dma_wait3A_438, %dma_wait3A_439] : memref<4x128xi32, #tpu.memory_space<vmem>> -> memref<1x128xi32, #tpu.memory_space<vmem>>
        %dma_wait3A_441 = tpu.memref_squeeze %dma_wait3A_440 : memref<1x128xi32, #tpu.memory_space<vmem>> -> memref<128xi32, #tpu.memory_space<vmem>>
        %dma_wait3A_442 = arith.constant 0 : i32
        %dma_wait3A_443 = tpu.memref_slice %arg4[%add3A, %add3A_424, %dma_wait3A_442] : memref<32x80x128xi32, #tpu.memory_space<hbm>> -> memref<1x1x128xi32, #tpu.memory_space<hbm>>
        %dma_wait3A_444 = tpu.memref_squeeze %dma_wait3A_443 : memref<1x1x128xi32, #tpu.memory_space<hbm>> -> memref<128xi32, #tpu.memory_space<hbm>>
        %dma_wait3A_445 = arith.constant 0 : i32
        %dma_wait3A_446 = tpu.memref_slice %arg8[%dma_wait3A_438, %dma_wait3A_445] : memref<4x128xi32, #tpu.memory_space<vmem>> -> memref<1x128xi32, #tpu.memory_space<vmem>>
        %dma_wait3A_447 = tpu.memref_squeeze %dma_wait3A_446 : memref<1x128xi32, #tpu.memory_space<vmem>> -> memref<128xi32, #tpu.memory_space<vmem>>
        %dma_wait3A_448 = arith.constant 0 : i32
        %dma_wait3A_449 = tpu.memref_slice %arg4[%add3A, %add3A_424, %dma_wait3A_448] : memref<32x80x128xi32, #tpu.memory_space<hbm>> -> memref<1x1x128xi32, #tpu.memory_space<hbm>>
        %dma_wait3A_450 = tpu.memref_squeeze %dma_wait3A_449 : memref<1x1x128xi32, #tpu.memory_space<hbm>> -> memref<128xi32, #tpu.memory_space<hbm>>
        tpu.wait_dma2 semaphore(%arg19 : memref<!tpu.dma_semaphore, #tpu.memory_space<semaphore_mem>>) src(%dma_wait3A_450 : memref<128xi32, #tpu.memory_space<hbm>>) dst(%dma_wait3A_447 : memref<128xi32, #tpu.memory_space<vmem>>)
        %dma_wait3A_451 = arith.constant 3 : i32
        %dma_wait3A_452 = arith.constant 0 : i32
        %dma_wait3A_453 = tpu.memref_slice %arg9[%dma_wait3A_451, %dma_wait3A_452] : memref<4x128xf32, #tpu.memory_space<vmem>> -> memref<1x128xf32, #tpu.memory_space<vmem>>
        %dma_wait3A_454 = tpu.memref_squeeze %dma_wait3A_453 : memref<1x128xf32, #tpu.memory_space<vmem>> -> memref<128xf32, #tpu.memory_space<vmem>>
        %dma_wait3A_455 = arith.constant 0 : i32
        %dma_wait3A_456 = tpu.memref_slice %arg5[%add3A, %add3A_424, %dma_wait3A_455] : memref<32x80x128xf32, #tpu.memory_space<hbm>> -> memref<1x1x128xf32, #tpu.memory_space<hbm>>
        %dma_wait3A_457 = tpu.memref_squeeze %dma_wait3A_456 : memref<1x1x128xf32, #tpu.memory_space<hbm>> -> memref<128xf32, #tpu.memory_space<hbm>>
        %dma_wait3A_458 = arith.constant 0 : i32
        %dma_wait3A_459 = tpu.memref_slice %arg9[%dma_wait3A_451, %dma_wait3A_458] : memref<4x128xf32, #tpu.memory_space<vmem>> -> memref<1x128xf32, #tpu.memory_space<vmem>>
        %dma_wait3A_460 = tpu.memref_squeeze %dma_wait3A_459 : memref<1x128xf32, #tpu.memory_space<vmem>> -> memref<128xf32, #tpu.memory_space<vmem>>
        %dma_wait3A_461 = arith.constant 0 : i32
        %dma_wait3A_462 = tpu.memref_slice %arg5[%add3A, %add3A_424, %dma_wait3A_461] : memref<32x80x128xf32, #tpu.memory_space<hbm>> -> memref<1x1x128xf32, #tpu.memory_space<hbm>>
        %dma_wait3A_463 = tpu.memref_squeeze %dma_wait3A_462 : memref<1x1x128xf32, #tpu.memory_space<hbm>> -> memref<128xf32, #tpu.memory_space<hbm>>
        tpu.wait_dma2 semaphore(%arg19 : memref<!tpu.dma_semaphore, #tpu.memory_space<semaphore_mem>>) src(%dma_wait3A_463 : memref<128xf32, #tpu.memory_space<hbm>>) dst(%dma_wait3A_460 : memref<128xf32, #tpu.memory_space<vmem>>)
        %dma_start3A_464 = arith.constant 3 : i32
        %dma_start3A_465 = arith.constant 1 : i32
        %dma_start3A_466 = arith.constant 0 : i32
        %dma_start3A_467 = arith.constant 0 : i32
        %dma_start3A_468 = tpu.memref_slice %arg10[%dma_start3A_465, %dma_start3A_466, %dma_start3A_467] : memref<2x128x128xf32, #tpu.memory_space<vmem>> -> memref<1x128x128xf32, #tpu.memory_space<vmem>>
        %dma_start3A_469 = tpu.memref_squeeze %dma_start3A_468 : memref<1x128x128xf32, #tpu.memory_space<vmem>> -> memref<128x128xf32, #tpu.memory_space<vmem>>
        %dma_start3A_470 = arith.constant 0 : i32
        %dma_start3A_471 = tpu.memref_slice %arg7[%dma_start3A_464, %dma_start3A_470] : memref<4x128xi32, #tpu.memory_space<vmem>> -> memref<1x128xi32, #tpu.memory_space<vmem>>
        %dma_start3A_472 = tpu.memref_squeeze %dma_start3A_471 : memref<1x128xi32, #tpu.memory_space<vmem>> -> memref<128xi32, #tpu.memory_space<vmem>>
        %dma_start3A_473 = arith.constant 0 : i32
        %dma_start3A_474 = arith.constant 0 : i32
        %dma_start3A_475 = tpu.memref_slice %arg11[%dma_start3A_473, %dma_start3A_474] : memref<10240x128xf32, #tpu.memory_space<vmem_shared>> -> memref<10240x128xf32, #tpu.memory_space<vmem_shared>>
        tpu.enqueue_indirect_dma source(%dma_start3A_475 : memref<10240x128xf32, #tpu.memory_space<vmem_shared>>) target(%dma_start3A_469 : memref<128x128xf32, #tpu.memory_space<vmem>>) offsets(%dma_start3A_472 : memref<128xi32, #tpu.memory_space<vmem>>) semaphore(%arg13 : memref<!tpu.dma_semaphore, #tpu.memory_space<semaphore_mem>>)
      } else {
      }
      %add3A_348 = arith.constant 4 : i32
      %add3A_349 = arith.addi %add3A_328, %add3A_348 : i32
      %lt3A_350 = arith.constant 80 : i32
      %lt3A_351 = arith.cmpi slt, %add3A_349, %lt3A_350 : i32
      %convert_element_type3A_352 = arith.extui %lt3A_351 : i1 to i32
      %cond3A_353 = arith.constant 0 : i32
      %cond3A_354 = arith.cmpi ne, %convert_element_type3A_352, %cond3A_353 : i32
      scf.if %cond3A_354 {
        %add3A_423 = arith.constant 4 : i32
        %add3A_424 = arith.addi %add3A_328, %add3A_423 : i32
        %dma_start3A_425 = arith.constant 1 : i32
        %dma_start3A_426 = arith.constant 0 : i32
        %dma_start3A_427 = tpu.memref_slice %arg7[%dma_start3A_425, %dma_start3A_426] : memref<4x128xi32, #tpu.memory_space<vmem>> -> memref<1x128xi32, #tpu.memory_space<vmem>>
        %dma_start3A_428 = tpu.memref_squeeze %dma_start3A_427 : memref<1x128xi32, #tpu.memory_space<vmem>> -> memref<128xi32, #tpu.memory_space<vmem>>
        %dma_start3A_429 = arith.constant 0 : i32
        %dma_start3A_430 = tpu.memref_slice %arg3[%add3A, %add3A_424, %dma_start3A_429] : memref<32x80x128xi32, #tpu.memory_space<hbm>> -> memref<1x1x128xi32, #tpu.memory_space<hbm>>
        %dma_start3A_431 = tpu.memref_squeeze %dma_start3A_430 : memref<1x1x128xi32, #tpu.memory_space<hbm>> -> memref<128xi32, #tpu.memory_space<hbm>>
        %dma_start3A_432 = arith.constant 0 : i32
        %dma_start3A_433 = tpu.memref_slice %arg7[%dma_start3A_425, %dma_start3A_432] : memref<4x128xi32, #tpu.memory_space<vmem>> -> memref<1x128xi32, #tpu.memory_space<vmem>>
        %dma_start3A_434 = tpu.memref_squeeze %dma_start3A_433 : memref<1x128xi32, #tpu.memory_space<vmem>> -> memref<128xi32, #tpu.memory_space<vmem>>
        %dma_start3A_435 = arith.constant 0 : i32
        %dma_start3A_436 = tpu.memref_slice %arg3[%add3A, %add3A_424, %dma_start3A_435] : memref<32x80x128xi32, #tpu.memory_space<hbm>> -> memref<1x1x128xi32, #tpu.memory_space<hbm>>
        %dma_start3A_437 = tpu.memref_squeeze %dma_start3A_436 : memref<1x1x128xi32, #tpu.memory_space<hbm>> -> memref<128xi32, #tpu.memory_space<hbm>>
        tpu.enqueue_dma source(%dma_start3A_437 : memref<128xi32, #tpu.memory_space<hbm>>) target(%dma_start3A_434 : memref<128xi32, #tpu.memory_space<vmem>>) target_semaphore(%arg17 : memref<!tpu.dma_semaphore, #tpu.memory_space<semaphore_mem>>)
        %dma_start3A_438 = arith.constant 1 : i32
        %dma_start3A_439 = arith.constant 0 : i32
        %dma_start3A_440 = tpu.memref_slice %arg8[%dma_start3A_438, %dma_start3A_439] : memref<4x128xi32, #tpu.memory_space<vmem>> -> memref<1x128xi32, #tpu.memory_space<vmem>>
        %dma_start3A_441 = tpu.memref_squeeze %dma_start3A_440 : memref<1x128xi32, #tpu.memory_space<vmem>> -> memref<128xi32, #tpu.memory_space<vmem>>
        %dma_start3A_442 = arith.constant 0 : i32
        %dma_start3A_443 = tpu.memref_slice %arg4[%add3A, %add3A_424, %dma_start3A_442] : memref<32x80x128xi32, #tpu.memory_space<hbm>> -> memref<1x1x128xi32, #tpu.memory_space<hbm>>
        %dma_start3A_444 = tpu.memref_squeeze %dma_start3A_443 : memref<1x1x128xi32, #tpu.memory_space<hbm>> -> memref<128xi32, #tpu.memory_space<hbm>>
        %dma_start3A_445 = arith.constant 0 : i32
        %dma_start3A_446 = tpu.memref_slice %arg8[%dma_start3A_438, %dma_start3A_445] : memref<4x128xi32, #tpu.memory_space<vmem>> -> memref<1x128xi32, #tpu.memory_space<vmem>>
        %dma_start3A_447 = tpu.memref_squeeze %dma_start3A_446 : memref<1x128xi32, #tpu.memory_space<vmem>> -> memref<128xi32, #tpu.memory_space<vmem>>
        %dma_start3A_448 = arith.constant 0 : i32
        %dma_start3A_449 = tpu.memref_slice %arg4[%add3A, %add3A_424, %dma_start3A_448] : memref<32x80x128xi32, #tpu.memory_space<hbm>> -> memref<1x1x128xi32, #tpu.memory_space<hbm>>
        %dma_start3A_450 = tpu.memref_squeeze %dma_start3A_449 : memref<1x1x128xi32, #tpu.memory_space<hbm>> -> memref<128xi32, #tpu.memory_space<hbm>>
        tpu.enqueue_dma source(%dma_start3A_450 : memref<128xi32, #tpu.memory_space<hbm>>) target(%dma_start3A_447 : memref<128xi32, #tpu.memory_space<vmem>>) target_semaphore(%arg17 : memref<!tpu.dma_semaphore, #tpu.memory_space<semaphore_mem>>)
        %dma_start3A_451 = arith.constant 1 : i32
        %dma_start3A_452 = arith.constant 0 : i32
        %dma_start3A_453 = tpu.memref_slice %arg9[%dma_start3A_451, %dma_start3A_452] : memref<4x128xf32, #tpu.memory_space<vmem>> -> memref<1x128xf32, #tpu.memory_space<vmem>>
        %dma_start3A_454 = tpu.memref_squeeze %dma_start3A_453 : memref<1x128xf32, #tpu.memory_space<vmem>> -> memref<128xf32, #tpu.memory_space<vmem>>
        %dma_start3A_455 = arith.constant 0 : i32
        %dma_start3A_456 = tpu.memref_slice %arg5[%add3A, %add3A_424, %dma_start3A_455] : memref<32x80x128xf32, #tpu.memory_space<hbm>> -> memref<1x1x128xf32, #tpu.memory_space<hbm>>
        %dma_start3A_457 = tpu.memref_squeeze %dma_start3A_456 : memref<1x1x128xf32, #tpu.memory_space<hbm>> -> memref<128xf32, #tpu.memory_space<hbm>>
        %dma_start3A_458 = arith.constant 0 : i32
        %dma_start3A_459 = tpu.memref_slice %arg9[%dma_start3A_451, %dma_start3A_458] : memref<4x128xf32, #tpu.memory_space<vmem>> -> memref<1x128xf32, #tpu.memory_space<vmem>>
        %dma_start3A_460 = tpu.memref_squeeze %dma_start3A_459 : memref<1x128xf32, #tpu.memory_space<vmem>> -> memref<128xf32, #tpu.memory_space<vmem>>
        %dma_start3A_461 = arith.constant 0 : i32
        %dma_start3A_462 = tpu.memref_slice %arg5[%add3A, %add3A_424, %dma_start3A_461] : memref<32x80x128xf32, #tpu.memory_space<hbm>> -> memref<1x1x128xf32, #tpu.memory_space<hbm>>
        %dma_start3A_463 = tpu.memref_squeeze %dma_start3A_462 : memref<1x1x128xf32, #tpu.memory_space<hbm>> -> memref<128xf32, #tpu.memory_space<hbm>>
        tpu.enqueue_dma source(%dma_start3A_463 : memref<128xf32, #tpu.memory_space<hbm>>) target(%dma_start3A_460 : memref<128xf32, #tpu.memory_space<vmem>>) target_semaphore(%arg17 : memref<!tpu.dma_semaphore, #tpu.memory_space<semaphore_mem>>)
      } else {
      }
      %mul3A_355 = arith.constant 2 : i32
      %mul3A_356 = arith.muli %scan3A_289, %mul3A_355 : i32
      %add3A_357 = arith.constant 1 : i32
      %add3A_358 = arith.addi %mul3A_356, %add3A_357 : i32
      %mul3A_359 = arith.constant 2 : i32
      %mul3A_360 = arith.muli %add3A_358, %mul3A_359 : i32
      %add3A_361 = arith.constant 0 : i32
      %add3A_362 = arith.addi %mul3A_360, %add3A_361 : i32
      %dma_wait3A_363 = arith.constant 2 : i32
      %dma_wait3A_364 = arith.constant 0 : i32
      %dma_wait3A_365 = arith.constant 0 : i32
      %dma_wait3A_366 = arith.constant 0 : i32
      %dma_wait3A_367 = tpu.memref_slice %arg10[%dma_wait3A_364, %dma_wait3A_365, %dma_wait3A_366] : memref<2x128x128xf32, #tpu.memory_space<vmem>> -> memref<1x128x128xf32, #tpu.memory_space<vmem>>
      %dma_wait3A_368 = tpu.memref_squeeze %dma_wait3A_367 : memref<1x128x128xf32, #tpu.memory_space<vmem>> -> memref<128x128xf32, #tpu.memory_space<vmem>>
      %dma_wait3A_369 = arith.constant 0 : i32
      %dma_wait3A_370 = tpu.memref_slice %arg7[%dma_wait3A_363, %dma_wait3A_369] : memref<4x128xi32, #tpu.memory_space<vmem>> -> memref<1x128xi32, #tpu.memory_space<vmem>>
      %dma_wait3A_371 = tpu.memref_squeeze %dma_wait3A_370 : memref<1x128xi32, #tpu.memory_space<vmem>> -> memref<128xi32, #tpu.memory_space<vmem>>
      %dma_wait3A_372 = arith.constant 0 : i32
      %dma_wait3A_373 = arith.constant 0 : i32
      %dma_wait3A_374 = tpu.memref_slice %arg11[%dma_wait3A_372, %dma_wait3A_373] : memref<10240x128xf32, #tpu.memory_space<vmem_shared>> -> memref<10240x128xf32, #tpu.memory_space<vmem_shared>>
      tpu.wait_indirect_dma semaphore(%arg12 : memref<!tpu.dma_semaphore, #tpu.memory_space<semaphore_mem>>) src(%dma_wait3A_374 : memref<10240x128xf32, #tpu.memory_space<vmem_shared>>) dst(%dma_wait3A_368 : memref<128x128xf32, #tpu.memory_space<vmem>>)
      %add3A_375 = arith.constant 2 : i32
      %add3A_376 = arith.addi %add3A_362, %add3A_375 : i32
      %lt3A_377 = arith.constant 80 : i32
      %lt3A_378 = arith.cmpi slt, %add3A_376, %lt3A_377 : i32
      %convert_element_type3A_379 = arith.extui %lt3A_378 : i1 to i32
      %cond3A_380 = arith.constant 0 : i32
      %cond3A_381 = arith.cmpi ne, %convert_element_type3A_379, %cond3A_380 : i32
      scf.if %cond3A_381 {
        %add3A_423 = arith.constant 2 : i32
        %add3A_424 = arith.addi %add3A_362, %add3A_423 : i32
        %dma_wait3A_425 = arith.constant 0 : i32
        %dma_wait3A_426 = arith.constant 0 : i32
        %dma_wait3A_427 = tpu.memref_slice %arg7[%dma_wait3A_425, %dma_wait3A_426] : memref<4x128xi32, #tpu.memory_space<vmem>> -> memref<1x128xi32, #tpu.memory_space<vmem>>
        %dma_wait3A_428 = tpu.memref_squeeze %dma_wait3A_427 : memref<1x128xi32, #tpu.memory_space<vmem>> -> memref<128xi32, #tpu.memory_space<vmem>>
        %dma_wait3A_429 = arith.constant 0 : i32
        %dma_wait3A_430 = tpu.memref_slice %arg3[%add3A, %add3A_424, %dma_wait3A_429] : memref<32x80x128xi32, #tpu.memory_space<hbm>> -> memref<1x1x128xi32, #tpu.memory_space<hbm>>
        %dma_wait3A_431 = tpu.memref_squeeze %dma_wait3A_430 : memref<1x1x128xi32, #tpu.memory_space<hbm>> -> memref<128xi32, #tpu.memory_space<hbm>>
        %dma_wait3A_432 = arith.constant 0 : i32
        %dma_wait3A_433 = tpu.memref_slice %arg7[%dma_wait3A_425, %dma_wait3A_432] : memref<4x128xi32, #tpu.memory_space<vmem>> -> memref<1x128xi32, #tpu.memory_space<vmem>>
        %dma_wait3A_434 = tpu.memref_squeeze %dma_wait3A_433 : memref<1x128xi32, #tpu.memory_space<vmem>> -> memref<128xi32, #tpu.memory_space<vmem>>
        %dma_wait3A_435 = arith.constant 0 : i32
        %dma_wait3A_436 = tpu.memref_slice %arg3[%add3A, %add3A_424, %dma_wait3A_435] : memref<32x80x128xi32, #tpu.memory_space<hbm>> -> memref<1x1x128xi32, #tpu.memory_space<hbm>>
        %dma_wait3A_437 = tpu.memref_squeeze %dma_wait3A_436 : memref<1x1x128xi32, #tpu.memory_space<hbm>> -> memref<128xi32, #tpu.memory_space<hbm>>
        tpu.wait_dma2 semaphore(%arg16 : memref<!tpu.dma_semaphore, #tpu.memory_space<semaphore_mem>>) src(%dma_wait3A_437 : memref<128xi32, #tpu.memory_space<hbm>>) dst(%dma_wait3A_434 : memref<128xi32, #tpu.memory_space<vmem>>)
        %dma_wait3A_438 = arith.constant 0 : i32
        %dma_wait3A_439 = arith.constant 0 : i32
        %dma_wait3A_440 = tpu.memref_slice %arg8[%dma_wait3A_438, %dma_wait3A_439] : memref<4x128xi32, #tpu.memory_space<vmem>> -> memref<1x128xi32, #tpu.memory_space<vmem>>
        %dma_wait3A_441 = tpu.memref_squeeze %dma_wait3A_440 : memref<1x128xi32, #tpu.memory_space<vmem>> -> memref<128xi32, #tpu.memory_space<vmem>>
        %dma_wait3A_442 = arith.constant 0 : i32
        %dma_wait3A_443 = tpu.memref_slice %arg4[%add3A, %add3A_424, %dma_wait3A_442] : memref<32x80x128xi32, #tpu.memory_space<hbm>> -> memref<1x1x128xi32, #tpu.memory_space<hbm>>
        %dma_wait3A_444 = tpu.memref_squeeze %dma_wait3A_443 : memref<1x1x128xi32, #tpu.memory_space<hbm>> -> memref<128xi32, #tpu.memory_space<hbm>>
        %dma_wait3A_445 = arith.constant 0 : i32
        %dma_wait3A_446 = tpu.memref_slice %arg8[%dma_wait3A_438, %dma_wait3A_445] : memref<4x128xi32, #tpu.memory_space<vmem>> -> memref<1x128xi32, #tpu.memory_space<vmem>>
        %dma_wait3A_447 = tpu.memref_squeeze %dma_wait3A_446 : memref<1x128xi32, #tpu.memory_space<vmem>> -> memref<128xi32, #tpu.memory_space<vmem>>
        %dma_wait3A_448 = arith.constant 0 : i32
        %dma_wait3A_449 = tpu.memref_slice %arg4[%add3A, %add3A_424, %dma_wait3A_448] : memref<32x80x128xi32, #tpu.memory_space<hbm>> -> memref<1x1x128xi32, #tpu.memory_space<hbm>>
        %dma_wait3A_450 = tpu.memref_squeeze %dma_wait3A_449 : memref<1x1x128xi32, #tpu.memory_space<hbm>> -> memref<128xi32, #tpu.memory_space<hbm>>
        tpu.wait_dma2 semaphore(%arg16 : memref<!tpu.dma_semaphore, #tpu.memory_space<semaphore_mem>>) src(%dma_wait3A_450 : memref<128xi32, #tpu.memory_space<hbm>>) dst(%dma_wait3A_447 : memref<128xi32, #tpu.memory_space<vmem>>)
        %dma_wait3A_451 = arith.constant 0 : i32
        %dma_wait3A_452 = arith.constant 0 : i32
        %dma_wait3A_453 = tpu.memref_slice %arg9[%dma_wait3A_451, %dma_wait3A_452] : memref<4x128xf32, #tpu.memory_space<vmem>> -> memref<1x128xf32, #tpu.memory_space<vmem>>
        %dma_wait3A_454 = tpu.memref_squeeze %dma_wait3A_453 : memref<1x128xf32, #tpu.memory_space<vmem>> -> memref<128xf32, #tpu.memory_space<vmem>>
        %dma_wait3A_455 = arith.constant 0 : i32
        %dma_wait3A_456 = tpu.memref_slice %arg5[%add3A, %add3A_424, %dma_wait3A_455] : memref<32x80x128xf32, #tpu.memory_space<hbm>> -> memref<1x1x128xf32, #tpu.memory_space<hbm>>
        %dma_wait3A_457 = tpu.memref_squeeze %dma_wait3A_456 : memref<1x1x128xf32, #tpu.memory_space<hbm>> -> memref<128xf32, #tpu.memory_space<hbm>>
        %dma_wait3A_458 = arith.constant 0 : i32
        %dma_wait3A_459 = tpu.memref_slice %arg9[%dma_wait3A_451, %dma_wait3A_458] : memref<4x128xf32, #tpu.memory_space<vmem>> -> memref<1x128xf32, #tpu.memory_space<vmem>>
        %dma_wait3A_460 = tpu.memref_squeeze %dma_wait3A_459 : memref<1x128xf32, #tpu.memory_space<vmem>> -> memref<128xf32, #tpu.memory_space<vmem>>
        %dma_wait3A_461 = arith.constant 0 : i32
        %dma_wait3A_462 = tpu.memref_slice %arg5[%add3A, %add3A_424, %dma_wait3A_461] : memref<32x80x128xf32, #tpu.memory_space<hbm>> -> memref<1x1x128xf32, #tpu.memory_space<hbm>>
        %dma_wait3A_463 = tpu.memref_squeeze %dma_wait3A_462 : memref<1x1x128xf32, #tpu.memory_space<hbm>> -> memref<128xf32, #tpu.memory_space<hbm>>
        tpu.wait_dma2 semaphore(%arg16 : memref<!tpu.dma_semaphore, #tpu.memory_space<semaphore_mem>>) src(%dma_wait3A_463 : memref<128xf32, #tpu.memory_space<hbm>>) dst(%dma_wait3A_460 : memref<128xf32, #tpu.memory_space<vmem>>)
        %dma_start3A_464 = arith.constant 0 : i32
        %dma_start3A_465 = arith.constant 0 : i32
        %dma_start3A_466 = arith.constant 0 : i32
        %dma_start3A_467 = arith.constant 0 : i32
        %dma_start3A_468 = tpu.memref_slice %arg10[%dma_start3A_465, %dma_start3A_466, %dma_start3A_467] : memref<2x128x128xf32, #tpu.memory_space<vmem>> -> memref<1x128x128xf32, #tpu.memory_space<vmem>>
        %dma_start3A_469 = tpu.memref_squeeze %dma_start3A_468 : memref<1x128x128xf32, #tpu.memory_space<vmem>> -> memref<128x128xf32, #tpu.memory_space<vmem>>
        %dma_start3A_470 = arith.constant 0 : i32
        %dma_start3A_471 = tpu.memref_slice %arg7[%dma_start3A_464, %dma_start3A_470] : memref<4x128xi32, #tpu.memory_space<vmem>> -> memref<1x128xi32, #tpu.memory_space<vmem>>
        %dma_start3A_472 = tpu.memref_squeeze %dma_start3A_471 : memref<1x128xi32, #tpu.memory_space<vmem>> -> memref<128xi32, #tpu.memory_space<vmem>>
        %dma_start3A_473 = arith.constant 0 : i32
        %dma_start3A_474 = arith.constant 0 : i32
        %dma_start3A_475 = tpu.memref_slice %arg11[%dma_start3A_473, %dma_start3A_474] : memref<10240x128xf32, #tpu.memory_space<vmem_shared>> -> memref<10240x128xf32, #tpu.memory_space<vmem_shared>>
        tpu.enqueue_indirect_dma source(%dma_start3A_475 : memref<10240x128xf32, #tpu.memory_space<vmem_shared>>) target(%dma_start3A_469 : memref<128x128xf32, #tpu.memory_space<vmem>>) offsets(%dma_start3A_472 : memref<128xi32, #tpu.memory_space<vmem>>) semaphore(%arg12 : memref<!tpu.dma_semaphore, #tpu.memory_space<semaphore_mem>>)
      } else {
      }
      %add3A_382 = arith.constant 4 : i32
      %add3A_383 = arith.addi %add3A_362, %add3A_382 : i32
      %lt3A_384 = arith.constant 80 : i32
      %lt3A_385 = arith.cmpi slt, %add3A_383, %lt3A_384 : i32
      %convert_element_type3A_386 = arith.extui %lt3A_385 : i1 to i32
      %cond3A_387 = arith.constant 0 : i32
      %cond3A_388 = arith.cmpi ne, %convert_element_type3A_386, %cond3A_387 : i32
      scf.if %cond3A_388 {
        %add3A_423 = arith.constant 4 : i32
        %add3A_424 = arith.addi %add3A_362, %add3A_423 : i32
        %dma_start3A_425 = arith.constant 2 : i32
        %dma_start3A_426 = arith.constant 0 : i32
        %dma_start3A_427 = tpu.memref_slice %arg7[%dma_start3A_425, %dma_start3A_426] : memref<4x128xi32, #tpu.memory_space<vmem>> -> memref<1x128xi32, #tpu.memory_space<vmem>>
        %dma_start3A_428 = tpu.memref_squeeze %dma_start3A_427 : memref<1x128xi32, #tpu.memory_space<vmem>> -> memref<128xi32, #tpu.memory_space<vmem>>
        %dma_start3A_429 = arith.constant 0 : i32
        %dma_start3A_430 = tpu.memref_slice %arg3[%add3A, %add3A_424, %dma_start3A_429] : memref<32x80x128xi32, #tpu.memory_space<hbm>> -> memref<1x1x128xi32, #tpu.memory_space<hbm>>
        %dma_start3A_431 = tpu.memref_squeeze %dma_start3A_430 : memref<1x1x128xi32, #tpu.memory_space<hbm>> -> memref<128xi32, #tpu.memory_space<hbm>>
        %dma_start3A_432 = arith.constant 0 : i32
        %dma_start3A_433 = tpu.memref_slice %arg7[%dma_start3A_425, %dma_start3A_432] : memref<4x128xi32, #tpu.memory_space<vmem>> -> memref<1x128xi32, #tpu.memory_space<vmem>>
        %dma_start3A_434 = tpu.memref_squeeze %dma_start3A_433 : memref<1x128xi32, #tpu.memory_space<vmem>> -> memref<128xi32, #tpu.memory_space<vmem>>
        %dma_start3A_435 = arith.constant 0 : i32
        %dma_start3A_436 = tpu.memref_slice %arg3[%add3A, %add3A_424, %dma_start3A_435] : memref<32x80x128xi32, #tpu.memory_space<hbm>> -> memref<1x1x128xi32, #tpu.memory_space<hbm>>
        %dma_start3A_437 = tpu.memref_squeeze %dma_start3A_436 : memref<1x1x128xi32, #tpu.memory_space<hbm>> -> memref<128xi32, #tpu.memory_space<hbm>>
        tpu.enqueue_dma source(%dma_start3A_437 : memref<128xi32, #tpu.memory_space<hbm>>) target(%dma_start3A_434 : memref<128xi32, #tpu.memory_space<vmem>>) target_semaphore(%arg18 : memref<!tpu.dma_semaphore, #tpu.memory_space<semaphore_mem>>)
        %dma_start3A_438 = arith.constant 2 : i32
        %dma_start3A_439 = arith.constant 0 : i32
        %dma_start3A_440 = tpu.memref_slice %arg8[%dma_start3A_438, %dma_start3A_439] : memref<4x128xi32, #tpu.memory_space<vmem>> -> memref<1x128xi32, #tpu.memory_space<vmem>>
        %dma_start3A_441 = tpu.memref_squeeze %dma_start3A_440 : memref<1x128xi32, #tpu.memory_space<vmem>> -> memref<128xi32, #tpu.memory_space<vmem>>
        %dma_start3A_442 = arith.constant 0 : i32
        %dma_start3A_443 = tpu.memref_slice %arg4[%add3A, %add3A_424, %dma_start3A_442] : memref<32x80x128xi32, #tpu.memory_space<hbm>> -> memref<1x1x128xi32, #tpu.memory_space<hbm>>
        %dma_start3A_444 = tpu.memref_squeeze %dma_start3A_443 : memref<1x1x128xi32, #tpu.memory_space<hbm>> -> memref<128xi32, #tpu.memory_space<hbm>>
        %dma_start3A_445 = arith.constant 0 : i32
        %dma_start3A_446 = tpu.memref_slice %arg8[%dma_start3A_438, %dma_start3A_445] : memref<4x128xi32, #tpu.memory_space<vmem>> -> memref<1x128xi32, #tpu.memory_space<vmem>>
        %dma_start3A_447 = tpu.memref_squeeze %dma_start3A_446 : memref<1x128xi32, #tpu.memory_space<vmem>> -> memref<128xi32, #tpu.memory_space<vmem>>
        %dma_start3A_448 = arith.constant 0 : i32
        %dma_start3A_449 = tpu.memref_slice %arg4[%add3A, %add3A_424, %dma_start3A_448] : memref<32x80x128xi32, #tpu.memory_space<hbm>> -> memref<1x1x128xi32, #tpu.memory_space<hbm>>
        %dma_start3A_450 = tpu.memref_squeeze %dma_start3A_449 : memref<1x1x128xi32, #tpu.memory_space<hbm>> -> memref<128xi32, #tpu.memory_space<hbm>>
        tpu.enqueue_dma source(%dma_start3A_450 : memref<128xi32, #tpu.memory_space<hbm>>) target(%dma_start3A_447 : memref<128xi32, #tpu.memory_space<vmem>>) target_semaphore(%arg18 : memref<!tpu.dma_semaphore, #tpu.memory_space<semaphore_mem>>)
        %dma_start3A_451 = arith.constant 2 : i32
        %dma_start3A_452 = arith.constant 0 : i32
        %dma_start3A_453 = tpu.memref_slice %arg9[%dma_start3A_451, %dma_start3A_452] : memref<4x128xf32, #tpu.memory_space<vmem>> -> memref<1x128xf32, #tpu.memory_space<vmem>>
        %dma_start3A_454 = tpu.memref_squeeze %dma_start3A_453 : memref<1x128xf32, #tpu.memory_space<vmem>> -> memref<128xf32, #tpu.memory_space<vmem>>
        %dma_start3A_455 = arith.constant 0 : i32
        %dma_start3A_456 = tpu.memref_slice %arg5[%add3A, %add3A_424, %dma_start3A_455] : memref<32x80x128xf32, #tpu.memory_space<hbm>> -> memref<1x1x128xf32, #tpu.memory_space<hbm>>
        %dma_start3A_457 = tpu.memref_squeeze %dma_start3A_456 : memref<1x1x128xf32, #tpu.memory_space<hbm>> -> memref<128xf32, #tpu.memory_space<hbm>>
        %dma_start3A_458 = arith.constant 0 : i32
        %dma_start3A_459 = tpu.memref_slice %arg9[%dma_start3A_451, %dma_start3A_458] : memref<4x128xf32, #tpu.memory_space<vmem>> -> memref<1x128xf32, #tpu.memory_space<vmem>>
        %dma_start3A_460 = tpu.memref_squeeze %dma_start3A_459 : memref<1x128xf32, #tpu.memory_space<vmem>> -> memref<128xf32, #tpu.memory_space<vmem>>
        %dma_start3A_461 = arith.constant 0 : i32
        %dma_start3A_462 = tpu.memref_slice %arg5[%add3A, %add3A_424, %dma_start3A_461] : memref<32x80x128xf32, #tpu.memory_space<hbm>> -> memref<1x1x128xf32, #tpu.memory_space<hbm>>
        %dma_start3A_463 = tpu.memref_squeeze %dma_start3A_462 : memref<1x1x128xf32, #tpu.memory_space<hbm>> -> memref<128xf32, #tpu.memory_space<hbm>>
        tpu.enqueue_dma source(%dma_start3A_463 : memref<128xf32, #tpu.memory_space<hbm>>) target(%dma_start3A_460 : memref<128xf32, #tpu.memory_space<vmem>>) target_semaphore(%arg18 : memref<!tpu.dma_semaphore, #tpu.memory_space<semaphore_mem>>)
      } else {
      }
      %mul3A_389 = arith.constant 2 : i32
      %mul3A_390 = arith.muli %scan3A_289, %mul3A_389 : i32
      %add3A_391 = arith.constant 1 : i32
      %add3A_392 = arith.addi %mul3A_390, %add3A_391 : i32
      %mul3A_393 = arith.constant 2 : i32
      %mul3A_394 = arith.muli %add3A_392, %mul3A_393 : i32
      %add3A_395 = arith.constant 1 : i32
      %add3A_396 = arith.addi %mul3A_394, %add3A_395 : i32
      %dma_wait3A_397 = arith.constant 3 : i32
      %dma_wait3A_398 = arith.constant 1 : i32
      %dma_wait3A_399 = arith.constant 0 : i32
      %dma_wait3A_400 = arith.constant 0 : i32
      %dma_wait3A_401 = tpu.memref_slice %arg10[%dma_wait3A_398, %dma_wait3A_399, %dma_wait3A_400] : memref<2x128x128xf32, #tpu.memory_space<vmem>> -> memref<1x128x128xf32, #tpu.memory_space<vmem>>
      %dma_wait3A_402 = tpu.memref_squeeze %dma_wait3A_401 : memref<1x128x128xf32, #tpu.memory_space<vmem>> -> memref<128x128xf32, #tpu.memory_space<vmem>>
      %dma_wait3A_403 = arith.constant 0 : i32
      %dma_wait3A_404 = tpu.memref_slice %arg7[%dma_wait3A_397, %dma_wait3A_403] : memref<4x128xi32, #tpu.memory_space<vmem>> -> memref<1x128xi32, #tpu.memory_space<vmem>>
      %dma_wait3A_405 = tpu.memref_squeeze %dma_wait3A_404 : memref<1x128xi32, #tpu.memory_space<vmem>> -> memref<128xi32, #tpu.memory_space<vmem>>
      %dma_wait3A_406 = arith.constant 0 : i32
      %dma_wait3A_407 = arith.constant 0 : i32
      %dma_wait3A_408 = tpu.memref_slice %arg11[%dma_wait3A_406, %dma_wait3A_407] : memref<10240x128xf32, #tpu.memory_space<vmem_shared>> -> memref<10240x128xf32, #tpu.memory_space<vmem_shared>>
      tpu.wait_indirect_dma semaphore(%arg13 : memref<!tpu.dma_semaphore, #tpu.memory_space<semaphore_mem>>) src(%dma_wait3A_408 : memref<10240x128xf32, #tpu.memory_space<vmem_shared>>) dst(%dma_wait3A_402 : memref<128x128xf32, #tpu.memory_space<vmem>>)
      %add3A_409 = arith.constant 2 : i32
      %add3A_410 = arith.addi %add3A_396, %add3A_409 : i32
      %lt3A_411 = arith.constant 80 : i32
      %lt3A_412 = arith.cmpi slt, %add3A_410, %lt3A_411 : i32
      %convert_element_type3A_413 = arith.extui %lt3A_412 : i1 to i32
      %cond3A_414 = arith.constant 0 : i32
      %cond3A_415 = arith.cmpi ne, %convert_element_type3A_413, %cond3A_414 : i32
      scf.if %cond3A_415 {
        %add3A_423 = arith.constant 2 : i32
        %add3A_424 = arith.addi %add3A_396, %add3A_423 : i32
        %dma_wait3A_425 = arith.constant 1 : i32
        %dma_wait3A_426 = arith.constant 0 : i32
        %dma_wait3A_427 = tpu.memref_slice %arg7[%dma_wait3A_425, %dma_wait3A_426] : memref<4x128xi32, #tpu.memory_space<vmem>> -> memref<1x128xi32, #tpu.memory_space<vmem>>
        %dma_wait3A_428 = tpu.memref_squeeze %dma_wait3A_427 : memref<1x128xi32, #tpu.memory_space<vmem>> -> memref<128xi32, #tpu.memory_space<vmem>>
        %dma_wait3A_429 = arith.constant 0 : i32
        %dma_wait3A_430 = tpu.memref_slice %arg3[%add3A, %add3A_424, %dma_wait3A_429] : memref<32x80x128xi32, #tpu.memory_space<hbm>> -> memref<1x1x128xi32, #tpu.memory_space<hbm>>
        %dma_wait3A_431 = tpu.memref_squeeze %dma_wait3A_430 : memref<1x1x128xi32, #tpu.memory_space<hbm>> -> memref<128xi32, #tpu.memory_space<hbm>>
        %dma_wait3A_432 = arith.constant 0 : i32
        %dma_wait3A_433 = tpu.memref_slice %arg7[%dma_wait3A_425, %dma_wait3A_432] : memref<4x128xi32, #tpu.memory_space<vmem>> -> memref<1x128xi32, #tpu.memory_space<vmem>>
        %dma_wait3A_434 = tpu.memref_squeeze %dma_wait3A_433 : memref<1x128xi32, #tpu.memory_space<vmem>> -> memref<128xi32, #tpu.memory_space<vmem>>
        %dma_wait3A_435 = arith.constant 0 : i32
        %dma_wait3A_436 = tpu.memref_slice %arg3[%add3A, %add3A_424, %dma_wait3A_435] : memref<32x80x128xi32, #tpu.memory_space<hbm>> -> memref<1x1x128xi32, #tpu.memory_space<hbm>>
        %dma_wait3A_437 = tpu.memref_squeeze %dma_wait3A_436 : memref<1x1x128xi32, #tpu.memory_space<hbm>> -> memref<128xi32, #tpu.memory_space<hbm>>
        tpu.wait_dma2 semaphore(%arg17 : memref<!tpu.dma_semaphore, #tpu.memory_space<semaphore_mem>>) src(%dma_wait3A_437 : memref<128xi32, #tpu.memory_space<hbm>>) dst(%dma_wait3A_434 : memref<128xi32, #tpu.memory_space<vmem>>)
        %dma_wait3A_438 = arith.constant 1 : i32
        %dma_wait3A_439 = arith.constant 0 : i32
        %dma_wait3A_440 = tpu.memref_slice %arg8[%dma_wait3A_438, %dma_wait3A_439] : memref<4x128xi32, #tpu.memory_space<vmem>> -> memref<1x128xi32, #tpu.memory_space<vmem>>
        %dma_wait3A_441 = tpu.memref_squeeze %dma_wait3A_440 : memref<1x128xi32, #tpu.memory_space<vmem>> -> memref<128xi32, #tpu.memory_space<vmem>>
        %dma_wait3A_442 = arith.constant 0 : i32
        %dma_wait3A_443 = tpu.memref_slice %arg4[%add3A, %add3A_424, %dma_wait3A_442] : memref<32x80x128xi32, #tpu.memory_space<hbm>> -> memref<1x1x128xi32, #tpu.memory_space<hbm>>
        %dma_wait3A_444 = tpu.memref_squeeze %dma_wait3A_443 : memref<1x1x128xi32, #tpu.memory_space<hbm>> -> memref<128xi32, #tpu.memory_space<hbm>>
        %dma_wait3A_445 = arith.constant 0 : i32
        %dma_wait3A_446 = tpu.memref_slice %arg8[%dma_wait3A_438, %dma_wait3A_445] : memref<4x128xi32, #tpu.memory_space<vmem>> -> memref<1x128xi32, #tpu.memory_space<vmem>>
        %dma_wait3A_447 = tpu.memref_squeeze %dma_wait3A_446 : memref<1x128xi32, #tpu.memory_space<vmem>> -> memref<128xi32, #tpu.memory_space<vmem>>
        %dma_wait3A_448 = arith.constant 0 : i32
        %dma_wait3A_449 = tpu.memref_slice %arg4[%add3A, %add3A_424, %dma_wait3A_448] : memref<32x80x128xi32, #tpu.memory_space<hbm>> -> memref<1x1x128xi32, #tpu.memory_space<hbm>>
        %dma_wait3A_450 = tpu.memref_squeeze %dma_wait3A_449 : memref<1x1x128xi32, #tpu.memory_space<hbm>> -> memref<128xi32, #tpu.memory_space<hbm>>
        tpu.wait_dma2 semaphore(%arg17 : memref<!tpu.dma_semaphore, #tpu.memory_space<semaphore_mem>>) src(%dma_wait3A_450 : memref<128xi32, #tpu.memory_space<hbm>>) dst(%dma_wait3A_447 : memref<128xi32, #tpu.memory_space<vmem>>)
        %dma_wait3A_451 = arith.constant 1 : i32
        %dma_wait3A_452 = arith.constant 0 : i32
        %dma_wait3A_453 = tpu.memref_slice %arg9[%dma_wait3A_451, %dma_wait3A_452] : memref<4x128xf32, #tpu.memory_space<vmem>> -> memref<1x128xf32, #tpu.memory_space<vmem>>
        %dma_wait3A_454 = tpu.memref_squeeze %dma_wait3A_453 : memref<1x128xf32, #tpu.memory_space<vmem>> -> memref<128xf32, #tpu.memory_space<vmem>>
        %dma_wait3A_455 = arith.constant 0 : i32
        %dma_wait3A_456 = tpu.memref_slice %arg5[%add3A, %add3A_424, %dma_wait3A_455] : memref<32x80x128xf32, #tpu.memory_space<hbm>> -> memref<1x1x128xf32, #tpu.memory_space<hbm>>
        %dma_wait3A_457 = tpu.memref_squeeze %dma_wait3A_456 : memref<1x1x128xf32, #tpu.memory_space<hbm>> -> memref<128xf32, #tpu.memory_space<hbm>>
        %dma_wait3A_458 = arith.constant 0 : i32
        %dma_wait3A_459 = tpu.memref_slice %arg9[%dma_wait3A_451, %dma_wait3A_458] : memref<4x128xf32, #tpu.memory_space<vmem>> -> memref<1x128xf32, #tpu.memory_space<vmem>>
        %dma_wait3A_460 = tpu.memref_squeeze %dma_wait3A_459 : memref<1x128xf32, #tpu.memory_space<vmem>> -> memref<128xf32, #tpu.memory_space<vmem>>
        %dma_wait3A_461 = arith.constant 0 : i32
        %dma_wait3A_462 = tpu.memref_slice %arg5[%add3A, %add3A_424, %dma_wait3A_461] : memref<32x80x128xf32, #tpu.memory_space<hbm>> -> memref<1x1x128xf32, #tpu.memory_space<hbm>>
        %dma_wait3A_463 = tpu.memref_squeeze %dma_wait3A_462 : memref<1x1x128xf32, #tpu.memory_space<hbm>> -> memref<128xf32, #tpu.memory_space<hbm>>
        tpu.wait_dma2 semaphore(%arg17 : memref<!tpu.dma_semaphore, #tpu.memory_space<semaphore_mem>>) src(%dma_wait3A_463 : memref<128xf32, #tpu.memory_space<hbm>>) dst(%dma_wait3A_460 : memref<128xf32, #tpu.memory_space<vmem>>)
        %dma_start3A_464 = arith.constant 1 : i32
        %dma_start3A_465 = arith.constant 1 : i32
        %dma_start3A_466 = arith.constant 0 : i32
        %dma_start3A_467 = arith.constant 0 : i32
        %dma_start3A_468 = tpu.memref_slice %arg10[%dma_start3A_465, %dma_start3A_466, %dma_start3A_467] : memref<2x128x128xf32, #tpu.memory_space<vmem>> -> memref<1x128x128xf32, #tpu.memory_space<vmem>>
        %dma_start3A_469 = tpu.memref_squeeze %dma_start3A_468 : memref<1x128x128xf32, #tpu.memory_space<vmem>> -> memref<128x128xf32, #tpu.memory_space<vmem>>
        %dma_start3A_470 = arith.constant 0 : i32
        %dma_start3A_471 = tpu.memref_slice %arg7[%dma_start3A_464, %dma_start3A_470] : memref<4x128xi32, #tpu.memory_space<vmem>> -> memref<1x128xi32, #tpu.memory_space<vmem>>
        %dma_start3A_472 = tpu.memref_squeeze %dma_start3A_471 : memref<1x128xi32, #tpu.memory_space<vmem>> -> memref<128xi32, #tpu.memory_space<vmem>>
        %dma_start3A_473 = arith.constant 0 : i32
        %dma_start3A_474 = arith.constant 0 : i32
        %dma_start3A_475 = tpu.memref_slice %arg11[%dma_start3A_473, %dma_start3A_474] : memref<10240x128xf32, #tpu.memory_space<vmem_shared>> -> memref<10240x128xf32, #tpu.memory_space<vmem_shared>>
        tpu.enqueue_indirect_dma source(%dma_start3A_475 : memref<10240x128xf32, #tpu.memory_space<vmem_shared>>) target(%dma_start3A_469 : memref<128x128xf32, #tpu.memory_space<vmem>>) offsets(%dma_start3A_472 : memref<128xi32, #tpu.memory_space<vmem>>) semaphore(%arg13 : memref<!tpu.dma_semaphore, #tpu.memory_space<semaphore_mem>>)
      } else {
      }
      %add3A_416 = arith.constant 4 : i32
      %add3A_417 = arith.addi %add3A_396, %add3A_416 : i32
      %lt3A_418 = arith.constant 80 : i32
      %lt3A_419 = arith.cmpi slt, %add3A_417, %lt3A_418 : i32
      %convert_element_type3A_420 = arith.extui %lt3A_419 : i1 to i32
      %cond3A_421 = arith.constant 0 : i32
      %cond3A_422 = arith.cmpi ne, %convert_element_type3A_420, %cond3A_421 : i32
      scf.if %cond3A_422 {
        %add3A_423 = arith.constant 4 : i32
        %add3A_424 = arith.addi %add3A_396, %add3A_423 : i32
        %dma_start3A_425 = arith.constant 3 : i32
        %dma_start3A_426 = arith.constant 0 : i32
        %dma_start3A_427 = tpu.memref_slice %arg7[%dma_start3A_425, %dma_start3A_426] : memref<4x128xi32, #tpu.memory_space<vmem>> -> memref<1x128xi32, #tpu.memory_space<vmem>>
        %dma_start3A_428 = tpu.memref_squeeze %dma_start3A_427 : memref<1x128xi32, #tpu.memory_space<vmem>> -> memref<128xi32, #tpu.memory_space<vmem>>
        %dma_start3A_429 = arith.constant 0 : i32
        %dma_start3A_430 = tpu.memref_slice %arg3[%add3A, %add3A_424, %dma_start3A_429] : memref<32x80x128xi32, #tpu.memory_space<hbm>> -> memref<1x1x128xi32, #tpu.memory_space<hbm>>
        %dma_start3A_431 = tpu.memref_squeeze %dma_start3A_430 : memref<1x1x128xi32, #tpu.memory_space<hbm>> -> memref<128xi32, #tpu.memory_space<hbm>>
        %dma_start3A_432 = arith.constant 0 : i32
        %dma_start3A_433 = tpu.memref_slice %arg7[%dma_start3A_425, %dma_start3A_432] : memref<4x128xi32, #tpu.memory_space<vmem>> -> memref<1x128xi32, #tpu.memory_space<vmem>>
        %dma_start3A_434 = tpu.memref_squeeze %dma_start3A_433 : memref<1x128xi32, #tpu.memory_space<vmem>> -> memref<128xi32, #tpu.memory_space<vmem>>
        %dma_start3A_435 = arith.constant 0 : i32
        %dma_start3A_436 = tpu.memref_slice %arg3[%add3A, %add3A_424, %dma_start3A_435] : memref<32x80x128xi32, #tpu.memory_space<hbm>> -> memref<1x1x128xi32, #tpu.memory_space<hbm>>
        %dma_start3A_437 = tpu.memref_squeeze %dma_start3A_436 : memref<1x1x128xi32, #tpu.memory_space<hbm>> -> memref<128xi32, #tpu.memory_space<hbm>>
        tpu.enqueue_dma source(%dma_start3A_437 : memref<128xi32, #tpu.memory_space<hbm>>) target(%dma_start3A_434 : memref<128xi32, #tpu.memory_space<vmem>>) target_semaphore(%arg19 : memref<!tpu.dma_semaphore, #tpu.memory_space<semaphore_mem>>)
        %dma_start3A_438 = arith.constant 3 : i32
        %dma_start3A_439 = arith.constant 0 : i32
        %dma_start3A_440 = tpu.memref_slice %arg8[%dma_start3A_438, %dma_start3A_439] : memref<4x128xi32, #tpu.memory_space<vmem>> -> memref<1x128xi32, #tpu.memory_space<vmem>>
        %dma_start3A_441 = tpu.memref_squeeze %dma_start3A_440 : memref<1x128xi32, #tpu.memory_space<vmem>> -> memref<128xi32, #tpu.memory_space<vmem>>
        %dma_start3A_442 = arith.constant 0 : i32
        %dma_start3A_443 = tpu.memref_slice %arg4[%add3A, %add3A_424, %dma_start3A_442] : memref<32x80x128xi32, #tpu.memory_space<hbm>> -> memref<1x1x128xi32, #tpu.memory_space<hbm>>
        %dma_start3A_444 = tpu.memref_squeeze %dma_start3A_443 : memref<1x1x128xi32, #tpu.memory_space<hbm>> -> memref<128xi32, #tpu.memory_space<hbm>>
        %dma_start3A_445 = arith.constant 0 : i32
        %dma_start3A_446 = tpu.memref_slice %arg8[%dma_start3A_438, %dma_start3A_445] : memref<4x128xi32, #tpu.memory_space<vmem>> -> memref<1x128xi32, #tpu.memory_space<vmem>>
        %dma_start3A_447 = tpu.memref_squeeze %dma_start3A_446 : memref<1x128xi32, #tpu.memory_space<vmem>> -> memref<128xi32, #tpu.memory_space<vmem>>
        %dma_start3A_448 = arith.constant 0 : i32
        %dma_start3A_449 = tpu.memref_slice %arg4[%add3A, %add3A_424, %dma_start3A_448] : memref<32x80x128xi32, #tpu.memory_space<hbm>> -> memref<1x1x128xi32, #tpu.memory_space<hbm>>
        %dma_start3A_450 = tpu.memref_squeeze %dma_start3A_449 : memref<1x1x128xi32, #tpu.memory_space<hbm>> -> memref<128xi32, #tpu.memory_space<hbm>>
        tpu.enqueue_dma source(%dma_start3A_450 : memref<128xi32, #tpu.memory_space<hbm>>) target(%dma_start3A_447 : memref<128xi32, #tpu.memory_space<vmem>>) target_semaphore(%arg19 : memref<!tpu.dma_semaphore, #tpu.memory_space<semaphore_mem>>)
        %dma_start3A_451 = arith.constant 3 : i32
        %dma_start3A_452 = arith.constant 0 : i32
        %dma_start3A_453 = tpu.memref_slice %arg9[%dma_start3A_451, %dma_start3A_452] : memref<4x128xf32, #tpu.memory_space<vmem>> -> memref<1x128xf32, #tpu.memory_space<vmem>>
        %dma_start3A_454 = tpu.memref_squeeze %dma_start3A_453 : memref<1x128xf32, #tpu.memory_space<vmem>> -> memref<128xf32, #tpu.memory_space<vmem>>
        %dma_start3A_455 = arith.constant 0 : i32
        %dma_start3A_456 = tpu.memref_slice %arg5[%add3A, %add3A_424, %dma_start3A_455] : memref<32x80x128xf32, #tpu.memory_space<hbm>> -> memref<1x1x128xf32, #tpu.memory_space<hbm>>
        %dma_start3A_457 = tpu.memref_squeeze %dma_start3A_456 : memref<1x1x128xf32, #tpu.memory_space<hbm>> -> memref<128xf32, #tpu.memory_space<hbm>>
        %dma_start3A_458 = arith.constant 0 : i32
        %dma_start3A_459 = tpu.memref_slice %arg9[%dma_start3A_451, %dma_start3A_458] : memref<4x128xf32, #tpu.memory_space<vmem>> -> memref<1x128xf32, #tpu.memory_space<vmem>>
        %dma_start3A_460 = tpu.memref_squeeze %dma_start3A_459 : memref<1x128xf32, #tpu.memory_space<vmem>> -> memref<128xf32, #tpu.memory_space<vmem>>
        %dma_start3A_461 = arith.constant 0 : i32
        %dma_start3A_462 = tpu.memref_slice %arg5[%add3A, %add3A_424, %dma_start3A_461] : memref<32x80x128xf32, #tpu.memory_space<hbm>> -> memref<1x1x128xf32, #tpu.memory_space<hbm>>
        %dma_start3A_463 = tpu.memref_squeeze %dma_start3A_462 : memref<1x1x128xf32, #tpu.memory_space<hbm>> -> memref<128xf32, #tpu.memory_space<hbm>>
        tpu.enqueue_dma source(%dma_start3A_463 : memref<128xf32, #tpu.memory_space<hbm>>) target(%dma_start3A_460 : memref<128xf32, #tpu.memory_space<vmem>>) target_semaphore(%arg19 : memref<!tpu.dma_semaphore, #tpu.memory_space<semaphore_mem>>)
      } else {
      }
    }
    %scan3A_283 = arith.constant 20 : i32
    %barrier3A_284 = arith.constant 0 : index
    tpu.barrier barrier_id(%barrier3A_284)
    %mul3A_285 = arith.constant 640 : i32
    %mul3A_286 = arith.muli %arg1, %mul3A_285 : i32
    %mul3A_287 = arith.constant 640 : i32
    %mul3A_288 = arith.muli %arg1, %mul3A_287 : i32
    "tpu.region"() ({
      %run_scoped3A = tpu.sem_alloc : memref<!tpu.dma_semaphore, #tpu.memory_space<semaphore_mem>>
      %dma_start3A_289 = arith.constant 0 : i32
      %dma_start3A_290 = tpu.memref_slice %arg6[%arg0, %mul3A_288, %dma_start3A_289] : memref<2x10240x128xf32, #tpu.memory_space<hbm>> -> memref<1x640x128xf32, #tpu.memory_space<hbm>>
      %dma_start3A_291 = tpu.memref_squeeze %dma_start3A_290 : memref<1x640x128xf32, #tpu.memory_space<hbm>> -> memref<640x128xf32, #tpu.memory_space<hbm>>
      %dma_start3A_292 = arith.constant 0 : i32
      %dma_start3A_293 = tpu.memref_slice %arg11[%mul3A_286, %dma_start3A_292] : memref<10240x128xf32, #tpu.memory_space<vmem_shared>> -> memref<640x128xf32, #tpu.memory_space<vmem_shared>>
      tpu.enqueue_dma source(%dma_start3A_293 : memref<640x128xf32, #tpu.memory_space<vmem_shared>>) target(%dma_start3A_291 : memref<640x128xf32, #tpu.memory_space<hbm>>) target_semaphore(%run_scoped3A : memref<!tpu.dma_semaphore, #tpu.memory_space<semaphore_mem>>)
      %dma_wait3A_294 = arith.constant 0 : i32
      %dma_wait3A_295 = tpu.memref_slice %arg6[%arg0, %mul3A_288, %dma_wait3A_294] : memref<2x10240x128xf32, #tpu.memory_space<hbm>> -> memref<1x640x128xf32, #tpu.memory_space<hbm>>
      %dma_wait3A_296 = tpu.memref_squeeze %dma_wait3A_295 : memref<1x640x128xf32, #tpu.memory_space<hbm>> -> memref<640x128xf32, #tpu.memory_space<hbm>>
      %dma_wait3A_297 = arith.constant 0 : i32
      %dma_wait3A_298 = tpu.memref_slice %arg11[%mul3A_286, %dma_wait3A_297] : memref<10240x128xf32, #tpu.memory_space<vmem_shared>> -> memref<640x128xf32, #tpu.memory_space<vmem_shared>>
      tpu.wait_dma2 semaphore(%run_scoped3A : memref<!tpu.dma_semaphore, #tpu.memory_space<semaphore_mem>>) src(%dma_wait3A_298 : memref<640x128xf32, #tpu.memory_space<vmem_shared>>) dst(%dma_wait3A_296 : memref<640x128xf32, #tpu.memory_space<hbm>>)
      tpu.yield
    }) : () -> ()
    return
  }
}

module attributes {stable_mosaic.version = 14 : i64} {
  func.func @_final_body(%arg0: i32, %arg1: memref<2x1280x128xf32, #tpu.memory_space<vmem>>, %arg2: memref<1280x1xf32, #tpu.memory_space<vmem>>, %arg3: memref<1280x128xf32, #tpu.memory_space<vmem>>, %arg4: memref<1280x128xf32, #tpu.memory_space<vmem>>, %arg5: memref<1x128xf32, #tpu.memory_space<vmem>>, %arg6: memref<128x40xf32, #tpu.memory_space<vmem>>, %arg7: memref<1x40xf32, #tpu.memory_space<vmem>>, %arg8: memref<1280x40xf32, #tpu.memory_space<vmem>>) attributes {dimension_semantics = [#tpu.dimension_semantics<arbitrary>], iteration_bounds = array<i64: 8>, scalar_prefetch = 0 : i64, scratch_operands = 0 : i64, tpu.core_type = #tpu.core_type<tc>, window_params = [{transform_indices = @transform_0, window_bounds = array<i64: 2, 1280, 128>}, {transform_indices = @transform_1, window_bounds = array<i64: 1280, 1>}, {transform_indices = @transform_2, window_bounds = array<i64: 1280, 128>}, {transform_indices = @transform_3, window_bounds = array<i64: 1280, 128>}, {pipeline_mode = #tpu.pipeline_mode<synchronous>, transform_indices = @transform_4, window_bounds = array<i64: 1, 128>}, {pipeline_mode = #tpu.pipeline_mode<synchronous>, transform_indices = @transform_5, window_bounds = array<i64: 128, 40>}, {pipeline_mode = #tpu.pipeline_mode<synchronous>, transform_indices = @transform_6, window_bounds = array<i64: 1, 40>}, {transform_indices = @transform_7, window_bounds = array<i64: 1280, 40>}]} {
    %get3A = arith.constant 0 : index
    %get3A_0 = arith.constant 0 : index
    %get3A_1 = vector.load %arg2[%get3A, %get3A_0] : memref<1280x1xf32, #tpu.memory_space<vmem>>, vector<1280x1xf32>
    %get3A_2 = arith.constant 0 : index
    %get3A_3 = arith.constant 0 : index
    %get3A_4 = arith.constant 0 : index
    %get3A_5 = vector.load %arg1[%get3A_2, %get3A_3, %get3A_4] : memref<2x1280x128xf32, #tpu.memory_space<vmem>>, vector<1x1280x128xf32>
    %get3A_6 = vector.shape_cast %get3A_5 : vector<1x1280x128xf32> to vector<1280x128xf32>
    %get3A_7 = arith.constant 1 : index
    %get3A_8 = arith.constant 0 : index
    %get3A_9 = arith.constant 0 : index
    %get3A_10 = vector.load %arg1[%get3A_7, %get3A_8, %get3A_9] : memref<2x1280x128xf32, #tpu.memory_space<vmem>>, vector<1x1280x128xf32>
    %get3A_11 = vector.shape_cast %get3A_10 : vector<1x1280x128xf32> to vector<1280x128xf32>
    %add3A = arith.addf %get3A_6, %get3A_11 : vector<1280x128xf32>
    %get3A_12 = arith.constant 0 : index
    %get3A_13 = arith.constant 0 : index
    %get3A_14 = vector.load %arg3[%get3A_12, %get3A_13] : memref<1280x128xf32, #tpu.memory_space<vmem>>, vector<1280x128xf32>
    %sub3A = arith.subf %add3A, %get3A_14 : vector<1280x128xf32>
    %mul3A = vector.broadcast %get3A_1 : vector<1280x1xf32> to vector<1280x128xf32>
    %mul3A_15 = arith.mulf %sub3A, %mul3A : vector<1280x128xf32>
    %get3A_16 = arith.constant 0 : index
    %get3A_17 = arith.constant 0 : index
    %get3A_18 = vector.load %arg5[%get3A_16, %get3A_17] : memref<1x128xf32, #tpu.memory_space<vmem>>, vector<1x128xf32>
    %add3A_19 = vector.broadcast %get3A_18 : vector<1x128xf32> to vector<1280x128xf32>
    %add3A_20 = arith.addf %mul3A_15, %add3A_19 : vector<1280x128xf32>
    %max3A = arith.constant 0.000000e+00 : f32
    %max3A_21 = vector.broadcast %max3A : f32 to vector<1280x128xf32>
    %max3A_22 = arith.maximumf %add3A_20, %max3A_21 : vector<1280x128xf32>
    %get3A_23 = arith.constant 0 : index
    %get3A_24 = arith.constant 0 : index
    %get3A_25 = vector.load %arg4[%get3A_23, %get3A_24] : memref<1280x128xf32, #tpu.memory_space<vmem>>, vector<1280x128xf32>
    %add3A_26 = arith.addf %max3A_22, %get3A_25 : vector<1280x128xf32>
    %get3A_27 = arith.constant 0 : index
    %get3A_28 = arith.constant 0 : index
    %get3A_29 = vector.load %arg6[%get3A_27, %get3A_28] : memref<128x40xf32, #tpu.memory_space<vmem>>, vector<128x40xf32>
    %dot_general3A = arith.constant dense<0.000000e+00> : vector<1280x40xf32>
    %dot_general3A_30 = tpu.matmul %add3A_26, %get3A_29, %dot_general3A {dimension_numbers = #tpu.dot_dimension_numbers<[1], [0], [0], [1], [0, 0, 1, 1], [], []>, transpose_lhs_hint = false} : vector<1280x128xf32>, vector<128x40xf32>, vector<1280x40xf32> -> vector<1280x40xf32>
    %get3A_31 = arith.constant 0 : index
    %get3A_32 = arith.constant 0 : index
    %get3A_33 = vector.load %arg7[%get3A_31, %get3A_32] : memref<1x40xf32, #tpu.memory_space<vmem>>, vector<1x40xf32>
    %add3A_34 = vector.broadcast %get3A_33 : vector<1x40xf32> to vector<1280x40xf32>
    %add3A_35 = arith.addf %dot_general3A_30, %add3A_34 : vector<1280x40xf32>
    %swap3A = arith.constant 0 : index
    %swap3A_36 = arith.constant 0 : index
    %swap3A_37 = vector.load %arg8[%swap3A, %swap3A_36] : memref<1280x40xf32, #tpu.memory_space<vmem>>, vector<1280x40xf32>
    tpu.vector_store %arg8[%swap3A, %swap3A_36], %add3A_35 {strides = array<i32>} : memref<1280x40xf32, #tpu.memory_space<vmem>>, vector<1280x40xf32>,
    return
  }
  func.func @transform_0(%arg0: i32) -> (i32, i32, i32) {
    %c0_i32 = arith.constant 0 : i32
    %c0_i32_0 = arith.constant 0 : i32
    %c0_i32_1 = arith.constant 0 : i32
    return %c0_i32, %arg0, %c0_i32_0 : i32, i32, i32
  }
  func.func @transform_1(%arg0: i32) -> (i32, i32) {
    %c0_i32 = arith.constant 0 : i32
    %c0_i32_0 = arith.constant 0 : i32
    return %arg0, %c0_i32 : i32, i32
  }
  func.func @transform_2(%arg0: i32) -> (i32, i32) {
    %c0_i32 = arith.constant 0 : i32
    %c0_i32_0 = arith.constant 0 : i32
    return %arg0, %c0_i32 : i32, i32
  }
  func.func @transform_3(%arg0: i32) -> (i32, i32) {
    %c0_i32 = arith.constant 0 : i32
    %c0_i32_0 = arith.constant 0 : i32
    return %arg0, %c0_i32 : i32, i32
  }
  func.func @transform_4(%arg0: i32) -> (i32, i32) {
    %c0_i32 = arith.constant 0 : i32
    %c0_i32_0 = arith.constant 0 : i32
    %c0_i32_1 = arith.constant 0 : i32
    return %c0_i32, %c0_i32_0 : i32, i32
  }
  func.func @transform_5(%arg0: i32) -> (i32, i32) {
    %c0_i32 = arith.constant 0 : i32
    %c0_i32_0 = arith.constant 0 : i32
    %c0_i32_1 = arith.constant 0 : i32
    return %c0_i32, %c0_i32_0 : i32, i32
  }
  func.func @transform_6(%arg0: i32) -> (i32, i32) {
    %c0_i32 = arith.constant 0 : i32
    %c0_i32_0 = arith.constant 0 : i32
    %c0_i32_1 = arith.constant 0 : i32
    return %c0_i32, %c0_i32_0 : i32, i32
  }
  func.func @transform_7(%arg0: i32) -> (i32, i32) {
    %c0_i32 = arith.constant 0 : i32
    %c0_i32_0 = arith.constant 0 : i32
    return %arg0, %c0_i32 : i32, i32
  }
}

module attributes {stable_mosaic.version = 14 : i64} {
  func.func @_prep_body(%arg0: i32, %arg1: memref<2x1280x1xf32, #tpu.memory_space<vmem>>, %arg2: memref<1280x128xf32, #tpu.memory_space<vmem>>, %arg3: memref<128x128xf32, #tpu.memory_space<vmem>>, %arg4: memref<1280x1xf32, #tpu.memory_space<vmem>>, %arg5: memref<1280x128xf32, #tpu.memory_space<vmem>>) attributes {dimension_semantics = [#tpu.dimension_semantics<arbitrary>], iteration_bounds = array<i64: 8>, scalar_prefetch = 0 : i64, scratch_operands = 0 : i64, tpu.core_type = #tpu.core_type<tc>, window_params = [{transform_indices = @transform_0, window_bounds = array<i64: 2, 1280, 1>}, {transform_indices = @transform_1, window_bounds = array<i64: 1280, 128>}, {pipeline_mode = #tpu.pipeline_mode<synchronous>, transform_indices = @transform_2, window_bounds = array<i64: 128, 128>}, {transform_indices = @transform_3, window_bounds = array<i64: 1280, 1>}, {transform_indices = @transform_4, window_bounds = array<i64: 1280, 128>}]} {
    %get3A = arith.constant 0 : index
    %get3A_0 = arith.constant 0 : index
    %get3A_1 = arith.constant 0 : index
    %get3A_2 = vector.load %arg1[%get3A, %get3A_0, %get3A_1] : memref<2x1280x1xf32, #tpu.memory_space<vmem>>, vector<1x1280x1xf32>
    %get3A_3 = vector.shape_cast %get3A_2 : vector<1x1280x1xf32> to vector<1280x1xf32>
    %get3A_4 = arith.constant 1 : index
    %get3A_5 = arith.constant 0 : index
    %get3A_6 = arith.constant 0 : index
    %get3A_7 = vector.load %arg1[%get3A_4, %get3A_5, %get3A_6] : memref<2x1280x1xf32, #tpu.memory_space<vmem>>, vector<1x1280x1xf32>
    %get3A_8 = vector.shape_cast %get3A_7 : vector<1x1280x1xf32> to vector<1280x1xf32>
    %add3A = arith.addf %get3A_3, %get3A_8 : vector<1280x1xf32>
    %add3A_9 = arith.constant 1.000000e+00 : f32
    %add3A_10 = vector.broadcast %add3A_9 : f32 to vector<1280x1xf32>
    %add3A_11 = arith.addf %add3A, %add3A_10 : vector<1280x1xf32>
    %max3A = arith.constant 9.99999996E-13 : f32
    %max3A_12 = vector.broadcast %max3A : f32 to vector<1280x1xf32>
    %max3A_13 = arith.maximumf %add3A_11, %max3A_12 : vector<1280x1xf32>
    %rsqrt3A = math.rsqrt %max3A_13 : vector<1280x1xf32>
    %swap3A = arith.constant 0 : index
    %swap3A_14 = arith.constant 0 : index
    %swap3A_15 = vector.load %arg4[%swap3A, %swap3A_14] : memref<1280x1xf32, #tpu.memory_space<vmem>>, vector<1280x1xf32>
    tpu.vector_store %arg4[%swap3A, %swap3A_14], %rsqrt3A {strides = array<i32>} : memref<1280x1xf32, #tpu.memory_space<vmem>>, vector<1280x1xf32>,
    %get3A_16 = arith.constant 0 : index
    %get3A_17 = arith.constant 0 : index
    %get3A_18 = vector.load %arg2[%get3A_16, %get3A_17] : memref<1280x128xf32, #tpu.memory_space<vmem>>, vector<1280x128xf32>
    %get3A_19 = arith.constant 0 : index
    %get3A_20 = arith.constant 0 : index
    %get3A_21 = vector.load %arg3[%get3A_19, %get3A_20] : memref<128x128xf32, #tpu.memory_space<vmem>>, vector<128x128xf32>
    %dot_general3A = arith.constant dense<0.000000e+00> : vector<1280x128xf32>
    %dot_general3A_22 = tpu.matmul %get3A_18, %get3A_21, %dot_general3A {dimension_numbers = #tpu.dot_dimension_numbers<[1], [0], [0], [1], [0, 0, 1, 1], [], []>, transpose_lhs_hint = false} : vector<1280x128xf32>, vector<128x128xf32>, vector<1280x128xf32> -> vector<1280x128xf32>
    %mul3A = vector.broadcast %rsqrt3A : vector<1280x1xf32> to vector<1280x128xf32>
    %mul3A_23 = arith.mulf %dot_general3A_22, %mul3A : vector<1280x128xf32>
    %swap3A_24 = arith.constant 0 : index
    %swap3A_25 = arith.constant 0 : index
    %swap3A_26 = vector.load %arg5[%swap3A_24, %swap3A_25] : memref<1280x128xf32, #tpu.memory_space<vmem>>, vector<1280x128xf32>
    tpu.vector_store %arg5[%swap3A_24, %swap3A_25], %mul3A_23 {strides = array<i32>} : memref<1280x128xf32, #tpu.memory_space<vmem>>, vector<1280x128xf32>,
    return
  }
  func.func @transform_0(%arg0: i32) -> (i32, i32, i32) {
    %c0_i32 = arith.constant 0 : i32
    %c0_i32_0 = arith.constant 0 : i32
    %c0_i32_1 = arith.constant 0 : i32
    return %c0_i32, %arg0, %c0_i32_0 : i32, i32, i32
  }
  func.func @transform_1(%arg0: i32) -> (i32, i32) {
    %c0_i32 = arith.constant 0 : i32
    %c0_i32_0 = arith.constant 0 : i32
    return %arg0, %c0_i32 : i32, i32
  }
  func.func @transform_2(%arg0: i32) -> (i32, i32) {
    %c0_i32 = arith.constant 0 : i32
    %c0_i32_0 = arith.constant 0 : i32
    %c0_i32_1 = arith.constant 0 : i32
    return %c0_i32, %c0_i32_0 : i32, i32
  }
  func.func @transform_3(%arg0: i32) -> (i32, i32) {
    %c0_i32 = arith.constant 0 : i32
    %c0_i32_0 = arith.constant 0 : i32
    return %arg0, %c0_i32 : i32, i32
  }
  func.func @transform_4(%arg0: i32) -> (i32, i32) {
    %c0_i32 = arith.constant 0 : i32
    %c0_i32_0 = arith.constant 0 : i32
    return %arg0, %c0_i32 : i32, i32
  }
}

module attributes {stable_mosaic.version = 14 : i64} {
  func.func @_fuse_body(%arg0: i32, %arg1: memref<2x1280x128xf32, #tpu.memory_space<vmem>>, %arg2: memref<1280x1xf32, #tpu.memory_space<vmem>>, %arg3: memref<1280x128xf32, #tpu.memory_space<vmem>>, %arg4: memref<1280x128xf32, #tpu.memory_space<vmem>>, %arg5: memref<1x128xf32, #tpu.memory_space<vmem>>, %arg6: memref<128x128xf32, #tpu.memory_space<vmem>>, %arg7: memref<1280x128xf32, #tpu.memory_space<vmem>>, %arg8: memref<1280x128xf32, #tpu.memory_space<vmem>>) attributes {dimension_semantics = [#tpu.dimension_semantics<arbitrary>], iteration_bounds = array<i64: 8>, scalar_prefetch = 0 : i64, scratch_operands = 0 : i64, tpu.core_type = #tpu.core_type<tc>, window_params = [{transform_indices = @transform_0, window_bounds = array<i64: 2, 1280, 128>}, {transform_indices = @transform_1, window_bounds = array<i64: 1280, 1>}, {transform_indices = @transform_2, window_bounds = array<i64: 1280, 128>}, {transform_indices = @transform_3, window_bounds = array<i64: 1280, 128>}, {pipeline_mode = #tpu.pipeline_mode<synchronous>, transform_indices = @transform_4, window_bounds = array<i64: 1, 128>}, {pipeline_mode = #tpu.pipeline_mode<synchronous>, transform_indices = @transform_5, window_bounds = array<i64: 128, 128>}, {transform_indices = @transform_6, window_bounds = array<i64: 1280, 128>}, {transform_indices = @transform_7, window_bounds = array<i64: 1280, 128>}]} {
    %get3A = arith.constant 0 : index
    %get3A_0 = arith.constant 0 : index
    %get3A_1 = vector.load %arg2[%get3A, %get3A_0] : memref<1280x1xf32, #tpu.memory_space<vmem>>, vector<1280x1xf32>
    %get3A_2 = arith.constant 0 : index
    %get3A_3 = arith.constant 0 : index
    %get3A_4 = arith.constant 0 : index
    %get3A_5 = vector.load %arg1[%get3A_2, %get3A_3, %get3A_4] : memref<2x1280x128xf32, #tpu.memory_space<vmem>>, vector<1x1280x128xf32>
    %get3A_6 = vector.shape_cast %get3A_5 : vector<1x1280x128xf32> to vector<1280x128xf32>
    %get3A_7 = arith.constant 1 : index
    %get3A_8 = arith.constant 0 : index
    %get3A_9 = arith.constant 0 : index
    %get3A_10 = vector.load %arg1[%get3A_7, %get3A_8, %get3A_9] : memref<2x1280x128xf32, #tpu.memory_space<vmem>>, vector<1x1280x128xf32>
    %get3A_11 = vector.shape_cast %get3A_10 : vector<1x1280x128xf32> to vector<1280x128xf32>
    %add3A = arith.addf %get3A_6, %get3A_11 : vector<1280x128xf32>
    %get3A_12 = arith.constant 0 : index
    %get3A_13 = arith.constant 0 : index
    %get3A_14 = vector.load %arg3[%get3A_12, %get3A_13] : memref<1280x128xf32, #tpu.memory_space<vmem>>, vector<1280x128xf32>
    %sub3A = arith.subf %add3A, %get3A_14 : vector<1280x128xf32>
    %mul3A = vector.broadcast %get3A_1 : vector<1280x1xf32> to vector<1280x128xf32>
    %mul3A_15 = arith.mulf %sub3A, %mul3A : vector<1280x128xf32>
    %get3A_16 = arith.constant 0 : index
    %get3A_17 = arith.constant 0 : index
    %get3A_18 = vector.load %arg5[%get3A_16, %get3A_17] : memref<1x128xf32, #tpu.memory_space<vmem>>, vector<1x128xf32>
    %add3A_19 = vector.broadcast %get3A_18 : vector<1x128xf32> to vector<1280x128xf32>
    %add3A_20 = arith.addf %mul3A_15, %add3A_19 : vector<1280x128xf32>
    %max3A = arith.constant 0.000000e+00 : f32
    %max3A_21 = vector.broadcast %max3A : f32 to vector<1280x128xf32>
    %max3A_22 = arith.maximumf %add3A_20, %max3A_21 : vector<1280x128xf32>
    %get3A_23 = arith.constant 0 : index
    %get3A_24 = arith.constant 0 : index
    %get3A_25 = vector.load %arg4[%get3A_23, %get3A_24] : memref<1280x128xf32, #tpu.memory_space<vmem>>, vector<1280x128xf32>
    %add3A_26 = arith.addf %max3A_22, %get3A_25 : vector<1280x128xf32>
    %swap3A = arith.constant 0 : index
    %swap3A_27 = arith.constant 0 : index
    %swap3A_28 = vector.load %arg7[%swap3A, %swap3A_27] : memref<1280x128xf32, #tpu.memory_space<vmem>>, vector<1280x128xf32>
    tpu.vector_store %arg7[%swap3A, %swap3A_27], %add3A_26 {strides = array<i32>} : memref<1280x128xf32, #tpu.memory_space<vmem>>, vector<1280x128xf32>,
    %get3A_29 = arith.constant 0 : index
    %get3A_30 = arith.constant 0 : index
    %get3A_31 = vector.load %arg6[%get3A_29, %get3A_30] : memref<128x128xf32, #tpu.memory_space<vmem>>, vector<128x128xf32>
    %dot_general3A = arith.constant dense<0.000000e+00> : vector<1280x128xf32>
    %dot_general3A_32 = tpu.matmul %add3A_26, %get3A_31, %dot_general3A {dimension_numbers = #tpu.dot_dimension_numbers<[1], [0], [0], [1], [0, 0, 1, 1], [], []>, transpose_lhs_hint = false} : vector<1280x128xf32>, vector<128x128xf32>, vector<1280x128xf32> -> vector<1280x128xf32>
    %mul3A_33 = vector.broadcast %get3A_1 : vector<1280x1xf32> to vector<1280x128xf32>
    %mul3A_34 = arith.mulf %dot_general3A_32, %mul3A_33 : vector<1280x128xf32>
    %swap3A_35 = arith.constant 0 : index
    %swap3A_36 = arith.constant 0 : index
    %swap3A_37 = vector.load %arg8[%swap3A_35, %swap3A_36] : memref<1280x128xf32, #tpu.memory_space<vmem>>, vector<1280x128xf32>
    tpu.vector_store %arg8[%swap3A_35, %swap3A_36], %mul3A_34 {strides = array<i32>} : memref<1280x128xf32, #tpu.memory_space<vmem>>, vector<1280x128xf32>,
    return
  }
  func.func @transform_0(%arg0: i32) -> (i32, i32, i32) {
    %c0_i32 = arith.constant 0 : i32
    %c0_i32_0 = arith.constant 0 : i32
    %c0_i32_1 = arith.constant 0 : i32
    return %c0_i32, %arg0, %c0_i32_0 : i32, i32, i32
  }
  func.func @transform_1(%arg0: i32) -> (i32, i32) {
    %c0_i32 = arith.constant 0 : i32
    %c0_i32_0 = arith.constant 0 : i32
    return %arg0, %c0_i32 : i32, i32
  }
  func.func @transform_2(%arg0: i32) -> (i32, i32) {
    %c0_i32 = arith.constant 0 : i32
    %c0_i32_0 = arith.constant 0 : i32
    return %arg0, %c0_i32 : i32, i32
  }
  func.func @transform_3(%arg0: i32) -> (i32, i32) {
    %c0_i32 = arith.constant 0 : i32
    %c0_i32_0 = arith.constant 0 : i32
    return %arg0, %c0_i32 : i32, i32
  }
  func.func @transform_4(%arg0: i32) -> (i32, i32) {
    %c0_i32 = arith.constant 0 : i32
    %c0_i32_0 = arith.constant 0 : i32
    %c0_i32_1 = arith.constant 0 : i32
    return %c0_i32, %c0_i32_0 : i32, i32
  }
  func.func @transform_5(%arg0: i32) -> (i32, i32) {
    %c0_i32 = arith.constant 0 : i32
    %c0_i32_0 = arith.constant 0 : i32
    %c0_i32_1 = arith.constant 0 : i32
    return %c0_i32, %c0_i32_0 : i32, i32
  }
  func.func @transform_6(%arg0: i32) -> (i32, i32) {
    %c0_i32 = arith.constant 0 : i32
    %c0_i32_0 = arith.constant 0 : i32
    return %arg0, %c0_i32 : i32, i32
  }
  func.func @transform_7(%arg0: i32) -> (i32, i32) {
    %c0_i32 = arith.constant 0 : i32
    %c0_i32_0 = arith.constant 0 : i32
    return %arg0, %c0_i32 : i32, i32
  }
}

</mosaic_0001>

<sc_bundles>
// kernel: kernel.10.cloned.1.call-start
scs
__scs_entry_jumppad:
0x0: {  	(pc) =	sbr.rel $0x88, $3  }
0x1: {  	(tag) =	ssettag $0x0;
	lr =	simm.s32 $0x1  }
0x2: {  	[smem:$0x3F96] =	sst lr;
	_ =	strace $0xD0000000  }
0x3: {  	_ = 	snop  }
0x4: {  	_ = 	snop  }
0x5: {  	_ = 	snop  }
0x6: {  	_ = 	snop  }
0x7: {  	_ = 	snop  }
__scs_overlays_trampoline_lowered:
0x8: {  	[smem:$0x3FA5] =	sst s0  }
0x9: {  	[smem:$0x3FA6] =	sst s1  }
0xa: {  	[smem:$0x3FA7] =	sst s2  }
0xb: {  	[smem:$0x3FA8] =	sst s3  }
0xc: {  	[smem:$0x3FA9] =	sst s4  }
0xd: {  	[smem:$0x3FAA] =	sst s5  }
0xe: {  	[smem:$0x3FAB] =	sst s6  }
0xf: {  	[smem:$0x3FAC] =	sst s7  }
0x10: {  	[smem:$0x3FAD] =	sst s8  }
0x11: {  	[smem:$0x3FAE] =	sst s9;
	s0 =	simm.s32 @!p0 $0x0  }
0x12: {  	s1 =	sld [smem:$0x3F94];
	s0 =	simm.s32 @p0 $0x1  }
0x13: {  	[smem:$0x3FAF] =	sst s0;
	s0 =	simm.s32 @!p1 $0x0  }
0x14: {  	s2 =	sld [smem:$0x3F93];
	s0 =	simm.s32 @p1 $0x1  }
0x15: {  	[smem:$0x3FB0] =	sst s0;
	s0 =	simm.s32 @!p2 $0x0  }
0x16: {  	s3 =	sld [smem:$0x3FDB];
	s0 =	simm.s32 @p2 $0x1  }
0x17: {  	s4 =	simm.s32 $0x1BF5;
	[smem:$0x3FB2] =	sst s0  }
0x18: {  	s0 =	sld [smem:$0x3F95];
	_ =	swait.ge [sflag:s4], $0x0  }
0x19: {  	s7 =	sld [smem:$0x3F96]  }
0x1a: {  	s8 =	sadd.s32 $0xFFFFE003, lr  }
0x1b: {  	s9 =	sadd.s32 $0xFFFFFEF7, lr;
	s5 =	simm.s32 $0xFFFFFFFF;
	p2 =	slt.u32 s8, $0xFFFFF086  }
0x1c: {  	p1 =	slt.u32 s9, $0xF7A;
	s5 =	simm.s32 @!p2 $0x0  }
0x1d: {  	s5 =	simm.s32 @p1 $0x1;
	p0 =	seq.s32 s7, s2  }
0x1e: {  	s7 =	smul.u32 @!p0 $0xF7A, s2;
	p2 =	seq.s32 @!p0 s5, $0x0  }
0x1f: {  	s9 =	smul.u32 $0xF7A, s1;
	s8 =	simm.s32 @!p0 $0x1BF5;
	p2 =	por !p2, p0  }
0x20: {  	[sflag:s8] =	ssyncset.s32 @!p0 $0xFFFFF086;
	s6 =	sadd.s32 @!p0 s3, s7;
	s7 =	simm.s32 @!p0 $0x108  }
0x21: {  	s3 =	sadd.s32 s3, s9;
	s6 =	sadd.s32 @!p0 $0x88, s6;
	s7 =	simm.s32 @p2 $0x1082  }
0x22: {  	[simem:s7], [sflag:s8] =	dma.local @!p0 [hbm:s6], $0xF7A  }
0x23: {  	s9 =	sor.u32 $0xD0000000, s2;
	s6 =	simm.s32 $0x108;
	_ =	swait.ge @!p0 [sflag:s8], $0x0  }
0x24: {  	s3 =	sadd.s32 $0x88, s3;
	s6 =	simm.s32 @!p1 $0x1082;
	[sflag:s4] =	ssyncset.s32 $0xFFFFF086  }
0x25: {  	[simem:s6], [sflag:s4] =	dma.local [hbm:s3], $0xF7A  }
0x26: {  	[smem:$0x3F96] =	sst s1;
	(tag) =	ssettag s2;
	_ =	strace s9  }
0x27: {  	s1 =	sld [smem:$0x3FA6]  }
0x28: {  	s2 =	sld [smem:$0x3FA7]  }
0x29: {  	s4 =	sld [smem:$0x3FA9]  }
0x2a: {  	p0 =	seq.s32 s5, $0x0;
	s5 =	sld [smem:$0x3FAA]  }
0x2b: {  	s6 =	sld [smem:$0x3FAB]  }
0x2c: {  	s7 =	sld [smem:$0x3FAC]  }
0x2d: {  	s3 =	simm.s32 $0x108;
	s8 =	sld [smem:$0x3FAD]  }
0x2e: {  	s3 =	simm.s32 @!p0 $0x1082;
	s9 =	sld [smem:$0x3FAE]  }
0x2f: {  	lr =	sadd.s32 s0, s3;
	s0 =	sld [smem:$0x3FA5]  }
0x30: {  	s3 =	sld [smem:$0x3FA8]  }
0x31: {  	[smem:$0x3FB1] =	sst s10  }
0x32: {  	s10 =	sld [smem:$0x3FAF];
	_ =	sdelay $0x3  }
0x33: {  	p0 =	seq.s32 s10, $0x1;
	s10 =	sld [smem:$0x3FB1];
	_ =	sdelay $0x3  }
0x34: {  	[smem:$0x3FB1] =	sst s10  }
0x35: {  	s10 =	sld [smem:$0x3FB0];
	_ =	sdelay $0x3  }
0x36: {  	p1 =	seq.s32 s10, $0x1;
	s10 =	sld [smem:$0x3FB1];
	_ =	sdelay $0x3  }
0x37: {  	[smem:$0x3FB1] =	sst s10  }
0x38: {  	s10 =	sld [smem:$0x3FB2]  }
0x39: {  	_ = 	snop;
	(pc) =	sbr.ind lr, $3  }
0x3a: {  	_ = 	snop  }
0x3b: {  	_ = 	snop  }
0x3c: {  	p2 =	seq.s32 s10, $0x1;
	s10 =	sld [smem:$0x3FB1]  }
0x3d: {  	_ =	shalt  }
0x3e: {  	_ =	shalt  }
0x3f: {  	_ =	shalt  }
0x40: {  	_ =	shalt  }
0x41: {  	_ =	shalt  }
0x42: {  	_ =	shalt  }
0x43: {  	_ =	shalt  }
0x44: {  	_ =	shalt  }
0x45: {  	_ =	shalt  }
0x46: {  	_ =	shalt  }
0x47: {  	_ =	shalt  }
0x48: {  	_ =	shalt  }
0x49: {  	_ =	shalt  }
0x4a: {  	_ =	shalt  }
0x4b: {  	_ =	shalt  }
0x4c: {  	_ =	shalt  }
0x4d: {  	_ =	shalt  }
0x4e: {  	_ =	shalt  }
0x4f: {  	_ =	shalt  }
0x50: {  	_ =	shalt  }
0x51: {  	_ =	shalt  }
0x52: {  	_ =	shalt  }
0x53: {  	_ =	shalt  }
0x54: {  	_ =	shalt  }
0x55: {  	_ =	shalt  }
0x56: {  	_ =	shalt  }
0x57: {  	_ =	shalt  }
0x58: {  	_ =	shalt  }
0x59: {  	_ =	shalt  }
0x5a: {  	_ =	shalt  }
0x5b: {  	_ =	shalt  }
0x5c: {  	_ =	shalt  }
0x5d: {  	_ =	shalt  }
0x5e: {  	_ =	shalt  }
0x5f: {  	_ =	shalt  }
0x60: {  	_ =	shalt  }
0x61: {  	_ =	shalt  }
0x62: {  	_ =	shalt  }
0x63: {  	_ =	shalt  }
0x64: {  	_ =	shalt  }
0x65: {  	_ =	shalt  }
0x66: {  	_ =	shalt  }
0x67: {  	_ =	shalt  }
0x68: {  	_ =	shalt  }
0x69: {  	_ =	shalt  }
0x6a: {  	_ =	shalt  }
0x6b: {  	_ =	shalt  }
0x6c: {  	_ =	shalt  }
0x6d: {  	_ =	shalt  }
0x6e: {  	_ =	shalt  }
0x6f: {  	_ =	shalt  }
0x70: {  	_ =	shalt  }
0x71: {  	_ =	shalt  }
0x72: {  	_ =	shalt  }
0x73: {  	_ =	shalt  }
0x74: {  	_ =	shalt  }
0x75: {  	_ =	shalt  }
0x76: {  	_ =	shalt  }
0x77: {  	_ =	shalt  }
0x78: {  	_ =	shalt  }
0x79: {  	_ =	shalt  }
0x7a: {  	_ =	shalt  }
0x7b: {  	_ =	shalt  }
0x7c: {  	_ =	shalt  }
0x7d: {  	_ =	shalt  }
0x7e: {  	_ =	shalt  }
0x7f: {  	_ =	shalt  }
0x80: {  	_ =	shalt  }
0x81: {  	_ =	shalt  }
0x82: {  	_ =	shalt  }
0x83: {  	_ =	shalt  }
0x84: {  	_ =	shalt  }
0x85: {  	_ =	shalt  }
0x86: {  	_ =	shalt  }
0x87: {  	_ =	shalt  }
.Lfunc_end0:
.L_simem_size_0:
called_computation_lowered:
.L_overlay_start_0:
0x88: {  	s2 =	sld [smem:$0x3FD9]  }
0x89: {  	s3 =	sld [smem:$0x3FFE];
	_ =	sdelay $0x1  }
0x8a: {  	s1 =	srdreg.scid  }
0x8b: {  	s0 =	sand.u32 $0x1, s1  }
0x8c: {  	s17 =	sshll.u32 s0, $0xA;
	s2 =	sadd.s32 s3, s2  }
0x8d: {  	s2 =	sadd.s32 s2, s17  }
0x8e: {  	[smem:$0x3FBD] =	sst s2  }
0x8f: {  	_ = 	snop  }
0x90: {  	s2 =	sld [smem:$0x3FD0];
	(tm) =	ssettm $0x1  }
0x91: {  	s18 =	sld [smem:$0x3FFB];
	_ =	sdelay $0x3  }
0x92: {  	_ =	strace s18  }
0x93: {  	s3 =	sld [smem:$0x3FFC];
	_ =	sdelay $0x3  }
0x94: {  	_ =	strace s3  }
0x95: {  	s3 =	sld [smem:$0x3FFD];
	_ =	sdelay $0x3  }
0x96: {  	_ =	strace s3  }
0x97: {  	_ =	strace $0x8FFFFFFF  }
0x98: {  	s19 =	sld [smem:$0x3FDB];
	_ =	sdelay $0x1  }
0x99: {  	s4 =	simm.s32 $_scs_section_size  }
0x9a: {  	s5 =	simm.s32 $_size__tile_overlayer_lowered;
	s6 =	simm.s32 $_tile_overlayer_lowered  }
0x9b: {  	s22 =	simm.s32 $0x1BFF;
	s21 =	sshll.u32 s6, $0x1;
	s3 =	sadd.s32 s4, s19  }
0x9c: {  	s7 =	simm.s32 $0x0;
	s20 =	sshll.u32 s5, $0x1;
	s5 =	sadd.s32 s21, s3  }
0x9d: {  	[timem:s7], [sflag:s22] =	dma.local [hbm:s5], s20  }
0x9e: {  	_ =	swait.ge [sflag:s22], s20  }
0x9f: {  	s4 =	ssub.s32 $0x0, s20;
	[sflag:s22] =	ssyncset.done $0x0  }
0xa0: {  	[sflag:s22] =	ssyncadd.s32 s4;
	_ =	sdelay $0x1  }
0xa1: {  	s23 =	simm.s32 $0x1B8B  }
0xa2: {  	_ =	swait.ge [sflag:s23], $0x1  }
0xa3: {  	[sflag:s23] =	ssyncset.done $0x0  }
0xa4: {  	s25 =	simm.s32 $0x1B8E;
	s24 =	sld [smem:$0x3FFE];
	[sflag:s23] =	ssyncadd.s32 $0xFFFFFFFF  }
0xa5: {  	s26 =	simm.s32 $execute0_lowered;
	[smem:$0x3FD2] =	sst s25  }
0xa6: {  	s5 =	sshll.u32 s26, $0x1;
	_ =	strace $0x80000046;
	[dreg:$0x1] =	wrdreg $0xFFFFFFFF  }
0xa7: {  	s28 =	simm.s32 $_size_execute0_lowered;
	s3 =	sadd.s32 s3, s5;
	[dreg:$0x0] =	wrdreg $0x0  }
0xa8: {  	s5 =	sshll.u32 s28, $0x1;
	[dreg:$0x2] =	wrdreg s3  }
0xa9: {  	[dreg:$0x3] =	wrdreg s5  }
0xaa: {  	[dreg:$0x4] =	wrdreg $0xC0  }
0xab: {  	_ =	task [dreg:s7], $0x5FFFF  }
0xac: {  	[dreg:$0x1] =	wrdreg $0xFFFFFFFF  }
0xad: {  	[dreg:$0x0] =	wrdreg $0x60  }
0xae: {  	[dreg:$0x2] =	wrdreg s2  }
0xaf: {  	[dreg:$0x3] =	wrdreg s24  }
0xb0: {  	[dreg:$0x4] =	wrdreg $0x52800  }
0xb1: {  	[dreg:$0x5] =	wrdreg $0x9  }
0xb2: {  	_ =	task.clear_ibuf [dreg:s7], $0x6FFFF;
	_ =	strace $0x90000046  }
0xb3: {  	s29 =	simm.s32 $0x9;
	_ =	strace $0x80000048  }
0xb4: {  	_ =	swait.ge [sflag:s29], $0x1  }
0xb5: {  	[sflag:s29] =	ssyncadd.s32 $0xFFFFFFFF  }
0xb6: {  	_ =	strace $0x90000048  }
0xb7: {  	_ =	sfence  }
0xb8: {  	s30 =	sld [smem:$0x0];
	_ =	sdelay $0x2  }
0xb9: {  	s31 =	sshll.u32 s1, $0xD;
	s1 =	sshrl.u32 s1, $0x2  }
0xba: {  	s3 =	sand.u32 $0x4000, s31;
	s1 =	sadd.s32 s1, s30  }
0xbb: {  	s0 =	sor.u32 s3, s0;
	s1 =	sshll.u32 s1, $0x11  }
0xbc: {  	s0 =	sor.u32 s1, s0  }
0xbd: {  	s0 =	sadd.s32 $0x8F2B, s0  }
0xbe: {  	[sflag:s0] =	ssyncadd.remote.s32 $0x1  }
0xbf: {  	_ =	sfence.sel $0xFFFF  }
0xc0: {  	[dreg:$0x0] =	wrdreg $0xFFFFFFFF;
	(pc) =	sbr.abs _section_cstart, $3  }
0xc1: {  	[dreg:$0x1] =	wrdreg $0xFFFFFFFF  }
0xc2: {  	_ =	task.clear_ibuf [dreg:s7], $0x2FFFF;
	_ =	strace $0x9FFFFFFF  }
0xc3: {  	(tm) =	ssettm $0x7FFFFFFF  }
tec
execute0_lowered:
.L_overlay_start_1:
0x0: {  	(tag) =	ssettag $0x1  }
0x1: {  	s4 =	rddreg [dreg:$0x0]  }
0x2: {  	s5 =	rddreg [dreg:$0x1]  }
0x3: {  	s2 =	rddreg [dreg:$0x2]  }
0x4: {  	s0 =	rddreg [dreg:$0x3]  }
0x5: {  	s6 =	srdreg.scid;
	s1 =	stileid.u32  }
0x6: {  	s3 =	simm.s32 $0x0;
	s12 =	simm.s32 $0x80;
	s15 =	simm.s32 $0x20  }
0x7: {  	s16 =	simm.s32 $0x10;
	s17 =	simm.s32 $0x0;
	s6 =	sand.u32 $0x1, s6  }
0x8: {  	s7 =	sshll.u32 s1, $0x1;
	[smem:$0x7FF] =	sst s3;
	s8 =	smul.u32 $0x500, s1  }
0x9: {  	s30 =	smul.u32 $0xA00, s1;
	s13 =	sshll.u32 s1, $0x6;
	s7 =	sor.u32 s6, s7  }
0xa: {  	_ =	strace $0x80000047;
	s9 =	sshll.u32 s6, $0x7;
	s6 =	ssub.s32 $0x2, s6  }
0xb: {  	s13 =	sor.u32 $0x1C01, s13;
	s7 =	smul.u32 $0x500, s7;
	s8 =	sor.u32 s9, s8  }
0xc: {  	s11 =	sshrl.u32 s6, $0x1;
	s31 =	sshrl.u32 s30, $0x2;
	s9 =	simm.s32 $0x1  }
0xd: {  	s8 =	sshrl.u32 s8, $0x3;
	s11 =	ssub.s32 s6, s11;
	s6 =	sadd.s32 s31, s2  }
0xe: {  	s10 =	sadd.s32 s7, s5;
	s8 =	sadd.s32 s8, s5;
	s4 =	sadd.s32 s4, s7  }
0xf: {  	s14 =	sshrl.u32 s6, $0x3;
	s5 =	sadd.s32 $0x3800, s10;
	s7 =	sadd.s32 $0xD800, s8  }
0x10: {  	v0 =	vimm.f32 $0.0e+00;
	s8 =	smax.u32 s11, $0x1;
	s10 =	simm.s32 $0x2800;
	s11 =	simm.s32 $0x5000  }
.LBB2_1:
0x11: {  	[tilespmem:s3], [sflag:$0x1] =	stream.linear.gather [hbm4b:s4+s3], $0x2800, $0x38;
	[tilespmem:$0x5500] =	vst v63  }
0x12: {  	_ =	swait.ge [sflag:s9], $0x2800  }
0x13: {  	[sflag:s9] =	ssyncset.done $0x0  }
0x14: {  	[sflag:s9] =	ssyncadd.s32 $0xFFFFD800  }
0x15: {  	[tilespmem:s10], [sflag:$0x1] =	stream.linear.gather [hbm4b:s5+s3], $0x2800, $0x38;
	[tilespmem:$0x5500] =	vst v63  }
0x16: {  	_ =	swait.ge [sflag:s9], $0x2800  }
0x17: {  	[sflag:s9] =	ssyncset.done $0x0  }
0x18: {  	[sflag:s9] =	ssyncadd.s32 $0xFFFFD800  }
0x19: {  	[tilespmem:$0x5000] =	vst v0  }
0x1a: {  	[tilespmem:$0x5010] =	vst v0  }
0x1b: {  	[tilespmem:$0x5020] =	vst v0  }
0x1c: {  	[tilespmem:$0x5030] =	vst v0  }
0x1d: {  	[tilespmem:$0x5040] =	vst v0  }
0x1e: {  	[tilespmem:$0x5050] =	vst v0  }
0x1f: {  	[tilespmem:$0x5060] =	vst v0  }
0x20: {  	[tilespmem:$0x5070] =	vst v0  }
0x21: {  	[tilespmem:$0x5080] =	vst v0  }
0x22: {  	[tilespmem:$0x5090] =	vst v0  }
0x23: {  	[tilespmem:$0x50A0] =	vst v0  }
0x24: {  	[tilespmem:$0x50B0] =	vst v0  }
0x25: {  	[tilespmem:$0x50C0] =	vst v0  }
0x26: {  	[tilespmem:$0x50D0] =	vst v0  }
0x27: {  	[tilespmem:$0x50E0] =	vst v0  }
0x28: {  	[tilespmem:$0x50F0] =	vst v0  }
0x29: {  	[tilespmem:$0x5100] =	vst v0  }
0x2a: {  	[tilespmem:$0x5110] =	vst v0  }
0x2b: {  	[tilespmem:$0x5120] =	vst v0  }
0x2c: {  	[tilespmem:$0x5130] =	vst v0  }
0x2d: {  	[tilespmem:$0x5140] =	vst v0  }
0x2e: {  	[tilespmem:$0x5150] =	vst v0  }
0x2f: {  	[tilespmem:$0x5160] =	vst v0  }
0x30: {  	[tilespmem:$0x5170] =	vst v0  }
0x31: {  	[tilespmem:$0x5180] =	vst v0  }
0x32: {  	[tilespmem:$0x5190] =	vst v0  }
0x33: {  	[tilespmem:$0x51A0] =	vst v0  }
0x34: {  	[tilespmem:$0x51B0] =	vst v0  }
0x35: {  	[tilespmem:$0x51C0] =	vst v0  }
0x36: {  	[tilespmem:$0x51D0] =	vst v0  }
0x37: {  	[tilespmem:$0x51E0] =	vst v0  }
0x38: {  	[tilespmem:$0x51F0] =	vst v0  }
0x39: {  	[tilespmem:$0x5200] =	vst v0  }
0x3a: {  	[tilespmem:$0x5210] =	vst v0  }
0x3b: {  	[tilespmem:$0x5220] =	vst v0  }
0x3c: {  	[tilespmem:$0x5230] =	vst v0  }
0x3d: {  	[tilespmem:$0x5240] =	vst v0  }
0x3e: {  	[tilespmem:$0x5250] =	vst v0  }
0x3f: {  	[tilespmem:$0x5260] =	vst v0  }
0x40: {  	[tilespmem:$0x5270] =	vst v0  }
0x41: {  	[spmem:s6] =	stream.linear.scatter [tilespmem:s11], [sflag:$0x1], $0x280, $0x38;
	[tilespmem:$0x5500] =	vst v63  }
0x42: {  	_ =	swait.ge [sflag:s9], $0x280  }
0x43: {  	[sflag:s9] =	ssyncset.done $0x0  }
0x44: {  	[sflag:s9] =	ssyncadd.s32 $0xFFFFFD80  }
0x45: {  	s18 =	simm.s32 $0x0;
	s19 =	simm.s32 $0x2800;
	[bflag:$0x0] =	sbarrier.arrive $0xFFFF  }
0x46: {  	[spmem:s2] =	stream.indirect.scatter.add.f32 [tilespmem:s19], [sflag:$0x1], $0x1, s18, s12, $0xb8;
	[tilespmem:$0x5500] =	vst v63  }
0x47: {  	s18 =	simm.s32 $0x200;
	_ =	swait.ge [sflag:s9], $0x80  }
.LBB2_2:
0x48: {  	s19 =	sshra.s32 s18, $0x2;
	[sflag:s9] =	ssyncset.done $0x0;
	p0 =	sne.s32 s18, $0x9E00  }
.Ltmp0:
0x49: {  	s20 =	sadd.s32 $0x2800, s19;
	[sflag:s9] =	ssyncadd.s32 $0xFFFFFF80;
	(pc) =	sbr.rel @p0 .LBB2_2-.Ltmp0, $3  }
0x4a: {  	[spmem:s2] =	stream.indirect.scatter.add.f32 [tilespmem:s20], [sflag:$0x1], $0x1, s19, s12, $0xb8;
	[tilespmem:$0x5500] =	vst v63  }
0x4b: {  	s18 =	sadd.s32 $0x200, s18;
	_ =	sdelay $0x1  }
0x4c: {  	_ =	swait.ge [sflag:s9], $0x80  }
0x4d: {  	[sflag:s9] =	ssyncset.done $0x0;
	s17 =	sadd.s32 $0x1, s17  }
0x4e: {  	[sflag:s9] =	ssyncadd.s32 $0xFFFFFF80;
	p0 =	sne.s32 s17, s8  }
.Ltmp1:
0x4f: {  	[bflag:$0x0] =	sbarrier.arrive $0xFFFF;
	(pc) =	sbr.rel @p0 .LBB2_1-.Ltmp1, $4  }
0x50: {  	[hbm:s7@s15], [sflag:s13] =	dma.strided [spmem:s14@s16], $0x50, s9, $0x10   }
0x51: {  	_ =	swait.ge [sflag:s9], $0x50  }
0x52: {  	[sflag:s9] =	ssyncset.done $0x0  }
0x53: {  	[sflag:s9] =	ssyncadd.s32 $0xFFFFFFB0  }
0x54: {  	_ =	sfence.sel $0x180000  }
0x55: {  	[bflag:$0x0] =	sbarrier.arrive $0xFFFF  }
0x56: {  	p0 =	sne.s32 s1, $0x0;
	_ =	strace $0x90000047  }
0x57: {  	s0 =	sadd.s32 @!p0 $0x100000, s0;
	[bflag:$0x2] =	sbarrier.arrive $0xFFFF  }
0x58: {  	[sflag:s0] =	ssyncadd.tile.s32 @!p0 $0x1;
	_ =	shalt  }
.Lfunc_end2:
_tile_overlayer_lowered:
.L_overlay_start_2:
0x59: {  	(tag) =	ssettag $0x2  }
0x5a: {  	s0 =	rddreg [dreg:$0x0];
	s2 =	stileid.u32  }
0x5b: {  	s1 =	rddreg [dreg:$0x1];
	p0 =	sne.s32 s2, $0x0  }
0x5c: {  	s3 =	rddreg [dreg:$0x2];
	[bflag:$0x3] =	sbarrier.arrive $0xFFFF;
	s2 =	simm.s32 @!p0 $0x1C01  }
0x5d: {  	[timem:s3], [sflag:s2] =	dma.local @!p0 [hbm:s0], s1  }
0x5e: {  	s0 =	simm.s32 @!p0 $0x1  }
0x5f: {  	_ =	swait.ge @!p0 [sflag:s0], s1  }
0x60: {  	s1 =	ssub.s32 @!p0 $0x0, s1;
	[sflag:s0] =	ssyncset.done @!p0 $0x0  }
0x61: {  	[sflag:s0] =	ssyncadd.s32 @!p0 s1  }
0x62: {  	[bflag:$0x3] =	sbarrier.arrive $0xFFFF  }
0x63: {  	_ =	shalt  }

// kernel: kernel.13.cloned.1.call-start
scs
__scs_entry_jumppad:
0x0: {  	(pc) =	sbr.rel $0x88, $3  }
0x1: {  	(tag) =	ssettag $0x0;
	lr =	simm.s32 $0x1  }
0x2: {  	[smem:$0x3F96] =	sst lr;
	_ =	strace $0xD0000000  }
0x3: {  	_ = 	snop  }
0x4: {  	_ = 	snop  }
0x5: {  	_ = 	snop  }
0x6: {  	_ = 	snop  }
0x7: {  	_ = 	snop  }
__scs_overlays_trampoline_lowered:
0x8: {  	[smem:$0x3FA5] =	sst s0  }
0x9: {  	[smem:$0x3FA6] =	sst s1  }
0xa: {  	[smem:$0x3FA7] =	sst s2  }
0xb: {  	[smem:$0x3FA8] =	sst s3  }
0xc: {  	[smem:$0x3FA9] =	sst s4  }
0xd: {  	[smem:$0x3FAA] =	sst s5  }
0xe: {  	[smem:$0x3FAB] =	sst s6  }
0xf: {  	[smem:$0x3FAC] =	sst s7  }
0x10: {  	[smem:$0x3FAD] =	sst s8  }
0x11: {  	[smem:$0x3FAE] =	sst s9;
	s0 =	simm.s32 @!p0 $0x0  }
0x12: {  	s1 =	sld [smem:$0x3F94];
	s0 =	simm.s32 @p0 $0x1  }
0x13: {  	[smem:$0x3FAF] =	sst s0;
	s0 =	simm.s32 @!p1 $0x0  }
0x14: {  	s2 =	sld [smem:$0x3F93];
	s0 =	simm.s32 @p1 $0x1  }
0x15: {  	[smem:$0x3FB0] =	sst s0;
	s0 =	simm.s32 @!p2 $0x0  }
0x16: {  	s3 =	sld [smem:$0x3FDB];
	s0 =	simm.s32 @p2 $0x1  }
0x17: {  	s4 =	simm.s32 $0x1BF5;
	[smem:$0x3FB2] =	sst s0  }
0x18: {  	s0 =	sld [smem:$0x3F95];
	_ =	swait.ge [sflag:s4], $0x0  }
0x19: {  	s7 =	sld [smem:$0x3F96]  }
0x1a: {  	s8 =	sadd.s32 $0xFFFFE003, lr  }
0x1b: {  	s9 =	sadd.s32 $0xFFFFFEF7, lr;
	s5 =	simm.s32 $0xFFFFFFFF;
	p2 =	slt.u32 s8, $0xFFFFF086  }
0x1c: {  	p1 =	slt.u32 s9, $0xF7A;
	s5 =	simm.s32 @!p2 $0x0  }
0x1d: {  	s5 =	simm.s32 @p1 $0x1;
	p0 =	seq.s32 s7, s2  }
0x1e: {  	s7 =	smul.u32 @!p0 $0xF7A, s2;
	p2 =	seq.s32 @!p0 s5, $0x0  }
0x1f: {  	s9 =	smul.u32 $0xF7A, s1;
	s8 =	simm.s32 @!p0 $0x1BF5;
	p2 =	por !p2, p0  }
0x20: {  	[sflag:s8] =	ssyncset.s32 @!p0 $0xFFFFF086;
	s6 =	sadd.s32 @!p0 s3, s7;
	s7 =	simm.s32 @!p0 $0x108  }
0x21: {  	s3 =	sadd.s32 s3, s9;
	s6 =	sadd.s32 @!p0 $0x88, s6;
	s7 =	simm.s32 @p2 $0x1082  }
0x22: {  	[simem:s7], [sflag:s8] =	dma.local @!p0 [hbm:s6], $0xF7A  }
0x23: {  	s9 =	sor.u32 $0xD0000000, s2;
	s6 =	simm.s32 $0x108;
	_ =	swait.ge @!p0 [sflag:s8], $0x0  }
0x24: {  	s3 =	sadd.s32 $0x88, s3;
	s6 =	simm.s32 @!p1 $0x1082;
	[sflag:s4] =	ssyncset.s32 $0xFFFFF086  }
0x25: {  	[simem:s6], [sflag:s4] =	dma.local [hbm:s3], $0xF7A  }
0x26: {  	[smem:$0x3F96] =	sst s1;
	(tag) =	ssettag s2;
	_ =	strace s9  }
0x27: {  	s1 =	sld [smem:$0x3FA6]  }
0x28: {  	s2 =	sld [smem:$0x3FA7]  }
0x29: {  	s4 =	sld [smem:$0x3FA9]  }
0x2a: {  	p0 =	seq.s32 s5, $0x0;
	s5 =	sld [smem:$0x3FAA]  }
0x2b: {  	s6 =	sld [smem:$0x3FAB]  }
0x2c: {  	s7 =	sld [smem:$0x3FAC]  }
0x2d: {  	s3 =	simm.s32 $0x108;
	s8 =	sld [smem:$0x3FAD]  }
0x2e: {  	s3 =	simm.s32 @!p0 $0x1082;
	s9 =	sld [smem:$0x3FAE]  }
0x2f: {  	lr =	sadd.s32 s0, s3;
	s0 =	sld [smem:$0x3FA5]  }
0x30: {  	s3 =	sld [smem:$0x3FA8]  }
0x31: {  	[smem:$0x3FB1] =	sst s10  }
0x32: {  	s10 =	sld [smem:$0x3FAF];
	_ =	sdelay $0x3  }
0x33: {  	p0 =	seq.s32 s10, $0x1;
	s10 =	sld [smem:$0x3FB1];
	_ =	sdelay $0x3  }
0x34: {  	[smem:$0x3FB1] =	sst s10  }
0x35: {  	s10 =	sld [smem:$0x3FB0];
	_ =	sdelay $0x3  }
0x36: {  	p1 =	seq.s32 s10, $0x1;
	s10 =	sld [smem:$0x3FB1];
	_ =	sdelay $0x3  }
0x37: {  	[smem:$0x3FB1] =	sst s10  }
0x38: {  	s10 =	sld [smem:$0x3FB2]  }
0x39: {  	_ = 	snop;
	(pc) =	sbr.ind lr, $3  }
0x3a: {  	_ = 	snop  }
0x3b: {  	_ = 	snop  }
0x3c: {  	p2 =	seq.s32 s10, $0x1;
	s10 =	sld [smem:$0x3FB1]  }
0x3d: {  	_ =	shalt  }
0x3e: {  	_ =	shalt  }
0x3f: {  	_ =	shalt  }
0x40: {  	_ =	shalt  }
0x41: {  	_ =	shalt  }
0x42: {  	_ =	shalt  }
0x43: {  	_ =	shalt  }
0x44: {  	_ =	shalt  }
0x45: {  	_ =	shalt  }
0x46: {  	_ =	shalt  }
0x47: {  	_ =	shalt  }
0x48: {  	_ =	shalt  }
0x49: {  	_ =	shalt  }
0x4a: {  	_ =	shalt  }
0x4b: {  	_ =	shalt  }
0x4c: {  	_ =	shalt  }
0x4d: {  	_ =	shalt  }
0x4e: {  	_ =	shalt  }
0x4f: {  	_ =	shalt  }
0x50: {  	_ =	shalt  }
0x51: {  	_ =	shalt  }
0x52: {  	_ =	shalt  }
0x53: {  	_ =	shalt  }
0x54: {  	_ =	shalt  }
0x55: {  	_ =	shalt  }
0x56: {  	_ =	shalt  }
0x57: {  	_ =	shalt  }
0x58: {  	_ =	shalt  }
0x59: {  	_ =	shalt  }
0x5a: {  	_ =	shalt  }
0x5b: {  	_ =	shalt  }
0x5c: {  	_ =	shalt  }
0x5d: {  	_ =	shalt  }
0x5e: {  	_ =	shalt  }
0x5f: {  	_ =	shalt  }
0x60: {  	_ =	shalt  }
0x61: {  	_ =	shalt  }
0x62: {  	_ =	shalt  }
0x63: {  	_ =	shalt  }
0x64: {  	_ =	shalt  }
0x65: {  	_ =	shalt  }
0x66: {  	_ =	shalt  }
0x67: {  	_ =	shalt  }
0x68: {  	_ =	shalt  }
0x69: {  	_ =	shalt  }
0x6a: {  	_ =	shalt  }
0x6b: {  	_ =	shalt  }
0x6c: {  	_ =	shalt  }
0x6d: {  	_ =	shalt  }
0x6e: {  	_ =	shalt  }
0x6f: {  	_ =	shalt  }
0x70: {  	_ =	shalt  }
0x71: {  	_ =	shalt  }
0x72: {  	_ =	shalt  }
0x73: {  	_ =	shalt  }
0x74: {  	_ =	shalt  }
0x75: {  	_ =	shalt  }
0x76: {  	_ =	shalt  }
0x77: {  	_ =	shalt  }
0x78: {  	_ =	shalt  }
0x79: {  	_ =	shalt  }
0x7a: {  	_ =	shalt  }
0x7b: {  	_ =	shalt  }
0x7c: {  	_ =	shalt  }
0x7d: {  	_ =	shalt  }
0x7e: {  	_ =	shalt  }
0x7f: {  	_ =	shalt  }
0x80: {  	_ =	shalt  }
0x81: {  	_ =	shalt  }
0x82: {  	_ =	shalt  }
0x83: {  	_ =	shalt  }
0x84: {  	_ =	shalt  }
0x85: {  	_ =	shalt  }
0x86: {  	_ =	shalt  }
0x87: {  	_ =	shalt  }
.Lfunc_end0:
.L_simem_size_0:
called_computation.1_lowered:
.L_overlay_start_0:
0x88: {  	s2 =	sld [smem:$0x3FD9]  }
0x89: {  	s3 =	sld [smem:$0x3FFE];
	_ =	sdelay $0x1  }
0x8a: {  	s1 =	srdreg.scid  }
0x8b: {  	s0 =	sand.u32 $0x1, s1  }
0x8c: {  	s17 =	sshll.u32 s0, $0xA;
	s2 =	sadd.s32 s3, s2  }
0x8d: {  	s2 =	sadd.s32 s2, s17  }
0x8e: {  	[smem:$0x3FBD] =	sst s2  }
0x8f: {  	_ = 	snop  }
0x90: {  	s2 =	sld [smem:$0x3FD0];
	(tm) =	ssettm $0x1  }
0x91: {  	s18 =	sld [smem:$0x3FFB];
	_ =	sdelay $0x3  }
0x92: {  	_ =	strace s18  }
0x93: {  	s3 =	sld [smem:$0x3FFC];
	_ =	sdelay $0x3  }
0x94: {  	_ =	strace s3  }
0x95: {  	s3 =	sld [smem:$0x3FFD];
	_ =	sdelay $0x3  }
0x96: {  	_ =	strace s3  }
0x97: {  	_ =	strace $0x8FFFFFFF  }
0x98: {  	s19 =	sld [smem:$0x3FDB];
	_ =	sdelay $0x1  }
0x99: {  	s4 =	simm.s32 $_scs_section_size  }
0x9a: {  	s5 =	simm.s32 $_size__tile_overlayer_lowered;
	s6 =	simm.s32 $_tile_overlayer_lowered  }
0x9b: {  	s22 =	simm.s32 $0x1BFF;
	s21 =	sshll.u32 s6, $0x1;
	s3 =	sadd.s32 s4, s19  }
0x9c: {  	s7 =	simm.s32 $0x0;
	s20 =	sshll.u32 s5, $0x1;
	s5 =	sadd.s32 s21, s3  }
0x9d: {  	[timem:s7], [sflag:s22] =	dma.local [hbm:s5], s20  }
0x9e: {  	_ =	swait.ge [sflag:s22], s20  }
0x9f: {  	s4 =	ssub.s32 $0x0, s20;
	[sflag:s22] =	ssyncset.done $0x0  }
0xa0: {  	[sflag:s22] =	ssyncadd.s32 s4;
	_ =	sdelay $0x1  }
0xa1: {  	s23 =	simm.s32 $0x1B8B  }
0xa2: {  	_ =	swait.ge [sflag:s23], $0x1  }
0xa3: {  	[sflag:s23] =	ssyncset.done $0x0  }
0xa4: {  	s25 =	simm.s32 $0x1B8E;
	s24 =	sld [smem:$0x3FFE];
	[sflag:s23] =	ssyncadd.s32 $0xFFFFFFFF  }
0xa5: {  	s26 =	simm.s32 $execute0_lowered;
	[smem:$0x3FD2] =	sst s25  }
0xa6: {  	s5 =	sshll.u32 s26, $0x1;
	_ =	strace $0x80000049;
	[dreg:$0x1] =	wrdreg $0xFFFFFFFF  }
0xa7: {  	s28 =	simm.s32 $_size_execute0_lowered;
	s3 =	sadd.s32 s3, s5;
	[dreg:$0x0] =	wrdreg $0x0  }
0xa8: {  	s5 =	sshll.u32 s28, $0x1;
	[dreg:$0x2] =	wrdreg s3  }
0xa9: {  	[dreg:$0x3] =	wrdreg s5  }
0xaa: {  	[dreg:$0x4] =	wrdreg $0xC0  }
0xab: {  	_ =	task [dreg:s7], $0x5FFFF  }
0xac: {  	[dreg:$0x1] =	wrdreg $0xFFFFFFFF  }
0xad: {  	[dreg:$0x0] =	wrdreg $0x60  }
0xae: {  	[dreg:$0x2] =	wrdreg s24  }
0xaf: {  	[dreg:$0x3] =	wrdreg s2  }
0xb0: {  	[dreg:$0x4] =	wrdreg $0x86000  }
0xb1: {  	[dreg:$0x5] =	wrdreg $0x9  }
0xb2: {  	_ =	task.clear_ibuf [dreg:s7], $0x6FFFF;
	_ =	strace $0x90000049  }
0xb3: {  	s29 =	simm.s32 $0x9;
	_ =	strace $0x8000004B  }
0xb4: {  	_ =	swait.ge [sflag:s29], $0x1  }
0xb5: {  	[sflag:s29] =	ssyncadd.s32 $0xFFFFFFFF  }
0xb6: {  	_ =	strace $0x9000004B  }
0xb7: {  	_ =	sfence  }
0xb8: {  	s30 =	sld [smem:$0x0];
	_ =	sdelay $0x2  }
0xb9: {  	s31 =	sshll.u32 s1, $0xD;
	s1 =	sshrl.u32 s1, $0x2  }
0xba: {  	s3 =	sand.u32 $0x4000, s31;
	s1 =	sadd.s32 s1, s30  }
0xbb: {  	s0 =	sor.u32 s3, s0;
	s1 =	sshll.u32 s1, $0x11  }
0xbc: {  	s0 =	sor.u32 s1, s0  }
0xbd: {  	s0 =	sadd.s32 $0x8F2B, s0  }
0xbe: {  	[sflag:s0] =	ssyncadd.remote.s32 $0x1  }
0xbf: {  	_ =	sfence.sel $0xFFFF  }
0xc0: {  	[dreg:$0x0] =	wrdreg $0xFFFFFFFF;
	(pc) =	sbr.abs _section_cstart, $3  }
0xc1: {  	[dreg:$0x1] =	wrdreg $0xFFFFFFFF  }
0xc2: {  	_ =	task.clear_ibuf [dreg:s7], $0x2FFFF;
	_ =	strace $0x9FFFFFFF  }
0xc3: {  	(tm) =	ssettm $0x7FFFFFFF  }
tec
execute0_lowered:
.L_overlay_start_1:
0x0: {  	(tag) =	ssettag $0x1  }
0x1: {  	s0 =	rddreg [dreg:$0x0]  }
0x2: {  	s2 =	rddreg [dreg:$0x1]  }
0x3: {  	s3 =	rddreg [dreg:$0x2];
	s12 =	stileid.u32  }
0x4: {  	s4 =	simm.s32 $0x0;
	s5 =	srdreg.scid;
	s29 =	simm.s32 $0x80  }
0x5: {  	s30 =	simm.s32 $0x280;
	s31 =	simm.s32 $0x480;
	s28 =	simm.s32 $0x180  }
0x6: {  	s1 =	smul.u32 $0x14000, s12;
	[smem:$0x7FF] =	sst s4;
	s7 =	sand.u32 $0x1, s5  }
0x7: {  	s5 =	sadd.s32 $0x36200, s0;
	s6 =	sadd.s32 $0x3800, s0;
	s24 =	smul.u32 $0x50000, s12  }
0x8: {  	s10 =	sshll.u32 s12, $0x1;
	_ =	strace $0x8000004A;
	s8 =	smul.u32 $0x140000, s7  }
0x9: {  	s11 =	ssub.s32 $0x2, s7;
	s7 =	sor.u32 s7, s10;
	s23 =	sshrl.u32 s1, $0x3  }
0xa: {  	s25 =	sshrl.u32 s11, $0x1;
	s7 =	smul.u32 $0x2800, s7;
	s9 =	sadd.s32 s23, s0  }
0xb: {  	s1 =	sadd.s32 s1, s8;
	s8 =	sshrl.u32 s24, $0x2;
	s26 =	ssub.s32 s11, s25  }
0xc: {  	s11 =	sshll.u32 s12, $0x6;
	s1 =	sshrl.u32 s1, $0x3;
	s8 =	sadd.s32 s8, s3  }
0xd: {  	s10 =	sadd.s32 $0x40200, s9;
	s12 =	sshrl.u32 s7, $0x3;
	[dreg:$0x4] =	wrdreg s8  }
0xe: {  	s21 =	sor.u32 $0x1C07, s11;
	s26 =	smax.u32 s26, $0x1;
	[dreg:$0x5] =	wrdreg s10  }
0xf: {  	s11 =	simm.s32 $0x600;
	s0 =	sadd.s32 s1, s0;
	[dreg:$0x14] =	wrdreg s26  }
0x10: {  	s13 =	sadd.s32 s5, s12;
	s14 =	sor.u32 $0x10, s12;
	[dreg:$0x6] =	wrdreg s21  }
0x11: {  	s15 =	sadd.s32 s2, s12;
	s16 =	sadd.s32 s6, s12;
	[dreg:$0x7] =	wrdreg s13  }
0x12: {  	s19 =	sor.u32 $0x20, s12;
	s9 =	sor.u32 $0x30, s12;
	[dreg:$0x8] =	wrdreg s15  }
0x13: {  	s1 =	simm.s32 $0x300;
	[dreg:$0x9] =	wrdreg s16;
	s17 =	sadd.s32 s5, s14  }
0x14: {  	s26 =	simm.s32 $0x500;
	s18 =	sadd.s32 s2, s14;
	[dreg:$0xa] =	wrdreg s17  }
0x15: {  	s12 =	simm.s32 $0x4;
	s8 =	sadd.s32 s6, s14;
	[dreg:$0xb] =	wrdreg s18  }
0x16: {  	s20 =	sadd.s32 s5, s19;
	s22 =	sadd.s32 s2, s19;
	[dreg:$0xc] =	wrdreg s8  }
0x17: {  	s23 =	sadd.s32 s5, s9;
	s24 =	sadd.s32 s2, s9;
	[dreg:$0xd] =	wrdreg s20  }
0x18: {  	s25 =	sadd.s32 s6, s9;
	s0 =	sadd.s32 $0x68200, s0;
	[dreg:$0xe] =	wrdreg s22  }
0x19: {  	s9 =	simm.s32 $0x3;
	s13 =	simm.s32 $0x4600;
	[dreg:$0x10] =	wrdreg s23  }
.Ltmp0:
0x1a: {  	s14 =	simm.s32 $0x1;
	[dreg:$0x11] =	wrdreg s24;
	(pc) =	sbr.rel .LBB2_1-.Ltmp0, $4  }
0x1b: {  	s15 =	simm.s32 $0x5;
	s16 =	simm.s32 $0x2;
	[dreg:$0x12] =	wrdreg s25  }
0x1c: {  	s8 =	sadd.s32 s6, s19;
	[dreg:$0x13] =	wrdreg s0;
	s25 =	simm.s32 $0x7  }
0x1d: {  	s0 =	simm.s32 $0x100;
	s17 =	simm.s32 $0x6;
	s18 =	simm.s32 $0x380  }
0x1e: {  	s19 =	simm.s32 $0x0;
	[dreg:$0xf] =	wrdreg s8;
	s8 =	simm.s32 $0x580  }
.LBB2_4:
0x1f: {  	_ =	swait.ge [sflag:s14], $0x4000  }
0x20: {  	[sflag:s14] =	ssyncset.done $0x0  }
0x21: {  	[sflag:s14] =	ssyncadd.s32 $0xFFFFC000  }
0x22: {  	_ =	swait.ge [sflag:s16], $0x4000  }
0x23: {  	[sflag:s16] =	ssyncset.done $0x0  }
0x24: {  	[sflag:s16] =	ssyncadd.s32 $0xFFFFC000  }
0x25: {  	[bflag:$0x0] =	sbarrier.arrive $0xFFFF  }
0x26: {  	s21 =	rddreg [dreg:$0x6]  }
0x27: {  	s10 =	rddreg [dreg:$0x13]  }
0x28: {  	[hbm:s10], [sflag:s21] =	dma.local [spmem:s20], $0x2800  }
0x29: {  	_ =	swait.ge [sflag:s25], $0x2800  }
0x2a: {  	s19 =	sadd.s32 $0x1, s19;
	s24 =	rddreg [dreg:$0x14]  }
0x2b: {  	p0 =	sne.s32 s19, s24  }
.Ltmp1:
0x2c: {  	_ = 	snop;
	(pc) =	sbr.rel @!p0 .LBB2_5-.Ltmp1, $3  }
0x2d: {  	_ =	sdelay $0x1  }
0x2e: {  	[sflag:s25] =	ssyncset.done $0x0  }
0x2f: {  	[sflag:s25] =	ssyncadd.s32 $0xFFFFD800  }
.LBB2_1:
0x30: {  	s10 =	rddreg [dreg:$0x4]  }
0x31: {  	s24 =	rddreg [dreg:$0x5];
	s20 =	sshrl.u32 s10, $0x3  }
0x32: {  	[spmem:s20], [sflag:s21] =	dma.local [hbm:s24], $0x2800  }
0x33: {  	_ =	swait.ge [sflag:s25], $0x2800  }
0x34: {  	[sflag:s25] =	ssyncset.done $0x0  }
0x35: {  	[sflag:s25] =	ssyncadd.s32 $0xFFFFD800  }
0x36: {  	[bflag:$0x0] =	sbarrier.arrive $0xFFFF  }
0x37: {  	s22 =	rddreg [dreg:$0x7]  }
0x38: {  	[tilespmem:s4], [sflag:$0x3] =	stream.linear.gather [hbm4b:s22+s4], $0x80, $0x38;
	[tilespmem:$0x1C600] =	vst v63  }
0x39: {  	s24 =	simm.s32 $0x200;
	s23 =	rddreg [dreg:$0x8]  }
0x3a: {  	[tilespmem:s24], [sflag:$0x3] =	stream.linear.gather [hbm4b:s23+s4], $0x80, $0x38;
	[tilespmem:$0x1C600] =	vst v63  }
0x3b: {  	s22 =	rddreg [dreg:$0x9];
	s23 =	simm.s32 $0x400  }
0x3c: {  	[tilespmem:s23], [sflag:$0x3] =	stream.linear.gather [hbm4b:s22+s4], $0x80, $0x38;
	[tilespmem:$0x1C600] =	vst v63  }
0x3d: {  	s24 =	rddreg [dreg:$0xa]  }
0x3e: {  	[tilespmem:s29], [sflag:$0x4] =	stream.linear.gather [hbm4b:s24+s4], $0x80, $0x38;
	[tilespmem:$0x1C600] =	vst v63  }
0x3f: {  	s21 =	rddreg [dreg:$0xb]  }
0x40: {  	[tilespmem:s30], [sflag:$0x4] =	stream.linear.gather [hbm4b:s21+s4], $0x80, $0x38;
	[tilespmem:$0x1C600] =	vst v63  }
0x41: {  	s22 =	rddreg [dreg:$0xc]  }
0x42: {  	[tilespmem:s31], [sflag:$0x4] =	stream.linear.gather [hbm4b:s22+s4], $0x80, $0x38;
	[tilespmem:$0x1C600] =	vst v63  }
0x43: {  	s23 =	rddreg [dreg:$0xd]  }
0x44: {  	[tilespmem:s0], [sflag:$0x5] =	stream.linear.gather [hbm4b:s23+s4], $0x80, $0x38;
	[tilespmem:$0x1C600] =	vst v63  }
0x45: {  	s24 =	rddreg [dreg:$0xe]  }
0x46: {  	[tilespmem:s1], [sflag:$0x5] =	stream.linear.gather [hbm4b:s24+s4], $0x80, $0x38;
	[tilespmem:$0x1C600] =	vst v63  }
0x47: {  	s21 =	rddreg [dreg:$0xf]  }
0x48: {  	[tilespmem:s26], [sflag:$0x5] =	stream.linear.gather [hbm4b:s21+s4], $0x80, $0x38;
	[tilespmem:$0x1C600] =	vst v63  }
0x49: {  	s22 =	rddreg [dreg:$0x10]  }
0x4a: {  	[tilespmem:s28], [sflag:$0x6] =	stream.linear.gather [hbm4b:s22+s4], $0x80, $0x38;
	[tilespmem:$0x1C600] =	vst v63  }
0x4b: {  	s23 =	rddreg [dreg:$0x11]  }
0x4c: {  	[tilespmem:s18], [sflag:$0x6] =	stream.linear.gather [hbm4b:s23+s4], $0x80, $0x38;
	[tilespmem:$0x1C600] =	vst v63  }
0x4d: {  	s24 =	rddreg [dreg:$0x12]  }
0x4e: {  	[tilespmem:s8], [sflag:$0x6] =	stream.linear.gather [hbm4b:s24+s4], $0x80, $0x38;
	[tilespmem:$0x1C600] =	vst v63  }
0x4f: {  	_ =	swait.ge [sflag:s9], $0x80  }
0x50: {  	[sflag:s9] =	ssyncset.done $0x0  }
0x51: {  	[sflag:s9] =	ssyncadd.s32 $0xFFFFFF80  }
0x52: {  	_ =	swait.ge [sflag:s9], $0x80  }
0x53: {  	[sflag:s9] =	ssyncset.done $0x0  }
0x54: {  	[sflag:s9] =	ssyncadd.s32 $0xFFFFFF80  }
0x55: {  	_ =	swait.ge [sflag:s9], $0x80  }
0x56: {  	[sflag:s9] =	ssyncset.done $0x0  }
0x57: {  	[sflag:s9] =	ssyncadd.s32 $0xFFFFFF80  }
0x58: {  	[tilespmem:s11], [sflag:$0x1] =	stream.indirect.gather [spmem:s3], $0x80, s4, s29, $0xb8;
	[tilespmem:$0x1C600] =	vst v63  }
0x59: {  	_ =	swait.ge [sflag:s12], $0x80  }
0x5a: {  	[sflag:s12] =	ssyncset.done $0x0  }
0x5b: {  	[sflag:s12] =	ssyncadd.s32 $0xFFFFFF80  }
0x5c: {  	_ =	swait.ge [sflag:s12], $0x80  }
0x5d: {  	[sflag:s12] =	ssyncset.done $0x0  }
0x5e: {  	[sflag:s12] =	ssyncadd.s32 $0xFFFFFF80  }
0x5f: {  	_ =	swait.ge [sflag:s12], $0x80  }
0x60: {  	[sflag:s12] =	ssyncset.done $0x0  }
0x61: {  	s21 =	simm.s32 $0x380;
	[sflag:s12] =	ssyncadd.s32 $0xFFFFFF80  }
0x62: {  	[tilespmem:s13], [sflag:$0x2] =	stream.indirect.gather [spmem:s3], $0x80, s29, s29, $0xb8;
	[tilespmem:$0x1C600] =	vst v63  }
.LBB2_2:
0x63: {  	_ =	swait.ge [sflag:s14], $0x4000  }
0x64: {  	[sflag:s14] =	ssyncset.done $0x0  }
0x65: {  	[sflag:s14] =	ssyncadd.s32 $0xFFFFC000  }
0x66: {  	_ =	swait.ge [sflag:s15], $0x80  }
0x67: {  	[sflag:s15] =	ssyncset.done $0x0  }
0x68: {  	[sflag:s15] =	ssyncadd.s32 $0xFFFFFF80  }
0x69: {  	p0 =	seq.s32 s21, $0x2980;
	_ =	swait.ge [sflag:s15], $0x80  }
0x6a: {  	s22 =	sadd.s32 @!p0 $0xFFFFFE80, s21;
	[sflag:s15] =	ssyncset.done $0x0  }
0x6b: {  	s23 =	sand.u32 @!p0 $0x7C00, s22;
	[sflag:s15] =	ssyncadd.s32 $0xFFFFFF80  }
0x6c: {  	s22 =	sand.u32 @!p0 $0x200, s22;
	s23 =	sadd.s32 @!p0 s7, s23;
	_ =	swait.ge [sflag:s15], $0x80  }
0x6d: {  	s22 =	sor.u32 @!p0 s22, s23;
	[sflag:s15] =	ssyncset.done $0x0  }
0x6e: {  	s22 =	sshrl.u32 @!p0 s22, $0x3;
	[sflag:s15] =	ssyncadd.s32 $0xFFFFFF80  }
0x6f: {  	[tilespmem:s11], [sflag:$0x1] =	stream.indirect.gather [spmem:s3], $0x80, s0, s29, $0xb8;
	[tilespmem:$0x1C600] =	vst v63  }
0x70: {  	s24 =	simm.s32 @!p0 $0x0;
	s23 =	sadd.s32 @!p0 s5, s22  }
0x71: {  	[tilespmem:s24], [sflag:$0x3] =	stream.linear.gather @!p0 [hbm4b:s23+s24], $0x80, $0x38;
	[tilespmem:$0x1C600] =	vst v63  }
0x72: {  	s10 =	simm.s32 @!p0 $0x200;
	s23 =	sadd.s32 @!p0 s2, s22  }
0x73: {  	[tilespmem:s10], [sflag:$0x3] =	stream.linear.gather @!p0 [hbm4b:s23+s24], $0x80, $0x38;
	[tilespmem:$0x1C600] =	vst v63  }
0x74: {  	s10 =	sadd.s32 @!p0 s6, s22;
	s22 =	simm.s32 @!p0 $0x400  }
0x75: {  	[tilespmem:s22], [sflag:$0x3] =	stream.linear.gather @!p0 [hbm4b:s10+s24], $0x80, $0x38;
	[tilespmem:$0x1C600] =	vst v63  }
0x76: {  	_ =	swait.ge [sflag:s16], $0x4000  }
0x77: {  	[sflag:s16] =	ssyncset.done $0x0  }
0x78: {  	[sflag:s16] =	ssyncadd.s32 $0xFFFFC000  }
0x79: {  	_ =	swait.ge [sflag:s17], $0x80  }
0x7a: {  	[sflag:s17] =	ssyncset.done $0x0  }
0x7b: {  	[sflag:s17] =	ssyncadd.s32 $0xFFFFFF80  }
0x7c: {  	_ =	swait.ge [sflag:s17], $0x80  }
0x7d: {  	[sflag:s17] =	ssyncset.done $0x0  }
.Ltmp2:
0x7e: {  	[sflag:s17] =	ssyncadd.s32 $0xFFFFFF80;
	(pc) =	sbr.rel @p0 .LBB2_4-.Ltmp2, $4  }
0x7f: {  	_ =	swait.ge [sflag:s17], $0x80  }
0x80: {  	[sflag:s17] =	ssyncset.done $0x0  }
0x81: {  	[sflag:s17] =	ssyncadd.s32 $0xFFFFFF80  }
0x82: {  	[tilespmem:s13], [sflag:$0x2] =	stream.indirect.gather [spmem:s3], $0x80, s28, s29, $0xb8;
	[tilespmem:$0x1C600] =	vst v63  }
0x83: {  	s10 =	sadd.s32 $0xFFFFFF00, s21  }
0x84: {  	s22 =	sand.u32 $0x7C00, s10  }
0x85: {  	s10 =	sand.u32 $0x280, s10;
	s22 =	sadd.s32 s7, s22  }
0x86: {  	s10 =	sor.u32 s10, s22  }
0x87: {  	s10 =	sshrl.u32 s10, $0x3  }
0x88: {  	s23 =	sadd.s32 s5, s10  }
0x89: {  	[tilespmem:s29], [sflag:$0x4] =	stream.linear.gather [hbm4b:s23+s4], $0x80, $0x38;
	[tilespmem:$0x1C600] =	vst v63  }
0x8a: {  	s24 =	sadd.s32 s2, s10  }
0x8b: {  	[tilespmem:s30], [sflag:$0x4] =	stream.linear.gather [hbm4b:s24+s4], $0x80, $0x38;
	[tilespmem:$0x1C600] =	vst v63  }
0x8c: {  	s10 =	sadd.s32 s6, s10  }
0x8d: {  	[tilespmem:s31], [sflag:$0x4] =	stream.linear.gather [hbm4b:s10+s4], $0x80, $0x38;
	[tilespmem:$0x1C600] =	vst v63  }
0x8e: {  	_ =	swait.ge [sflag:s14], $0x4000  }
0x8f: {  	[sflag:s14] =	ssyncset.done $0x0  }
0x90: {  	[sflag:s14] =	ssyncadd.s32 $0xFFFFC000  }
0x91: {  	_ =	swait.ge [sflag:s9], $0x80  }
0x92: {  	[sflag:s9] =	ssyncset.done $0x0  }
0x93: {  	[sflag:s9] =	ssyncadd.s32 $0xFFFFFF80  }
0x94: {  	_ =	swait.ge [sflag:s9], $0x80  }
0x95: {  	s23 =	sadd.s32 $0xFFFFFF80, s21;
	[sflag:s9] =	ssyncset.done $0x0  }
0x96: {  	s24 =	sand.u32 $0x7C00, s23;
	[sflag:s9] =	ssyncadd.s32 $0xFFFFFF80  }
0x97: {  	s22 =	sadd.s32 s7, s24;
	s10 =	sand.u32 $0x300, s23;
	_ =	swait.ge [sflag:s9], $0x80  }
0x98: {  	s10 =	sor.u32 s10, s22;
	[sflag:s9] =	ssyncset.done $0x0  }
0x99: {  	s10 =	sshrl.u32 s10, $0x3;
	[sflag:s9] =	ssyncadd.s32 $0xFFFFFF80  }
0x9a: {  	[tilespmem:s11], [sflag:$0x1] =	stream.indirect.gather [spmem:s3], $0x80, s4, s29, $0xb8;
	[tilespmem:$0x1C600] =	vst v63  }
0x9b: {  	s23 =	sadd.s32 s5, s10  }
0x9c: {  	[tilespmem:s0], [sflag:$0x5] =	stream.linear.gather [hbm4b:s23+s4], $0x80, $0x38;
	[tilespmem:$0x1C600] =	vst v63  }
0x9d: {  	s24 =	sadd.s32 s2, s10  }
0x9e: {  	[tilespmem:s1], [sflag:$0x5] =	stream.linear.gather [hbm4b:s24+s4], $0x80, $0x38;
	[tilespmem:$0x1C600] =	vst v63  }
0x9f: {  	s10 =	sadd.s32 s6, s10  }
0xa0: {  	[tilespmem:s26], [sflag:$0x5] =	stream.linear.gather [hbm4b:s10+s4], $0x80, $0x38;
	[tilespmem:$0x1C600] =	vst v63  }
0xa1: {  	_ =	swait.ge [sflag:s16], $0x4000  }
0xa2: {  	[sflag:s16] =	ssyncset.done $0x0  }
0xa3: {  	[sflag:s16] =	ssyncadd.s32 $0xFFFFC000  }
0xa4: {  	_ =	swait.ge [sflag:s12], $0x80  }
0xa5: {  	[sflag:s12] =	ssyncset.done $0x0  }
0xa6: {  	[sflag:s12] =	ssyncadd.s32 $0xFFFFFF80  }
0xa7: {  	_ =	swait.ge [sflag:s12], $0x80  }
0xa8: {  	[sflag:s12] =	ssyncset.done $0x0  }
0xa9: {  	s23 =	sand.u32 $0x7C00, s21;
	[sflag:s12] =	ssyncadd.s32 $0xFFFFFF80  }
0xaa: {  	s24 =	sand.u32 $0x380, s21;
	s10 =	sadd.s32 s7, s23;
	_ =	swait.ge [sflag:s12], $0x80  }
0xab: {  	s10 =	sor.u32 s24, s10;
	[sflag:s12] =	ssyncset.done $0x0  }
0xac: {  	s10 =	sshrl.u32 s10, $0x3;
	[sflag:s12] =	ssyncadd.s32 $0xFFFFFF80  }
0xad: {  	[tilespmem:s13], [sflag:$0x2] =	stream.indirect.gather [spmem:s3], $0x80, s29, s29, $0xb8;
	[tilespmem:$0x1C600] =	vst v63  }
0xae: {  	s23 =	sadd.s32 s5, s10  }
0xaf: {  	[tilespmem:s28], [sflag:$0x6] =	stream.linear.gather [hbm4b:s23+s4], $0x80, $0x38;
	[tilespmem:$0x1C600] =	vst v63  }
.Ltmp3:
0xb0: {  	_ = 	snop;
	(pc) =	sbr.rel .LBB2_2-.Ltmp3, $4  }
0xb1: {  	s24 =	sadd.s32 s2, s10  }
0xb2: {  	[tilespmem:s18], [sflag:$0x6] =	stream.linear.gather [hbm4b:s24+s4], $0x80, $0x38;
	[tilespmem:$0x1C600] =	vst v63  }
0xb3: {  	s21 =	sadd.s32 $0x200, s21;
	s10 =	sadd.s32 s6, s10  }
0xb4: {  	[tilespmem:s8], [sflag:$0x6] =	stream.linear.gather [hbm4b:s10+s4], $0x80, $0x38;
	[tilespmem:$0x1C600] =	vst v63  }
.LBB2_5:
0xb5: {  	_ =	sfence.sel $0x180000  }
0xb6: {  	[bflag:$0x0] =	sbarrier.arrive $0xFFFF  }
0xb7: {  	_ =	strace $0x9000004A  }
0xb8: {  	s0 =	stileid.u32;
	[bflag:$0x2] =	sbarrier.arrive $0xFFFF  }
0xb9: {  	p0 =	sne.s32 s0, $0x0;
	s0 =	rddreg [dreg:$0x3]  }
0xba: {  	s0 =	sadd.s32 @!p0 $0x100000, s0  }
0xbb: {  	[sflag:s0] =	ssyncadd.tile.s32 @!p0 $0x1;
	_ =	shalt  }
.Lfunc_end2:
_tile_overlayer_lowered:
.L_overlay_start_2:
0xbc: {  	(tag) =	ssettag $0x2  }
0xbd: {  	s0 =	rddreg [dreg:$0x0];
	s2 =	stileid.u32  }
0xbe: {  	s1 =	rddreg [dreg:$0x1];
	p0 =	sne.s32 s2, $0x0  }
0xbf: {  	s3 =	rddreg [dreg:$0x2];
	[bflag:$0x3] =	sbarrier.arrive $0xFFFF;
	s2 =	simm.s32 @!p0 $0x1C07  }
0xc0: {  	[timem:s3], [sflag:s2] =	dma.local @!p0 [hbm:s0], s1  }
0xc1: {  	s0 =	simm.s32 @!p0 $0x7  }
0xc2: {  	_ =	swait.ge @!p0 [sflag:s0], s1  }
0xc3: {  	s1 =	ssub.s32 @!p0 $0x0, s1;
	[sflag:s0] =	ssyncset.done @!p0 $0x0  }
0xc4: {  	[sflag:s0] =	ssyncadd.s32 @!p0 s1  }
0xc5: {  	[bflag:$0x3] =	sbarrier.arrive $0xFFFF  }
0xc6: {  	_ =	shalt  }

// kernel: kernel.16.cloned.1.call-start
scs
__scs_entry_jumppad:
0x0: {  	(pc) =	sbr.rel $0x88, $3  }
0x1: {  	(tag) =	ssettag $0x0;
	lr =	simm.s32 $0x1  }
0x2: {  	[smem:$0x3F96] =	sst lr;
	_ =	strace $0xD0000000  }
0x3: {  	_ = 	snop  }
0x4: {  	_ = 	snop  }
0x5: {  	_ = 	snop  }
0x6: {  	_ = 	snop  }
0x7: {  	_ = 	snop  }
__scs_overlays_trampoline_lowered:
0x8: {  	[smem:$0x3FA5] =	sst s0  }
0x9: {  	[smem:$0x3FA6] =	sst s1  }
0xa: {  	[smem:$0x3FA7] =	sst s2  }
0xb: {  	[smem:$0x3FA8] =	sst s3  }
0xc: {  	[smem:$0x3FA9] =	sst s4  }
0xd: {  	[smem:$0x3FAA] =	sst s5  }
0xe: {  	[smem:$0x3FAB] =	sst s6  }
0xf: {  	[smem:$0x3FAC] =	sst s7  }
0x10: {  	[smem:$0x3FAD] =	sst s8  }
0x11: {  	[smem:$0x3FAE] =	sst s9;
	s0 =	simm.s32 @!p0 $0x0  }
0x12: {  	s1 =	sld [smem:$0x3F94];
	s0 =	simm.s32 @p0 $0x1  }
0x13: {  	[smem:$0x3FAF] =	sst s0;
	s0 =	simm.s32 @!p1 $0x0  }
0x14: {  	s2 =	sld [smem:$0x3F93];
	s0 =	simm.s32 @p1 $0x1  }
0x15: {  	[smem:$0x3FB0] =	sst s0;
	s0 =	simm.s32 @!p2 $0x0  }
0x16: {  	s3 =	sld [smem:$0x3FDB];
	s0 =	simm.s32 @p2 $0x1  }
0x17: {  	s4 =	simm.s32 $0x1BF5;
	[smem:$0x3FB2] =	sst s0  }
0x18: {  	s0 =	sld [smem:$0x3F95];
	_ =	swait.ge [sflag:s4], $0x0  }
0x19: {  	s7 =	sld [smem:$0x3F96]  }
0x1a: {  	s8 =	sadd.s32 $0xFFFFE003, lr  }
0x1b: {  	s9 =	sadd.s32 $0xFFFFFEF7, lr;
	s5 =	simm.s32 $0xFFFFFFFF;
	p2 =	slt.u32 s8, $0xFFFFF086  }
0x1c: {  	p1 =	slt.u32 s9, $0xF7A;
	s5 =	simm.s32 @!p2 $0x0  }
0x1d: {  	s5 =	simm.s32 @p1 $0x1;
	p0 =	seq.s32 s7, s2  }
0x1e: {  	s7 =	smul.u32 @!p0 $0xF7A, s2;
	p2 =	seq.s32 @!p0 s5, $0x0  }
0x1f: {  	s9 =	smul.u32 $0xF7A, s1;
	s8 =	simm.s32 @!p0 $0x1BF5;
	p2 =	por !p2, p0  }
0x20: {  	[sflag:s8] =	ssyncset.s32 @!p0 $0xFFFFF086;
	s6 =	sadd.s32 @!p0 s3, s7;
	s7 =	simm.s32 @!p0 $0x108  }
0x21: {  	s3 =	sadd.s32 s3, s9;
	s6 =	sadd.s32 @!p0 $0x88, s6;
	s7 =	simm.s32 @p2 $0x1082  }
0x22: {  	[simem:s7], [sflag:s8] =	dma.local @!p0 [hbm:s6], $0xF7A  }
0x23: {  	s9 =	sor.u32 $0xD0000000, s2;
	s6 =	simm.s32 $0x108;
	_ =	swait.ge @!p0 [sflag:s8], $0x0  }
0x24: {  	s3 =	sadd.s32 $0x88, s3;
	s6 =	simm.s32 @!p1 $0x1082;
	[sflag:s4] =	ssyncset.s32 $0xFFFFF086  }
0x25: {  	[simem:s6], [sflag:s4] =	dma.local [hbm:s3], $0xF7A  }
0x26: {  	[smem:$0x3F96] =	sst s1;
	(tag) =	ssettag s2;
	_ =	strace s9  }
0x27: {  	s1 =	sld [smem:$0x3FA6]  }
0x28: {  	s2 =	sld [smem:$0x3FA7]  }
0x29: {  	s4 =	sld [smem:$0x3FA9]  }
0x2a: {  	p0 =	seq.s32 s5, $0x0;
	s5 =	sld [smem:$0x3FAA]  }
0x2b: {  	s6 =	sld [smem:$0x3FAB]  }
0x2c: {  	s7 =	sld [smem:$0x3FAC]  }
0x2d: {  	s3 =	simm.s32 $0x108;
	s8 =	sld [smem:$0x3FAD]  }
0x2e: {  	s3 =	simm.s32 @!p0 $0x1082;
	s9 =	sld [smem:$0x3FAE]  }
0x2f: {  	lr =	sadd.s32 s0, s3;
	s0 =	sld [smem:$0x3FA5]  }
0x30: {  	s3 =	sld [smem:$0x3FA8]  }
0x31: {  	[smem:$0x3FB1] =	sst s10  }
0x32: {  	s10 =	sld [smem:$0x3FAF];
	_ =	sdelay $0x3  }
0x33: {  	p0 =	seq.s32 s10, $0x1;
	s10 =	sld [smem:$0x3FB1];
	_ =	sdelay $0x3  }
0x34: {  	[smem:$0x3FB1] =	sst s10  }
0x35: {  	s10 =	sld [smem:$0x3FB0];
	_ =	sdelay $0x3  }
0x36: {  	p1 =	seq.s32 s10, $0x1;
	s10 =	sld [smem:$0x3FB1];
	_ =	sdelay $0x3  }
0x37: {  	[smem:$0x3FB1] =	sst s10  }
0x38: {  	s10 =	sld [smem:$0x3FB2]  }
0x39: {  	_ = 	snop;
	(pc) =	sbr.ind lr, $3  }
0x3a: {  	_ = 	snop  }
0x3b: {  	_ = 	snop  }
0x3c: {  	p2 =	seq.s32 s10, $0x1;
	s10 =	sld [smem:$0x3FB1]  }
0x3d: {  	_ =	shalt  }
0x3e: {  	_ =	shalt  }
0x3f: {  	_ =	shalt  }
0x40: {  	_ =	shalt  }
0x41: {  	_ =	shalt  }
0x42: {  	_ =	shalt  }
0x43: {  	_ =	shalt  }
0x44: {  	_ =	shalt  }
0x45: {  	_ =	shalt  }
0x46: {  	_ =	shalt  }
0x47: {  	_ =	shalt  }
0x48: {  	_ =	shalt  }
0x49: {  	_ =	shalt  }
0x4a: {  	_ =	shalt  }
0x4b: {  	_ =	shalt  }
0x4c: {  	_ =	shalt  }
0x4d: {  	_ =	shalt  }
0x4e: {  	_ =	shalt  }
0x4f: {  	_ =	shalt  }
0x50: {  	_ =	shalt  }
0x51: {  	_ =	shalt  }
0x52: {  	_ =	shalt  }
0x53: {  	_ =	shalt  }
0x54: {  	_ =	shalt  }
0x55: {  	_ =	shalt  }
0x56: {  	_ =	shalt  }
0x57: {  	_ =	shalt  }
0x58: {  	_ =	shalt  }
0x59: {  	_ =	shalt  }
0x5a: {  	_ =	shalt  }
0x5b: {  	_ =	shalt  }
0x5c: {  	_ =	shalt  }
0x5d: {  	_ =	shalt  }
0x5e: {  	_ =	shalt  }
0x5f: {  	_ =	shalt  }
0x60: {  	_ =	shalt  }
0x61: {  	_ =	shalt  }
0x62: {  	_ =	shalt  }
0x63: {  	_ =	shalt  }
0x64: {  	_ =	shalt  }
0x65: {  	_ =	shalt  }
0x66: {  	_ =	shalt  }
0x67: {  	_ =	shalt  }
0x68: {  	_ =	shalt  }
0x69: {  	_ =	shalt  }
0x6a: {  	_ =	shalt  }
0x6b: {  	_ =	shalt  }
0x6c: {  	_ =	shalt  }
0x6d: {  	_ =	shalt  }
0x6e: {  	_ =	shalt  }
0x6f: {  	_ =	shalt  }
0x70: {  	_ =	shalt  }
0x71: {  	_ =	shalt  }
0x72: {  	_ =	shalt  }
0x73: {  	_ =	shalt  }
0x74: {  	_ =	shalt  }
0x75: {  	_ =	shalt  }
0x76: {  	_ =	shalt  }
0x77: {  	_ =	shalt  }
0x78: {  	_ =	shalt  }
0x79: {  	_ =	shalt  }
0x7a: {  	_ =	shalt  }
0x7b: {  	_ =	shalt  }
0x7c: {  	_ =	shalt  }
0x7d: {  	_ =	shalt  }
0x7e: {  	_ =	shalt  }
0x7f: {  	_ =	shalt  }
0x80: {  	_ =	shalt  }
0x81: {  	_ =	shalt  }
0x82: {  	_ =	shalt  }
0x83: {  	_ =	shalt  }
0x84: {  	_ =	shalt  }
0x85: {  	_ =	shalt  }
0x86: {  	_ =	shalt  }
0x87: {  	_ =	shalt  }
.Lfunc_end0:
.L_simem_size_0:
called_computation.2_lowered:
.L_overlay_start_0:
0x88: {  	s2 =	sld [smem:$0x3FD9]  }
0x89: {  	s3 =	sld [smem:$0x3FFE];
	_ =	sdelay $0x1  }
0x8a: {  	s1 =	srdreg.scid  }
0x8b: {  	s0 =	sand.u32 $0x1, s1  }
0x8c: {  	s17 =	sshll.u32 s0, $0xA;
	s2 =	sadd.s32 s3, s2  }
0x8d: {  	s2 =	sadd.s32 s2, s17  }
0x8e: {  	[smem:$0x3FBD] =	sst s2  }
0x8f: {  	_ = 	snop  }
0x90: {  	s2 =	sld [smem:$0x3FD0];
	(tm) =	ssettm $0x1  }
0x91: {  	s18 =	sld [smem:$0x3FFB];
	_ =	sdelay $0x3  }
0x92: {  	_ =	strace s18  }
0x93: {  	s3 =	sld [smem:$0x3FFC];
	_ =	sdelay $0x3  }
0x94: {  	_ =	strace s3  }
0x95: {  	s3 =	sld [smem:$0x3FFD];
	_ =	sdelay $0x3  }
0x96: {  	_ =	strace s3  }
0x97: {  	_ =	strace $0x8FFFFFFF  }
0x98: {  	s19 =	sld [smem:$0x3FDB];
	_ =	sdelay $0x1  }
0x99: {  	s4 =	simm.s32 $_scs_section_size  }
0x9a: {  	s5 =	simm.s32 $_size__tile_overlayer_lowered;
	s6 =	simm.s32 $_tile_overlayer_lowered  }
0x9b: {  	s22 =	simm.s32 $0x1BFF;
	s21 =	sshll.u32 s6, $0x1;
	s3 =	sadd.s32 s4, s19  }
0x9c: {  	s7 =	simm.s32 $0x0;
	s20 =	sshll.u32 s5, $0x1;
	s5 =	sadd.s32 s21, s3  }
0x9d: {  	[timem:s7], [sflag:s22] =	dma.local [hbm:s5], s20  }
0x9e: {  	_ =	swait.ge [sflag:s22], s20  }
0x9f: {  	s4 =	ssub.s32 $0x0, s20;
	[sflag:s22] =	ssyncset.done $0x0  }
0xa0: {  	[sflag:s22] =	ssyncadd.s32 s4;
	_ =	sdelay $0x1  }
0xa1: {  	s23 =	simm.s32 $0x1B8B  }
0xa2: {  	_ =	swait.ge [sflag:s23], $0x1  }
0xa3: {  	[sflag:s23] =	ssyncset.done $0x0  }
0xa4: {  	s25 =	simm.s32 $0x1B8E;
	s24 =	sld [smem:$0x3FFE];
	[sflag:s23] =	ssyncadd.s32 $0xFFFFFFFF  }
0xa5: {  	s26 =	simm.s32 $execute0_lowered;
	[smem:$0x3FD2] =	sst s25  }
0xa6: {  	s5 =	sshll.u32 s26, $0x1;
	_ =	strace $0x8000004C;
	[dreg:$0x1] =	wrdreg $0xFFFFFFFF  }
0xa7: {  	s28 =	simm.s32 $_size_execute0_lowered;
	s3 =	sadd.s32 s3, s5;
	[dreg:$0x0] =	wrdreg $0x0  }
0xa8: {  	s5 =	sshll.u32 s28, $0x1;
	[dreg:$0x2] =	wrdreg s3  }
0xa9: {  	[dreg:$0x3] =	wrdreg s5  }
0xaa: {  	[dreg:$0x4] =	wrdreg $0xC0  }
0xab: {  	_ =	task [dreg:s7], $0x5FFFF  }
0xac: {  	[dreg:$0x1] =	wrdreg $0xFFFFFFFF  }
0xad: {  	[dreg:$0x0] =	wrdreg $0x60  }
0xae: {  	[dreg:$0x2] =	wrdreg s24  }
0xaf: {  	[dreg:$0x3] =	wrdreg s2  }
0xb0: {  	[dreg:$0x4] =	wrdreg $0x86000  }
0xb1: {  	[dreg:$0x5] =	wrdreg $0x9  }
0xb2: {  	_ =	task.clear_ibuf [dreg:s7], $0x6FFFF;
	_ =	strace $0x9000004C  }
0xb3: {  	s29 =	simm.s32 $0x9;
	_ =	strace $0x8000004E  }
0xb4: {  	_ =	swait.ge [sflag:s29], $0x1  }
0xb5: {  	[sflag:s29] =	ssyncadd.s32 $0xFFFFFFFF  }
0xb6: {  	_ =	strace $0x9000004E  }
0xb7: {  	_ =	sfence  }
0xb8: {  	s30 =	sld [smem:$0x0];
	_ =	sdelay $0x2  }
0xb9: {  	s31 =	sshll.u32 s1, $0xD;
	s1 =	sshrl.u32 s1, $0x2  }
0xba: {  	s3 =	sand.u32 $0x4000, s31;
	s1 =	sadd.s32 s1, s30  }
0xbb: {  	s0 =	sor.u32 s3, s0;
	s1 =	sshll.u32 s1, $0x11  }
0xbc: {  	s0 =	sor.u32 s1, s0  }
0xbd: {  	s0 =	sadd.s32 $0x8F2B, s0  }
0xbe: {  	[sflag:s0] =	ssyncadd.remote.s32 $0x1  }
0xbf: {  	_ =	sfence.sel $0xFFFF  }
0xc0: {  	[dreg:$0x0] =	wrdreg $0xFFFFFFFF;
	(pc) =	sbr.abs _section_cstart, $3  }
0xc1: {  	[dreg:$0x1] =	wrdreg $0xFFFFFFFF  }
0xc2: {  	_ =	task.clear_ibuf [dreg:s7], $0x2FFFF;
	_ =	strace $0x9FFFFFFF  }
0xc3: {  	(tm) =	ssettm $0x7FFFFFFF  }
tec
execute0_lowered:
.L_overlay_start_1:
0x0: {  	(tag) =	ssettag $0x1  }
0x1: {  	s0 =	rddreg [dreg:$0x0]  }
0x2: {  	s2 =	rddreg [dreg:$0x1]  }
0x3: {  	s3 =	rddreg [dreg:$0x2];
	s12 =	stileid.u32  }
0x4: {  	s4 =	simm.s32 $0x0;
	s5 =	srdreg.scid;
	s29 =	simm.s32 $0x80  }
0x5: {  	s30 =	simm.s32 $0x280;
	s31 =	simm.s32 $0x480;
	s28 =	simm.s32 $0x180  }
0x6: {  	s1 =	smul.u32 $0x14000, s12;
	[smem:$0x7FF] =	sst s4;
	s7 =	sand.u32 $0x1, s5  }
0x7: {  	s5 =	sadd.s32 $0x36200, s0;
	s6 =	sadd.s32 $0x3800, s0;
	s24 =	smul.u32 $0x50000, s12  }
0x8: {  	s10 =	sshll.u32 s12, $0x1;
	_ =	strace $0x8000004D;
	s8 =	smul.u32 $0x140000, s7  }
0x9: {  	s11 =	ssub.s32 $0x2, s7;
	s7 =	sor.u32 s7, s10;
	s23 =	sshrl.u32 s1, $0x3  }
0xa: {  	s25 =	sshrl.u32 s11, $0x1;
	s7 =	smul.u32 $0x2800, s7;
	s9 =	sadd.s32 s23, s0  }
0xb: {  	s1 =	sadd.s32 s1, s8;
	s8 =	sshrl.u32 s24, $0x2;
	s26 =	ssub.s32 s11, s25  }
0xc: {  	s11 =	sshll.u32 s12, $0x6;
	s1 =	sshrl.u32 s1, $0x3;
	s8 =	sadd.s32 s8, s3  }
0xd: {  	s10 =	sadd.s32 $0xD800, s9;
	s12 =	sshrl.u32 s7, $0x3;
	[dreg:$0x4] =	wrdreg s8  }
0xe: {  	s21 =	sor.u32 $0x1C07, s11;
	s26 =	smax.u32 s26, $0x1;
	[dreg:$0x5] =	wrdreg s10  }
0xf: {  	s11 =	simm.s32 $0x600;
	s0 =	sadd.s32 s1, s0;
	[dreg:$0x14] =	wrdreg s26  }
0x10: {  	s13 =	sadd.s32 s5, s12;
	s14 =	sor.u32 $0x10, s12;
	[dreg:$0x6] =	wrdreg s21  }
0x11: {  	s15 =	sadd.s32 s2, s12;
	s16 =	sadd.s32 s6, s12;
	[dreg:$0x7] =	wrdreg s13  }
0x12: {  	s19 =	sor.u32 $0x20, s12;
	s9 =	sor.u32 $0x30, s12;
	[dreg:$0x8] =	wrdreg s15  }
0x13: {  	s1 =	simm.s32 $0x300;
	[dreg:$0x9] =	wrdreg s16;
	s17 =	sadd.s32 s5, s14  }
0x14: {  	s26 =	simm.s32 $0x500;
	s18 =	sadd.s32 s2, s14;
	[dreg:$0xa] =	wrdreg s17  }
0x15: {  	s12 =	simm.s32 $0x4;
	s8 =	sadd.s32 s6, s14;
	[dreg:$0xb] =	wrdreg s18  }
0x16: {  	s20 =	sadd.s32 s5, s19;
	s22 =	sadd.s32 s2, s19;
	[dreg:$0xc] =	wrdreg s8  }
0x17: {  	s23 =	sadd.s32 s5, s9;
	s24 =	sadd.s32 s2, s9;
	[dreg:$0xd] =	wrdreg s20  }
0x18: {  	s25 =	sadd.s32 s6, s9;
	s0 =	sadd.s32 $0x68200, s0;
	[dreg:$0xe] =	wrdreg s22  }
0x19: {  	s9 =	simm.s32 $0x3;
	s13 =	simm.s32 $0x4600;
	[dreg:$0x10] =	wrdreg s23  }
.Ltmp0:
0x1a: {  	s14 =	simm.s32 $0x1;
	[dreg:$0x11] =	wrdreg s24;
	(pc) =	sbr.rel .LBB2_1-.Ltmp0, $4  }
0x1b: {  	s15 =	simm.s32 $0x5;
	s16 =	simm.s32 $0x2;
	[dreg:$0x12] =	wrdreg s25  }
0x1c: {  	s8 =	sadd.s32 s6, s19;
	[dreg:$0x13] =	wrdreg s0;
	s25 =	simm.s32 $0x7  }
0x1d: {  	s0 =	simm.s32 $0x100;
	s17 =	simm.s32 $0x6;
	s18 =	simm.s32 $0x380  }
0x1e: {  	s19 =	simm.s32 $0x0;
	[dreg:$0xf] =	wrdreg s8;
	s8 =	simm.s32 $0x580  }
.LBB2_4:
0x1f: {  	_ =	swait.ge [sflag:s14], $0x4000  }
0x20: {  	[sflag:s14] =	ssyncset.done $0x0  }
0x21: {  	[sflag:s14] =	ssyncadd.s32 $0xFFFFC000  }
0x22: {  	_ =	swait.ge [sflag:s16], $0x4000  }
0x23: {  	[sflag:s16] =	ssyncset.done $0x0  }
0x24: {  	[sflag:s16] =	ssyncadd.s32 $0xFFFFC000  }
0x25: {  	[bflag:$0x0] =	sbarrier.arrive $0xFFFF  }
0x26: {  	s21 =	rddreg [dreg:$0x6]  }
0x27: {  	s10 =	rddreg [dreg:$0x13]  }
0x28: {  	[hbm:s10], [sflag:s21] =	dma.local [spmem:s20], $0x2800  }
0x29: {  	_ =	swait.ge [sflag:s25], $0x2800  }
0x2a: {  	s19 =	sadd.s32 $0x1, s19;
	s24 =	rddreg [dreg:$0x14]  }
0x2b: {  	p0 =	sne.s32 s19, s24  }
.Ltmp1:
0x2c: {  	_ = 	snop;
	(pc) =	sbr.rel @!p0 .LBB2_5-.Ltmp1, $3  }
0x2d: {  	_ =	sdelay $0x1  }
0x2e: {  	[sflag:s25] =	ssyncset.done $0x0  }
0x2f: {  	[sflag:s25] =	ssyncadd.s32 $0xFFFFD800  }
.LBB2_1:
0x30: {  	s10 =	rddreg [dreg:$0x4]  }
0x31: {  	s24 =	rddreg [dreg:$0x5];
	s20 =	sshrl.u32 s10, $0x3  }
0x32: {  	[spmem:s20], [sflag:s21] =	dma.local [hbm:s24], $0x2800  }
0x33: {  	_ =	swait.ge [sflag:s25], $0x2800  }
0x34: {  	[sflag:s25] =	ssyncset.done $0x0  }
0x35: {  	[sflag:s25] =	ssyncadd.s32 $0xFFFFD800  }
0x36: {  	[bflag:$0x0] =	sbarrier.arrive $0xFFFF  }
0x37: {  	s22 =	rddreg [dreg:$0x7]  }
0x38: {  	[tilespmem:s4], [sflag:$0x3] =	stream.linear.gather [hbm4b:s22+s4], $0x80, $0x38;
	[tilespmem:$0x1C600] =	vst v63  }
0x39: {  	s24 =	simm.s32 $0x200;
	s23 =	rddreg [dreg:$0x8]  }
0x3a: {  	[tilespmem:s24], [sflag:$0x3] =	stream.linear.gather [hbm4b:s23+s4], $0x80, $0x38;
	[tilespmem:$0x1C600] =	vst v63  }
0x3b: {  	s22 =	rddreg [dreg:$0x9];
	s23 =	simm.s32 $0x400  }
0x3c: {  	[tilespmem:s23], [sflag:$0x3] =	stream.linear.gather [hbm4b:s22+s4], $0x80, $0x38;
	[tilespmem:$0x1C600] =	vst v63  }
0x3d: {  	s24 =	rddreg [dreg:$0xa]  }
0x3e: {  	[tilespmem:s29], [sflag:$0x4] =	stream.linear.gather [hbm4b:s24+s4], $0x80, $0x38;
	[tilespmem:$0x1C600] =	vst v63  }
0x3f: {  	s21 =	rddreg [dreg:$0xb]  }
0x40: {  	[tilespmem:s30], [sflag:$0x4] =	stream.linear.gather [hbm4b:s21+s4], $0x80, $0x38;
	[tilespmem:$0x1C600] =	vst v63  }
0x41: {  	s22 =	rddreg [dreg:$0xc]  }
0x42: {  	[tilespmem:s31], [sflag:$0x4] =	stream.linear.gather [hbm4b:s22+s4], $0x80, $0x38;
	[tilespmem:$0x1C600] =	vst v63  }
0x43: {  	s23 =	rddreg [dreg:$0xd]  }
0x44: {  	[tilespmem:s0], [sflag:$0x5] =	stream.linear.gather [hbm4b:s23+s4], $0x80, $0x38;
	[tilespmem:$0x1C600] =	vst v63  }
0x45: {  	s24 =	rddreg [dreg:$0xe]  }
0x46: {  	[tilespmem:s1], [sflag:$0x5] =	stream.linear.gather [hbm4b:s24+s4], $0x80, $0x38;
	[tilespmem:$0x1C600] =	vst v63  }
0x47: {  	s21 =	rddreg [dreg:$0xf]  }
0x48: {  	[tilespmem:s26], [sflag:$0x5] =	stream.linear.gather [hbm4b:s21+s4], $0x80, $0x38;
	[tilespmem:$0x1C600] =	vst v63  }
0x49: {  	s22 =	rddreg [dreg:$0x10]  }
0x4a: {  	[tilespmem:s28], [sflag:$0x6] =	stream.linear.gather [hbm4b:s22+s4], $0x80, $0x38;
	[tilespmem:$0x1C600] =	vst v63  }
0x4b: {  	s23 =	rddreg [dreg:$0x11]  }
0x4c: {  	[tilespmem:s18], [sflag:$0x6] =	stream.linear.gather [hbm4b:s23+s4], $0x80, $0x38;
	[tilespmem:$0x1C600] =	vst v63  }
0x4d: {  	s24 =	rddreg [dreg:$0x12]  }
0x4e: {  	[tilespmem:s8], [sflag:$0x6] =	stream.linear.gather [hbm4b:s24+s4], $0x80, $0x38;
	[tilespmem:$0x1C600] =	vst v63  }
0x4f: {  	_ =	swait.ge [sflag:s9], $0x80  }
0x50: {  	[sflag:s9] =	ssyncset.done $0x0  }
0x51: {  	[sflag:s9] =	ssyncadd.s32 $0xFFFFFF80  }
0x52: {  	_ =	swait.ge [sflag:s9], $0x80  }
0x53: {  	[sflag:s9] =	ssyncset.done $0x0  }
0x54: {  	[sflag:s9] =	ssyncadd.s32 $0xFFFFFF80  }
0x55: {  	_ =	swait.ge [sflag:s9], $0x80  }
0x56: {  	[sflag:s9] =	ssyncset.done $0x0  }
0x57: {  	[sflag:s9] =	ssyncadd.s32 $0xFFFFFF80  }
0x58: {  	[tilespmem:s11], [sflag:$0x1] =	stream.indirect.gather [spmem:s3], $0x80, s4, s29, $0xb8;
	[tilespmem:$0x1C600] =	vst v63  }
0x59: {  	_ =	swait.ge [sflag:s12], $0x80  }
0x5a: {  	[sflag:s12] =	ssyncset.done $0x0  }
0x5b: {  	[sflag:s12] =	ssyncadd.s32 $0xFFFFFF80  }
0x5c: {  	_ =	swait.ge [sflag:s12], $0x80  }
0x5d: {  	[sflag:s12] =	ssyncset.done $0x0  }
0x5e: {  	[sflag:s12] =	ssyncadd.s32 $0xFFFFFF80  }
0x5f: {  	_ =	swait.ge [sflag:s12], $0x80  }
0x60: {  	[sflag:s12] =	ssyncset.done $0x0  }
0x61: {  	s21 =	simm.s32 $0x380;
	[sflag:s12] =	ssyncadd.s32 $0xFFFFFF80  }
0x62: {  	[tilespmem:s13], [sflag:$0x2] =	stream.indirect.gather [spmem:s3], $0x80, s29, s29, $0xb8;
	[tilespmem:$0x1C600] =	vst v63  }
.LBB2_2:
0x63: {  	_ =	swait.ge [sflag:s14], $0x4000  }
0x64: {  	[sflag:s14] =	ssyncset.done $0x0  }
0x65: {  	[sflag:s14] =	ssyncadd.s32 $0xFFFFC000  }
0x66: {  	_ =	swait.ge [sflag:s15], $0x80  }
0x67: {  	[sflag:s15] =	ssyncset.done $0x0  }
0x68: {  	[sflag:s15] =	ssyncadd.s32 $0xFFFFFF80  }
0x69: {  	p0 =	seq.s32 s21, $0x2980;
	_ =	swait.ge [sflag:s15], $0x80  }
0x6a: {  	s22 =	sadd.s32 @!p0 $0xFFFFFE80, s21;
	[sflag:s15] =	ssyncset.done $0x0  }
0x6b: {  	s23 =	sand.u32 @!p0 $0x7C00, s22;
	[sflag:s15] =	ssyncadd.s32 $0xFFFFFF80  }
0x6c: {  	s22 =	sand.u32 @!p0 $0x200, s22;
	s23 =	sadd.s32 @!p0 s7, s23;
	_ =	swait.ge [sflag:s15], $0x80  }
0x6d: {  	s22 =	sor.u32 @!p0 s22, s23;
	[sflag:s15] =	ssyncset.done $0x0  }
0x6e: {  	s22 =	sshrl.u32 @!p0 s22, $0x3;
	[sflag:s15] =	ssyncadd.s32 $0xFFFFFF80  }
0x6f: {  	[tilespmem:s11], [sflag:$0x1] =	stream.indirect.gather [spmem:s3], $0x80, s0, s29, $0xb8;
	[tilespmem:$0x1C600] =	vst v63  }
0x70: {  	s24 =	simm.s32 @!p0 $0x0;
	s23 =	sadd.s32 @!p0 s5, s22  }
0x71: {  	[tilespmem:s24], [sflag:$0x3] =	stream.linear.gather @!p0 [hbm4b:s23+s24], $0x80, $0x38;
	[tilespmem:$0x1C600] =	vst v63  }
0x72: {  	s10 =	simm.s32 @!p0 $0x200;
	s23 =	sadd.s32 @!p0 s2, s22  }
0x73: {  	[tilespmem:s10], [sflag:$0x3] =	stream.linear.gather @!p0 [hbm4b:s23+s24], $0x80, $0x38;
	[tilespmem:$0x1C600] =	vst v63  }
0x74: {  	s10 =	sadd.s32 @!p0 s6, s22;
	s22 =	simm.s32 @!p0 $0x400  }
0x75: {  	[tilespmem:s22], [sflag:$0x3] =	stream.linear.gather @!p0 [hbm4b:s10+s24], $0x80, $0x38;
	[tilespmem:$0x1C600] =	vst v63  }
0x76: {  	_ =	swait.ge [sflag:s16], $0x4000  }
0x77: {  	[sflag:s16] =	ssyncset.done $0x0  }
0x78: {  	[sflag:s16] =	ssyncadd.s32 $0xFFFFC000  }
0x79: {  	_ =	swait.ge [sflag:s17], $0x80  }
0x7a: {  	[sflag:s17] =	ssyncset.done $0x0  }
0x7b: {  	[sflag:s17] =	ssyncadd.s32 $0xFFFFFF80  }
0x7c: {  	_ =	swait.ge [sflag:s17], $0x80  }
0x7d: {  	[sflag:s17] =	ssyncset.done $0x0  }
.Ltmp2:
0x7e: {  	[sflag:s17] =	ssyncadd.s32 $0xFFFFFF80;
	(pc) =	sbr.rel @p0 .LBB2_4-.Ltmp2, $4  }
0x7f: {  	_ =	swait.ge [sflag:s17], $0x80  }
0x80: {  	[sflag:s17] =	ssyncset.done $0x0  }
0x81: {  	[sflag:s17] =	ssyncadd.s32 $0xFFFFFF80  }
0x82: {  	[tilespmem:s13], [sflag:$0x2] =	stream.indirect.gather [spmem:s3], $0x80, s28, s29, $0xb8;
	[tilespmem:$0x1C600] =	vst v63  }
0x83: {  	s10 =	sadd.s32 $0xFFFFFF00, s21  }
0x84: {  	s22 =	sand.u32 $0x7C00, s10  }
0x85: {  	s10 =	sand.u32 $0x280, s10;
	s22 =	sadd.s32 s7, s22  }
0x86: {  	s10 =	sor.u32 s10, s22  }
0x87: {  	s10 =	sshrl.u32 s10, $0x3  }
0x88: {  	s23 =	sadd.s32 s5, s10  }
0x89: {  	[tilespmem:s29], [sflag:$0x4] =	stream.linear.gather [hbm4b:s23+s4], $0x80, $0x38;
	[tilespmem:$0x1C600] =	vst v63  }
0x8a: {  	s24 =	sadd.s32 s2, s10  }
0x8b: {  	[tilespmem:s30], [sflag:$0x4] =	stream.linear.gather [hbm4b:s24+s4], $0x80, $0x38;
	[tilespmem:$0x1C600] =	vst v63  }
0x8c: {  	s10 =	sadd.s32 s6, s10  }
0x8d: {  	[tilespmem:s31], [sflag:$0x4] =	stream.linear.gather [hbm4b:s10+s4], $0x80, $0x38;
	[tilespmem:$0x1C600] =	vst v63  }
0x8e: {  	_ =	swait.ge [sflag:s14], $0x4000  }
0x8f: {  	[sflag:s14] =	ssyncset.done $0x0  }
0x90: {  	[sflag:s14] =	ssyncadd.s32 $0xFFFFC000  }
0x91: {  	_ =	swait.ge [sflag:s9], $0x80  }
0x92: {  	[sflag:s9] =	ssyncset.done $0x0  }
0x93: {  	[sflag:s9] =	ssyncadd.s32 $0xFFFFFF80  }
0x94: {  	_ =	swait.ge [sflag:s9], $0x80  }
0x95: {  	s23 =	sadd.s32 $0xFFFFFF80, s21;
	[sflag:s9] =	ssyncset.done $0x0  }
0x96: {  	s24 =	sand.u32 $0x7C00, s23;
	[sflag:s9] =	ssyncadd.s32 $0xFFFFFF80  }
0x97: {  	s22 =	sadd.s32 s7, s24;
	s10 =	sand.u32 $0x300, s23;
	_ =	swait.ge [sflag:s9], $0x80  }
0x98: {  	s10 =	sor.u32 s10, s22;
	[sflag:s9] =	ssyncset.done $0x0  }
0x99: {  	s10 =	sshrl.u32 s10, $0x3;
	[sflag:s9] =	ssyncadd.s32 $0xFFFFFF80  }
0x9a: {  	[tilespmem:s11], [sflag:$0x1] =	stream.indirect.gather [spmem:s3], $0x80, s4, s29, $0xb8;
	[tilespmem:$0x1C600] =	vst v63  }
0x9b: {  	s23 =	sadd.s32 s5, s10  }
0x9c: {  	[tilespmem:s0], [sflag:$0x5] =	stream.linear.gather [hbm4b:s23+s4], $0x80, $0x38;
	[tilespmem:$0x1C600] =	vst v63  }
0x9d: {  	s24 =	sadd.s32 s2, s10  }
0x9e: {  	[tilespmem:s1], [sflag:$0x5] =	stream.linear.gather [hbm4b:s24+s4], $0x80, $0x38;
	[tilespmem:$0x1C600] =	vst v63  }
0x9f: {  	s10 =	sadd.s32 s6, s10  }
0xa0: {  	[tilespmem:s26], [sflag:$0x5] =	stream.linear.gather [hbm4b:s10+s4], $0x80, $0x38;
	[tilespmem:$0x1C600] =	vst v63  }
0xa1: {  	_ =	swait.ge [sflag:s16], $0x4000  }
0xa2: {  	[sflag:s16] =	ssyncset.done $0x0  }
0xa3: {  	[sflag:s16] =	ssyncadd.s32 $0xFFFFC000  }
0xa4: {  	_ =	swait.ge [sflag:s12], $0x80  }
0xa5: {  	[sflag:s12] =	ssyncset.done $0x0  }
0xa6: {  	[sflag:s12] =	ssyncadd.s32 $0xFFFFFF80  }
0xa7: {  	_ =	swait.ge [sflag:s12], $0x80  }
0xa8: {  	[sflag:s12] =	ssyncset.done $0x0  }
0xa9: {  	s23 =	sand.u32 $0x7C00, s21;
	[sflag:s12] =	ssyncadd.s32 $0xFFFFFF80  }
0xaa: {  	s24 =	sand.u32 $0x380, s21;
	s10 =	sadd.s32 s7, s23;
	_ =	swait.ge [sflag:s12], $0x80  }
0xab: {  	s10 =	sor.u32 s24, s10;
	[sflag:s12] =	ssyncset.done $0x0  }
0xac: {  	s10 =	sshrl.u32 s10, $0x3;
	[sflag:s12] =	ssyncadd.s32 $0xFFFFFF80  }
0xad: {  	[tilespmem:s13], [sflag:$0x2] =	stream.indirect.gather [spmem:s3], $0x80, s29, s29, $0xb8;
	[tilespmem:$0x1C600] =	vst v63  }
0xae: {  	s23 =	sadd.s32 s5, s10  }
0xaf: {  	[tilespmem:s28], [sflag:$0x6] =	stream.linear.gather [hbm4b:s23+s4], $0x80, $0x38;
	[tilespmem:$0x1C600] =	vst v63  }
.Ltmp3:
0xb0: {  	_ = 	snop;
	(pc) =	sbr.rel .LBB2_2-.Ltmp3, $4  }
0xb1: {  	s24 =	sadd.s32 s2, s10  }
0xb2: {  	[tilespmem:s18], [sflag:$0x6] =	stream.linear.gather [hbm4b:s24+s4], $0x80, $0x38;
	[tilespmem:$0x1C600] =	vst v63  }
0xb3: {  	s21 =	sadd.s32 $0x200, s21;
	s10 =	sadd.s32 s6, s10  }
0xb4: {  	[tilespmem:s8], [sflag:$0x6] =	stream.linear.gather [hbm4b:s10+s4], $0x80, $0x38;
	[tilespmem:$0x1C600] =	vst v63  }
.LBB2_5:
0xb5: {  	_ =	sfence.sel $0x180000  }
0xb6: {  	[bflag:$0x0] =	sbarrier.arrive $0xFFFF  }
0xb7: {  	_ =	strace $0x9000004D  }
0xb8: {  	s0 =	stileid.u32;
	[bflag:$0x2] =	sbarrier.arrive $0xFFFF  }
0xb9: {  	p0 =	sne.s32 s0, $0x0;
	s0 =	rddreg [dreg:$0x3]  }
0xba: {  	s0 =	sadd.s32 @!p0 $0x100000, s0  }
0xbb: {  	[sflag:s0] =	ssyncadd.tile.s32 @!p0 $0x1;
	_ =	shalt  }
.Lfunc_end2:
_tile_overlayer_lowered:
.L_overlay_start_2:
0xbc: {  	(tag) =	ssettag $0x2  }
0xbd: {  	s0 =	rddreg [dreg:$0x0];
	s2 =	stileid.u32  }
0xbe: {  	s1 =	rddreg [dreg:$0x1];
	p0 =	sne.s32 s2, $0x0  }
0xbf: {  	s3 =	rddreg [dreg:$0x2];
	[bflag:$0x3] =	sbarrier.arrive $0xFFFF;
	s2 =	simm.s32 @!p0 $0x1C07  }
0xc0: {  	[timem:s3], [sflag:s2] =	dma.local @!p0 [hbm:s0], s1  }
0xc1: {  	s0 =	simm.s32 @!p0 $0x7  }
0xc2: {  	_ =	swait.ge @!p0 [sflag:s0], s1  }
0xc3: {  	s1 =	ssub.s32 @!p0 $0x0, s1;
	[sflag:s0] =	ssyncset.done @!p0 $0x0  }
0xc4: {  	[sflag:s0] =	ssyncadd.s32 @!p0 s1  }
0xc5: {  	[bflag:$0x3] =	sbarrier.arrive $0xFFFF  }
0xc6: {  	_ =	shalt  }

// kernel: kernel.19.cloned.1.call-start
scs
__scs_entry_jumppad:
0x0: {  	(pc) =	sbr.rel $0x88, $3  }
0x1: {  	(tag) =	ssettag $0x0;
	lr =	simm.s32 $0x1  }
0x2: {  	[smem:$0x3F96] =	sst lr;
	_ =	strace $0xD0000000  }
0x3: {  	_ = 	snop  }
0x4: {  	_ = 	snop  }
0x5: {  	_ = 	snop  }
0x6: {  	_ = 	snop  }
0x7: {  	_ = 	snop  }
__scs_overlays_trampoline_lowered:
0x8: {  	[smem:$0x3FA5] =	sst s0  }
0x9: {  	[smem:$0x3FA6] =	sst s1  }
0xa: {  	[smem:$0x3FA7] =	sst s2  }
0xb: {  	[smem:$0x3FA8] =	sst s3  }
0xc: {  	[smem:$0x3FA9] =	sst s4  }
0xd: {  	[smem:$0x3FAA] =	sst s5  }
0xe: {  	[smem:$0x3FAB] =	sst s6  }
0xf: {  	[smem:$0x3FAC] =	sst s7  }
0x10: {  	[smem:$0x3FAD] =	sst s8  }
0x11: {  	[smem:$0x3FAE] =	sst s9;
	s0 =	simm.s32 @!p0 $0x0  }
0x12: {  	s1 =	sld [smem:$0x3F94];
	s0 =	simm.s32 @p0 $0x1  }
0x13: {  	[smem:$0x3FAF] =	sst s0;
	s0 =	simm.s32 @!p1 $0x0  }
0x14: {  	s2 =	sld [smem:$0x3F93];
	s0 =	simm.s32 @p1 $0x1  }
0x15: {  	[smem:$0x3FB0] =	sst s0;
	s0 =	simm.s32 @!p2 $0x0  }
0x16: {  	s3 =	sld [smem:$0x3FDB];
	s0 =	simm.s32 @p2 $0x1  }
0x17: {  	s4 =	simm.s32 $0x1BF5;
	[smem:$0x3FB2] =	sst s0  }
0x18: {  	s0 =	sld [smem:$0x3F95];
	_ =	swait.ge [sflag:s4], $0x0  }
0x19: {  	s7 =	sld [smem:$0x3F96]  }
0x1a: {  	s8 =	sadd.s32 $0xFFFFE003, lr  }
0x1b: {  	s9 =	sadd.s32 $0xFFFFFEF7, lr;
	s5 =	simm.s32 $0xFFFFFFFF;
	p2 =	slt.u32 s8, $0xFFFFF086  }
0x1c: {  	p1 =	slt.u32 s9, $0xF7A;
	s5 =	simm.s32 @!p2 $0x0  }
0x1d: {  	s5 =	simm.s32 @p1 $0x1;
	p0 =	seq.s32 s7, s2  }
0x1e: {  	s7 =	smul.u32 @!p0 $0xF7A, s2;
	p2 =	seq.s32 @!p0 s5, $0x0  }
0x1f: {  	s9 =	smul.u32 $0xF7A, s1;
	s8 =	simm.s32 @!p0 $0x1BF5;
	p2 =	por !p2, p0  }
0x20: {  	[sflag:s8] =	ssyncset.s32 @!p0 $0xFFFFF086;
	s6 =	sadd.s32 @!p0 s3, s7;
	s7 =	simm.s32 @!p0 $0x108  }
0x21: {  	s3 =	sadd.s32 s3, s9;
	s6 =	sadd.s32 @!p0 $0x88, s6;
	s7 =	simm.s32 @p2 $0x1082  }
0x22: {  	[simem:s7], [sflag:s8] =	dma.local @!p0 [hbm:s6], $0xF7A  }
0x23: {  	s9 =	sor.u32 $0xD0000000, s2;
	s6 =	simm.s32 $0x108;
	_ =	swait.ge @!p0 [sflag:s8], $0x0  }
0x24: {  	s3 =	sadd.s32 $0x88, s3;
	s6 =	simm.s32 @!p1 $0x1082;
	[sflag:s4] =	ssyncset.s32 $0xFFFFF086  }
0x25: {  	[simem:s6], [sflag:s4] =	dma.local [hbm:s3], $0xF7A  }
0x26: {  	[smem:$0x3F96] =	sst s1;
	(tag) =	ssettag s2;
	_ =	strace s9  }
0x27: {  	s1 =	sld [smem:$0x3FA6]  }
0x28: {  	s2 =	sld [smem:$0x3FA7]  }
0x29: {  	s4 =	sld [smem:$0x3FA9]  }
0x2a: {  	p0 =	seq.s32 s5, $0x0;
	s5 =	sld [smem:$0x3FAA]  }
0x2b: {  	s6 =	sld [smem:$0x3FAB]  }
0x2c: {  	s7 =	sld [smem:$0x3FAC]  }
0x2d: {  	s3 =	simm.s32 $0x108;
	s8 =	sld [smem:$0x3FAD]  }
0x2e: {  	s3 =	simm.s32 @!p0 $0x1082;
	s9 =	sld [smem:$0x3FAE]  }
0x2f: {  	lr =	sadd.s32 s0, s3;
	s0 =	sld [smem:$0x3FA5]  }
0x30: {  	s3 =	sld [smem:$0x3FA8]  }
0x31: {  	[smem:$0x3FB1] =	sst s10  }
0x32: {  	s10 =	sld [smem:$0x3FAF];
	_ =	sdelay $0x3  }
0x33: {  	p0 =	seq.s32 s10, $0x1;
	s10 =	sld [smem:$0x3FB1];
	_ =	sdelay $0x3  }
0x34: {  	[smem:$0x3FB1] =	sst s10  }
0x35: {  	s10 =	sld [smem:$0x3FB0];
	_ =	sdelay $0x3  }
0x36: {  	p1 =	seq.s32 s10, $0x1;
	s10 =	sld [smem:$0x3FB1];
	_ =	sdelay $0x3  }
0x37: {  	[smem:$0x3FB1] =	sst s10  }
0x38: {  	s10 =	sld [smem:$0x3FB2]  }
0x39: {  	_ = 	snop;
	(pc) =	sbr.ind lr, $3  }
0x3a: {  	_ = 	snop  }
0x3b: {  	_ = 	snop  }
0x3c: {  	p2 =	seq.s32 s10, $0x1;
	s10 =	sld [smem:$0x3FB1]  }
0x3d: {  	_ =	shalt  }
0x3e: {  	_ =	shalt  }
0x3f: {  	_ =	shalt  }
0x40: {  	_ =	shalt  }
0x41: {  	_ =	shalt  }
0x42: {  	_ =	shalt  }
0x43: {  	_ =	shalt  }
0x44: {  	_ =	shalt  }
0x45: {  	_ =	shalt  }
0x46: {  	_ =	shalt  }
0x47: {  	_ =	shalt  }
0x48: {  	_ =	shalt  }
0x49: {  	_ =	shalt  }
0x4a: {  	_ =	shalt  }
0x4b: {  	_ =	shalt  }
0x4c: {  	_ =	shalt  }
0x4d: {  	_ =	shalt  }
0x4e: {  	_ =	shalt  }
0x4f: {  	_ =	shalt  }
0x50: {  	_ =	shalt  }
0x51: {  	_ =	shalt  }
0x52: {  	_ =	shalt  }
0x53: {  	_ =	shalt  }
0x54: {  	_ =	shalt  }
0x55: {  	_ =	shalt  }
0x56: {  	_ =	shalt  }
0x57: {  	_ =	shalt  }
0x58: {  	_ =	shalt  }
0x59: {  	_ =	shalt  }
0x5a: {  	_ =	shalt  }
0x5b: {  	_ =	shalt  }
0x5c: {  	_ =	shalt  }
0x5d: {  	_ =	shalt  }
0x5e: {  	_ =	shalt  }
0x5f: {  	_ =	shalt  }
0x60: {  	_ =	shalt  }
0x61: {  	_ =	shalt  }
0x62: {  	_ =	shalt  }
0x63: {  	_ =	shalt  }
0x64: {  	_ =	shalt  }
0x65: {  	_ =	shalt  }
0x66: {  	_ =	shalt  }
0x67: {  	_ =	shalt  }
0x68: {  	_ =	shalt  }
0x69: {  	_ =	shalt  }
0x6a: {  	_ =	shalt  }
0x6b: {  	_ =	shalt  }
0x6c: {  	_ =	shalt  }
0x6d: {  	_ =	shalt  }
0x6e: {  	_ =	shalt  }
0x6f: {  	_ =	shalt  }
0x70: {  	_ =	shalt  }
0x71: {  	_ =	shalt  }
0x72: {  	_ =	shalt  }
0x73: {  	_ =	shalt  }
0x74: {  	_ =	shalt  }
0x75: {  	_ =	shalt  }
0x76: {  	_ =	shalt  }
0x77: {  	_ =	shalt  }
0x78: {  	_ =	shalt  }
0x79: {  	_ =	shalt  }
0x7a: {  	_ =	shalt  }
0x7b: {  	_ =	shalt  }
0x7c: {  	_ =	shalt  }
0x7d: {  	_ =	shalt  }
0x7e: {  	_ =	shalt  }
0x7f: {  	_ =	shalt  }
0x80: {  	_ =	shalt  }
0x81: {  	_ =	shalt  }
0x82: {  	_ =	shalt  }
0x83: {  	_ =	shalt  }
0x84: {  	_ =	shalt  }
0x85: {  	_ =	shalt  }
0x86: {  	_ =	shalt  }
0x87: {  	_ =	shalt  }
.Lfunc_end0:
.L_simem_size_0:
called_computation.3_lowered:
.L_overlay_start_0:
0x88: {  	s2 =	sld [smem:$0x3FD9]  }
0x89: {  	s3 =	sld [smem:$0x3FFE];
	_ =	sdelay $0x1  }
0x8a: {  	s1 =	srdreg.scid  }
0x8b: {  	s0 =	sand.u32 $0x1, s1  }
0x8c: {  	s17 =	sshll.u32 s0, $0xA;
	s2 =	sadd.s32 s3, s2  }
0x8d: {  	s2 =	sadd.s32 s2, s17  }
0x8e: {  	[smem:$0x3FBD] =	sst s2  }
0x8f: {  	_ = 	snop  }
0x90: {  	s2 =	sld [smem:$0x3FD0];
	(tm) =	ssettm $0x1  }
0x91: {  	s18 =	sld [smem:$0x3FFB];
	_ =	sdelay $0x3  }
0x92: {  	_ =	strace s18  }
0x93: {  	s3 =	sld [smem:$0x3FFC];
	_ =	sdelay $0x3  }
0x94: {  	_ =	strace s3  }
0x95: {  	s3 =	sld [smem:$0x3FFD];
	_ =	sdelay $0x3  }
0x96: {  	_ =	strace s3  }
0x97: {  	_ =	strace $0x8FFFFFFF  }
0x98: {  	s19 =	sld [smem:$0x3FDB];
	_ =	sdelay $0x1  }
0x99: {  	s4 =	simm.s32 $_scs_section_size  }
0x9a: {  	s5 =	simm.s32 $_size__tile_overlayer_lowered;
	s6 =	simm.s32 $_tile_overlayer_lowered  }
0x9b: {  	s22 =	simm.s32 $0x1BFF;
	s21 =	sshll.u32 s6, $0x1;
	s3 =	sadd.s32 s4, s19  }
0x9c: {  	s7 =	simm.s32 $0x0;
	s20 =	sshll.u32 s5, $0x1;
	s5 =	sadd.s32 s21, s3  }
0x9d: {  	[timem:s7], [sflag:s22] =	dma.local [hbm:s5], s20  }
0x9e: {  	_ =	swait.ge [sflag:s22], s20  }
0x9f: {  	s4 =	ssub.s32 $0x0, s20;
	[sflag:s22] =	ssyncset.done $0x0  }
0xa0: {  	[sflag:s22] =	ssyncadd.s32 s4;
	_ =	sdelay $0x1  }
0xa1: {  	s23 =	simm.s32 $0x1B8B  }
0xa2: {  	_ =	swait.ge [sflag:s23], $0x1  }
0xa3: {  	[sflag:s23] =	ssyncset.done $0x0  }
0xa4: {  	s25 =	simm.s32 $0x1B8E;
	s24 =	sld [smem:$0x3FFE];
	[sflag:s23] =	ssyncadd.s32 $0xFFFFFFFF  }
0xa5: {  	s26 =	simm.s32 $execute0_lowered;
	[smem:$0x3FD2] =	sst s25  }
0xa6: {  	s5 =	sshll.u32 s26, $0x1;
	_ =	strace $0x8000004F;
	[dreg:$0x1] =	wrdreg $0xFFFFFFFF  }
0xa7: {  	s28 =	simm.s32 $_size_execute0_lowered;
	s3 =	sadd.s32 s3, s5;
	[dreg:$0x0] =	wrdreg $0x0  }
0xa8: {  	s5 =	sshll.u32 s28, $0x1;
	[dreg:$0x2] =	wrdreg s3  }
0xa9: {  	[dreg:$0x3] =	wrdreg s5  }
0xaa: {  	[dreg:$0x4] =	wrdreg $0xC0  }
0xab: {  	_ =	task [dreg:s7], $0x5FFFF  }
0xac: {  	[dreg:$0x1] =	wrdreg $0xFFFFFFFF  }
0xad: {  	[dreg:$0x0] =	wrdreg $0x60  }
0xae: {  	[dreg:$0x2] =	wrdreg s24  }
0xaf: {  	[dreg:$0x3] =	wrdreg s2  }
0xb0: {  	[dreg:$0x4] =	wrdreg $0x86000  }
0xb1: {  	[dreg:$0x5] =	wrdreg $0x9  }
0xb2: {  	_ =	task.clear_ibuf [dreg:s7], $0x6FFFF;
	_ =	strace $0x9000004F  }
0xb3: {  	s29 =	simm.s32 $0x9;
	_ =	strace $0x80000051  }
0xb4: {  	_ =	swait.ge [sflag:s29], $0x1  }
0xb5: {  	[sflag:s29] =	ssyncadd.s32 $0xFFFFFFFF  }
0xb6: {  	_ =	strace $0x90000051  }
0xb7: {  	_ =	sfence  }
0xb8: {  	s30 =	sld [smem:$0x0];
	_ =	sdelay $0x2  }
0xb9: {  	s31 =	sshll.u32 s1, $0xD;
	s1 =	sshrl.u32 s1, $0x2  }
0xba: {  	s3 =	sand.u32 $0x4000, s31;
	s1 =	sadd.s32 s1, s30  }
0xbb: {  	s0 =	sor.u32 s3, s0;
	s1 =	sshll.u32 s1, $0x11  }
0xbc: {  	s0 =	sor.u32 s1, s0  }
0xbd: {  	s0 =	sadd.s32 $0x8F2B, s0  }
0xbe: {  	[sflag:s0] =	ssyncadd.remote.s32 $0x1  }
0xbf: {  	_ =	sfence.sel $0xFFFF  }
0xc0: {  	[dreg:$0x0] =	wrdreg $0xFFFFFFFF;
	(pc) =	sbr.abs _section_cstart, $3  }
0xc1: {  	[dreg:$0x1] =	wrdreg $0xFFFFFFFF  }
0xc2: {  	_ =	task.clear_ibuf [dreg:s7], $0x2FFFF;
	_ =	strace $0x9FFFFFFF  }
0xc3: {  	(tm) =	ssettm $0x7FFFFFFF  }
tec
execute0_lowered:
.L_overlay_start_1:
0x0: {  	(tag) =	ssettag $0x1  }
0x1: {  	s0 =	rddreg [dreg:$0x0]  }
0x2: {  	s2 =	rddreg [dreg:$0x1]  }
0x3: {  	s3 =	rddreg [dreg:$0x2];
	s12 =	stileid.u32  }
0x4: {  	s4 =	simm.s32 $0x0;
	s5 =	srdreg.scid;
	s29 =	simm.s32 $0x80  }
0x5: {  	s30 =	simm.s32 $0x280;
	s31 =	simm.s32 $0x480;
	s28 =	simm.s32 $0x180  }
0x6: {  	s1 =	smul.u32 $0x14000, s12;
	[smem:$0x7FF] =	sst s4;
	s7 =	sand.u32 $0x1, s5  }
0x7: {  	s5 =	sadd.s32 $0x36200, s0;
	s6 =	sadd.s32 $0x3800, s0;
	s24 =	smul.u32 $0x50000, s12  }
0x8: {  	s10 =	sshll.u32 s12, $0x1;
	_ =	strace $0x80000050;
	s8 =	smul.u32 $0x140000, s7  }
0x9: {  	s11 =	ssub.s32 $0x2, s7;
	s7 =	sor.u32 s7, s10;
	s23 =	sshrl.u32 s1, $0x3  }
0xa: {  	s25 =	sshrl.u32 s11, $0x1;
	s7 =	smul.u32 $0x2800, s7;
	s9 =	sadd.s32 s23, s0  }
0xb: {  	s1 =	sadd.s32 s1, s8;
	s8 =	sshrl.u32 s24, $0x2;
	s26 =	ssub.s32 s11, s25  }
0xc: {  	s11 =	sshll.u32 s12, $0x6;
	s1 =	sshrl.u32 s1, $0x3;
	s8 =	sadd.s32 s8, s3  }
0xd: {  	s10 =	sadd.s32 $0xD800, s9;
	s12 =	sshrl.u32 s7, $0x3;
	[dreg:$0x4] =	wrdreg s8  }
0xe: {  	s21 =	sor.u32 $0x1C07, s11;
	s26 =	smax.u32 s26, $0x1;
	[dreg:$0x5] =	wrdreg s10  }
0xf: {  	s11 =	simm.s32 $0x600;
	s0 =	sadd.s32 s1, s0;
	[dreg:$0x14] =	wrdreg s26  }
0x10: {  	s13 =	sadd.s32 s5, s12;
	s14 =	sor.u32 $0x10, s12;
	[dreg:$0x6] =	wrdreg s21  }
0x11: {  	s15 =	sadd.s32 s2, s12;
	s16 =	sadd.s32 s6, s12;
	[dreg:$0x7] =	wrdreg s13  }
0x12: {  	s19 =	sor.u32 $0x20, s12;
	s9 =	sor.u32 $0x30, s12;
	[dreg:$0x8] =	wrdreg s15  }
0x13: {  	s1 =	simm.s32 $0x300;
	[dreg:$0x9] =	wrdreg s16;
	s17 =	sadd.s32 s5, s14  }
0x14: {  	s26 =	simm.s32 $0x500;
	s18 =	sadd.s32 s2, s14;
	[dreg:$0xa] =	wrdreg s17  }
0x15: {  	s12 =	simm.s32 $0x4;
	s8 =	sadd.s32 s6, s14;
	[dreg:$0xb] =	wrdreg s18  }
0x16: {  	s20 =	sadd.s32 s5, s19;
	s22 =	sadd.s32 s2, s19;
	[dreg:$0xc] =	wrdreg s8  }
0x17: {  	s23 =	sadd.s32 s5, s9;
	s24 =	sadd.s32 s2, s9;
	[dreg:$0xd] =	wrdreg s20  }
0x18: {  	s25 =	sadd.s32 s6, s9;
	s0 =	sadd.s32 $0x40200, s0;
	[dreg:$0xe] =	wrdreg s22  }
0x19: {  	s9 =	simm.s32 $0x3;
	s13 =	simm.s32 $0x4600;
	[dreg:$0x10] =	wrdreg s23  }
.Ltmp0:
0x1a: {  	s14 =	simm.s32 $0x1;
	[dreg:$0x11] =	wrdreg s24;
	(pc) =	sbr.rel .LBB2_1-.Ltmp0, $4  }
0x1b: {  	s15 =	simm.s32 $0x5;
	s16 =	simm.s32 $0x2;
	[dreg:$0x12] =	wrdreg s25  }
0x1c: {  	s8 =	sadd.s32 s6, s19;
	[dreg:$0x13] =	wrdreg s0;
	s25 =	simm.s32 $0x7  }
0x1d: {  	s0 =	simm.s32 $0x100;
	s17 =	simm.s32 $0x6;
	s18 =	simm.s32 $0x380  }
0x1e: {  	s19 =	simm.s32 $0x0;
	[dreg:$0xf] =	wrdreg s8;
	s8 =	simm.s32 $0x580  }
.LBB2_4:
0x1f: {  	_ =	swait.ge [sflag:s14], $0x4000  }
0x20: {  	[sflag:s14] =	ssyncset.done $0x0  }
0x21: {  	[sflag:s14] =	ssyncadd.s32 $0xFFFFC000  }
0x22: {  	_ =	swait.ge [sflag:s16], $0x4000  }
0x23: {  	[sflag:s16] =	ssyncset.done $0x0  }
0x24: {  	[sflag:s16] =	ssyncadd.s32 $0xFFFFC000  }
0x25: {  	[bflag:$0x0] =	sbarrier.arrive $0xFFFF  }
0x26: {  	s21 =	rddreg [dreg:$0x6]  }
0x27: {  	s10 =	rddreg [dreg:$0x13]  }
0x28: {  	[hbm:s10], [sflag:s21] =	dma.local [spmem:s20], $0x2800  }
0x29: {  	_ =	swait.ge [sflag:s25], $0x2800  }
0x2a: {  	s19 =	sadd.s32 $0x1, s19;
	s24 =	rddreg [dreg:$0x14]  }
0x2b: {  	p0 =	sne.s32 s19, s24  }
.Ltmp1:
0x2c: {  	_ = 	snop;
	(pc) =	sbr.rel @!p0 .LBB2_5-.Ltmp1, $3  }
0x2d: {  	_ =	sdelay $0x1  }
0x2e: {  	[sflag:s25] =	ssyncset.done $0x0  }
0x2f: {  	[sflag:s25] =	ssyncadd.s32 $0xFFFFD800  }
.LBB2_1:
0x30: {  	s10 =	rddreg [dreg:$0x4]  }
0x31: {  	s24 =	rddreg [dreg:$0x5];
	s20 =	sshrl.u32 s10, $0x3  }
0x32: {  	[spmem:s20], [sflag:s21] =	dma.local [hbm:s24], $0x2800  }
0x33: {  	_ =	swait.ge [sflag:s25], $0x2800  }
0x34: {  	[sflag:s25] =	ssyncset.done $0x0  }
0x35: {  	[sflag:s25] =	ssyncadd.s32 $0xFFFFD800  }
0x36: {  	[bflag:$0x0] =	sbarrier.arrive $0xFFFF  }
0x37: {  	s22 =	rddreg [dreg:$0x7]  }
0x38: {  	[tilespmem:s4], [sflag:$0x3] =	stream.linear.gather [hbm4b:s22+s4], $0x80, $0x38;
	[tilespmem:$0x1C600] =	vst v63  }
0x39: {  	s24 =	simm.s32 $0x200;
	s23 =	rddreg [dreg:$0x8]  }
0x3a: {  	[tilespmem:s24], [sflag:$0x3] =	stream.linear.gather [hbm4b:s23+s4], $0x80, $0x38;
	[tilespmem:$0x1C600] =	vst v63  }
0x3b: {  	s22 =	rddreg [dreg:$0x9];
	s23 =	simm.s32 $0x400  }
0x3c: {  	[tilespmem:s23], [sflag:$0x3] =	stream.linear.gather [hbm4b:s22+s4], $0x80, $0x38;
	[tilespmem:$0x1C600] =	vst v63  }
0x3d: {  	s24 =	rddreg [dreg:$0xa]  }
0x3e: {  	[tilespmem:s29], [sflag:$0x4] =	stream.linear.gather [hbm4b:s24+s4], $0x80, $0x38;
	[tilespmem:$0x1C600] =	vst v63  }
0x3f: {  	s21 =	rddreg [dreg:$0xb]  }
0x40: {  	[tilespmem:s30], [sflag:$0x4] =	stream.linear.gather [hbm4b:s21+s4], $0x80, $0x38;
	[tilespmem:$0x1C600] =	vst v63  }
0x41: {  	s22 =	rddreg [dreg:$0xc]  }
0x42: {  	[tilespmem:s31], [sflag:$0x4] =	stream.linear.gather [hbm4b:s22+s4], $0x80, $0x38;
	[tilespmem:$0x1C600] =	vst v63  }
0x43: {  	s23 =	rddreg [dreg:$0xd]  }
0x44: {  	[tilespmem:s0], [sflag:$0x5] =	stream.linear.gather [hbm4b:s23+s4], $0x80, $0x38;
	[tilespmem:$0x1C600] =	vst v63  }
0x45: {  	s24 =	rddreg [dreg:$0xe]  }
0x46: {  	[tilespmem:s1], [sflag:$0x5] =	stream.linear.gather [hbm4b:s24+s4], $0x80, $0x38;
	[tilespmem:$0x1C600] =	vst v63  }
0x47: {  	s21 =	rddreg [dreg:$0xf]  }
0x48: {  	[tilespmem:s26], [sflag:$0x5] =	stream.linear.gather [hbm4b:s21+s4], $0x80, $0x38;
	[tilespmem:$0x1C600] =	vst v63  }
0x49: {  	s22 =	rddreg [dreg:$0x10]  }
0x4a: {  	[tilespmem:s28], [sflag:$0x6] =	stream.linear.gather [hbm4b:s22+s4], $0x80, $0x38;
	[tilespmem:$0x1C600] =	vst v63  }
0x4b: {  	s23 =	rddreg [dreg:$0x11]  }
0x4c: {  	[tilespmem:s18], [sflag:$0x6] =	stream.linear.gather [hbm4b:s23+s4], $0x80, $0x38;
	[tilespmem:$0x1C600] =	vst v63  }
0x4d: {  	s24 =	rddreg [dreg:$0x12]  }
0x4e: {  	[tilespmem:s8], [sflag:$0x6] =	stream.linear.gather [hbm4b:s24+s4], $0x80, $0x38;
	[tilespmem:$0x1C600] =	vst v63  }
0x4f: {  	_ =	swait.ge [sflag:s9], $0x80  }
0x50: {  	[sflag:s9] =	ssyncset.done $0x0  }
0x51: {  	[sflag:s9] =	ssyncadd.s32 $0xFFFFFF80  }
0x52: {  	_ =	swait.ge [sflag:s9], $0x80  }
0x53: {  	[sflag:s9] =	ssyncset.done $0x0  }
0x54: {  	[sflag:s9] =	ssyncadd.s32 $0xFFFFFF80  }
0x55: {  	_ =	swait.ge [sflag:s9], $0x80  }
0x56: {  	[sflag:s9] =	ssyncset.done $0x0  }
0x57: {  	[sflag:s9] =	ssyncadd.s32 $0xFFFFFF80  }
0x58: {  	[tilespmem:s11], [sflag:$0x1] =	stream.indirect.gather [spmem:s3], $0x80, s4, s29, $0xb8;
	[tilespmem:$0x1C600] =	vst v63  }
0x59: {  	_ =	swait.ge [sflag:s12], $0x80  }
0x5a: {  	[sflag:s12] =	ssyncset.done $0x0  }
0x5b: {  	[sflag:s12] =	ssyncadd.s32 $0xFFFFFF80  }
0x5c: {  	_ =	swait.ge [sflag:s12], $0x80  }
0x5d: {  	[sflag:s12] =	ssyncset.done $0x0  }
0x5e: {  	[sflag:s12] =	ssyncadd.s32 $0xFFFFFF80  }
0x5f: {  	_ =	swait.ge [sflag:s12], $0x80  }
0x60: {  	[sflag:s12] =	ssyncset.done $0x0  }
0x61: {  	s21 =	simm.s32 $0x380;
	[sflag:s12] =	ssyncadd.s32 $0xFFFFFF80  }
0x62: {  	[tilespmem:s13], [sflag:$0x2] =	stream.indirect.gather [spmem:s3], $0x80, s29, s29, $0xb8;
	[tilespmem:$0x1C600] =	vst v63  }
.LBB2_2:
0x63: {  	_ =	swait.ge [sflag:s14], $0x4000  }
0x64: {  	[sflag:s14] =	ssyncset.done $0x0  }
0x65: {  	[sflag:s14] =	ssyncadd.s32 $0xFFFFC000  }
0x66: {  	_ =	swait.ge [sflag:s15], $0x80  }
0x67: {  	[sflag:s15] =	ssyncset.done $0x0  }
0x68: {  	[sflag:s15] =	ssyncadd.s32 $0xFFFFFF80  }
0x69: {  	p0 =	seq.s32 s21, $0x2980;
	_ =	swait.ge [sflag:s15], $0x80  }
0x6a: {  	s22 =	sadd.s32 @!p0 $0xFFFFFE80, s21;
	[sflag:s15] =	ssyncset.done $0x0  }
0x6b: {  	s23 =	sand.u32 @!p0 $0x7C00, s22;
	[sflag:s15] =	ssyncadd.s32 $0xFFFFFF80  }
0x6c: {  	s22 =	sand.u32 @!p0 $0x200, s22;
	s23 =	sadd.s32 @!p0 s7, s23;
	_ =	swait.ge [sflag:s15], $0x80  }
0x6d: {  	s22 =	sor.u32 @!p0 s22, s23;
	[sflag:s15] =	ssyncset.done $0x0  }
0x6e: {  	s22 =	sshrl.u32 @!p0 s22, $0x3;
	[sflag:s15] =	ssyncadd.s32 $0xFFFFFF80  }
0x6f: {  	[tilespmem:s11], [sflag:$0x1] =	stream.indirect.gather [spmem:s3], $0x80, s0, s29, $0xb8;
	[tilespmem:$0x1C600] =	vst v63  }
0x70: {  	s24 =	simm.s32 @!p0 $0x0;
	s23 =	sadd.s32 @!p0 s5, s22  }
0x71: {  	[tilespmem:s24], [sflag:$0x3] =	stream.linear.gather @!p0 [hbm4b:s23+s24], $0x80, $0x38;
	[tilespmem:$0x1C600] =	vst v63  }
0x72: {  	s10 =	simm.s32 @!p0 $0x200;
	s23 =	sadd.s32 @!p0 s2, s22  }
0x73: {  	[tilespmem:s10], [sflag:$0x3] =	stream.linear.gather @!p0 [hbm4b:s23+s24], $0x80, $0x38;
	[tilespmem:$0x1C600] =	vst v63  }
0x74: {  	s10 =	sadd.s32 @!p0 s6, s22;
	s22 =	simm.s32 @!p0 $0x400  }
0x75: {  	[tilespmem:s22], [sflag:$0x3] =	stream.linear.gather @!p0 [hbm4b:s10+s24], $0x80, $0x38;
	[tilespmem:$0x1C600] =	vst v63  }
0x76: {  	_ =	swait.ge [sflag:s16], $0x4000  }
0x77: {  	[sflag:s16] =	ssyncset.done $0x0  }
0x78: {  	[sflag:s16] =	ssyncadd.s32 $0xFFFFC000  }
0x79: {  	_ =	swait.ge [sflag:s17], $0x80  }
0x7a: {  	[sflag:s17] =	ssyncset.done $0x0  }
0x7b: {  	[sflag:s17] =	ssyncadd.s32 $0xFFFFFF80  }
0x7c: {  	_ =	swait.ge [sflag:s17], $0x80  }
0x7d: {  	[sflag:s17] =	ssyncset.done $0x0  }
.Ltmp2:
0x7e: {  	[sflag:s17] =	ssyncadd.s32 $0xFFFFFF80;
	(pc) =	sbr.rel @p0 .LBB2_4-.Ltmp2, $4  }
0x7f: {  	_ =	swait.ge [sflag:s17], $0x80  }
0x80: {  	[sflag:s17] =	ssyncset.done $0x0  }
0x81: {  	[sflag:s17] =	ssyncadd.s32 $0xFFFFFF80  }
0x82: {  	[tilespmem:s13], [sflag:$0x2] =	stream.indirect.gather [spmem:s3], $0x80, s28, s29, $0xb8;
	[tilespmem:$0x1C600] =	vst v63  }
0x83: {  	s10 =	sadd.s32 $0xFFFFFF00, s21  }
0x84: {  	s22 =	sand.u32 $0x7C00, s10  }
0x85: {  	s10 =	sand.u32 $0x280, s10;
	s22 =	sadd.s32 s7, s22  }
0x86: {  	s10 =	sor.u32 s10, s22  }
0x87: {  	s10 =	sshrl.u32 s10, $0x3  }
0x88: {  	s23 =	sadd.s32 s5, s10  }
0x89: {  	[tilespmem:s29], [sflag:$0x4] =	stream.linear.gather [hbm4b:s23+s4], $0x80, $0x38;
	[tilespmem:$0x1C600] =	vst v63  }
0x8a: {  	s24 =	sadd.s32 s2, s10  }
0x8b: {  	[tilespmem:s30], [sflag:$0x4] =	stream.linear.gather [hbm4b:s24+s4], $0x80, $0x38;
	[tilespmem:$0x1C600] =	vst v63  }
0x8c: {  	s10 =	sadd.s32 s6, s10  }
0x8d: {  	[tilespmem:s31], [sflag:$0x4] =	stream.linear.gather [hbm4b:s10+s4], $0x80, $0x38;
	[tilespmem:$0x1C600] =	vst v63  }
0x8e: {  	_ =	swait.ge [sflag:s14], $0x4000  }
0x8f: {  	[sflag:s14] =	ssyncset.done $0x0  }
0x90: {  	[sflag:s14] =	ssyncadd.s32 $0xFFFFC000  }
0x91: {  	_ =	swait.ge [sflag:s9], $0x80  }
0x92: {  	[sflag:s9] =	ssyncset.done $0x0  }
0x93: {  	[sflag:s9] =	ssyncadd.s32 $0xFFFFFF80  }
0x94: {  	_ =	swait.ge [sflag:s9], $0x80  }
0x95: {  	s23 =	sadd.s32 $0xFFFFFF80, s21;
	[sflag:s9] =	ssyncset.done $0x0  }
0x96: {  	s24 =	sand.u32 $0x7C00, s23;
	[sflag:s9] =	ssyncadd.s32 $0xFFFFFF80  }
0x97: {  	s22 =	sadd.s32 s7, s24;
	s10 =	sand.u32 $0x300, s23;
	_ =	swait.ge [sflag:s9], $0x80  }
0x98: {  	s10 =	sor.u32 s10, s22;
	[sflag:s9] =	ssyncset.done $0x0  }
0x99: {  	s10 =	sshrl.u32 s10, $0x3;
	[sflag:s9] =	ssyncadd.s32 $0xFFFFFF80  }
0x9a: {  	[tilespmem:s11], [sflag:$0x1] =	stream.indirect.gather [spmem:s3], $0x80, s4, s29, $0xb8;
	[tilespmem:$0x1C600] =	vst v63  }
0x9b: {  	s23 =	sadd.s32 s5, s10  }
0x9c: {  	[tilespmem:s0], [sflag:$0x5] =	stream.linear.gather [hbm4b:s23+s4], $0x80, $0x38;
	[tilespmem:$0x1C600] =	vst v63  }
0x9d: {  	s24 =	sadd.s32 s2, s10  }
0x9e: {  	[tilespmem:s1], [sflag:$0x5] =	stream.linear.gather [hbm4b:s24+s4], $0x80, $0x38;
	[tilespmem:$0x1C600] =	vst v63  }
0x9f: {  	s10 =	sadd.s32 s6, s10  }
0xa0: {  	[tilespmem:s26], [sflag:$0x5] =	stream.linear.gather [hbm4b:s10+s4], $0x80, $0x38;
	[tilespmem:$0x1C600] =	vst v63  }
0xa1: {  	_ =	swait.ge [sflag:s16], $0x4000  }
0xa2: {  	[sflag:s16] =	ssyncset.done $0x0  }
0xa3: {  	[sflag:s16] =	ssyncadd.s32 $0xFFFFC000  }
0xa4: {  	_ =	swait.ge [sflag:s12], $0x80  }
0xa5: {  	[sflag:s12] =	ssyncset.done $0x0  }
0xa6: {  	[sflag:s12] =	ssyncadd.s32 $0xFFFFFF80  }
0xa7: {  	_ =	swait.ge [sflag:s12], $0x80  }
0xa8: {  	[sflag:s12] =	ssyncset.done $0x0  }
0xa9: {  	s23 =	sand.u32 $0x7C00, s21;
	[sflag:s12] =	ssyncadd.s32 $0xFFFFFF80  }
0xaa: {  	s24 =	sand.u32 $0x380, s21;
	s10 =	sadd.s32 s7, s23;
	_ =	swait.ge [sflag:s12], $0x80  }
0xab: {  	s10 =	sor.u32 s24, s10;
	[sflag:s12] =	ssyncset.done $0x0  }
0xac: {  	s10 =	sshrl.u32 s10, $0x3;
	[sflag:s12] =	ssyncadd.s32 $0xFFFFFF80  }
0xad: {  	[tilespmem:s13], [sflag:$0x2] =	stream.indirect.gather [spmem:s3], $0x80, s29, s29, $0xb8;
	[tilespmem:$0x1C600] =	vst v63  }
0xae: {  	s23 =	sadd.s32 s5, s10  }
0xaf: {  	[tilespmem:s28], [sflag:$0x6] =	stream.linear.gather [hbm4b:s23+s4], $0x80, $0x38;
	[tilespmem:$0x1C600] =	vst v63  }
.Ltmp3:
0xb0: {  	_ = 	snop;
	(pc) =	sbr.rel .LBB2_2-.Ltmp3, $4  }
0xb1: {  	s24 =	sadd.s32 s2, s10  }
0xb2: {  	[tilespmem:s18], [sflag:$0x6] =	stream.linear.gather [hbm4b:s24+s4], $0x80, $0x38;
	[tilespmem:$0x1C600] =	vst v63  }
0xb3: {  	s21 =	sadd.s32 $0x200, s21;
	s10 =	sadd.s32 s6, s10  }
0xb4: {  	[tilespmem:s8], [sflag:$0x6] =	stream.linear.gather [hbm4b:s10+s4], $0x80, $0x38;
	[tilespmem:$0x1C600] =	vst v63  }
.LBB2_5:
0xb5: {  	_ =	sfence.sel $0x180000  }
0xb6: {  	[bflag:$0x0] =	sbarrier.arrive $0xFFFF  }
0xb7: {  	_ =	strace $0x90000050  }
0xb8: {  	s0 =	stileid.u32;
	[bflag:$0x2] =	sbarrier.arrive $0xFFFF  }
0xb9: {  	p0 =	sne.s32 s0, $0x0;
	s0 =	rddreg [dreg:$0x3]  }
0xba: {  	s0 =	sadd.s32 @!p0 $0x100000, s0  }
0xbb: {  	[sflag:s0] =	ssyncadd.tile.s32 @!p0 $0x1;
	_ =	shalt  }
.Lfunc_end2:
_tile_overlayer_lowered:
.L_overlay_start_2:
0xbc: {  	(tag) =	ssettag $0x2  }
0xbd: {  	s0 =	rddreg [dreg:$0x0];
	s2 =	stileid.u32  }
0xbe: {  	s1 =	rddreg [dreg:$0x1];
	p0 =	sne.s32 s2, $0x0  }
0xbf: {  	s3 =	rddreg [dreg:$0x2];
	[bflag:$0x3] =	sbarrier.arrive $0xFFFF;
	s2 =	simm.s32 @!p0 $0x1C07  }
0xc0: {  	[timem:s3], [sflag:s2] =	dma.local @!p0 [hbm:s0], s1  }
0xc1: {  	s0 =	simm.s32 @!p0 $0x7  }
0xc2: {  	_ =	swait.ge @!p0 [sflag:s0], s1  }
0xc3: {  	s1 =	ssub.s32 @!p0 $0x0, s1;
	[sflag:s0] =	ssyncset.done @!p0 $0x0  }
0xc4: {  	[sflag:s0] =	ssyncadd.s32 @!p0 s1  }
0xc5: {  	[bflag:$0x3] =	sbarrier.arrive $0xFFFF  }
0xc6: {  	_ =	shalt  }

</sc_bundles>
